<compile_context>
chip_gen: v7x
topology: tpu7x:2x2x1
jax: 0.10.2.dev20260603
libtpu: 0.0.44.dev20260713+nightly
codegen_flags: <defaults>
</compile_context>

<pallas_src>
import functools
import math

import jax
import jax.numpy as jnp
from jax import lax
from jax.experimental import pallas as pl
from jax.experimental.pallas import tpu as pltpu
from jax.experimental.pallas import tpu_sc as plsc

VOCAB = 1_000_000
D = 64
B = 16384
SCALE = math.sqrt(D)

NC = 2
NS = 16
NW = NC * NS
G = 16
WIN = 128
CHUNK_W = 512
WPW = 244
LPW = WPW * WIN
N_CHUNK = LPW // CHUNK_W
TAIL_LO = 999_936
NSLOT = 16
NBANK = 2


def _body(idx_hbm, tableT_hbm, out_hbm,
          idx_all, my_ids, my_pos, buf, tailbuf, stag, poslist,
          tmp_ids, tmp_pos, ctr, sem_in, sem_out):
    wid = lax.axis_index("s") * NC + lax.axis_index("c")
    is_last = wid == NW - 1
    lane_lo = wid * LPW
    lane_hi = jnp.where(is_last, VOCAB, lane_lo + LPW)
    ctr[0] = 0
    ctr[1] = 0

    pltpu.sync_copy(idx_hbm, idx_all)
    iota = lax.iota(jnp.int32, G)

    def start_chunk(c, slot):
        base = lane_lo + c * CHUNK_W
        for c0 in range(D // 8):
            pltpu.async_copy(
                tableT_hbm.at[pl.ds(8 * c0, 8), pl.ds(base, CHUNK_W)],
                buf.at[slot, pl.ds(8 * c0, 8)],
                sem_in,
            )

    start_chunk(0, 0)
    start_chunk(1, 1)

    def sel(g4, cur):
        for k in range(4):
            g = g4 * 4 + k
            v = idx_all[pl.ds(g * G, G)]
            m = (v >= lane_lo) & (v < lane_hi)
            cnt = plsc.all_reduce_population_count(m)[0]

            @pl.when(cnt > 0)
            def _(v=v, m=m, g=g, cur=cur):
                plsc.store_compressed(my_ids.at[pl.ds(cur, G)], v, mask=m)
                plsc.store_compressed(
                    my_pos.at[pl.ds(cur, G)], iota + g * G, mask=m
                )

            cur = cur + cnt
        return cur

    nmine = lax.fori_loop(0, B // G // 4, sel, 0)
    ngrp = (nmine + G - 1) // G

    lane0 = iota == 0

    def do_token(gather_fn, l, pos):
        t = ctr[0]
        slot = jnp.bitwise_and(t, NSLOT - 1)
        bank = jnp.bitwise_and(lax.shift_right_logical(t, 4), NBANK - 1)

        @pl.when((slot == 0) & (t >= NBANK * NSLOT))
        def _():
            pltpu.make_async_copy(
                stag.at[0], out_hbm.at[poslist.at[0]], sem_out
            ).wait()
            ctr[1] = ctr[1] + 1

        lsplat = jnp.full((G,), l, jnp.int32)
        for g3 in range(D // G):
            vals = gather_fn(iota + g3 * G, lsplat)
            stag[bank, slot, pl.ds(g3 * G, G)] = vals * SCALE
        plsc.store_scatter(
            poslist,
            [jnp.full((G,), bank, jnp.int32), jnp.full((G,), slot, jnp.int32)],
            jnp.full((G,), pos, jnp.int32),
            mask=lane0,
        )
        ctr[2] = pos

        @pl.when(slot == NSLOT - 1)
        def _():
            pltpu.async_copy(
                stag.at[bank], out_hbm.at[poslist.at[bank]], sem_out
            )

        ctr[0] = t + 1

    def scan_window(gather_fn, c_lo, width):
        def grp(g2, carry):
            v = my_ids[pl.ds(g2 * G, G)]
            p = my_pos[pl.ds(g2 * G, G)]
            valid = iota < (nmine - g2 * G)
            m = valid & (v >= c_lo) & (v < c_lo + width)
            cnt = plsc.all_reduce_population_count(m)[0]

            @pl.when(cnt > 0)
            def _():
                plsc.store_compressed(tmp_ids.at[pl.ds(0, G)], v, mask=m)
                plsc.store_compressed(tmp_pos.at[pl.ds(0, G)], p, mask=m)

                def each(j, c2):
                    vj = tmp_ids[pl.ds(j, G)][0]
                    pj = tmp_pos[pl.ds(j, G)][0]
                    do_token(gather_fn, vj - c_lo, pj)
                    return c2

                lax.fori_loop(0, cnt, each, 0)

            return carry

        lax.fori_loop(0, ngrp, grp, 0)

    trip = jnp.where(is_last, N_CHUNK + 1, N_CHUNK)

    def chunk_loop(c, carry):
        pltpu.make_async_copy(
            tableT_hbm.at[:, pl.ds(0, CHUNK_W)], buf.at[0], sem_in
        ).wait()
        cbsplat = jnp.full((G,), lax.rem(c, 2), jnp.int32)

        def gather_buf(rows, lanes):
            return plsc.load_gather(buf, [cbsplat, rows, lanes])

        scan_window(gather_buf, lane_lo + c * CHUNK_W, CHUNK_W)

        @pl.when(c + 2 < trip)
        def _():
            start_chunk(c + 2, lax.rem(c, 2))

        return carry

    lax.fori_loop(0, trip, chunk_loop, 0)

    @pl.when(is_last)
    def _():
        pltpu.sync_copy(
            tableT_hbm.at[:, pl.ds(TAIL_LO, VOCAB - TAIL_LO)], tailbuf
        )

        def gather_tail(rows, lanes):
            return plsc.load_gather(tailbuf, [rows, lanes])

        scan_window(gather_tail, TAIL_LO, VOCAB - TAIL_LO)

    t = ctr[0]
    r = jnp.bitwise_and(t, NSLOT - 1)
    fbank = jnp.bitwise_and(lax.shift_right_logical(t, 4), NBANK - 1)

    @pl.when(r > 0)
    def _():
        lastpos = ctr[2]
        plsc.store_scatter(
            poslist,
            [jnp.full((G,), fbank, jnp.int32), iota],
            jnp.full((G,), lastpos, jnp.int32),
            mask=iota >= r,
        )
        for j in range(NSLOT):
            @pl.when(j >= r)
            def _(j=j):
                for g3 in range(D // G):
                    sl = pl.ds(g3 * G, G)
                    stag[fbank, j, sl] = stag[fbank, r - 1, sl]

        pltpu.async_copy(
            stag.at[fbank], out_hbm.at[poslist.at[fbank]], sem_out
        )

    fired = t // NSLOT + jnp.where(r > 0, 1, 0)
    d = ctr[1]

    def drain_bank(i, carry):
        pltpu.make_async_copy(
            stag.at[0], out_hbm.at[poslist.at[0]], sem_out
        ).wait()
        return carry

    lax.fori_loop(0, fired - d, drain_bank, 0)


def kernel(token_ids, embedding_table):
    idx = token_ids.astype(jnp.int32)
    table_t = embedding_table.T
    run = functools.partial(
        pl.kernel,
        out_type=jax.ShapeDtypeStruct((B, 2 * D), jnp.float32),
        mesh=plsc.VectorSubcoreMesh(core_axis_name="c", subcore_axis_name="s"),
        compiler_params=pltpu.CompilerParams(needs_layout_passes=False),
        scratch_types=[
            pltpu.VMEM((B,), jnp.int32),
            pltpu.VMEM((B + G,), jnp.int32),
            pltpu.VMEM((B + G,), jnp.int32),
            pltpu.VMEM((2, D, CHUNK_W), jnp.float32),
            pltpu.VMEM((D, VOCAB - TAIL_LO), jnp.float32),
            pltpu.VMEM((NBANK, NSLOT, 2 * D), jnp.float32),
            pltpu.VMEM((NBANK, NSLOT), jnp.int32),
            pltpu.VMEM((2 * G,), jnp.int32),
            pltpu.VMEM((2 * G,), jnp.int32),
            pltpu.SMEM((4,), jnp.int32),
            pltpu.SemaphoreType.DMA,
            pltpu.SemaphoreType.DMA,
        ],
    )(_body)
    return run(idx, table_t)[:, :D]

# --- scband reference (transcript-rebuilt; emitter-appended) ---
"""Pipeline reference for scband-embedding-layer-13941463843495 (READ-ONLY COPY).

The authoritative reference and input builder live on the scoring server;
editing this copy changes nothing except your own understanding.
"""

import jax, jax.numpy as jnp
import numpy as np
import math

VOCAB = 1000000
D_MODEL = 64
BATCH = 16384

def setup_inputs(seed: int = 0) -> dict:
    key = jax.random.key(seed)
    k_idx, k_tab = jax.random.split(key)
    token_ids = jax.random.randint(k_idx, (BATCH,), 0, VOCAB, dtype=jnp.int64 if jax.config.jax_enable_x64 else jnp.int32)
    # nn.Embedding default init: N(0, 1)
    embedding_table = jax.random.normal(k_tab, (VOCAB, D_MODEL), dtype=jnp.float32)
    return {"token_ids": token_ids, "embedding_table": embedding_table}

def reference(token_ids, embedding_table):
    embeddings = jnp.take(embedding_table, token_ids, axis=0)
    return math.sqrt(D_MODEL) * embeddings

if __name__ == "__main__":
    import jax
    _d = setup_inputs()
    print(jax.jit(kernel)(*tuple(_d.values())))

</pallas_src>

<mosaic_0001>
#map = affine_map<(d0, d1) -> (0)>
#map1 = affine_map<(d0, d1) -> (0, 0)>
module attributes {stable_mosaic.version = 14 : i64} {
  func.func @_body(%arg0: i32, %arg1: i32, %arg2: memref<16384xi32, #tpu.memory_space<hbm>>, %arg3: memref<64x1000000xf32, #tpu.memory_space<hbm>>, %arg4: memref<16384x128xf32, #tpu.memory_space<hbm>>, %arg5: memref<16384xi32, #tpu.memory_space<vmem>>, %arg6: memref<16400xi32, #tpu.memory_space<vmem>>, %arg7: memref<16400xi32, #tpu.memory_space<vmem>>, %arg8: memref<2x64x512xf32, #tpu.memory_space<vmem>>, %arg9: memref<64x64xf32, #tpu.memory_space<vmem>>, %arg10: memref<2x16x128xf32, #tpu.memory_space<vmem>>, %arg11: memref<2x16xi32, #tpu.memory_space<vmem>>, %arg12: memref<32xi32, #tpu.memory_space<vmem>>, %arg13: memref<32xi32, #tpu.memory_space<vmem>>, %arg14: memref<4xi32, #tpu.memory_space<smem>>, %arg15: memref<!tpu.dma_semaphore, #tpu.memory_space<semaphore_mem>>, %arg16: memref<!tpu.dma_semaphore, #tpu.memory_space<semaphore_mem>>) attributes {dimension_semantics = [#tpu.dimension_semantics<core_parallel>, #tpu.dimension_semantics<subcore_parallel>], iteration_bounds = array<i64: 2, 16>, scalar_prefetch = 0 : i64, scratch_operands = 12 : i64, tpu.core_type = #tpu.core_type<sc_vector_subcore>, window_params = [{transform_indices = #map}, {transform_indices = #map1}, {transform_indices = #map1}]} {
    %mul3A = arith.constant 2 : i32
    %mul3A_0 = arith.muli %arg1, %mul3A : i32
    %add3A = arith.addi %mul3A_0, %arg0 : i32
    %eq3A = arith.constant 31 : i32
    %eq3A_1 = arith.cmpi eq, %add3A, %eq3A : i32
    %mul3A_2 = arith.constant 31232 : i32
    %mul3A_3 = arith.muli %add3A, %mul3A_2 : i32
    %add3A_4 = arith.constant 31232 : i32
    %add3A_5 = arith.addi %mul3A_3, %add3A_4 : i32
    %jit3A = arith.constant 1000000 : i32
    %select_n3A = arith.select %eq3A_1, %jit3A, %add3A_5 : i32
    %swap3A = arith.constant 0 : i32
    %swap3A_6 = arith.constant 0 : i32
    %swap3A_7 = arith.index_cast %swap3A_6 : i32 to index
    %swap3A_8 = memref.load %arg14[%swap3A_7] : memref<4xi32, #tpu.memory_space<smem>>
    memref.store %swap3A, %arg14[%swap3A_7] : memref<4xi32, #tpu.memory_space<smem>>
    %swap3A_9 = arith.constant 0 : i32
    %swap3A_10 = arith.constant 1 : i32
    %swap3A_11 = arith.index_cast %swap3A_10 : i32 to index
    %swap3A_12 = memref.load %arg14[%swap3A_11] : memref<4xi32, #tpu.memory_space<smem>>
    memref.store %swap3A_9, %arg14[%swap3A_11] : memref<4xi32, #tpu.memory_space<smem>>
    "tpu.region"() ({
      %run_scoped3A = tpu.sem_alloc : memref<!tpu.dma_semaphore, #tpu.memory_space<semaphore_mem>>
      tpu.enqueue_dma source(%arg2 : memref<16384xi32, #tpu.memory_space<hbm>>) target(%arg5 : memref<16384xi32, #tpu.memory_space<vmem>>) target_semaphore(%run_scoped3A : memref<!tpu.dma_semaphore, #tpu.memory_space<semaphore_mem>>)
      tpu.wait_dma2 semaphore(%run_scoped3A : memref<!tpu.dma_semaphore, #tpu.memory_space<semaphore_mem>>) src(%arg2 : memref<16384xi32, #tpu.memory_space<hbm>>) dst(%arg5 : memref<16384xi32, #tpu.memory_space<vmem>>)
      tpu.yield
    }) : () -> ()
    %iota3A = tpu.iota {dimensions = array<i32: 0>} : vector<16xi32>
    %add3A_13 = arith.constant 0 : i32
    %add3A_14 = arith.addi %mul3A_3, %add3A_13 : i32
    %dma_start3A = arith.constant 0 : i32
    %dma_start3A_15 = arith.constant 0 : i32
    %dma_start3A_16 = arith.constant 0 : i32
    %dma_start3A_17 = tpu.memref_slice %arg8[%dma_start3A, %dma_start3A_15, %dma_start3A_16] : memref<2x64x512xf32, #tpu.memory_space<vmem>> -> memref<1x8x512xf32, #tpu.memory_space<vmem>>
    %dma_start3A_18 = tpu.memref_squeeze %dma_start3A_17 : memref<1x8x512xf32, #tpu.memory_space<vmem>> -> memref<8x512xf32, #tpu.memory_space<vmem>>
    %dma_start3A_19 = arith.constant 0 : i32
    %dma_start3A_20 = tpu.memref_slice %arg3[%dma_start3A_19, %add3A_14] : memref<64x1000000xf32, #tpu.memory_space<hbm>> -> memref<8x512xf32, #tpu.memory_space<hbm>>
    %dma_start3A_21 = arith.constant 0 : i32
    %dma_start3A_22 = arith.constant 0 : i32
    %dma_start3A_23 = tpu.memref_slice %arg8[%dma_start3A, %dma_start3A_21, %dma_start3A_22] : memref<2x64x512xf32, #tpu.memory_space<vmem>> -> memref<1x8x512xf32, #tpu.memory_space<vmem>>
    %dma_start3A_24 = tpu.memref_squeeze %dma_start3A_23 : memref<1x8x512xf32, #tpu.memory_space<vmem>> -> memref<8x512xf32, #tpu.memory_space<vmem>>
    %dma_start3A_25 = arith.constant 0 : i32
    %dma_start3A_26 = tpu.memref_slice %arg3[%dma_start3A_25, %add3A_14] : memref<64x1000000xf32, #tpu.memory_space<hbm>> -> memref<8x512xf32, #tpu.memory_space<hbm>>
    tpu.enqueue_dma source(%dma_start3A_26 : memref<8x512xf32, #tpu.memory_space<hbm>>) target(%dma_start3A_24 : memref<8x512xf32, #tpu.memory_space<vmem>>) target_semaphore(%arg15 : memref<!tpu.dma_semaphore, #tpu.memory_space<semaphore_mem>>)
    %dma_start3A_27 = arith.constant 0 : i32
    %dma_start3A_28 = arith.constant 8 : i32
    %dma_start3A_29 = arith.constant 0 : i32
    %dma_start3A_30 = tpu.memref_slice %arg8[%dma_start3A_27, %dma_start3A_28, %dma_start3A_29] : memref<2x64x512xf32, #tpu.memory_space<vmem>> -> memref<1x8x512xf32, #tpu.memory_space<vmem>>
    %dma_start3A_31 = tpu.memref_squeeze %dma_start3A_30 : memref<1x8x512xf32, #tpu.memory_space<vmem>> -> memref<8x512xf32, #tpu.memory_space<vmem>>
    %dma_start3A_32 = arith.constant 8 : i32
    %dma_start3A_33 = tpu.memref_slice %arg3[%dma_start3A_32, %add3A_14] : memref<64x1000000xf32, #tpu.memory_space<hbm>> -> memref<8x512xf32, #tpu.memory_space<hbm>>
    %dma_start3A_34 = arith.constant 8 : i32
    %dma_start3A_35 = arith.constant 0 : i32
    %dma_start3A_36 = tpu.memref_slice %arg8[%dma_start3A_27, %dma_start3A_34, %dma_start3A_35] : memref<2x64x512xf32, #tpu.memory_space<vmem>> -> memref<1x8x512xf32, #tpu.memory_space<vmem>>
    %dma_start3A_37 = tpu.memref_squeeze %dma_start3A_36 : memref<1x8x512xf32, #tpu.memory_space<vmem>> -> memref<8x512xf32, #tpu.memory_space<vmem>>
    %dma_start3A_38 = arith.constant 8 : i32
    %dma_start3A_39 = tpu.memref_slice %arg3[%dma_start3A_38, %add3A_14] : memref<64x1000000xf32, #tpu.memory_space<hbm>> -> memref<8x512xf32, #tpu.memory_space<hbm>>
    tpu.enqueue_dma source(%dma_start3A_39 : memref<8x512xf32, #tpu.memory_space<hbm>>) target(%dma_start3A_37 : memref<8x512xf32, #tpu.memory_space<vmem>>) target_semaphore(%arg15 : memref<!tpu.dma_semaphore, #tpu.memory_space<semaphore_mem>>)
    %dma_start3A_40 = arith.constant 0 : i32
    %dma_start3A_41 = arith.constant 16 : i32
    %dma_start3A_42 = arith.constant 0 : i32
    %dma_start3A_43 = tpu.memref_slice %arg8[%dma_start3A_40, %dma_start3A_41, %dma_start3A_42] : memref<2x64x512xf32, #tpu.memory_space<vmem>> -> memref<1x8x512xf32, #tpu.memory_space<vmem>>
    %dma_start3A_44 = tpu.memref_squeeze %dma_start3A_43 : memref<1x8x512xf32, #tpu.memory_space<vmem>> -> memref<8x512xf32, #tpu.memory_space<vmem>>
    %dma_start3A_45 = arith.constant 16 : i32
    %dma_start3A_46 = tpu.memref_slice %arg3[%dma_start3A_45, %add3A_14] : memref<64x1000000xf32, #tpu.memory_space<hbm>> -> memref<8x512xf32, #tpu.memory_space<hbm>>
    %dma_start3A_47 = arith.constant 16 : i32
    %dma_start3A_48 = arith.constant 0 : i32
    %dma_start3A_49 = tpu.memref_slice %arg8[%dma_start3A_40, %dma_start3A_47, %dma_start3A_48] : memref<2x64x512xf32, #tpu.memory_space<vmem>> -> memref<1x8x512xf32, #tpu.memory_space<vmem>>
    %dma_start3A_50 = tpu.memref_squeeze %dma_start3A_49 : memref<1x8x512xf32, #tpu.memory_space<vmem>> -> memref<8x512xf32, #tpu.memory_space<vmem>>
    %dma_start3A_51 = arith.constant 16 : i32
    %dma_start3A_52 = tpu.memref_slice %arg3[%dma_start3A_51, %add3A_14] : memref<64x1000000xf32, #tpu.memory_space<hbm>> -> memref<8x512xf32, #tpu.memory_space<hbm>>
    tpu.enqueue_dma source(%dma_start3A_52 : memref<8x512xf32, #tpu.memory_space<hbm>>) target(%dma_start3A_50 : memref<8x512xf32, #tpu.memory_space<vmem>>) target_semaphore(%arg15 : memref<!tpu.dma_semaphore, #tpu.memory_space<semaphore_mem>>)
    %dma_start3A_53 = arith.constant 0 : i32
    %dma_start3A_54 = arith.constant 24 : i32
    %dma_start3A_55 = arith.constant 0 : i32
    %dma_start3A_56 = tpu.memref_slice %arg8[%dma_start3A_53, %dma_start3A_54, %dma_start3A_55] : memref<2x64x512xf32, #tpu.memory_space<vmem>> -> memref<1x8x512xf32, #tpu.memory_space<vmem>>
    %dma_start3A_57 = tpu.memref_squeeze %dma_start3A_56 : memref<1x8x512xf32, #tpu.memory_space<vmem>> -> memref<8x512xf32, #tpu.memory_space<vmem>>
    %dma_start3A_58 = arith.constant 24 : i32
    %dma_start3A_59 = tpu.memref_slice %arg3[%dma_start3A_58, %add3A_14] : memref<64x1000000xf32, #tpu.memory_space<hbm>> -> memref<8x512xf32, #tpu.memory_space<hbm>>
    %dma_start3A_60 = arith.constant 24 : i32
    %dma_start3A_61 = arith.constant 0 : i32
    %dma_start3A_62 = tpu.memref_slice %arg8[%dma_start3A_53, %dma_start3A_60, %dma_start3A_61] : memref<2x64x512xf32, #tpu.memory_space<vmem>> -> memref<1x8x512xf32, #tpu.memory_space<vmem>>
    %dma_start3A_63 = tpu.memref_squeeze %dma_start3A_62 : memref<1x8x512xf32, #tpu.memory_space<vmem>> -> memref<8x512xf32, #tpu.memory_space<vmem>>
    %dma_start3A_64 = arith.constant 24 : i32
    %dma_start3A_65 = tpu.memref_slice %arg3[%dma_start3A_64, %add3A_14] : memref<64x1000000xf32, #tpu.memory_space<hbm>> -> memref<8x512xf32, #tpu.memory_space<hbm>>
    tpu.enqueue_dma source(%dma_start3A_65 : memref<8x512xf32, #tpu.memory_space<hbm>>) target(%dma_start3A_63 : memref<8x512xf32, #tpu.memory_space<vmem>>) target_semaphore(%arg15 : memref<!tpu.dma_semaphore, #tpu.memory_space<semaphore_mem>>)
    %dma_start3A_66 = arith.constant 0 : i32
    %dma_start3A_67 = arith.constant 32 : i32
    %dma_start3A_68 = arith.constant 0 : i32
    %dma_start3A_69 = tpu.memref_slice %arg8[%dma_start3A_66, %dma_start3A_67, %dma_start3A_68] : memref<2x64x512xf32, #tpu.memory_space<vmem>> -> memref<1x8x512xf32, #tpu.memory_space<vmem>>
    %dma_start3A_70 = tpu.memref_squeeze %dma_start3A_69 : memref<1x8x512xf32, #tpu.memory_space<vmem>> -> memref<8x512xf32, #tpu.memory_space<vmem>>
    %dma_start3A_71 = arith.constant 32 : i32
    %dma_start3A_72 = tpu.memref_slice %arg3[%dma_start3A_71, %add3A_14] : memref<64x1000000xf32, #tpu.memory_space<hbm>> -> memref<8x512xf32, #tpu.memory_space<hbm>>
    %dma_start3A_73 = arith.constant 32 : i32
    %dma_start3A_74 = arith.constant 0 : i32
    %dma_start3A_75 = tpu.memref_slice %arg8[%dma_start3A_66, %dma_start3A_73, %dma_start3A_74] : memref<2x64x512xf32, #tpu.memory_space<vmem>> -> memref<1x8x512xf32, #tpu.memory_space<vmem>>
    %dma_start3A_76 = tpu.memref_squeeze %dma_start3A_75 : memref<1x8x512xf32, #tpu.memory_space<vmem>> -> memref<8x512xf32, #tpu.memory_space<vmem>>
    %dma_start3A_77 = arith.constant 32 : i32
    %dma_start3A_78 = tpu.memref_slice %arg3[%dma_start3A_77, %add3A_14] : memref<64x1000000xf32, #tpu.memory_space<hbm>> -> memref<8x512xf32, #tpu.memory_space<hbm>>
    tpu.enqueue_dma source(%dma_start3A_78 : memref<8x512xf32, #tpu.memory_space<hbm>>) target(%dma_start3A_76 : memref<8x512xf32, #tpu.memory_space<vmem>>) target_semaphore(%arg15 : memref<!tpu.dma_semaphore, #tpu.memory_space<semaphore_mem>>)
    %dma_start3A_79 = arith.constant 0 : i32
    %dma_start3A_80 = arith.constant 40 : i32
    %dma_start3A_81 = arith.constant 0 : i32
    %dma_start3A_82 = tpu.memref_slice %arg8[%dma_start3A_79, %dma_start3A_80, %dma_start3A_81] : memref<2x64x512xf32, #tpu.memory_space<vmem>> -> memref<1x8x512xf32, #tpu.memory_space<vmem>>
    %dma_start3A_83 = tpu.memref_squeeze %dma_start3A_82 : memref<1x8x512xf32, #tpu.memory_space<vmem>> -> memref<8x512xf32, #tpu.memory_space<vmem>>
    %dma_start3A_84 = arith.constant 40 : i32
    %dma_start3A_85 = tpu.memref_slice %arg3[%dma_start3A_84, %add3A_14] : memref<64x1000000xf32, #tpu.memory_space<hbm>> -> memref<8x512xf32, #tpu.memory_space<hbm>>
    %dma_start3A_86 = arith.constant 40 : i32
    %dma_start3A_87 = arith.constant 0 : i32
    %dma_start3A_88 = tpu.memref_slice %arg8[%dma_start3A_79, %dma_start3A_86, %dma_start3A_87] : memref<2x64x512xf32, #tpu.memory_space<vmem>> -> memref<1x8x512xf32, #tpu.memory_space<vmem>>
    %dma_start3A_89 = tpu.memref_squeeze %dma_start3A_88 : memref<1x8x512xf32, #tpu.memory_space<vmem>> -> memref<8x512xf32, #tpu.memory_space<vmem>>
    %dma_start3A_90 = arith.constant 40 : i32
    %dma_start3A_91 = tpu.memref_slice %arg3[%dma_start3A_90, %add3A_14] : memref<64x1000000xf32, #tpu.memory_space<hbm>> -> memref<8x512xf32, #tpu.memory_space<hbm>>
    tpu.enqueue_dma source(%dma_start3A_91 : memref<8x512xf32, #tpu.memory_space<hbm>>) target(%dma_start3A_89 : memref<8x512xf32, #tpu.memory_space<vmem>>) target_semaphore(%arg15 : memref<!tpu.dma_semaphore, #tpu.memory_space<semaphore_mem>>)
    %dma_start3A_92 = arith.constant 0 : i32
    %dma_start3A_93 = arith.constant 48 : i32
    %dma_start3A_94 = arith.constant 0 : i32
    %dma_start3A_95 = tpu.memref_slice %arg8[%dma_start3A_92, %dma_start3A_93, %dma_start3A_94] : memref<2x64x512xf32, #tpu.memory_space<vmem>> -> memref<1x8x512xf32, #tpu.memory_space<vmem>>
    %dma_start3A_96 = tpu.memref_squeeze %dma_start3A_95 : memref<1x8x512xf32, #tpu.memory_space<vmem>> -> memref<8x512xf32, #tpu.memory_space<vmem>>
    %dma_start3A_97 = arith.constant 48 : i32
    %dma_start3A_98 = tpu.memref_slice %arg3[%dma_start3A_97, %add3A_14] : memref<64x1000000xf32, #tpu.memory_space<hbm>> -> memref<8x512xf32, #tpu.memory_space<hbm>>
    %dma_start3A_99 = arith.constant 48 : i32
    %dma_start3A_100 = arith.constant 0 : i32
    %dma_start3A_101 = tpu.memref_slice %arg8[%dma_start3A_92, %dma_start3A_99, %dma_start3A_100] : memref<2x64x512xf32, #tpu.memory_space<vmem>> -> memref<1x8x512xf32, #tpu.memory_space<vmem>>
    %dma_start3A_102 = tpu.memref_squeeze %dma_start3A_101 : memref<1x8x512xf32, #tpu.memory_space<vmem>> -> memref<8x512xf32, #tpu.memory_space<vmem>>
    %dma_start3A_103 = arith.constant 48 : i32
    %dma_start3A_104 = tpu.memref_slice %arg3[%dma_start3A_103, %add3A_14] : memref<64x1000000xf32, #tpu.memory_space<hbm>> -> memref<8x512xf32, #tpu.memory_space<hbm>>
    tpu.enqueue_dma source(%dma_start3A_104 : memref<8x512xf32, #tpu.memory_space<hbm>>) target(%dma_start3A_102 : memref<8x512xf32, #tpu.memory_space<vmem>>) target_semaphore(%arg15 : memref<!tpu.dma_semaphore, #tpu.memory_space<semaphore_mem>>)
    %dma_start3A_105 = arith.constant 0 : i32
    %dma_start3A_106 = arith.constant 56 : i32
    %dma_start3A_107 = arith.constant 0 : i32
    %dma_start3A_108 = tpu.memref_slice %arg8[%dma_start3A_105, %dma_start3A_106, %dma_start3A_107] : memref<2x64x512xf32, #tpu.memory_space<vmem>> -> memref<1x8x512xf32, #tpu.memory_space<vmem>>
    %dma_start3A_109 = tpu.memref_squeeze %dma_start3A_108 : memref<1x8x512xf32, #tpu.memory_space<vmem>> -> memref<8x512xf32, #tpu.memory_space<vmem>>
    %dma_start3A_110 = arith.constant 56 : i32
    %dma_start3A_111 = tpu.memref_slice %arg3[%dma_start3A_110, %add3A_14] : memref<64x1000000xf32, #tpu.memory_space<hbm>> -> memref<8x512xf32, #tpu.memory_space<hbm>>
    %dma_start3A_112 = arith.constant 56 : i32
    %dma_start3A_113 = arith.constant 0 : i32
    %dma_start3A_114 = tpu.memref_slice %arg8[%dma_start3A_105, %dma_start3A_112, %dma_start3A_113] : memref<2x64x512xf32, #tpu.memory_space<vmem>> -> memref<1x8x512xf32, #tpu.memory_space<vmem>>
    %dma_start3A_115 = tpu.memref_squeeze %dma_start3A_114 : memref<1x8x512xf32, #tpu.memory_space<vmem>> -> memref<8x512xf32, #tpu.memory_space<vmem>>
    %dma_start3A_116 = arith.constant 56 : i32
    %dma_start3A_117 = tpu.memref_slice %arg3[%dma_start3A_116, %add3A_14] : memref<64x1000000xf32, #tpu.memory_space<hbm>> -> memref<8x512xf32, #tpu.memory_space<hbm>>
    tpu.enqueue_dma source(%dma_start3A_117 : memref<8x512xf32, #tpu.memory_space<hbm>>) target(%dma_start3A_115 : memref<8x512xf32, #tpu.memory_space<vmem>>) target_semaphore(%arg15 : memref<!tpu.dma_semaphore, #tpu.memory_space<semaphore_mem>>)
    %add3A_118 = arith.constant 512 : i32
    %add3A_119 = arith.addi %mul3A_3, %add3A_118 : i32
    %dma_start3A_120 = arith.constant 1 : i32
    %dma_start3A_121 = arith.constant 0 : i32
    %dma_start3A_122 = arith.constant 0 : i32
    %dma_start3A_123 = tpu.memref_slice %arg8[%dma_start3A_120, %dma_start3A_121, %dma_start3A_122] : memref<2x64x512xf32, #tpu.memory_space<vmem>> -> memref<1x8x512xf32, #tpu.memory_space<vmem>>
    %dma_start3A_124 = tpu.memref_squeeze %dma_start3A_123 : memref<1x8x512xf32, #tpu.memory_space<vmem>> -> memref<8x512xf32, #tpu.memory_space<vmem>>
    %dma_start3A_125 = arith.constant 0 : i32
    %dma_start3A_126 = tpu.memref_slice %arg3[%dma_start3A_125, %add3A_119] : memref<64x1000000xf32, #tpu.memory_space<hbm>> -> memref<8x512xf32, #tpu.memory_space<hbm>>
    %dma_start3A_127 = arith.constant 0 : i32
    %dma_start3A_128 = arith.constant 0 : i32
    %dma_start3A_129 = tpu.memref_slice %arg8[%dma_start3A_120, %dma_start3A_127, %dma_start3A_128] : memref<2x64x512xf32, #tpu.memory_space<vmem>> -> memref<1x8x512xf32, #tpu.memory_space<vmem>>
    %dma_start3A_130 = tpu.memref_squeeze %dma_start3A_129 : memref<1x8x512xf32, #tpu.memory_space<vmem>> -> memref<8x512xf32, #tpu.memory_space<vmem>>
    %dma_start3A_131 = arith.constant 0 : i32
    %dma_start3A_132 = tpu.memref_slice %arg3[%dma_start3A_131, %add3A_119] : memref<64x1000000xf32, #tpu.memory_space<hbm>> -> memref<8x512xf32, #tpu.memory_space<hbm>>
    tpu.enqueue_dma source(%dma_start3A_132 : memref<8x512xf32, #tpu.memory_space<hbm>>) target(%dma_start3A_130 : memref<8x512xf32, #tpu.memory_space<vmem>>) target_semaphore(%arg15 : memref<!tpu.dma_semaphore, #tpu.memory_space<semaphore_mem>>)
    %dma_start3A_133 = arith.constant 1 : i32
    %dma_start3A_134 = arith.constant 8 : i32
    %dma_start3A_135 = arith.constant 0 : i32
    %dma_start3A_136 = tpu.memref_slice %arg8[%dma_start3A_133, %dma_start3A_134, %dma_start3A_135] : memref<2x64x512xf32, #tpu.memory_space<vmem>> -> memref<1x8x512xf32, #tpu.memory_space<vmem>>
    %dma_start3A_137 = tpu.memref_squeeze %dma_start3A_136 : memref<1x8x512xf32, #tpu.memory_space<vmem>> -> memref<8x512xf32, #tpu.memory_space<vmem>>
    %dma_start3A_138 = arith.constant 8 : i32
    %dma_start3A_139 = tpu.memref_slice %arg3[%dma_start3A_138, %add3A_119] : memref<64x1000000xf32, #tpu.memory_space<hbm>> -> memref<8x512xf32, #tpu.memory_space<hbm>>
    %dma_start3A_140 = arith.constant 8 : i32
    %dma_start3A_141 = arith.constant 0 : i32
    %dma_start3A_142 = tpu.memref_slice %arg8[%dma_start3A_133, %dma_start3A_140, %dma_start3A_141] : memref<2x64x512xf32, #tpu.memory_space<vmem>> -> memref<1x8x512xf32, #tpu.memory_space<vmem>>
    %dma_start3A_143 = tpu.memref_squeeze %dma_start3A_142 : memref<1x8x512xf32, #tpu.memory_space<vmem>> -> memref<8x512xf32, #tpu.memory_space<vmem>>
    %dma_start3A_144 = arith.constant 8 : i32
    %dma_start3A_145 = tpu.memref_slice %arg3[%dma_start3A_144, %add3A_119] : memref<64x1000000xf32, #tpu.memory_space<hbm>> -> memref<8x512xf32, #tpu.memory_space<hbm>>
    tpu.enqueue_dma source(%dma_start3A_145 : memref<8x512xf32, #tpu.memory_space<hbm>>) target(%dma_start3A_143 : memref<8x512xf32, #tpu.memory_space<vmem>>) target_semaphore(%arg15 : memref<!tpu.dma_semaphore, #tpu.memory_space<semaphore_mem>>)
    %dma_start3A_146 = arith.constant 1 : i32
    %dma_start3A_147 = arith.constant 16 : i32
    %dma_start3A_148 = arith.constant 0 : i32
    %dma_start3A_149 = tpu.memref_slice %arg8[%dma_start3A_146, %dma_start3A_147, %dma_start3A_148] : memref<2x64x512xf32, #tpu.memory_space<vmem>> -> memref<1x8x512xf32, #tpu.memory_space<vmem>>
    %dma_start3A_150 = tpu.memref_squeeze %dma_start3A_149 : memref<1x8x512xf32, #tpu.memory_space<vmem>> -> memref<8x512xf32, #tpu.memory_space<vmem>>
    %dma_start3A_151 = arith.constant 16 : i32
    %dma_start3A_152 = tpu.memref_slice %arg3[%dma_start3A_151, %add3A_119] : memref<64x1000000xf32, #tpu.memory_space<hbm>> -> memref<8x512xf32, #tpu.memory_space<hbm>>
    %dma_start3A_153 = arith.constant 16 : i32
    %dma_start3A_154 = arith.constant 0 : i32
    %dma_start3A_155 = tpu.memref_slice %arg8[%dma_start3A_146, %dma_start3A_153, %dma_start3A_154] : memref<2x64x512xf32, #tpu.memory_space<vmem>> -> memref<1x8x512xf32, #tpu.memory_space<vmem>>
    %dma_start3A_156 = tpu.memref_squeeze %dma_start3A_155 : memref<1x8x512xf32, #tpu.memory_space<vmem>> -> memref<8x512xf32, #tpu.memory_space<vmem>>
    %dma_start3A_157 = arith.constant 16 : i32
    %dma_start3A_158 = tpu.memref_slice %arg3[%dma_start3A_157, %add3A_119] : memref<64x1000000xf32, #tpu.memory_space<hbm>> -> memref<8x512xf32, #tpu.memory_space<hbm>>
    tpu.enqueue_dma source(%dma_start3A_158 : memref<8x512xf32, #tpu.memory_space<hbm>>) target(%dma_start3A_156 : memref<8x512xf32, #tpu.memory_space<vmem>>) target_semaphore(%arg15 : memref<!tpu.dma_semaphore, #tpu.memory_space<semaphore_mem>>)
    %dma_start3A_159 = arith.constant 1 : i32
    %dma_start3A_160 = arith.constant 24 : i32
    %dma_start3A_161 = arith.constant 0 : i32
    %dma_start3A_162 = tpu.memref_slice %arg8[%dma_start3A_159, %dma_start3A_160, %dma_start3A_161] : memref<2x64x512xf32, #tpu.memory_space<vmem>> -> memref<1x8x512xf32, #tpu.memory_space<vmem>>
    %dma_start3A_163 = tpu.memref_squeeze %dma_start3A_162 : memref<1x8x512xf32, #tpu.memory_space<vmem>> -> memref<8x512xf32, #tpu.memory_space<vmem>>
    %dma_start3A_164 = arith.constant 24 : i32
    %dma_start3A_165 = tpu.memref_slice %arg3[%dma_start3A_164, %add3A_119] : memref<64x1000000xf32, #tpu.memory_space<hbm>> -> memref<8x512xf32, #tpu.memory_space<hbm>>
    %dma_start3A_166 = arith.constant 24 : i32
    %dma_start3A_167 = arith.constant 0 : i32
    %dma_start3A_168 = tpu.memref_slice %arg8[%dma_start3A_159, %dma_start3A_166, %dma_start3A_167] : memref<2x64x512xf32, #tpu.memory_space<vmem>> -> memref<1x8x512xf32, #tpu.memory_space<vmem>>
    %dma_start3A_169 = tpu.memref_squeeze %dma_start3A_168 : memref<1x8x512xf32, #tpu.memory_space<vmem>> -> memref<8x512xf32, #tpu.memory_space<vmem>>
    %dma_start3A_170 = arith.constant 24 : i32
    %dma_start3A_171 = tpu.memref_slice %arg3[%dma_start3A_170, %add3A_119] : memref<64x1000000xf32, #tpu.memory_space<hbm>> -> memref<8x512xf32, #tpu.memory_space<hbm>>
    tpu.enqueue_dma source(%dma_start3A_171 : memref<8x512xf32, #tpu.memory_space<hbm>>) target(%dma_start3A_169 : memref<8x512xf32, #tpu.memory_space<vmem>>) target_semaphore(%arg15 : memref<!tpu.dma_semaphore, #tpu.memory_space<semaphore_mem>>)
    %dma_start3A_172 = arith.constant 1 : i32
    %dma_start3A_173 = arith.constant 32 : i32
    %dma_start3A_174 = arith.constant 0 : i32
    %dma_start3A_175 = tpu.memref_slice %arg8[%dma_start3A_172, %dma_start3A_173, %dma_start3A_174] : memref<2x64x512xf32, #tpu.memory_space<vmem>> -> memref<1x8x512xf32, #tpu.memory_space<vmem>>
    %dma_start3A_176 = tpu.memref_squeeze %dma_start3A_175 : memref<1x8x512xf32, #tpu.memory_space<vmem>> -> memref<8x512xf32, #tpu.memory_space<vmem>>
    %dma_start3A_177 = arith.constant 32 : i32
    %dma_start3A_178 = tpu.memref_slice %arg3[%dma_start3A_177, %add3A_119] : memref<64x1000000xf32, #tpu.memory_space<hbm>> -> memref<8x512xf32, #tpu.memory_space<hbm>>
    %dma_start3A_179 = arith.constant 32 : i32
    %dma_start3A_180 = arith.constant 0 : i32
    %dma_start3A_181 = tpu.memref_slice %arg8[%dma_start3A_172, %dma_start3A_179, %dma_start3A_180] : memref<2x64x512xf32, #tpu.memory_space<vmem>> -> memref<1x8x512xf32, #tpu.memory_space<vmem>>
    %dma_start3A_182 = tpu.memref_squeeze %dma_start3A_181 : memref<1x8x512xf32, #tpu.memory_space<vmem>> -> memref<8x512xf32, #tpu.memory_space<vmem>>
    %dma_start3A_183 = arith.constant 32 : i32
    %dma_start3A_184 = tpu.memref_slice %arg3[%dma_start3A_183, %add3A_119] : memref<64x1000000xf32, #tpu.memory_space<hbm>> -> memref<8x512xf32, #tpu.memory_space<hbm>>
    tpu.enqueue_dma source(%dma_start3A_184 : memref<8x512xf32, #tpu.memory_space<hbm>>) target(%dma_start3A_182 : memref<8x512xf32, #tpu.memory_space<vmem>>) target_semaphore(%arg15 : memref<!tpu.dma_semaphore, #tpu.memory_space<semaphore_mem>>)
    %dma_start3A_185 = arith.constant 1 : i32
    %dma_start3A_186 = arith.constant 40 : i32
    %dma_start3A_187 = arith.constant 0 : i32
    %dma_start3A_188 = tpu.memref_slice %arg8[%dma_start3A_185, %dma_start3A_186, %dma_start3A_187] : memref<2x64x512xf32, #tpu.memory_space<vmem>> -> memref<1x8x512xf32, #tpu.memory_space<vmem>>
    %dma_start3A_189 = tpu.memref_squeeze %dma_start3A_188 : memref<1x8x512xf32, #tpu.memory_space<vmem>> -> memref<8x512xf32, #tpu.memory_space<vmem>>
    %dma_start3A_190 = arith.constant 40 : i32
    %dma_start3A_191 = tpu.memref_slice %arg3[%dma_start3A_190, %add3A_119] : memref<64x1000000xf32, #tpu.memory_space<hbm>> -> memref<8x512xf32, #tpu.memory_space<hbm>>
    %dma_start3A_192 = arith.constant 40 : i32
    %dma_start3A_193 = arith.constant 0 : i32
    %dma_start3A_194 = tpu.memref_slice %arg8[%dma_start3A_185, %dma_start3A_192, %dma_start3A_193] : memref<2x64x512xf32, #tpu.memory_space<vmem>> -> memref<1x8x512xf32, #tpu.memory_space<vmem>>
    %dma_start3A_195 = tpu.memref_squeeze %dma_start3A_194 : memref<1x8x512xf32, #tpu.memory_space<vmem>> -> memref<8x512xf32, #tpu.memory_space<vmem>>
    %dma_start3A_196 = arith.constant 40 : i32
    %dma_start3A_197 = tpu.memref_slice %arg3[%dma_start3A_196, %add3A_119] : memref<64x1000000xf32, #tpu.memory_space<hbm>> -> memref<8x512xf32, #tpu.memory_space<hbm>>
    tpu.enqueue_dma source(%dma_start3A_197 : memref<8x512xf32, #tpu.memory_space<hbm>>) target(%dma_start3A_195 : memref<8x512xf32, #tpu.memory_space<vmem>>) target_semaphore(%arg15 : memref<!tpu.dma_semaphore, #tpu.memory_space<semaphore_mem>>)
    %dma_start3A_198 = arith.constant 1 : i32
    %dma_start3A_199 = arith.constant 48 : i32
    %dma_start3A_200 = arith.constant 0 : i32
    %dma_start3A_201 = tpu.memref_slice %arg8[%dma_start3A_198, %dma_start3A_199, %dma_start3A_200] : memref<2x64x512xf32, #tpu.memory_space<vmem>> -> memref<1x8x512xf32, #tpu.memory_space<vmem>>
    %dma_start3A_202 = tpu.memref_squeeze %dma_start3A_201 : memref<1x8x512xf32, #tpu.memory_space<vmem>> -> memref<8x512xf32, #tpu.memory_space<vmem>>
    %dma_start3A_203 = arith.constant 48 : i32
    %dma_start3A_204 = tpu.memref_slice %arg3[%dma_start3A_203, %add3A_119] : memref<64x1000000xf32, #tpu.memory_space<hbm>> -> memref<8x512xf32, #tpu.memory_space<hbm>>
    %dma_start3A_205 = arith.constant 48 : i32
    %dma_start3A_206 = arith.constant 0 : i32
    %dma_start3A_207 = tpu.memref_slice %arg8[%dma_start3A_198, %dma_start3A_205, %dma_start3A_206] : memref<2x64x512xf32, #tpu.memory_space<vmem>> -> memref<1x8x512xf32, #tpu.memory_space<vmem>>
    %dma_start3A_208 = tpu.memref_squeeze %dma_start3A_207 : memref<1x8x512xf32, #tpu.memory_space<vmem>> -> memref<8x512xf32, #tpu.memory_space<vmem>>
    %dma_start3A_209 = arith.constant 48 : i32
    %dma_start3A_210 = tpu.memref_slice %arg3[%dma_start3A_209, %add3A_119] : memref<64x1000000xf32, #tpu.memory_space<hbm>> -> memref<8x512xf32, #tpu.memory_space<hbm>>
    tpu.enqueue_dma source(%dma_start3A_210 : memref<8x512xf32, #tpu.memory_space<hbm>>) target(%dma_start3A_208 : memref<8x512xf32, #tpu.memory_space<vmem>>) target_semaphore(%arg15 : memref<!tpu.dma_semaphore, #tpu.memory_space<semaphore_mem>>)
    %dma_start3A_211 = arith.constant 1 : i32
    %dma_start3A_212 = arith.constant 56 : i32
    %dma_start3A_213 = arith.constant 0 : i32
    %dma_start3A_214 = tpu.memref_slice %arg8[%dma_start3A_211, %dma_start3A_212, %dma_start3A_213] : memref<2x64x512xf32, #tpu.memory_space<vmem>> -> memref<1x8x512xf32, #tpu.memory_space<vmem>>
    %dma_start3A_215 = tpu.memref_squeeze %dma_start3A_214 : memref<1x8x512xf32, #tpu.memory_space<vmem>> -> memref<8x512xf32, #tpu.memory_space<vmem>>
    %dma_start3A_216 = arith.constant 56 : i32
    %dma_start3A_217 = tpu.memref_slice %arg3[%dma_start3A_216, %add3A_119] : memref<64x1000000xf32, #tpu.memory_space<hbm>> -> memref<8x512xf32, #tpu.memory_space<hbm>>
    %dma_start3A_218 = arith.constant 56 : i32
    %dma_start3A_219 = arith.constant 0 : i32
    %dma_start3A_220 = tpu.memref_slice %arg8[%dma_start3A_211, %dma_start3A_218, %dma_start3A_219] : memref<2x64x512xf32, #tpu.memory_space<vmem>> -> memref<1x8x512xf32, #tpu.memory_space<vmem>>
    %dma_start3A_221 = tpu.memref_squeeze %dma_start3A_220 : memref<1x8x512xf32, #tpu.memory_space<vmem>> -> memref<8x512xf32, #tpu.memory_space<vmem>>
    %dma_start3A_222 = arith.constant 56 : i32
    %dma_start3A_223 = tpu.memref_slice %arg3[%dma_start3A_222, %add3A_119] : memref<64x1000000xf32, #tpu.memory_space<hbm>> -> memref<8x512xf32, #tpu.memory_space<hbm>>
    tpu.enqueue_dma source(%dma_start3A_223 : memref<8x512xf32, #tpu.memory_space<hbm>>) target(%dma_start3A_221 : memref<8x512xf32, #tpu.memory_space<vmem>>) target_semaphore(%arg15 : memref<!tpu.dma_semaphore, #tpu.memory_space<semaphore_mem>>)
    %scan3A = arith.constant 0 : i32
    %scan3A_224 = arith.constant 0 : i32
    %scan3A_225 = arith.constant 256 : i32
    %scan3A_226 = arith.addi %scan3A_224, %scan3A_225 : i32
    %scan3A_227 = arith.constant 1 : i32
    %scan3A_228 = scf.for %scan3A_323 = %scan3A_224 to %scan3A_226 step %scan3A_227 iter_args(%scan3A_324 = %scan3A) -> (i32)  : i32 {
      %mul3A_325 = arith.constant 4 : i32
      %mul3A_326 = arith.muli %scan3A_323, %mul3A_325 : i32
      %add3A_327 = arith.constant 0 : i32
      %add3A_328 = arith.addi %mul3A_326, %add3A_327 : i32
      %mul3A_329 = arith.constant 16 : i32
      %mul3A_330 = arith.muli %add3A_328, %mul3A_329 : i32
      %get3A_331 = arith.index_cast %mul3A_330 : i32 to index
      %get3A_332 = tpu.vector_load %arg5[%get3A_331] {strides = array<i32>} : memref<16384xi32, #tpu.memory_space<vmem>>, vector<16xi32>,
      %ge3A = vector.broadcast %mul3A_3 : i32 to vector<16xi32>
      %ge3A_333 = arith.cmpi sge, %get3A_332, %ge3A : vector<16xi32>
      %lt3A = vector.broadcast %select_n3A : i32 to vector<16xi32>
      %lt3A_334 = arith.cmpi slt, %get3A_332, %lt3A : vector<16xi32>
      %and3A_335 = arith.andi %ge3A_333, %lt3A_334 : vector<16xi1>
      %all_reduce_population_count3A = tpu.all_reduce %and3A_335 {dim = 0 : i64, kind = #tpu.reduction_kind<sum>} : vector<16xi1> -> vector<16xi32>
      %slice3A = vector.extract_strided_slice %all_reduce_population_count3A {offsets = [0], sizes = [1], strides = [1]} : vector<16xi32> to vector<1xi32>
      %squeeze3A = vector.extract %slice3A[0] : i32 from vector<1xi32>
      %gt3A_336 = arith.constant 0 : i32
      %gt3A_337 = arith.cmpi sgt, %squeeze3A, %gt3A_336 : i32
      %convert_element_type3A_338 = arith.extui %gt3A_337 : i1 to i32
      %cond3A_339 = arith.constant 0 : i32
      %cond3A_340 = arith.cmpi ne, %convert_element_type3A_338, %cond3A_339 : i32
      scf.if %cond3A_340 {
        %swap3A_408 = arith.index_cast %scan3A_324 : i32 to index
        %swap3A_409 = tpu.vector_load %arg6[%swap3A_408] masked %and3A_335 {strides = array<i32>} : memref<16400xi32, #tpu.memory_space<vmem>>, vector<16xi32>, vector<16xi1>
        tpu.vector_store %arg6[%swap3A_408], %get3A_332 masked %and3A_335 {strides = array<i32>} : memref<16400xi32, #tpu.memory_space<vmem>>, vector<16xi32>, vector<16xi1>
        %mul3A_410 = arith.constant 16 : i32
        %mul3A_411 = arith.muli %add3A_328, %mul3A_410 : i32
        %add3A_412 = vector.broadcast %mul3A_411 : i32 to vector<16xi32>
        %add3A_413 = arith.addi %iota3A, %add3A_412 : vector<16xi32>
        %swap3A_414 = arith.index_cast %scan3A_324 : i32 to index
        %swap3A_415 = tpu.vector_load %arg7[%swap3A_414] masked %and3A_335 {strides = array<i32>} : memref<16400xi32, #tpu.memory_space<vmem>>, vector<16xi32>, vector<16xi1>
        tpu.vector_store %arg7[%swap3A_414], %add3A_413 masked %and3A_335 {strides = array<i32>} : memref<16400xi32, #tpu.memory_space<vmem>>, vector<16xi32>, vector<16xi1>
      } else {
      }
      %add3A_341 = arith.addi %scan3A_324, %squeeze3A : i32
      %mul3A_342 = arith.constant 4 : i32
      %mul3A_343 = arith.muli %scan3A_323, %mul3A_342 : i32
      %add3A_344 = arith.constant 1 : i32
      %add3A_345 = arith.addi %mul3A_343, %add3A_344 : i32
      %mul3A_346 = arith.constant 16 : i32
      %mul3A_347 = arith.muli %add3A_345, %mul3A_346 : i32
      %get3A_348 = arith.index_cast %mul3A_347 : i32 to index
      %get3A_349 = tpu.vector_load %arg5[%get3A_348] {strides = array<i32>} : memref<16384xi32, #tpu.memory_space<vmem>>, vector<16xi32>,
      %ge3A_350 = vector.broadcast %mul3A_3 : i32 to vector<16xi32>
      %ge3A_351 = arith.cmpi sge, %get3A_349, %ge3A_350 : vector<16xi32>
      %lt3A_352 = vector.broadcast %select_n3A : i32 to vector<16xi32>
      %lt3A_353 = arith.cmpi slt, %get3A_349, %lt3A_352 : vector<16xi32>
      %and3A_354 = arith.andi %ge3A_351, %lt3A_353 : vector<16xi1>
      %all_reduce_population_count3A_355 = tpu.all_reduce %and3A_354 {dim = 0 : i64, kind = #tpu.reduction_kind<sum>} : vector<16xi1> -> vector<16xi32>
      %slice3A_356 = vector.extract_strided_slice %all_reduce_population_count3A_355 {offsets = [0], sizes = [1], strides = [1]} : vector<16xi32> to vector<1xi32>
      %squeeze3A_357 = vector.extract %slice3A_356[0] : i32 from vector<1xi32>
      %gt3A_358 = arith.constant 0 : i32
      %gt3A_359 = arith.cmpi sgt, %squeeze3A_357, %gt3A_358 : i32
      %convert_element_type3A_360 = arith.extui %gt3A_359 : i1 to i32
      %cond3A_361 = arith.constant 0 : i32
      %cond3A_362 = arith.cmpi ne, %convert_element_type3A_360, %cond3A_361 : i32
      scf.if %cond3A_362 {
        %swap3A_408 = arith.index_cast %add3A_341 : i32 to index
        %swap3A_409 = tpu.vector_load %arg6[%swap3A_408] masked %and3A_354 {strides = array<i32>} : memref<16400xi32, #tpu.memory_space<vmem>>, vector<16xi32>, vector<16xi1>
        tpu.vector_store %arg6[%swap3A_408], %get3A_349 masked %and3A_354 {strides = array<i32>} : memref<16400xi32, #tpu.memory_space<vmem>>, vector<16xi32>, vector<16xi1>
        %mul3A_410 = arith.constant 16 : i32
        %mul3A_411 = arith.muli %add3A_345, %mul3A_410 : i32
        %add3A_412 = vector.broadcast %mul3A_411 : i32 to vector<16xi32>
        %add3A_413 = arith.addi %iota3A, %add3A_412 : vector<16xi32>
        %swap3A_414 = arith.index_cast %add3A_341 : i32 to index
        %swap3A_415 = tpu.vector_load %arg7[%swap3A_414] masked %and3A_354 {strides = array<i32>} : memref<16400xi32, #tpu.memory_space<vmem>>, vector<16xi32>, vector<16xi1>
        tpu.vector_store %arg7[%swap3A_414], %add3A_413 masked %and3A_354 {strides = array<i32>} : memref<16400xi32, #tpu.memory_space<vmem>>, vector<16xi32>, vector<16xi1>
      } else {
      }
      %add3A_363 = arith.addi %add3A_341, %squeeze3A_357 : i32
      %mul3A_364 = arith.constant 4 : i32
      %mul3A_365 = arith.muli %scan3A_323, %mul3A_364 : i32
      %add3A_366 = arith.constant 2 : i32
      %add3A_367 = arith.addi %mul3A_365, %add3A_366 : i32
      %mul3A_368 = arith.constant 16 : i32
      %mul3A_369 = arith.muli %add3A_367, %mul3A_368 : i32
      %get3A_370 = arith.index_cast %mul3A_369 : i32 to index
      %get3A_371 = tpu.vector_load %arg5[%get3A_370] {strides = array<i32>} : memref<16384xi32, #tpu.memory_space<vmem>>, vector<16xi32>,
      %ge3A_372 = vector.broadcast %mul3A_3 : i32 to vector<16xi32>
      %ge3A_373 = arith.cmpi sge, %get3A_371, %ge3A_372 : vector<16xi32>
      %lt3A_374 = vector.broadcast %select_n3A : i32 to vector<16xi32>
      %lt3A_375 = arith.cmpi slt, %get3A_371, %lt3A_374 : vector<16xi32>
      %and3A_376 = arith.andi %ge3A_373, %lt3A_375 : vector<16xi1>
      %all_reduce_population_count3A_377 = tpu.all_reduce %and3A_376 {dim = 0 : i64, kind = #tpu.reduction_kind<sum>} : vector<16xi1> -> vector<16xi32>
      %slice3A_378 = vector.extract_strided_slice %all_reduce_population_count3A_377 {offsets = [0], sizes = [1], strides = [1]} : vector<16xi32> to vector<1xi32>
      %squeeze3A_379 = vector.extract %slice3A_378[0] : i32 from vector<1xi32>
      %gt3A_380 = arith.constant 0 : i32
      %gt3A_381 = arith.cmpi sgt, %squeeze3A_379, %gt3A_380 : i32
      %convert_element_type3A_382 = arith.extui %gt3A_381 : i1 to i32
      %cond3A_383 = arith.constant 0 : i32
      %cond3A_384 = arith.cmpi ne, %convert_element_type3A_382, %cond3A_383 : i32
      scf.if %cond3A_384 {
        %swap3A_408 = arith.index_cast %add3A_363 : i32 to index
        %swap3A_409 = tpu.vector_load %arg6[%swap3A_408] masked %and3A_376 {strides = array<i32>} : memref<16400xi32, #tpu.memory_space<vmem>>, vector<16xi32>, vector<16xi1>
        tpu.vector_store %arg6[%swap3A_408], %get3A_371 masked %and3A_376 {strides = array<i32>} : memref<16400xi32, #tpu.memory_space<vmem>>, vector<16xi32>, vector<16xi1>
        %mul3A_410 = arith.constant 16 : i32
        %mul3A_411 = arith.muli %add3A_367, %mul3A_410 : i32
        %add3A_412 = vector.broadcast %mul3A_411 : i32 to vector<16xi32>
        %add3A_413 = arith.addi %iota3A, %add3A_412 : vector<16xi32>
        %swap3A_414 = arith.index_cast %add3A_363 : i32 to index
        %swap3A_415 = tpu.vector_load %arg7[%swap3A_414] masked %and3A_376 {strides = array<i32>} : memref<16400xi32, #tpu.memory_space<vmem>>, vector<16xi32>, vector<16xi1>
        tpu.vector_store %arg7[%swap3A_414], %add3A_413 masked %and3A_376 {strides = array<i32>} : memref<16400xi32, #tpu.memory_space<vmem>>, vector<16xi32>, vector<16xi1>
      } else {
      }
      %add3A_385 = arith.addi %add3A_363, %squeeze3A_379 : i32
      %mul3A_386 = arith.constant 4 : i32
      %mul3A_387 = arith.muli %scan3A_323, %mul3A_386 : i32
      %add3A_388 = arith.constant 3 : i32
      %add3A_389 = arith.addi %mul3A_387, %add3A_388 : i32
      %mul3A_390 = arith.constant 16 : i32
      %mul3A_391 = arith.muli %add3A_389, %mul3A_390 : i32
      %get3A_392 = arith.index_cast %mul3A_391 : i32 to index
      %get3A_393 = tpu.vector_load %arg5[%get3A_392] {strides = array<i32>} : memref<16384xi32, #tpu.memory_space<vmem>>, vector<16xi32>,
      %ge3A_394 = vector.broadcast %mul3A_3 : i32 to vector<16xi32>
      %ge3A_395 = arith.cmpi sge, %get3A_393, %ge3A_394 : vector<16xi32>
      %lt3A_396 = vector.broadcast %select_n3A : i32 to vector<16xi32>
      %lt3A_397 = arith.cmpi slt, %get3A_393, %lt3A_396 : vector<16xi32>
      %and3A_398 = arith.andi %ge3A_395, %lt3A_397 : vector<16xi1>
      %all_reduce_population_count3A_399 = tpu.all_reduce %and3A_398 {dim = 0 : i64, kind = #tpu.reduction_kind<sum>} : vector<16xi1> -> vector<16xi32>
      %slice3A_400 = vector.extract_strided_slice %all_reduce_population_count3A_399 {offsets = [0], sizes = [1], strides = [1]} : vector<16xi32> to vector<1xi32>
      %squeeze3A_401 = vector.extract %slice3A_400[0] : i32 from vector<1xi32>
      %gt3A_402 = arith.constant 0 : i32
      %gt3A_403 = arith.cmpi sgt, %squeeze3A_401, %gt3A_402 : i32
      %convert_element_type3A_404 = arith.extui %gt3A_403 : i1 to i32
      %cond3A_405 = arith.constant 0 : i32
      %cond3A_406 = arith.cmpi ne, %convert_element_type3A_404, %cond3A_405 : i32
      scf.if %cond3A_406 {
        %swap3A_408 = arith.index_cast %add3A_385 : i32 to index
        %swap3A_409 = tpu.vector_load %arg6[%swap3A_408] masked %and3A_398 {strides = array<i32>} : memref<16400xi32, #tpu.memory_space<vmem>>, vector<16xi32>, vector<16xi1>
        tpu.vector_store %arg6[%swap3A_408], %get3A_393 masked %and3A_398 {strides = array<i32>} : memref<16400xi32, #tpu.memory_space<vmem>>, vector<16xi32>, vector<16xi1>
        %mul3A_410 = arith.constant 16 : i32
        %mul3A_411 = arith.muli %add3A_389, %mul3A_410 : i32
        %add3A_412 = vector.broadcast %mul3A_411 : i32 to vector<16xi32>
        %add3A_413 = arith.addi %iota3A, %add3A_412 : vector<16xi32>
        %swap3A_414 = arith.index_cast %add3A_385 : i32 to index
        %swap3A_415 = tpu.vector_load %arg7[%swap3A_414] masked %and3A_398 {strides = array<i32>} : memref<16400xi32, #tpu.memory_space<vmem>>, vector<16xi32>, vector<16xi1>
        tpu.vector_store %arg7[%swap3A_414], %add3A_413 masked %and3A_398 {strides = array<i32>} : memref<16400xi32, #tpu.memory_space<vmem>>, vector<16xi32>, vector<16xi1>
      } else {
      }
      %add3A_407 = arith.addi %add3A_385, %squeeze3A_401 : i32
      scf.yield %add3A_407 : i32
    }
    %scan3A_229 = arith.constant 256 : i32
    %add3A_230 = arith.constant 16 : i32
    %add3A_231 = arith.addi %scan3A_228, %add3A_230 : i32
    %sub3A = arith.constant 1 : i32
    %sub3A_232 = arith.subi %add3A_231, %sub3A : i32
    %jit3A_233 = arith.constant 16 : i32
    %div3A = arith.divsi %sub3A_232, %jit3A_233 : i32
    %sign3A = arith.constant 0 : i32
    %sign3A_234 = arith.cmpi sgt, %sub3A_232, %sign3A : i32
    %sign3A_235 = arith.extui %sign3A_234 : i1 to i32
    %sign3A_236 = arith.constant 0 : i32
    %sign3A_237 = arith.cmpi slt, %sub3A_232, %sign3A_236 : i32
    %sign3A_238 = arith.extui %sign3A_237 : i1 to i32
    %sign3A_239 = arith.subi %sign3A_235, %sign3A_238 : i32
    %sign3A_240 = arith.constant 0 : i32
    %sign3A_241 = arith.cmpi sgt, %jit3A_233, %sign3A_240 : i32
    %sign3A_242 = arith.extui %sign3A_241 : i1 to i32
    %sign3A_243 = arith.constant 0 : i32
    %sign3A_244 = arith.cmpi slt, %jit3A_233, %sign3A_243 : i32
    %sign3A_245 = arith.extui %sign3A_244 : i1 to i32
    %sign3A_246 = arith.subi %sign3A_242, %sign3A_245 : i32
    %ne3A = arith.cmpi ne, %sign3A_239, %sign3A_246 : i32
    %rem3A = arith.remsi %sub3A_232, %jit3A_233 : i32
    %ne3A_247 = arith.constant 0 : i32
    %ne3A_248 = arith.cmpi ne, %rem3A, %ne3A_247 : i32
    %and3A = arith.andi %ne3A, %ne3A_248 : i1
    %sub3A_249 = arith.constant 1 : i32
    %sub3A_250 = arith.subi %div3A, %sub3A_249 : i32
    %select_n3A_251 = arith.select %and3A, %sub3A_250, %div3A : i32
    %eq3A_252 = arith.constant 0 : i32
    %eq3A_253 = vector.broadcast %eq3A_252 : i32 to vector<16xi32>
    %eq3A_254 = arith.cmpi eq, %iota3A, %eq3A_253 : vector<16xi32>
    %jit3A_255 = arith.constant 62 : i32
    %jit3A_256 = arith.constant 61 : i32
    %select_n3A_257 = arith.select %eq3A_1, %jit3A_255, %jit3A_256 : i32
    %while3A = arith.constant 0 : i32
    %while3A_258 = arith.constant 0 : i32
    %while3A_259 = arith.subi %select_n3A_257, %while3A_258 : i32
    %while3A_260 = arith.addi %while3A_258, %while3A_259 : i32
    %while3A_261 = arith.constant 1 : i32
    %while3A_262 = arith.divsi %while3A_259, %while3A_261 : i32
    %while3A_263 = arith.muli %while3A_262, %while3A_261 : i32
    %while3A_264 = arith.addi %while3A_258, %while3A_263 : i32
    %while3A_265 = arith.constant 1 : i32
    scf.for %while3A_323 = %while3A_258 to %while3A_264 step %while3A_265  : i32 {
      %dma_wait3A = arith.constant 0 : i32
      %dma_wait3A_324 = arith.constant 0 : i32
      %dma_wait3A_325 = arith.constant 0 : i32
      %dma_wait3A_326 = tpu.memref_slice %arg8[%dma_wait3A, %dma_wait3A_324, %dma_wait3A_325] : memref<2x64x512xf32, #tpu.memory_space<vmem>> -> memref<1x64x512xf32, #tpu.memory_space<vmem>>
      %dma_wait3A_327 = tpu.memref_squeeze %dma_wait3A_326 : memref<1x64x512xf32, #tpu.memory_space<vmem>> -> memref<64x512xf32, #tpu.memory_space<vmem>>
      %dma_wait3A_328 = arith.constant 0 : i32
      %dma_wait3A_329 = arith.constant 0 : i32
      %dma_wait3A_330 = tpu.memref_slice %arg3[%dma_wait3A_328, %dma_wait3A_329] : memref<64x1000000xf32, #tpu.memory_space<hbm>> -> memref<64x512xf32, #tpu.memory_space<hbm>>
      %dma_wait3A_331 = arith.constant 0 : i32
      %dma_wait3A_332 = arith.constant 0 : i32
      %dma_wait3A_333 = tpu.memref_slice %arg8[%dma_wait3A, %dma_wait3A_331, %dma_wait3A_332] : memref<2x64x512xf32, #tpu.memory_space<vmem>> -> memref<1x64x512xf32, #tpu.memory_space<vmem>>
      %dma_wait3A_334 = tpu.memref_squeeze %dma_wait3A_333 : memref<1x64x512xf32, #tpu.memory_space<vmem>> -> memref<64x512xf32, #tpu.memory_space<vmem>>
      %dma_wait3A_335 = arith.constant 0 : i32
      %dma_wait3A_336 = arith.constant 0 : i32
      %dma_wait3A_337 = tpu.memref_slice %arg3[%dma_wait3A_335, %dma_wait3A_336] : memref<64x1000000xf32, #tpu.memory_space<hbm>> -> memref<64x512xf32, #tpu.memory_space<hbm>>
      tpu.wait_dma2 semaphore(%arg15 : memref<!tpu.dma_semaphore, #tpu.memory_space<semaphore_mem>>) src(%dma_wait3A_337 : memref<64x512xf32, #tpu.memory_space<hbm>>) dst(%dma_wait3A_334 : memref<64x512xf32, #tpu.memory_space<vmem>>)
      %rem3A_338 = arith.constant 2 : i32
      %rem3A_339 = arith.remsi %while3A_323, %rem3A_338 : i32
      %broadcast_in_dim3A = vector.broadcast %rem3A_339 : i32 to vector<16xi32>
      %mul3A_340 = arith.constant 512 : i32
      %mul3A_341 = arith.muli %while3A_323, %mul3A_340 : i32
      %add3A_342 = arith.addi %mul3A_3, %mul3A_341 : i32
      %while3A_343 = arith.constant 0 : i32
      %while3A_344 = arith.constant 0 : i32
      %while3A_345 = arith.subi %select_n3A_251, %while3A_344 : i32
      %while3A_346 = arith.addi %while3A_344, %while3A_345 : i32
      %while3A_347 = arith.constant 1 : i32
      %while3A_348 = arith.divsi %while3A_345, %while3A_347 : i32
      %while3A_349 = arith.muli %while3A_348, %while3A_347 : i32
      %while3A_350 = arith.addi %while3A_344, %while3A_349 : i32
      %while3A_351 = arith.constant 1 : i32
      scf.for %while3A_358 = %while3A_344 to %while3A_350 step %while3A_351  : i32 {
        %mul3A_359 = arith.constant 16 : i32
        %mul3A_360 = arith.muli %while3A_358, %mul3A_359 : i32
        %get3A_361 = arith.index_cast %mul3A_360 : i32 to index
        %get3A_362 = tpu.vector_load %arg6[%get3A_361] {strides = array<i32>} : memref<16400xi32, #tpu.memory_space<vmem>>, vector<16xi32>,
        %mul3A_363 = arith.constant 16 : i32
        %mul3A_364 = arith.muli %while3A_358, %mul3A_363 : i32
        %get3A_365 = arith.index_cast %mul3A_364 : i32 to index
        %get3A_366 = tpu.vector_load %arg7[%get3A_365] {strides = array<i32>} : memref<16400xi32, #tpu.memory_space<vmem>>, vector<16xi32>,
        %mul3A_367 = arith.constant 16 : i32
        %mul3A_368 = arith.muli %while3A_358, %mul3A_367 : i32
        %sub3A_369 = arith.subi %scan3A_228, %mul3A_368 : i32
        %lt3A_370 = vector.broadcast %sub3A_369 : i32 to vector<16xi32>
        %lt3A_371 = arith.cmpi slt, %iota3A, %lt3A_370 : vector<16xi32>
        %ge3A = vector.broadcast %add3A_342 : i32 to vector<16xi32>
        %ge3A_372 = arith.cmpi sge, %get3A_362, %ge3A : vector<16xi32>
        %and3A_373 = arith.andi %lt3A_371, %ge3A_372 : vector<16xi1>
        %add3A_374 = arith.constant 512 : i32
        %add3A_375 = arith.addi %add3A_342, %add3A_374 : i32
        %lt3A_376 = vector.broadcast %add3A_375 : i32 to vector<16xi32>
        %lt3A_377 = arith.cmpi slt, %get3A_362, %lt3A_376 : vector<16xi32>
        %and3A_378 = arith.andi %and3A_373, %lt3A_377 : vector<16xi1>
        %all_reduce_population_count3A = tpu.all_reduce %and3A_378 {dim = 0 : i64, kind = #tpu.reduction_kind<sum>} : vector<16xi1> -> vector<16xi32>
        %slice3A = vector.extract_strided_slice %all_reduce_population_count3A {offsets = [0], sizes = [1], strides = [1]} : vector<16xi32> to vector<1xi32>
        %squeeze3A = vector.extract %slice3A[0] : i32 from vector<1xi32>
        %gt3A_379 = arith.constant 0 : i32
        %gt3A_380 = arith.cmpi sgt, %squeeze3A, %gt3A_379 : i32
        %convert_element_type3A_381 = arith.extui %gt3A_380 : i1 to i32
        %cond3A_382 = arith.constant 0 : i32
        %cond3A_383 = arith.cmpi ne, %convert_element_type3A_381, %cond3A_382 : i32
        scf.if %cond3A_383 {
          %swap3A_384 = arith.constant 0 : index
          %swap3A_385 = tpu.vector_load %arg12[%swap3A_384] masked %and3A_378 {strides = array<i32>} : memref<32xi32, #tpu.memory_space<vmem>>, vector<16xi32>, vector<16xi1>
          tpu.vector_store %arg12[%swap3A_384], %get3A_362 masked %and3A_378 {strides = array<i32>} : memref<32xi32, #tpu.memory_space<vmem>>, vector<16xi32>, vector<16xi1>
          %swap3A_386 = arith.constant 0 : index
          %swap3A_387 = tpu.vector_load %arg13[%swap3A_386] masked %and3A_378 {strides = array<i32>} : memref<32xi32, #tpu.memory_space<vmem>>, vector<16xi32>, vector<16xi1>
          tpu.vector_store %arg13[%swap3A_386], %get3A_366 masked %and3A_378 {strides = array<i32>} : memref<32xi32, #tpu.memory_space<vmem>>, vector<16xi32>, vector<16xi1>
          %while3A_388 = arith.constant 0 : i32
          %while3A_389 = arith.constant 0 : i32
          %while3A_390 = arith.subi %squeeze3A, %while3A_389 : i32
          %while3A_391 = arith.addi %while3A_389, %while3A_390 : i32
          %while3A_392 = arith.constant 1 : i32
          %while3A_393 = arith.divsi %while3A_390, %while3A_392 : i32
          %while3A_394 = arith.muli %while3A_393, %while3A_392 : i32
          %while3A_395 = arith.addi %while3A_389, %while3A_394 : i32
          %while3A_396 = arith.constant 1 : i32
          scf.for %while3A_398 = %while3A_389 to %while3A_395 step %while3A_396  : i32 {
            %get3A_399 = arith.index_cast %while3A_398 : i32 to index
            %get3A_400 = tpu.vector_load %arg12[%get3A_399] {strides = array<i32>} : memref<32xi32, #tpu.memory_space<vmem>>, vector<16xi32>,
            %slice3A_401 = vector.extract_strided_slice %get3A_400 {offsets = [0], sizes = [1], strides = [1]} : vector<16xi32> to vector<1xi32>
            %squeeze3A_402 = vector.extract %slice3A_401[0] : i32 from vector<1xi32>
            %get3A_403 = arith.index_cast %while3A_398 : i32 to index
            %get3A_404 = tpu.vector_load %arg13[%get3A_403] {strides = array<i32>} : memref<32xi32, #tpu.memory_space<vmem>>, vector<16xi32>,
            %slice3A_405 = vector.extract_strided_slice %get3A_404 {offsets = [0], sizes = [1], strides = [1]} : vector<16xi32> to vector<1xi32>
            %squeeze3A_406 = vector.extract %slice3A_405[0] : i32 from vector<1xi32>
            %sub3A_407 = arith.subi %squeeze3A_402, %add3A_342 : i32
            %get3A_408 = arith.constant 0 : i32
            %get3A_409 = arith.index_cast %get3A_408 : i32 to index
            %get3A_410 = memref.load %arg14[%get3A_409] : memref<4xi32, #tpu.memory_space<smem>>
            %and3A_411 = arith.constant 15 : i32
            %and3A_412 = arith.andi %get3A_410, %and3A_411 : i32
            %shift_right_logical3A_413 = arith.constant 4 : i32
            %shift_right_logical3A_414 = arith.shrui %get3A_410, %shift_right_logical3A_413 : i32
            %and3A_415 = arith.constant 1 : i32
            %and3A_416 = arith.andi %shift_right_logical3A_414, %and3A_415 : i32
            %eq3A_417 = arith.constant 0 : i32
            %eq3A_418 = arith.cmpi eq, %and3A_412, %eq3A_417 : i32
            %ge3A_419 = arith.constant 32 : i32
            %ge3A_420 = arith.cmpi sge, %get3A_410, %ge3A_419 : i32
            %and3A_421 = arith.andi %eq3A_418, %ge3A_420 : i1
            %convert_element_type3A_422 = arith.extui %and3A_421 : i1 to i32
            %cond3A_423 = arith.constant 0 : i32
            %cond3A_424 = arith.cmpi ne, %convert_element_type3A_422, %cond3A_423 : i32
            scf.if %cond3A_424 {
              %dma_wait3A_485 = arith.constant 0 : i32
              %dma_wait3A_486 = arith.constant 0 : i32
              %dma_wait3A_487 = arith.constant 0 : i32
              %dma_wait3A_488 = arith.constant 0 : i32
              %dma_wait3A_489 = tpu.memref_slice %arg10[%dma_wait3A_485, %dma_wait3A_487, %dma_wait3A_488] : memref<2x16x128xf32, #tpu.memory_space<vmem>> -> memref<1x16x128xf32, #tpu.memory_space<vmem>>
              %dma_wait3A_490 = tpu.memref_squeeze %dma_wait3A_489 : memref<1x16x128xf32, #tpu.memory_space<vmem>> -> memref<16x128xf32, #tpu.memory_space<vmem>>
              %dma_wait3A_491 = arith.constant 0 : i32
              %dma_wait3A_492 = tpu.memref_slice %arg11[%dma_wait3A_486, %dma_wait3A_491] : memref<2x16xi32, #tpu.memory_space<vmem>> -> memref<1x16xi32, #tpu.memory_space<vmem>>
              %dma_wait3A_493 = tpu.memref_squeeze %dma_wait3A_492 : memref<1x16xi32, #tpu.memory_space<vmem>> -> memref<16xi32, #tpu.memory_space<vmem>>
              %dma_wait3A_494 = arith.constant 0 : i32
              %dma_wait3A_495 = arith.constant 0 : i32
              %dma_wait3A_496 = tpu.memref_slice %arg4[%dma_wait3A_494, %dma_wait3A_495] : memref<16384x128xf32, #tpu.memory_space<hbm>> -> memref<16384x128xf32, #tpu.memory_space<hbm>>
              tpu.wait_indirect_dma semaphore(%arg16 : memref<!tpu.dma_semaphore, #tpu.memory_space<semaphore_mem>>) src(%dma_wait3A_490 : memref<16x128xf32, #tpu.memory_space<vmem>>) dst(%dma_wait3A_496 : memref<16384x128xf32, #tpu.memory_space<hbm>>)
              %get3A_497 = arith.constant 1 : i32
              %get3A_498 = arith.index_cast %get3A_497 : i32 to index
              %get3A_499 = memref.load %arg14[%get3A_498] : memref<4xi32, #tpu.memory_space<smem>>
              %add3A_500 = arith.constant 1 : i32
              %add3A_501 = arith.addi %get3A_499, %add3A_500 : i32
              %swap3A_502 = arith.constant 1 : i32
              %swap3A_503 = arith.index_cast %swap3A_502 : i32 to index
              %swap3A_504 = memref.load %arg14[%swap3A_503] : memref<4xi32, #tpu.memory_space<smem>>
              memref.store %add3A_501, %arg14[%swap3A_503] : memref<4xi32, #tpu.memory_space<smem>>
            } else {
            }
            %broadcast_in_dim3A_425 = vector.broadcast %sub3A_407 : i32 to vector<16xi32>
            %add3A_426 = arith.constant 0 : i32
            %add3A_427 = vector.broadcast %add3A_426 : i32 to vector<16xi32>
            %add3A_428 = arith.addi %iota3A, %add3A_427 : vector<16xi32>
            %gather3A = tpu.vector_load_idx %arg8[%broadcast_in_dim3A, %add3A_428, %broadcast_in_dim3A_425] : memref<2x64x512xf32, #tpu.memory_space<vmem>>[vector<16xi32>, vector<16xi32>, vector<16xi32>], vector<16xf32>,
            %mul3A_429 = arith.constant 8.000000e+00 : f32
            %mul3A_430 = vector.broadcast %mul3A_429 : f32 to vector<16xf32>
            %mul3A_431 = arith.mulf %gather3A, %mul3A_430 : vector<16xf32>
            %swap3A_432 = arith.index_cast %and3A_416 : i32 to index
            %swap3A_433 = arith.index_cast %and3A_412 : i32 to index
            %swap3A_434 = arith.constant 0 : index
            %swap3A_435 = tpu.vector_load %arg10[%swap3A_432, %swap3A_433, %swap3A_434] {strides = array<i32>} : memref<2x16x128xf32, #tpu.memory_space<vmem>>, vector<16xf32>,
            tpu.vector_store %arg10[%swap3A_432, %swap3A_433, %swap3A_434], %mul3A_431 {strides = array<i32>} : memref<2x16x128xf32, #tpu.memory_space<vmem>>, vector<16xf32>,
            %add3A_436 = arith.constant 16 : i32
            %add3A_437 = vector.broadcast %add3A_436 : i32 to vector<16xi32>
            %add3A_438 = arith.addi %iota3A, %add3A_437 : vector<16xi32>
            %gather3A_439 = tpu.vector_load_idx %arg8[%broadcast_in_dim3A, %add3A_438, %broadcast_in_dim3A_425] : memref<2x64x512xf32, #tpu.memory_space<vmem>>[vector<16xi32>, vector<16xi32>, vector<16xi32>], vector<16xf32>,
            %mul3A_440 = arith.constant 8.000000e+00 : f32
            %mul3A_441 = vector.broadcast %mul3A_440 : f32 to vector<16xf32>
            %mul3A_442 = arith.mulf %gather3A_439, %mul3A_441 : vector<16xf32>
            %swap3A_443 = arith.index_cast %and3A_416 : i32 to index
            %swap3A_444 = arith.index_cast %and3A_412 : i32 to index
            %swap3A_445 = arith.constant 16 : index
            %swap3A_446 = tpu.vector_load %arg10[%swap3A_443, %swap3A_444, %swap3A_445] {strides = array<i32>} : memref<2x16x128xf32, #tpu.memory_space<vmem>>, vector<16xf32>,
            tpu.vector_store %arg10[%swap3A_443, %swap3A_444, %swap3A_445], %mul3A_442 {strides = array<i32>} : memref<2x16x128xf32, #tpu.memory_space<vmem>>, vector<16xf32>,
            %add3A_447 = arith.constant 32 : i32
            %add3A_448 = vector.broadcast %add3A_447 : i32 to vector<16xi32>
            %add3A_449 = arith.addi %iota3A, %add3A_448 : vector<16xi32>
            %gather3A_450 = tpu.vector_load_idx %arg8[%broadcast_in_dim3A, %add3A_449, %broadcast_in_dim3A_425] : memref<2x64x512xf32, #tpu.memory_space<vmem>>[vector<16xi32>, vector<16xi32>, vector<16xi32>], vector<16xf32>,
            %mul3A_451 = arith.constant 8.000000e+00 : f32
            %mul3A_452 = vector.broadcast %mul3A_451 : f32 to vector<16xf32>
            %mul3A_453 = arith.mulf %gather3A_450, %mul3A_452 : vector<16xf32>
            %swap3A_454 = arith.index_cast %and3A_416 : i32 to index
            %swap3A_455 = arith.index_cast %and3A_412 : i32 to index
            %swap3A_456 = arith.constant 32 : index
            %swap3A_457 = tpu.vector_load %arg10[%swap3A_454, %swap3A_455, %swap3A_456] {strides = array<i32>} : memref<2x16x128xf32, #tpu.memory_space<vmem>>, vector<16xf32>,
            tpu.vector_store %arg10[%swap3A_454, %swap3A_455, %swap3A_456], %mul3A_453 {strides = array<i32>} : memref<2x16x128xf32, #tpu.memory_space<vmem>>, vector<16xf32>,
            %add3A_458 = arith.constant 48 : i32
            %add3A_459 = vector.broadcast %add3A_458 : i32 to vector<16xi32>
            %add3A_460 = arith.addi %iota3A, %add3A_459 : vector<16xi32>
            %gather3A_461 = tpu.vector_load_idx %arg8[%broadcast_in_dim3A, %add3A_460, %broadcast_in_dim3A_425] : memref<2x64x512xf32, #tpu.memory_space<vmem>>[vector<16xi32>, vector<16xi32>, vector<16xi32>], vector<16xf32>,
            %mul3A_462 = arith.constant 8.000000e+00 : f32
            %mul3A_463 = vector.broadcast %mul3A_462 : f32 to vector<16xf32>
            %mul3A_464 = arith.mulf %gather3A_461, %mul3A_463 : vector<16xf32>
            %swap3A_465 = arith.index_cast %and3A_416 : i32 to index
            %swap3A_466 = arith.index_cast %and3A_412 : i32 to index
            %swap3A_467 = arith.constant 48 : index
            %swap3A_468 = tpu.vector_load %arg10[%swap3A_465, %swap3A_466, %swap3A_467] {strides = array<i32>} : memref<2x16x128xf32, #tpu.memory_space<vmem>>, vector<16xf32>,
            tpu.vector_store %arg10[%swap3A_465, %swap3A_466, %swap3A_467], %mul3A_464 {strides = array<i32>} : memref<2x16x128xf32, #tpu.memory_space<vmem>>, vector<16xf32>,
            %broadcast_in_dim3A_469 = vector.broadcast %and3A_416 : i32 to vector<16xi32>
            %broadcast_in_dim3A_470 = vector.broadcast %and3A_412 : i32 to vector<16xi32>
            %broadcast_in_dim3A_471 = vector.broadcast %squeeze3A_406 : i32 to vector<16xi32>
            tpu.vector_store_idx %arg11[%broadcast_in_dim3A_469, %broadcast_in_dim3A_470], %broadcast_in_dim3A_471 masked %eq3A_254 : memref<2x16xi32, #tpu.memory_space<vmem>>[vector<16xi32>, vector<16xi32>], vector<16xi32>, vector<16xi1>
            %swap3A_472 = arith.constant 2 : i32
            %swap3A_473 = arith.index_cast %swap3A_472 : i32 to index
            %swap3A_474 = memref.load %arg14[%swap3A_473] : memref<4xi32, #tpu.memory_space<smem>>
            memref.store %squeeze3A_406, %arg14[%swap3A_473] : memref<4xi32, #tpu.memory_space<smem>>
            %eq3A_475 = arith.constant 15 : i32
            %eq3A_476 = arith.cmpi eq, %and3A_412, %eq3A_475 : i32
            %convert_element_type3A_477 = arith.extui %eq3A_476 : i1 to i32
            %cond3A_478 = arith.constant 0 : i32
            %cond3A_479 = arith.cmpi ne, %convert_element_type3A_477, %cond3A_478 : i32
            scf.if %cond3A_479 {
              %dma_start3A_485 = arith.constant 0 : i32
              %dma_start3A_486 = arith.constant 0 : i32
              %dma_start3A_487 = tpu.memref_slice %arg10[%and3A_416, %dma_start3A_485, %dma_start3A_486] : memref<2x16x128xf32, #tpu.memory_space<vmem>> -> memref<1x16x128xf32, #tpu.memory_space<vmem>>
              %dma_start3A_488 = tpu.memref_squeeze %dma_start3A_487 : memref<1x16x128xf32, #tpu.memory_space<vmem>> -> memref<16x128xf32, #tpu.memory_space<vmem>>
              %dma_start3A_489 = arith.constant 0 : i32
              %dma_start3A_490 = tpu.memref_slice %arg11[%and3A_416, %dma_start3A_489] : memref<2x16xi32, #tpu.memory_space<vmem>> -> memref<1x16xi32, #tpu.memory_space<vmem>>
              %dma_start3A_491 = tpu.memref_squeeze %dma_start3A_490 : memref<1x16xi32, #tpu.memory_space<vmem>> -> memref<16xi32, #tpu.memory_space<vmem>>
              %dma_start3A_492 = arith.constant 0 : i32
              %dma_start3A_493 = arith.constant 0 : i32
              %dma_start3A_494 = tpu.memref_slice %arg4[%dma_start3A_492, %dma_start3A_493] : memref<16384x128xf32, #tpu.memory_space<hbm>> -> memref<16384x128xf32, #tpu.memory_space<hbm>>
              tpu.enqueue_indirect_dma source(%dma_start3A_488 : memref<16x128xf32, #tpu.memory_space<vmem>>) target(%dma_start3A_494 : memref<16384x128xf32, #tpu.memory_space<hbm>>) offsets(%dma_start3A_491 : memref<16xi32, #tpu.memory_space<vmem>>) semaphore(%arg16 : memref<!tpu.dma_semaphore, #tpu.memory_space<semaphore_mem>>)
            } else {
            }
            %add3A_480 = arith.constant 1 : i32
            %add3A_481 = arith.addi %get3A_410, %add3A_480 : i32
            %swap3A_482 = arith.constant 0 : i32
            %swap3A_483 = arith.index_cast %swap3A_482 : i32 to index
            %swap3A_484 = memref.load %arg14[%swap3A_483] : memref<4xi32, #tpu.memory_space<smem>>
            memref.store %add3A_481, %arg14[%swap3A_483] : memref<4xi32, #tpu.memory_space<smem>>
          }
          %while3A_397 = arith.constant 1 : i32
          scf.for %while3A_398 = %while3A_395 to %while3A_391 step %while3A_397  : i32 {
            %get3A_399 = arith.index_cast %while3A_398 : i32 to index
            %get3A_400 = tpu.vector_load %arg12[%get3A_399] {strides = array<i32>} : memref<32xi32, #tpu.memory_space<vmem>>, vector<16xi32>,
            %slice3A_401 = vector.extract_strided_slice %get3A_400 {offsets = [0], sizes = [1], strides = [1]} : vector<16xi32> to vector<1xi32>
            %squeeze3A_402 = vector.extract %slice3A_401[0] : i32 from vector<1xi32>
            %get3A_403 = arith.index_cast %while3A_398 : i32 to index
            %get3A_404 = tpu.vector_load %arg13[%get3A_403] {strides = array<i32>} : memref<32xi32, #tpu.memory_space<vmem>>, vector<16xi32>,
            %slice3A_405 = vector.extract_strided_slice %get3A_404 {offsets = [0], sizes = [1], strides = [1]} : vector<16xi32> to vector<1xi32>
            %squeeze3A_406 = vector.extract %slice3A_405[0] : i32 from vector<1xi32>
            %sub3A_407 = arith.subi %squeeze3A_402, %add3A_342 : i32
            %get3A_408 = arith.constant 0 : i32
            %get3A_409 = arith.index_cast %get3A_408 : i32 to index
            %get3A_410 = memref.load %arg14[%get3A_409] : memref<4xi32, #tpu.memory_space<smem>>
            %and3A_411 = arith.constant 15 : i32
            %and3A_412 = arith.andi %get3A_410, %and3A_411 : i32
            %shift_right_logical3A_413 = arith.constant 4 : i32
            %shift_right_logical3A_414 = arith.shrui %get3A_410, %shift_right_logical3A_413 : i32
            %and3A_415 = arith.constant 1 : i32
            %and3A_416 = arith.andi %shift_right_logical3A_414, %and3A_415 : i32
            %eq3A_417 = arith.constant 0 : i32
            %eq3A_418 = arith.cmpi eq, %and3A_412, %eq3A_417 : i32
            %ge3A_419 = arith.constant 32 : i32
            %ge3A_420 = arith.cmpi sge, %get3A_410, %ge3A_419 : i32
            %and3A_421 = arith.andi %eq3A_418, %ge3A_420 : i1
            %convert_element_type3A_422 = arith.extui %and3A_421 : i1 to i32
            %cond3A_423 = arith.constant 0 : i32
            %cond3A_424 = arith.cmpi ne, %convert_element_type3A_422, %cond3A_423 : i32
            scf.if %cond3A_424 {
              %dma_wait3A_485 = arith.constant 0 : i32
              %dma_wait3A_486 = arith.constant 0 : i32
              %dma_wait3A_487 = arith.constant 0 : i32
              %dma_wait3A_488 = arith.constant 0 : i32
              %dma_wait3A_489 = tpu.memref_slice %arg10[%dma_wait3A_485, %dma_wait3A_487, %dma_wait3A_488] : memref<2x16x128xf32, #tpu.memory_space<vmem>> -> memref<1x16x128xf32, #tpu.memory_space<vmem>>
              %dma_wait3A_490 = tpu.memref_squeeze %dma_wait3A_489 : memref<1x16x128xf32, #tpu.memory_space<vmem>> -> memref<16x128xf32, #tpu.memory_space<vmem>>
              %dma_wait3A_491 = arith.constant 0 : i32
              %dma_wait3A_492 = tpu.memref_slice %arg11[%dma_wait3A_486, %dma_wait3A_491] : memref<2x16xi32, #tpu.memory_space<vmem>> -> memref<1x16xi32, #tpu.memory_space<vmem>>
              %dma_wait3A_493 = tpu.memref_squeeze %dma_wait3A_492 : memref<1x16xi32, #tpu.memory_space<vmem>> -> memref<16xi32, #tpu.memory_space<vmem>>
              %dma_wait3A_494 = arith.constant 0 : i32
              %dma_wait3A_495 = arith.constant 0 : i32
              %dma_wait3A_496 = tpu.memref_slice %arg4[%dma_wait3A_494, %dma_wait3A_495] : memref<16384x128xf32, #tpu.memory_space<hbm>> -> memref<16384x128xf32, #tpu.memory_space<hbm>>
              tpu.wait_indirect_dma semaphore(%arg16 : memref<!tpu.dma_semaphore, #tpu.memory_space<semaphore_mem>>) src(%dma_wait3A_490 : memref<16x128xf32, #tpu.memory_space<vmem>>) dst(%dma_wait3A_496 : memref<16384x128xf32, #tpu.memory_space<hbm>>)
              %get3A_497 = arith.constant 1 : i32
              %get3A_498 = arith.index_cast %get3A_497 : i32 to index
              %get3A_499 = memref.load %arg14[%get3A_498] : memref<4xi32, #tpu.memory_space<smem>>
              %add3A_500 = arith.constant 1 : i32
              %add3A_501 = arith.addi %get3A_499, %add3A_500 : i32
              %swap3A_502 = arith.constant 1 : i32
              %swap3A_503 = arith.index_cast %swap3A_502 : i32 to index
              %swap3A_504 = memref.load %arg14[%swap3A_503] : memref<4xi32, #tpu.memory_space<smem>>
              memref.store %add3A_501, %arg14[%swap3A_503] : memref<4xi32, #tpu.memory_space<smem>>
            } else {
            }
            %broadcast_in_dim3A_425 = vector.broadcast %sub3A_407 : i32 to vector<16xi32>
            %add3A_426 = arith.constant 0 : i32
            %add3A_427 = vector.broadcast %add3A_426 : i32 to vector<16xi32>
            %add3A_428 = arith.addi %iota3A, %add3A_427 : vector<16xi32>
            %gather3A = tpu.vector_load_idx %arg8[%broadcast_in_dim3A, %add3A_428, %broadcast_in_dim3A_425] : memref<2x64x512xf32, #tpu.memory_space<vmem>>[vector<16xi32>, vector<16xi32>, vector<16xi32>], vector<16xf32>,
            %mul3A_429 = arith.constant 8.000000e+00 : f32
            %mul3A_430 = vector.broadcast %mul3A_429 : f32 to vector<16xf32>
            %mul3A_431 = arith.mulf %gather3A, %mul3A_430 : vector<16xf32>
            %swap3A_432 = arith.index_cast %and3A_416 : i32 to index
            %swap3A_433 = arith.index_cast %and3A_412 : i32 to index
            %swap3A_434 = arith.constant 0 : index
            %swap3A_435 = tpu.vector_load %arg10[%swap3A_432, %swap3A_433, %swap3A_434] {strides = array<i32>} : memref<2x16x128xf32, #tpu.memory_space<vmem>>, vector<16xf32>,
            tpu.vector_store %arg10[%swap3A_432, %swap3A_433, %swap3A_434], %mul3A_431 {strides = array<i32>} : memref<2x16x128xf32, #tpu.memory_space<vmem>>, vector<16xf32>,
            %add3A_436 = arith.constant 16 : i32
            %add3A_437 = vector.broadcast %add3A_436 : i32 to vector<16xi32>
            %add3A_438 = arith.addi %iota3A, %add3A_437 : vector<16xi32>
            %gather3A_439 = tpu.vector_load_idx %arg8[%broadcast_in_dim3A, %add3A_438, %broadcast_in_dim3A_425] : memref<2x64x512xf32, #tpu.memory_space<vmem>>[vector<16xi32>, vector<16xi32>, vector<16xi32>], vector<16xf32>,
            %mul3A_440 = arith.constant 8.000000e+00 : f32
            %mul3A_441 = vector.broadcast %mul3A_440 : f32 to vector<16xf32>
            %mul3A_442 = arith.mulf %gather3A_439, %mul3A_441 : vector<16xf32>
            %swap3A_443 = arith.index_cast %and3A_416 : i32 to index
            %swap3A_444 = arith.index_cast %and3A_412 : i32 to index
            %swap3A_445 = arith.constant 16 : index
            %swap3A_446 = tpu.vector_load %arg10[%swap3A_443, %swap3A_444, %swap3A_445] {strides = array<i32>} : memref<2x16x128xf32, #tpu.memory_space<vmem>>, vector<16xf32>,
            tpu.vector_store %arg10[%swap3A_443, %swap3A_444, %swap3A_445], %mul3A_442 {strides = array<i32>} : memref<2x16x128xf32, #tpu.memory_space<vmem>>, vector<16xf32>,
            %add3A_447 = arith.constant 32 : i32
            %add3A_448 = vector.broadcast %add3A_447 : i32 to vector<16xi32>
            %add3A_449 = arith.addi %iota3A, %add3A_448 : vector<16xi32>
            %gather3A_450 = tpu.vector_load_idx %arg8[%broadcast_in_dim3A, %add3A_449, %broadcast_in_dim3A_425] : memref<2x64x512xf32, #tpu.memory_space<vmem>>[vector<16xi32>, vector<16xi32>, vector<16xi32>], vector<16xf32>,
            %mul3A_451 = arith.constant 8.000000e+00 : f32
            %mul3A_452 = vector.broadcast %mul3A_451 : f32 to vector<16xf32>
            %mul3A_453 = arith.mulf %gather3A_450, %mul3A_452 : vector<16xf32>
            %swap3A_454 = arith.index_cast %and3A_416 : i32 to index
            %swap3A_455 = arith.index_cast %and3A_412 : i32 to index
            %swap3A_456 = arith.constant 32 : index
            %swap3A_457 = tpu.vector_load %arg10[%swap3A_454, %swap3A_455, %swap3A_456] {strides = array<i32>} : memref<2x16x128xf32, #tpu.memory_space<vmem>>, vector<16xf32>,
            tpu.vector_store %arg10[%swap3A_454, %swap3A_455, %swap3A_456], %mul3A_453 {strides = array<i32>} : memref<2x16x128xf32, #tpu.memory_space<vmem>>, vector<16xf32>,
            %add3A_458 = arith.constant 48 : i32
            %add3A_459 = vector.broadcast %add3A_458 : i32 to vector<16xi32>
            %add3A_460 = arith.addi %iota3A, %add3A_459 : vector<16xi32>
            %gather3A_461 = tpu.vector_load_idx %arg8[%broadcast_in_dim3A, %add3A_460, %broadcast_in_dim3A_425] : memref<2x64x512xf32, #tpu.memory_space<vmem>>[vector<16xi32>, vector<16xi32>, vector<16xi32>], vector<16xf32>,
            %mul3A_462 = arith.constant 8.000000e+00 : f32
            %mul3A_463 = vector.broadcast %mul3A_462 : f32 to vector<16xf32>
            %mul3A_464 = arith.mulf %gather3A_461, %mul3A_463 : vector<16xf32>
            %swap3A_465 = arith.index_cast %and3A_416 : i32 to index
            %swap3A_466 = arith.index_cast %and3A_412 : i32 to index
            %swap3A_467 = arith.constant 48 : index
            %swap3A_468 = tpu.vector_load %arg10[%swap3A_465, %swap3A_466, %swap3A_467] {strides = array<i32>} : memref<2x16x128xf32, #tpu.memory_space<vmem>>, vector<16xf32>,
            tpu.vector_store %arg10[%swap3A_465, %swap3A_466, %swap3A_467], %mul3A_464 {strides = array<i32>} : memref<2x16x128xf32, #tpu.memory_space<vmem>>, vector<16xf32>,
            %broadcast_in_dim3A_469 = vector.broadcast %and3A_416 : i32 to vector<16xi32>
            %broadcast_in_dim3A_470 = vector.broadcast %and3A_412 : i32 to vector<16xi32>
            %broadcast_in_dim3A_471 = vector.broadcast %squeeze3A_406 : i32 to vector<16xi32>
            tpu.vector_store_idx %arg11[%broadcast_in_dim3A_469, %broadcast_in_dim3A_470], %broadcast_in_dim3A_471 masked %eq3A_254 : memref<2x16xi32, #tpu.memory_space<vmem>>[vector<16xi32>, vector<16xi32>], vector<16xi32>, vector<16xi1>
            %swap3A_472 = arith.constant 2 : i32
            %swap3A_473 = arith.index_cast %swap3A_472 : i32 to index
            %swap3A_474 = memref.load %arg14[%swap3A_473] : memref<4xi32, #tpu.memory_space<smem>>
            memref.store %squeeze3A_406, %arg14[%swap3A_473] : memref<4xi32, #tpu.memory_space<smem>>
            %eq3A_475 = arith.constant 15 : i32
            %eq3A_476 = arith.cmpi eq, %and3A_412, %eq3A_475 : i32
            %convert_element_type3A_477 = arith.extui %eq3A_476 : i1 to i32
            %cond3A_478 = arith.constant 0 : i32
            %cond3A_479 = arith.cmpi ne, %convert_element_type3A_477, %cond3A_478 : i32
            scf.if %cond3A_479 {
              %dma_start3A_485 = arith.constant 0 : i32
              %dma_start3A_486 = arith.constant 0 : i32
              %dma_start3A_487 = tpu.memref_slice %arg10[%and3A_416, %dma_start3A_485, %dma_start3A_486] : memref<2x16x128xf32, #tpu.memory_space<vmem>> -> memref<1x16x128xf32, #tpu.memory_space<vmem>>
              %dma_start3A_488 = tpu.memref_squeeze %dma_start3A_487 : memref<1x16x128xf32, #tpu.memory_space<vmem>> -> memref<16x128xf32, #tpu.memory_space<vmem>>
              %dma_start3A_489 = arith.constant 0 : i32
              %dma_start3A_490 = tpu.memref_slice %arg11[%and3A_416, %dma_start3A_489] : memref<2x16xi32, #tpu.memory_space<vmem>> -> memref<1x16xi32, #tpu.memory_space<vmem>>
              %dma_start3A_491 = tpu.memref_squeeze %dma_start3A_490 : memref<1x16xi32, #tpu.memory_space<vmem>> -> memref<16xi32, #tpu.memory_space<vmem>>
              %dma_start3A_492 = arith.constant 0 : i32
              %dma_start3A_493 = arith.constant 0 : i32
              %dma_start3A_494 = tpu.memref_slice %arg4[%dma_start3A_492, %dma_start3A_493] : memref<16384x128xf32, #tpu.memory_space<hbm>> -> memref<16384x128xf32, #tpu.memory_space<hbm>>
              tpu.enqueue_indirect_dma source(%dma_start3A_488 : memref<16x128xf32, #tpu.memory_space<vmem>>) target(%dma_start3A_494 : memref<16384x128xf32, #tpu.memory_space<hbm>>) offsets(%dma_start3A_491 : memref<16xi32, #tpu.memory_space<vmem>>) semaphore(%arg16 : memref<!tpu.dma_semaphore, #tpu.memory_space<semaphore_mem>>)
            } else {
            }
            %add3A_480 = arith.constant 1 : i32
            %add3A_481 = arith.addi %get3A_410, %add3A_480 : i32
            %swap3A_482 = arith.constant 0 : i32
            %swap3A_483 = arith.index_cast %swap3A_482 : i32 to index
            %swap3A_484 = memref.load %arg14[%swap3A_483] : memref<4xi32, #tpu.memory_space<smem>>
            memref.store %add3A_481, %arg14[%swap3A_483] : memref<4xi32, #tpu.memory_space<smem>>
          }
        } else {
        }
      }
      %while3A_352 = arith.constant 1 : i32
      scf.for %while3A_358 = %while3A_350 to %while3A_346 step %while3A_352  : i32 {
        %mul3A_359 = arith.constant 16 : i32
        %mul3A_360 = arith.muli %while3A_358, %mul3A_359 : i32
        %get3A_361 = arith.index_cast %mul3A_360 : i32 to index
        %get3A_362 = tpu.vector_load %arg6[%get3A_361] {strides = array<i32>} : memref<16400xi32, #tpu.memory_space<vmem>>, vector<16xi32>,
        %mul3A_363 = arith.constant 16 : i32
        %mul3A_364 = arith.muli %while3A_358, %mul3A_363 : i32
        %get3A_365 = arith.index_cast %mul3A_364 : i32 to index
        %get3A_366 = tpu.vector_load %arg7[%get3A_365] {strides = array<i32>} : memref<16400xi32, #tpu.memory_space<vmem>>, vector<16xi32>,
        %mul3A_367 = arith.constant 16 : i32
        %mul3A_368 = arith.muli %while3A_358, %mul3A_367 : i32
        %sub3A_369 = arith.subi %scan3A_228, %mul3A_368 : i32
        %lt3A_370 = vector.broadcast %sub3A_369 : i32 to vector<16xi32>
        %lt3A_371 = arith.cmpi slt, %iota3A, %lt3A_370 : vector<16xi32>
        %ge3A = vector.broadcast %add3A_342 : i32 to vector<16xi32>
        %ge3A_372 = arith.cmpi sge, %get3A_362, %ge3A : vector<16xi32>
        %and3A_373 = arith.andi %lt3A_371, %ge3A_372 : vector<16xi1>
        %add3A_374 = arith.constant 512 : i32
        %add3A_375 = arith.addi %add3A_342, %add3A_374 : i32
        %lt3A_376 = vector.broadcast %add3A_375 : i32 to vector<16xi32>
        %lt3A_377 = arith.cmpi slt, %get3A_362, %lt3A_376 : vector<16xi32>
        %and3A_378 = arith.andi %and3A_373, %lt3A_377 : vector<16xi1>
        %all_reduce_population_count3A = tpu.all_reduce %and3A_378 {dim = 0 : i64, kind = #tpu.reduction_kind<sum>} : vector<16xi1> -> vector<16xi32>
        %slice3A = vector.extract_strided_slice %all_reduce_population_count3A {offsets = [0], sizes = [1], strides = [1]} : vector<16xi32> to vector<1xi32>
        %squeeze3A = vector.extract %slice3A[0] : i32 from vector<1xi32>
        %gt3A_379 = arith.constant 0 : i32
        %gt3A_380 = arith.cmpi sgt, %squeeze3A, %gt3A_379 : i32
        %convert_element_type3A_381 = arith.extui %gt3A_380 : i1 to i32
        %cond3A_382 = arith.constant 0 : i32
        %cond3A_383 = arith.cmpi ne, %convert_element_type3A_381, %cond3A_382 : i32
        scf.if %cond3A_383 {
          %swap3A_384 = arith.constant 0 : index
          %swap3A_385 = tpu.vector_load %arg12[%swap3A_384] masked %and3A_378 {strides = array<i32>} : memref<32xi32, #tpu.memory_space<vmem>>, vector<16xi32>, vector<16xi1>
          tpu.vector_store %arg12[%swap3A_384], %get3A_362 masked %and3A_378 {strides = array<i32>} : memref<32xi32, #tpu.memory_space<vmem>>, vector<16xi32>, vector<16xi1>
          %swap3A_386 = arith.constant 0 : index
          %swap3A_387 = tpu.vector_load %arg13[%swap3A_386] masked %and3A_378 {strides = array<i32>} : memref<32xi32, #tpu.memory_space<vmem>>, vector<16xi32>, vector<16xi1>
          tpu.vector_store %arg13[%swap3A_386], %get3A_366 masked %and3A_378 {strides = array<i32>} : memref<32xi32, #tpu.memory_space<vmem>>, vector<16xi32>, vector<16xi1>
          %while3A_388 = arith.constant 0 : i32
          %while3A_389 = arith.constant 0 : i32
          %while3A_390 = arith.subi %squeeze3A, %while3A_389 : i32
          %while3A_391 = arith.addi %while3A_389, %while3A_390 : i32
          %while3A_392 = arith.constant 1 : i32
          %while3A_393 = arith.divsi %while3A_390, %while3A_392 : i32
          %while3A_394 = arith.muli %while3A_393, %while3A_392 : i32
          %while3A_395 = arith.addi %while3A_389, %while3A_394 : i32
          %while3A_396 = arith.constant 1 : i32
          scf.for %while3A_398 = %while3A_389 to %while3A_395 step %while3A_396  : i32 {
            %get3A_399 = arith.index_cast %while3A_398 : i32 to index
            %get3A_400 = tpu.vector_load %arg12[%get3A_399] {strides = array<i32>} : memref<32xi32, #tpu.memory_space<vmem>>, vector<16xi32>,
            %slice3A_401 = vector.extract_strided_slice %get3A_400 {offsets = [0], sizes = [1], strides = [1]} : vector<16xi32> to vector<1xi32>
            %squeeze3A_402 = vector.extract %slice3A_401[0] : i32 from vector<1xi32>
            %get3A_403 = arith.index_cast %while3A_398 : i32 to index
            %get3A_404 = tpu.vector_load %arg13[%get3A_403] {strides = array<i32>} : memref<32xi32, #tpu.memory_space<vmem>>, vector<16xi32>,
            %slice3A_405 = vector.extract_strided_slice %get3A_404 {offsets = [0], sizes = [1], strides = [1]} : vector<16xi32> to vector<1xi32>
            %squeeze3A_406 = vector.extract %slice3A_405[0] : i32 from vector<1xi32>
            %sub3A_407 = arith.subi %squeeze3A_402, %add3A_342 : i32
            %get3A_408 = arith.constant 0 : i32
            %get3A_409 = arith.index_cast %get3A_408 : i32 to index
            %get3A_410 = memref.load %arg14[%get3A_409] : memref<4xi32, #tpu.memory_space<smem>>
            %and3A_411 = arith.constant 15 : i32
            %and3A_412 = arith.andi %get3A_410, %and3A_411 : i32
            %shift_right_logical3A_413 = arith.constant 4 : i32
            %shift_right_logical3A_414 = arith.shrui %get3A_410, %shift_right_logical3A_413 : i32
            %and3A_415 = arith.constant 1 : i32
            %and3A_416 = arith.andi %shift_right_logical3A_414, %and3A_415 : i32
            %eq3A_417 = arith.constant 0 : i32
            %eq3A_418 = arith.cmpi eq, %and3A_412, %eq3A_417 : i32
            %ge3A_419 = arith.constant 32 : i32
            %ge3A_420 = arith.cmpi sge, %get3A_410, %ge3A_419 : i32
            %and3A_421 = arith.andi %eq3A_418, %ge3A_420 : i1
            %convert_element_type3A_422 = arith.extui %and3A_421 : i1 to i32
            %cond3A_423 = arith.constant 0 : i32
            %cond3A_424 = arith.cmpi ne, %convert_element_type3A_422, %cond3A_423 : i32
            scf.if %cond3A_424 {
              %dma_wait3A_485 = arith.constant 0 : i32
              %dma_wait3A_486 = arith.constant 0 : i32
              %dma_wait3A_487 = arith.constant 0 : i32
              %dma_wait3A_488 = arith.constant 0 : i32
              %dma_wait3A_489 = tpu.memref_slice %arg10[%dma_wait3A_485, %dma_wait3A_487, %dma_wait3A_488] : memref<2x16x128xf32, #tpu.memory_space<vmem>> -> memref<1x16x128xf32, #tpu.memory_space<vmem>>
              %dma_wait3A_490 = tpu.memref_squeeze %dma_wait3A_489 : memref<1x16x128xf32, #tpu.memory_space<vmem>> -> memref<16x128xf32, #tpu.memory_space<vmem>>
              %dma_wait3A_491 = arith.constant 0 : i32
              %dma_wait3A_492 = tpu.memref_slice %arg11[%dma_wait3A_486, %dma_wait3A_491] : memref<2x16xi32, #tpu.memory_space<vmem>> -> memref<1x16xi32, #tpu.memory_space<vmem>>
              %dma_wait3A_493 = tpu.memref_squeeze %dma_wait3A_492 : memref<1x16xi32, #tpu.memory_space<vmem>> -> memref<16xi32, #tpu.memory_space<vmem>>
              %dma_wait3A_494 = arith.constant 0 : i32
              %dma_wait3A_495 = arith.constant 0 : i32
              %dma_wait3A_496 = tpu.memref_slice %arg4[%dma_wait3A_494, %dma_wait3A_495] : memref<16384x128xf32, #tpu.memory_space<hbm>> -> memref<16384x128xf32, #tpu.memory_space<hbm>>
              tpu.wait_indirect_dma semaphore(%arg16 : memref<!tpu.dma_semaphore, #tpu.memory_space<semaphore_mem>>) src(%dma_wait3A_490 : memref<16x128xf32, #tpu.memory_space<vmem>>) dst(%dma_wait3A_496 : memref<16384x128xf32, #tpu.memory_space<hbm>>)
              %get3A_497 = arith.constant 1 : i32
              %get3A_498 = arith.index_cast %get3A_497 : i32 to index
              %get3A_499 = memref.load %arg14[%get3A_498] : memref<4xi32, #tpu.memory_space<smem>>
              %add3A_500 = arith.constant 1 : i32
              %add3A_501 = arith.addi %get3A_499, %add3A_500 : i32
              %swap3A_502 = arith.constant 1 : i32
              %swap3A_503 = arith.index_cast %swap3A_502 : i32 to index
              %swap3A_504 = memref.load %arg14[%swap3A_503] : memref<4xi32, #tpu.memory_space<smem>>
              memref.store %add3A_501, %arg14[%swap3A_503] : memref<4xi32, #tpu.memory_space<smem>>
            } else {
            }
            %broadcast_in_dim3A_425 = vector.broadcast %sub3A_407 : i32 to vector<16xi32>
            %add3A_426 = arith.constant 0 : i32
            %add3A_427 = vector.broadcast %add3A_426 : i32 to vector<16xi32>
            %add3A_428 = arith.addi %iota3A, %add3A_427 : vector<16xi32>
            %gather3A = tpu.vector_load_idx %arg8[%broadcast_in_dim3A, %add3A_428, %broadcast_in_dim3A_425] : memref<2x64x512xf32, #tpu.memory_space<vmem>>[vector<16xi32>, vector<16xi32>, vector<16xi32>], vector<16xf32>,
            %mul3A_429 = arith.constant 8.000000e+00 : f32
            %mul3A_430 = vector.broadcast %mul3A_429 : f32 to vector<16xf32>
            %mul3A_431 = arith.mulf %gather3A, %mul3A_430 : vector<16xf32>
            %swap3A_432 = arith.index_cast %and3A_416 : i32 to index
            %swap3A_433 = arith.index_cast %and3A_412 : i32 to index
            %swap3A_434 = arith.constant 0 : index
            %swap3A_435 = tpu.vector_load %arg10[%swap3A_432, %swap3A_433, %swap3A_434] {strides = array<i32>} : memref<2x16x128xf32, #tpu.memory_space<vmem>>, vector<16xf32>,
            tpu.vector_store %arg10[%swap3A_432, %swap3A_433, %swap3A_434], %mul3A_431 {strides = array<i32>} : memref<2x16x128xf32, #tpu.memory_space<vmem>>, vector<16xf32>,
            %add3A_436 = arith.constant 16 : i32
            %add3A_437 = vector.broadcast %add3A_436 : i32 to vector<16xi32>
            %add3A_438 = arith.addi %iota3A, %add3A_437 : vector<16xi32>
            %gather3A_439 = tpu.vector_load_idx %arg8[%broadcast_in_dim3A, %add3A_438, %broadcast_in_dim3A_425] : memref<2x64x512xf32, #tpu.memory_space<vmem>>[vector<16xi32>, vector<16xi32>, vector<16xi32>], vector<16xf32>,
            %mul3A_440 = arith.constant 8.000000e+00 : f32
            %mul3A_441 = vector.broadcast %mul3A_440 : f32 to vector<16xf32>
            %mul3A_442 = arith.mulf %gather3A_439, %mul3A_441 : vector<16xf32>
            %swap3A_443 = arith.index_cast %and3A_416 : i32 to index
            %swap3A_444 = arith.index_cast %and3A_412 : i32 to index
            %swap3A_445 = arith.constant 16 : index
            %swap3A_446 = tpu.vector_load %arg10[%swap3A_443, %swap3A_444, %swap3A_445] {strides = array<i32>} : memref<2x16x128xf32, #tpu.memory_space<vmem>>, vector<16xf32>,
            tpu.vector_store %arg10[%swap3A_443, %swap3A_444, %swap3A_445], %mul3A_442 {strides = array<i32>} : memref<2x16x128xf32, #tpu.memory_space<vmem>>, vector<16xf32>,
            %add3A_447 = arith.constant 32 : i32
            %add3A_448 = vector.broadcast %add3A_447 : i32 to vector<16xi32>
            %add3A_449 = arith.addi %iota3A, %add3A_448 : vector<16xi32>
            %gather3A_450 = tpu.vector_load_idx %arg8[%broadcast_in_dim3A, %add3A_449, %broadcast_in_dim3A_425] : memref<2x64x512xf32, #tpu.memory_space<vmem>>[vector<16xi32>, vector<16xi32>, vector<16xi32>], vector<16xf32>,
            %mul3A_451 = arith.constant 8.000000e+00 : f32
            %mul3A_452 = vector.broadcast %mul3A_451 : f32 to vector<16xf32>
            %mul3A_453 = arith.mulf %gather3A_450, %mul3A_452 : vector<16xf32>
            %swap3A_454 = arith.index_cast %and3A_416 : i32 to index
            %swap3A_455 = arith.index_cast %and3A_412 : i32 to index
            %swap3A_456 = arith.constant 32 : index
            %swap3A_457 = tpu.vector_load %arg10[%swap3A_454, %swap3A_455, %swap3A_456] {strides = array<i32>} : memref<2x16x128xf32, #tpu.memory_space<vmem>>, vector<16xf32>,
            tpu.vector_store %arg10[%swap3A_454, %swap3A_455, %swap3A_456], %mul3A_453 {strides = array<i32>} : memref<2x16x128xf32, #tpu.memory_space<vmem>>, vector<16xf32>,
            %add3A_458 = arith.constant 48 : i32
            %add3A_459 = vector.broadcast %add3A_458 : i32 to vector<16xi32>
            %add3A_460 = arith.addi %iota3A, %add3A_459 : vector<16xi32>
            %gather3A_461 = tpu.vector_load_idx %arg8[%broadcast_in_dim3A, %add3A_460, %broadcast_in_dim3A_425] : memref<2x64x512xf32, #tpu.memory_space<vmem>>[vector<16xi32>, vector<16xi32>, vector<16xi32>], vector<16xf32>,
            %mul3A_462 = arith.constant 8.000000e+00 : f32
            %mul3A_463 = vector.broadcast %mul3A_462 : f32 to vector<16xf32>
            %mul3A_464 = arith.mulf %gather3A_461, %mul3A_463 : vector<16xf32>
            %swap3A_465 = arith.index_cast %and3A_416 : i32 to index
            %swap3A_466 = arith.index_cast %and3A_412 : i32 to index
            %swap3A_467 = arith.constant 48 : index
            %swap3A_468 = tpu.vector_load %arg10[%swap3A_465, %swap3A_466, %swap3A_467] {strides = array<i32>} : memref<2x16x128xf32, #tpu.memory_space<vmem>>, vector<16xf32>,
            tpu.vector_store %arg10[%swap3A_465, %swap3A_466, %swap3A_467], %mul3A_464 {strides = array<i32>} : memref<2x16x128xf32, #tpu.memory_space<vmem>>, vector<16xf32>,
            %broadcast_in_dim3A_469 = vector.broadcast %and3A_416 : i32 to vector<16xi32>
            %broadcast_in_dim3A_470 = vector.broadcast %and3A_412 : i32 to vector<16xi32>
            %broadcast_in_dim3A_471 = vector.broadcast %squeeze3A_406 : i32 to vector<16xi32>
            tpu.vector_store_idx %arg11[%broadcast_in_dim3A_469, %broadcast_in_dim3A_470], %broadcast_in_dim3A_471 masked %eq3A_254 : memref<2x16xi32, #tpu.memory_space<vmem>>[vector<16xi32>, vector<16xi32>], vector<16xi32>, vector<16xi1>
            %swap3A_472 = arith.constant 2 : i32
            %swap3A_473 = arith.index_cast %swap3A_472 : i32 to index
            %swap3A_474 = memref.load %arg14[%swap3A_473] : memref<4xi32, #tpu.memory_space<smem>>
            memref.store %squeeze3A_406, %arg14[%swap3A_473] : memref<4xi32, #tpu.memory_space<smem>>
            %eq3A_475 = arith.constant 15 : i32
            %eq3A_476 = arith.cmpi eq, %and3A_412, %eq3A_475 : i32
            %convert_element_type3A_477 = arith.extui %eq3A_476 : i1 to i32
            %cond3A_478 = arith.constant 0 : i32
            %cond3A_479 = arith.cmpi ne, %convert_element_type3A_477, %cond3A_478 : i32
            scf.if %cond3A_479 {
              %dma_start3A_485 = arith.constant 0 : i32
              %dma_start3A_486 = arith.constant 0 : i32
              %dma_start3A_487 = tpu.memref_slice %arg10[%and3A_416, %dma_start3A_485, %dma_start3A_486] : memref<2x16x128xf32, #tpu.memory_space<vmem>> -> memref<1x16x128xf32, #tpu.memory_space<vmem>>
              %dma_start3A_488 = tpu.memref_squeeze %dma_start3A_487 : memref<1x16x128xf32, #tpu.memory_space<vmem>> -> memref<16x128xf32, #tpu.memory_space<vmem>>
              %dma_start3A_489 = arith.constant 0 : i32
              %dma_start3A_490 = tpu.memref_slice %arg11[%and3A_416, %dma_start3A_489] : memref<2x16xi32, #tpu.memory_space<vmem>> -> memref<1x16xi32, #tpu.memory_space<vmem>>
              %dma_start3A_491 = tpu.memref_squeeze %dma_start3A_490 : memref<1x16xi32, #tpu.memory_space<vmem>> -> memref<16xi32, #tpu.memory_space<vmem>>
              %dma_start3A_492 = arith.constant 0 : i32
              %dma_start3A_493 = arith.constant 0 : i32
              %dma_start3A_494 = tpu.memref_slice %arg4[%dma_start3A_492, %dma_start3A_493] : memref<16384x128xf32, #tpu.memory_space<hbm>> -> memref<16384x128xf32, #tpu.memory_space<hbm>>
              tpu.enqueue_indirect_dma source(%dma_start3A_488 : memref<16x128xf32, #tpu.memory_space<vmem>>) target(%dma_start3A_494 : memref<16384x128xf32, #tpu.memory_space<hbm>>) offsets(%dma_start3A_491 : memref<16xi32, #tpu.memory_space<vmem>>) semaphore(%arg16 : memref<!tpu.dma_semaphore, #tpu.memory_space<semaphore_mem>>)
            } else {
            }
            %add3A_480 = arith.constant 1 : i32
            %add3A_481 = arith.addi %get3A_410, %add3A_480 : i32
            %swap3A_482 = arith.constant 0 : i32
            %swap3A_483 = arith.index_cast %swap3A_482 : i32 to index
            %swap3A_484 = memref.load %arg14[%swap3A_483] : memref<4xi32, #tpu.memory_space<smem>>
            memref.store %add3A_481, %arg14[%swap3A_483] : memref<4xi32, #tpu.memory_space<smem>>
          }
          %while3A_397 = arith.constant 1 : i32
          scf.for %while3A_398 = %while3A_395 to %while3A_391 step %while3A_397  : i32 {
            %get3A_399 = arith.index_cast %while3A_398 : i32 to index
            %get3A_400 = tpu.vector_load %arg12[%get3A_399] {strides = array<i32>} : memref<32xi32, #tpu.memory_space<vmem>>, vector<16xi32>,
            %slice3A_401 = vector.extract_strided_slice %get3A_400 {offsets = [0], sizes = [1], strides = [1]} : vector<16xi32> to vector<1xi32>
            %squeeze3A_402 = vector.extract %slice3A_401[0] : i32 from vector<1xi32>
            %get3A_403 = arith.index_cast %while3A_398 : i32 to index
            %get3A_404 = tpu.vector_load %arg13[%get3A_403] {strides = array<i32>} : memref<32xi32, #tpu.memory_space<vmem>>, vector<16xi32>,
            %slice3A_405 = vector.extract_strided_slice %get3A_404 {offsets = [0], sizes = [1], strides = [1]} : vector<16xi32> to vector<1xi32>
            %squeeze3A_406 = vector.extract %slice3A_405[0] : i32 from vector<1xi32>
            %sub3A_407 = arith.subi %squeeze3A_402, %add3A_342 : i32
            %get3A_408 = arith.constant 0 : i32
            %get3A_409 = arith.index_cast %get3A_408 : i32 to index
            %get3A_410 = memref.load %arg14[%get3A_409] : memref<4xi32, #tpu.memory_space<smem>>
            %and3A_411 = arith.constant 15 : i32
            %and3A_412 = arith.andi %get3A_410, %and3A_411 : i32
            %shift_right_logical3A_413 = arith.constant 4 : i32
            %shift_right_logical3A_414 = arith.shrui %get3A_410, %shift_right_logical3A_413 : i32
            %and3A_415 = arith.constant 1 : i32
            %and3A_416 = arith.andi %shift_right_logical3A_414, %and3A_415 : i32
            %eq3A_417 = arith.constant 0 : i32
            %eq3A_418 = arith.cmpi eq, %and3A_412, %eq3A_417 : i32
            %ge3A_419 = arith.constant 32 : i32
            %ge3A_420 = arith.cmpi sge, %get3A_410, %ge3A_419 : i32
            %and3A_421 = arith.andi %eq3A_418, %ge3A_420 : i1
            %convert_element_type3A_422 = arith.extui %and3A_421 : i1 to i32
            %cond3A_423 = arith.constant 0 : i32
            %cond3A_424 = arith.cmpi ne, %convert_element_type3A_422, %cond3A_423 : i32
            scf.if %cond3A_424 {
              %dma_wait3A_485 = arith.constant 0 : i32
              %dma_wait3A_486 = arith.constant 0 : i32
              %dma_wait3A_487 = arith.constant 0 : i32
              %dma_wait3A_488 = arith.constant 0 : i32
              %dma_wait3A_489 = tpu.memref_slice %arg10[%dma_wait3A_485, %dma_wait3A_487, %dma_wait3A_488] : memref<2x16x128xf32, #tpu.memory_space<vmem>> -> memref<1x16x128xf32, #tpu.memory_space<vmem>>
              %dma_wait3A_490 = tpu.memref_squeeze %dma_wait3A_489 : memref<1x16x128xf32, #tpu.memory_space<vmem>> -> memref<16x128xf32, #tpu.memory_space<vmem>>
              %dma_wait3A_491 = arith.constant 0 : i32
              %dma_wait3A_492 = tpu.memref_slice %arg11[%dma_wait3A_486, %dma_wait3A_491] : memref<2x16xi32, #tpu.memory_space<vmem>> -> memref<1x16xi32, #tpu.memory_space<vmem>>
              %dma_wait3A_493 = tpu.memref_squeeze %dma_wait3A_492 : memref<1x16xi32, #tpu.memory_space<vmem>> -> memref<16xi32, #tpu.memory_space<vmem>>
              %dma_wait3A_494 = arith.constant 0 : i32
              %dma_wait3A_495 = arith.constant 0 : i32
              %dma_wait3A_496 = tpu.memref_slice %arg4[%dma_wait3A_494, %dma_wait3A_495] : memref<16384x128xf32, #tpu.memory_space<hbm>> -> memref<16384x128xf32, #tpu.memory_space<hbm>>
              tpu.wait_indirect_dma semaphore(%arg16 : memref<!tpu.dma_semaphore, #tpu.memory_space<semaphore_mem>>) src(%dma_wait3A_490 : memref<16x128xf32, #tpu.memory_space<vmem>>) dst(%dma_wait3A_496 : memref<16384x128xf32, #tpu.memory_space<hbm>>)
              %get3A_497 = arith.constant 1 : i32
              %get3A_498 = arith.index_cast %get3A_497 : i32 to index
              %get3A_499 = memref.load %arg14[%get3A_498] : memref<4xi32, #tpu.memory_space<smem>>
              %add3A_500 = arith.constant 1 : i32
              %add3A_501 = arith.addi %get3A_499, %add3A_500 : i32
              %swap3A_502 = arith.constant 1 : i32
              %swap3A_503 = arith.index_cast %swap3A_502 : i32 to index
              %swap3A_504 = memref.load %arg14[%swap3A_503] : memref<4xi32, #tpu.memory_space<smem>>
              memref.store %add3A_501, %arg14[%swap3A_503] : memref<4xi32, #tpu.memory_space<smem>>
            } else {
            }
            %broadcast_in_dim3A_425 = vector.broadcast %sub3A_407 : i32 to vector<16xi32>
            %add3A_426 = arith.constant 0 : i32
            %add3A_427 = vector.broadcast %add3A_426 : i32 to vector<16xi32>
            %add3A_428 = arith.addi %iota3A, %add3A_427 : vector<16xi32>
            %gather3A = tpu.vector_load_idx %arg8[%broadcast_in_dim3A, %add3A_428, %broadcast_in_dim3A_425] : memref<2x64x512xf32, #tpu.memory_space<vmem>>[vector<16xi32>, vector<16xi32>, vector<16xi32>], vector<16xf32>,
            %mul3A_429 = arith.constant 8.000000e+00 : f32
            %mul3A_430 = vector.broadcast %mul3A_429 : f32 to vector<16xf32>
            %mul3A_431 = arith.mulf %gather3A, %mul3A_430 : vector<16xf32>
            %swap3A_432 = arith.index_cast %and3A_416 : i32 to index
            %swap3A_433 = arith.index_cast %and3A_412 : i32 to index
            %swap3A_434 = arith.constant 0 : index
            %swap3A_435 = tpu.vector_load %arg10[%swap3A_432, %swap3A_433, %swap3A_434] {strides = array<i32>} : memref<2x16x128xf32, #tpu.memory_space<vmem>>, vector<16xf32>,
            tpu.vector_store %arg10[%swap3A_432, %swap3A_433, %swap3A_434], %mul3A_431 {strides = array<i32>} : memref<2x16x128xf32, #tpu.memory_space<vmem>>, vector<16xf32>,
            %add3A_436 = arith.constant 16 : i32
            %add3A_437 = vector.broadcast %add3A_436 : i32 to vector<16xi32>
            %add3A_438 = arith.addi %iota3A, %add3A_437 : vector<16xi32>
            %gather3A_439 = tpu.vector_load_idx %arg8[%broadcast_in_dim3A, %add3A_438, %broadcast_in_dim3A_425] : memref<2x64x512xf32, #tpu.memory_space<vmem>>[vector<16xi32>, vector<16xi32>, vector<16xi32>], vector<16xf32>,
            %mul3A_440 = arith.constant 8.000000e+00 : f32
            %mul3A_441 = vector.broadcast %mul3A_440 : f32 to vector<16xf32>
            %mul3A_442 = arith.mulf %gather3A_439, %mul3A_441 : vector<16xf32>
            %swap3A_443 = arith.index_cast %and3A_416 : i32 to index
            %swap3A_444 = arith.index_cast %and3A_412 : i32 to index
            %swap3A_445 = arith.constant 16 : index
            %swap3A_446 = tpu.vector_load %arg10[%swap3A_443, %swap3A_444, %swap3A_445] {strides = array<i32>} : memref<2x16x128xf32, #tpu.memory_space<vmem>>, vector<16xf32>,
            tpu.vector_store %arg10[%swap3A_443, %swap3A_444, %swap3A_445], %mul3A_442 {strides = array<i32>} : memref<2x16x128xf32, #tpu.memory_space<vmem>>, vector<16xf32>,
            %add3A_447 = arith.constant 32 : i32
            %add3A_448 = vector.broadcast %add3A_447 : i32 to vector<16xi32>
            %add3A_449 = arith.addi %iota3A, %add3A_448 : vector<16xi32>
            %gather3A_450 = tpu.vector_load_idx %arg8[%broadcast_in_dim3A, %add3A_449, %broadcast_in_dim3A_425] : memref<2x64x512xf32, #tpu.memory_space<vmem>>[vector<16xi32>, vector<16xi32>, vector<16xi32>], vector<16xf32>,
            %mul3A_451 = arith.constant 8.000000e+00 : f32
            %mul3A_452 = vector.broadcast %mul3A_451 : f32 to vector<16xf32>
            %mul3A_453 = arith.mulf %gather3A_450, %mul3A_452 : vector<16xf32>
            %swap3A_454 = arith.index_cast %and3A_416 : i32 to index
            %swap3A_455 = arith.index_cast %and3A_412 : i32 to index
            %swap3A_456 = arith.constant 32 : index
            %swap3A_457 = tpu.vector_load %arg10[%swap3A_454, %swap3A_455, %swap3A_456] {strides = array<i32>} : memref<2x16x128xf32, #tpu.memory_space<vmem>>, vector<16xf32>,
            tpu.vector_store %arg10[%swap3A_454, %swap3A_455, %swap3A_456], %mul3A_453 {strides = array<i32>} : memref<2x16x128xf32, #tpu.memory_space<vmem>>, vector<16xf32>,
            %add3A_458 = arith.constant 48 : i32
            %add3A_459 = vector.broadcast %add3A_458 : i32 to vector<16xi32>
            %add3A_460 = arith.addi %iota3A, %add3A_459 : vector<16xi32>
            %gather3A_461 = tpu.vector_load_idx %arg8[%broadcast_in_dim3A, %add3A_460, %broadcast_in_dim3A_425] : memref<2x64x512xf32, #tpu.memory_space<vmem>>[vector<16xi32>, vector<16xi32>, vector<16xi32>], vector<16xf32>,
            %mul3A_462 = arith.constant 8.000000e+00 : f32
            %mul3A_463 = vector.broadcast %mul3A_462 : f32 to vector<16xf32>
            %mul3A_464 = arith.mulf %gather3A_461, %mul3A_463 : vector<16xf32>
            %swap3A_465 = arith.index_cast %and3A_416 : i32 to index
            %swap3A_466 = arith.index_cast %and3A_412 : i32 to index
            %swap3A_467 = arith.constant 48 : index
            %swap3A_468 = tpu.vector_load %arg10[%swap3A_465, %swap3A_466, %swap3A_467] {strides = array<i32>} : memref<2x16x128xf32, #tpu.memory_space<vmem>>, vector<16xf32>,
            tpu.vector_store %arg10[%swap3A_465, %swap3A_466, %swap3A_467], %mul3A_464 {strides = array<i32>} : memref<2x16x128xf32, #tpu.memory_space<vmem>>, vector<16xf32>,
            %broadcast_in_dim3A_469 = vector.broadcast %and3A_416 : i32 to vector<16xi32>
            %broadcast_in_dim3A_470 = vector.broadcast %and3A_412 : i32 to vector<16xi32>
            %broadcast_in_dim3A_471 = vector.broadcast %squeeze3A_406 : i32 to vector<16xi32>
            tpu.vector_store_idx %arg11[%broadcast_in_dim3A_469, %broadcast_in_dim3A_470], %broadcast_in_dim3A_471 masked %eq3A_254 : memref<2x16xi32, #tpu.memory_space<vmem>>[vector<16xi32>, vector<16xi32>], vector<16xi32>, vector<16xi1>
            %swap3A_472 = arith.constant 2 : i32
            %swap3A_473 = arith.index_cast %swap3A_472 : i32 to index
            %swap3A_474 = memref.load %arg14[%swap3A_473] : memref<4xi32, #tpu.memory_space<smem>>
            memref.store %squeeze3A_406, %arg14[%swap3A_473] : memref<4xi32, #tpu.memory_space<smem>>
            %eq3A_475 = arith.constant 15 : i32
            %eq3A_476 = arith.cmpi eq, %and3A_412, %eq3A_475 : i32
            %convert_element_type3A_477 = arith.extui %eq3A_476 : i1 to i32
            %cond3A_478 = arith.constant 0 : i32
            %cond3A_479 = arith.cmpi ne, %convert_element_type3A_477, %cond3A_478 : i32
            scf.if %cond3A_479 {
              %dma_start3A_485 = arith.constant 0 : i32
              %dma_start3A_486 = arith.constant 0 : i32
              %dma_start3A_487 = tpu.memref_slice %arg10[%and3A_416, %dma_start3A_485, %dma_start3A_486] : memref<2x16x128xf32, #tpu.memory_space<vmem>> -> memref<1x16x128xf32, #tpu.memory_space<vmem>>
              %dma_start3A_488 = tpu.memref_squeeze %dma_start3A_487 : memref<1x16x128xf32, #tpu.memory_space<vmem>> -> memref<16x128xf32, #tpu.memory_space<vmem>>
              %dma_start3A_489 = arith.constant 0 : i32
              %dma_start3A_490 = tpu.memref_slice %arg11[%and3A_416, %dma_start3A_489] : memref<2x16xi32, #tpu.memory_space<vmem>> -> memref<1x16xi32, #tpu.memory_space<vmem>>
              %dma_start3A_491 = tpu.memref_squeeze %dma_start3A_490 : memref<1x16xi32, #tpu.memory_space<vmem>> -> memref<16xi32, #tpu.memory_space<vmem>>
              %dma_start3A_492 = arith.constant 0 : i32
              %dma_start3A_493 = arith.constant 0 : i32
              %dma_start3A_494 = tpu.memref_slice %arg4[%dma_start3A_492, %dma_start3A_493] : memref<16384x128xf32, #tpu.memory_space<hbm>> -> memref<16384x128xf32, #tpu.memory_space<hbm>>
              tpu.enqueue_indirect_dma source(%dma_start3A_488 : memref<16x128xf32, #tpu.memory_space<vmem>>) target(%dma_start3A_494 : memref<16384x128xf32, #tpu.memory_space<hbm>>) offsets(%dma_start3A_491 : memref<16xi32, #tpu.memory_space<vmem>>) semaphore(%arg16 : memref<!tpu.dma_semaphore, #tpu.memory_space<semaphore_mem>>)
            } else {
            }
            %add3A_480 = arith.constant 1 : i32
            %add3A_481 = arith.addi %get3A_410, %add3A_480 : i32
            %swap3A_482 = arith.constant 0 : i32
            %swap3A_483 = arith.index_cast %swap3A_482 : i32 to index
            %swap3A_484 = memref.load %arg14[%swap3A_483] : memref<4xi32, #tpu.memory_space<smem>>
            memref.store %add3A_481, %arg14[%swap3A_483] : memref<4xi32, #tpu.memory_space<smem>>
          }
        } else {
        }
      }
      %add3A_353 = arith.constant 2 : i32
      %add3A_354 = arith.addi %while3A_323, %add3A_353 : i32
      %lt3A = arith.cmpi slt, %add3A_354, %select_n3A_257 : i32
      %convert_element_type3A_355 = arith.extui %lt3A : i1 to i32
      %cond3A_356 = arith.constant 0 : i32
      %cond3A_357 = arith.cmpi ne, %convert_element_type3A_355, %cond3A_356 : i32
      scf.if %cond3A_357 {
        %add3A_358 = arith.constant 2 : i32
        %add3A_359 = arith.addi %while3A_323, %add3A_358 : i32
        %rem3A_360 = arith.constant 2 : i32
        %rem3A_361 = arith.remsi %while3A_323, %rem3A_360 : i32
        %mul3A_362 = arith.constant 512 : i32
        %mul3A_363 = arith.muli %add3A_359, %mul3A_362 : i32
        %add3A_364 = arith.addi %mul3A_3, %mul3A_363 : i32
        %dma_start3A_365 = arith.constant 0 : i32
        %dma_start3A_366 = arith.constant 0 : i32
        %dma_start3A_367 = tpu.memref_slice %arg8[%rem3A_361, %dma_start3A_365, %dma_start3A_366] : memref<2x64x512xf32, #tpu.memory_space<vmem>> -> memref<1x8x512xf32, #tpu.memory_space<vmem>>
        %dma_start3A_368 = tpu.memref_squeeze %dma_start3A_367 : memref<1x8x512xf32, #tpu.memory_space<vmem>> -> memref<8x512xf32, #tpu.memory_space<vmem>>
        %dma_start3A_369 = arith.constant 0 : i32
        %dma_start3A_370 = tpu.memref_slice %arg3[%dma_start3A_369, %add3A_364] : memref<64x1000000xf32, #tpu.memory_space<hbm>> -> memref<8x512xf32, #tpu.memory_space<hbm>>
        %dma_start3A_371 = arith.constant 0 : i32
        %dma_start3A_372 = arith.constant 0 : i32
        %dma_start3A_373 = tpu.memref_slice %arg8[%rem3A_361, %dma_start3A_371, %dma_start3A_372] : memref<2x64x512xf32, #tpu.memory_space<vmem>> -> memref<1x8x512xf32, #tpu.memory_space<vmem>>
        %dma_start3A_374 = tpu.memref_squeeze %dma_start3A_373 : memref<1x8x512xf32, #tpu.memory_space<vmem>> -> memref<8x512xf32, #tpu.memory_space<vmem>>
        %dma_start3A_375 = arith.constant 0 : i32
        %dma_start3A_376 = tpu.memref_slice %arg3[%dma_start3A_375, %add3A_364] : memref<64x1000000xf32, #tpu.memory_space<hbm>> -> memref<8x512xf32, #tpu.memory_space<hbm>>
        tpu.enqueue_dma source(%dma_start3A_376 : memref<8x512xf32, #tpu.memory_space<hbm>>) target(%dma_start3A_374 : memref<8x512xf32, #tpu.memory_space<vmem>>) target_semaphore(%arg15 : memref<!tpu.dma_semaphore, #tpu.memory_space<semaphore_mem>>)
        %dma_start3A_377 = arith.constant 8 : i32
        %dma_start3A_378 = arith.constant 0 : i32
        %dma_start3A_379 = tpu.memref_slice %arg8[%rem3A_361, %dma_start3A_377, %dma_start3A_378] : memref<2x64x512xf32, #tpu.memory_space<vmem>> -> memref<1x8x512xf32, #tpu.memory_space<vmem>>
        %dma_start3A_380 = tpu.memref_squeeze %dma_start3A_379 : memref<1x8x512xf32, #tpu.memory_space<vmem>> -> memref<8x512xf32, #tpu.memory_space<vmem>>
        %dma_start3A_381 = arith.constant 8 : i32
        %dma_start3A_382 = tpu.memref_slice %arg3[%dma_start3A_381, %add3A_364] : memref<64x1000000xf32, #tpu.memory_space<hbm>> -> memref<8x512xf32, #tpu.memory_space<hbm>>
        %dma_start3A_383 = arith.constant 8 : i32
        %dma_start3A_384 = arith.constant 0 : i32
        %dma_start3A_385 = tpu.memref_slice %arg8[%rem3A_361, %dma_start3A_383, %dma_start3A_384] : memref<2x64x512xf32, #tpu.memory_space<vmem>> -> memref<1x8x512xf32, #tpu.memory_space<vmem>>
        %dma_start3A_386 = tpu.memref_squeeze %dma_start3A_385 : memref<1x8x512xf32, #tpu.memory_space<vmem>> -> memref<8x512xf32, #tpu.memory_space<vmem>>
        %dma_start3A_387 = arith.constant 8 : i32
        %dma_start3A_388 = tpu.memref_slice %arg3[%dma_start3A_387, %add3A_364] : memref<64x1000000xf32, #tpu.memory_space<hbm>> -> memref<8x512xf32, #tpu.memory_space<hbm>>
        tpu.enqueue_dma source(%dma_start3A_388 : memref<8x512xf32, #tpu.memory_space<hbm>>) target(%dma_start3A_386 : memref<8x512xf32, #tpu.memory_space<vmem>>) target_semaphore(%arg15 : memref<!tpu.dma_semaphore, #tpu.memory_space<semaphore_mem>>)
        %dma_start3A_389 = arith.constant 16 : i32
        %dma_start3A_390 = arith.constant 0 : i32
        %dma_start3A_391 = tpu.memref_slice %arg8[%rem3A_361, %dma_start3A_389, %dma_start3A_390] : memref<2x64x512xf32, #tpu.memory_space<vmem>> -> memref<1x8x512xf32, #tpu.memory_space<vmem>>
        %dma_start3A_392 = tpu.memref_squeeze %dma_start3A_391 : memref<1x8x512xf32, #tpu.memory_space<vmem>> -> memref<8x512xf32, #tpu.memory_space<vmem>>
        %dma_start3A_393 = arith.constant 16 : i32
        %dma_start3A_394 = tpu.memref_slice %arg3[%dma_start3A_393, %add3A_364] : memref<64x1000000xf32, #tpu.memory_space<hbm>> -> memref<8x512xf32, #tpu.memory_space<hbm>>
        %dma_start3A_395 = arith.constant 16 : i32
        %dma_start3A_396 = arith.constant 0 : i32
        %dma_start3A_397 = tpu.memref_slice %arg8[%rem3A_361, %dma_start3A_395, %dma_start3A_396] : memref<2x64x512xf32, #tpu.memory_space<vmem>> -> memref<1x8x512xf32, #tpu.memory_space<vmem>>
        %dma_start3A_398 = tpu.memref_squeeze %dma_start3A_397 : memref<1x8x512xf32, #tpu.memory_space<vmem>> -> memref<8x512xf32, #tpu.memory_space<vmem>>
        %dma_start3A_399 = arith.constant 16 : i32
        %dma_start3A_400 = tpu.memref_slice %arg3[%dma_start3A_399, %add3A_364] : memref<64x1000000xf32, #tpu.memory_space<hbm>> -> memref<8x512xf32, #tpu.memory_space<hbm>>
        tpu.enqueue_dma source(%dma_start3A_400 : memref<8x512xf32, #tpu.memory_space<hbm>>) target(%dma_start3A_398 : memref<8x512xf32, #tpu.memory_space<vmem>>) target_semaphore(%arg15 : memref<!tpu.dma_semaphore, #tpu.memory_space<semaphore_mem>>)
        %dma_start3A_401 = arith.constant 24 : i32
        %dma_start3A_402 = arith.constant 0 : i32
        %dma_start3A_403 = tpu.memref_slice %arg8[%rem3A_361, %dma_start3A_401, %dma_start3A_402] : memref<2x64x512xf32, #tpu.memory_space<vmem>> -> memref<1x8x512xf32, #tpu.memory_space<vmem>>
        %dma_start3A_404 = tpu.memref_squeeze %dma_start3A_403 : memref<1x8x512xf32, #tpu.memory_space<vmem>> -> memref<8x512xf32, #tpu.memory_space<vmem>>
        %dma_start3A_405 = arith.constant 24 : i32
        %dma_start3A_406 = tpu.memref_slice %arg3[%dma_start3A_405, %add3A_364] : memref<64x1000000xf32, #tpu.memory_space<hbm>> -> memref<8x512xf32, #tpu.memory_space<hbm>>
        %dma_start3A_407 = arith.constant 24 : i32
        %dma_start3A_408 = arith.constant 0 : i32
        %dma_start3A_409 = tpu.memref_slice %arg8[%rem3A_361, %dma_start3A_407, %dma_start3A_408] : memref<2x64x512xf32, #tpu.memory_space<vmem>> -> memref<1x8x512xf32, #tpu.memory_space<vmem>>
        %dma_start3A_410 = tpu.memref_squeeze %dma_start3A_409 : memref<1x8x512xf32, #tpu.memory_space<vmem>> -> memref<8x512xf32, #tpu.memory_space<vmem>>
        %dma_start3A_411 = arith.constant 24 : i32
        %dma_start3A_412 = tpu.memref_slice %arg3[%dma_start3A_411, %add3A_364] : memref<64x1000000xf32, #tpu.memory_space<hbm>> -> memref<8x512xf32, #tpu.memory_space<hbm>>
        tpu.enqueue_dma source(%dma_start3A_412 : memref<8x512xf32, #tpu.memory_space<hbm>>) target(%dma_start3A_410 : memref<8x512xf32, #tpu.memory_space<vmem>>) target_semaphore(%arg15 : memref<!tpu.dma_semaphore, #tpu.memory_space<semaphore_mem>>)
        %dma_start3A_413 = arith.constant 32 : i32
        %dma_start3A_414 = arith.constant 0 : i32
        %dma_start3A_415 = tpu.memref_slice %arg8[%rem3A_361, %dma_start3A_413, %dma_start3A_414] : memref<2x64x512xf32, #tpu.memory_space<vmem>> -> memref<1x8x512xf32, #tpu.memory_space<vmem>>
        %dma_start3A_416 = tpu.memref_squeeze %dma_start3A_415 : memref<1x8x512xf32, #tpu.memory_space<vmem>> -> memref<8x512xf32, #tpu.memory_space<vmem>>
        %dma_start3A_417 = arith.constant 32 : i32
        %dma_start3A_418 = tpu.memref_slice %arg3[%dma_start3A_417, %add3A_364] : memref<64x1000000xf32, #tpu.memory_space<hbm>> -> memref<8x512xf32, #tpu.memory_space<hbm>>
        %dma_start3A_419 = arith.constant 32 : i32
        %dma_start3A_420 = arith.constant 0 : i32
        %dma_start3A_421 = tpu.memref_slice %arg8[%rem3A_361, %dma_start3A_419, %dma_start3A_420] : memref<2x64x512xf32, #tpu.memory_space<vmem>> -> memref<1x8x512xf32, #tpu.memory_space<vmem>>
        %dma_start3A_422 = tpu.memref_squeeze %dma_start3A_421 : memref<1x8x512xf32, #tpu.memory_space<vmem>> -> memref<8x512xf32, #tpu.memory_space<vmem>>
        %dma_start3A_423 = arith.constant 32 : i32
        %dma_start3A_424 = tpu.memref_slice %arg3[%dma_start3A_423, %add3A_364] : memref<64x1000000xf32, #tpu.memory_space<hbm>> -> memref<8x512xf32, #tpu.memory_space<hbm>>
        tpu.enqueue_dma source(%dma_start3A_424 : memref<8x512xf32, #tpu.memory_space<hbm>>) target(%dma_start3A_422 : memref<8x512xf32, #tpu.memory_space<vmem>>) target_semaphore(%arg15 : memref<!tpu.dma_semaphore, #tpu.memory_space<semaphore_mem>>)
        %dma_start3A_425 = arith.constant 40 : i32
        %dma_start3A_426 = arith.constant 0 : i32
        %dma_start3A_427 = tpu.memref_slice %arg8[%rem3A_361, %dma_start3A_425, %dma_start3A_426] : memref<2x64x512xf32, #tpu.memory_space<vmem>> -> memref<1x8x512xf32, #tpu.memory_space<vmem>>
        %dma_start3A_428 = tpu.memref_squeeze %dma_start3A_427 : memref<1x8x512xf32, #tpu.memory_space<vmem>> -> memref<8x512xf32, #tpu.memory_space<vmem>>
        %dma_start3A_429 = arith.constant 40 : i32
        %dma_start3A_430 = tpu.memref_slice %arg3[%dma_start3A_429, %add3A_364] : memref<64x1000000xf32, #tpu.memory_space<hbm>> -> memref<8x512xf32, #tpu.memory_space<hbm>>
        %dma_start3A_431 = arith.constant 40 : i32
        %dma_start3A_432 = arith.constant 0 : i32
        %dma_start3A_433 = tpu.memref_slice %arg8[%rem3A_361, %dma_start3A_431, %dma_start3A_432] : memref<2x64x512xf32, #tpu.memory_space<vmem>> -> memref<1x8x512xf32, #tpu.memory_space<vmem>>
        %dma_start3A_434 = tpu.memref_squeeze %dma_start3A_433 : memref<1x8x512xf32, #tpu.memory_space<vmem>> -> memref<8x512xf32, #tpu.memory_space<vmem>>
        %dma_start3A_435 = arith.constant 40 : i32
        %dma_start3A_436 = tpu.memref_slice %arg3[%dma_start3A_435, %add3A_364] : memref<64x1000000xf32, #tpu.memory_space<hbm>> -> memref<8x512xf32, #tpu.memory_space<hbm>>
        tpu.enqueue_dma source(%dma_start3A_436 : memref<8x512xf32, #tpu.memory_space<hbm>>) target(%dma_start3A_434 : memref<8x512xf32, #tpu.memory_space<vmem>>) target_semaphore(%arg15 : memref<!tpu.dma_semaphore, #tpu.memory_space<semaphore_mem>>)
        %dma_start3A_437 = arith.constant 48 : i32
        %dma_start3A_438 = arith.constant 0 : i32
        %dma_start3A_439 = tpu.memref_slice %arg8[%rem3A_361, %dma_start3A_437, %dma_start3A_438] : memref<2x64x512xf32, #tpu.memory_space<vmem>> -> memref<1x8x512xf32, #tpu.memory_space<vmem>>
        %dma_start3A_440 = tpu.memref_squeeze %dma_start3A_439 : memref<1x8x512xf32, #tpu.memory_space<vmem>> -> memref<8x512xf32, #tpu.memory_space<vmem>>
        %dma_start3A_441 = arith.constant 48 : i32
        %dma_start3A_442 = tpu.memref_slice %arg3[%dma_start3A_441, %add3A_364] : memref<64x1000000xf32, #tpu.memory_space<hbm>> -> memref<8x512xf32, #tpu.memory_space<hbm>>
        %dma_start3A_443 = arith.constant 48 : i32
        %dma_start3A_444 = arith.constant 0 : i32
        %dma_start3A_445 = tpu.memref_slice %arg8[%rem3A_361, %dma_start3A_443, %dma_start3A_444] : memref<2x64x512xf32, #tpu.memory_space<vmem>> -> memref<1x8x512xf32, #tpu.memory_space<vmem>>
        %dma_start3A_446 = tpu.memref_squeeze %dma_start3A_445 : memref<1x8x512xf32, #tpu.memory_space<vmem>> -> memref<8x512xf32, #tpu.memory_space<vmem>>
        %dma_start3A_447 = arith.constant 48 : i32
        %dma_start3A_448 = tpu.memref_slice %arg3[%dma_start3A_447, %add3A_364] : memref<64x1000000xf32, #tpu.memory_space<hbm>> -> memref<8x512xf32, #tpu.memory_space<hbm>>
        tpu.enqueue_dma source(%dma_start3A_448 : memref<8x512xf32, #tpu.memory_space<hbm>>) target(%dma_start3A_446 : memref<8x512xf32, #tpu.memory_space<vmem>>) target_semaphore(%arg15 : memref<!tpu.dma_semaphore, #tpu.memory_space<semaphore_mem>>)
        %dma_start3A_449 = arith.constant 56 : i32
        %dma_start3A_450 = arith.constant 0 : i32
        %dma_start3A_451 = tpu.memref_slice %arg8[%rem3A_361, %dma_start3A_449, %dma_start3A_450] : memref<2x64x512xf32, #tpu.memory_space<vmem>> -> memref<1x8x512xf32, #tpu.memory_space<vmem>>
        %dma_start3A_452 = tpu.memref_squeeze %dma_start3A_451 : memref<1x8x512xf32, #tpu.memory_space<vmem>> -> memref<8x512xf32, #tpu.memory_space<vmem>>
        %dma_start3A_453 = arith.constant 56 : i32
        %dma_start3A_454 = tpu.memref_slice %arg3[%dma_start3A_453, %add3A_364] : memref<64x1000000xf32, #tpu.memory_space<hbm>> -> memref<8x512xf32, #tpu.memory_space<hbm>>
        %dma_start3A_455 = arith.constant 56 : i32
        %dma_start3A_456 = arith.constant 0 : i32
        %dma_start3A_457 = tpu.memref_slice %arg8[%rem3A_361, %dma_start3A_455, %dma_start3A_456] : memref<2x64x512xf32, #tpu.memory_space<vmem>> -> memref<1x8x512xf32, #tpu.memory_space<vmem>>
        %dma_start3A_458 = tpu.memref_squeeze %dma_start3A_457 : memref<1x8x512xf32, #tpu.memory_space<vmem>> -> memref<8x512xf32, #tpu.memory_space<vmem>>
        %dma_start3A_459 = arith.constant 56 : i32
        %dma_start3A_460 = tpu.memref_slice %arg3[%dma_start3A_459, %add3A_364] : memref<64x1000000xf32, #tpu.memory_space<hbm>> -> memref<8x512xf32, #tpu.memory_space<hbm>>
        tpu.enqueue_dma source(%dma_start3A_460 : memref<8x512xf32, #tpu.memory_space<hbm>>) target(%dma_start3A_458 : memref<8x512xf32, #tpu.memory_space<vmem>>) target_semaphore(%arg15 : memref<!tpu.dma_semaphore, #tpu.memory_space<semaphore_mem>>)
      } else {
      }
    }
    %while3A_266 = arith.constant 1 : i32
    scf.for %while3A_323 = %while3A_264 to %while3A_260 step %while3A_266  : i32 {
      %dma_wait3A = arith.constant 0 : i32
      %dma_wait3A_324 = arith.constant 0 : i32
      %dma_wait3A_325 = arith.constant 0 : i32
      %dma_wait3A_326 = tpu.memref_slice %arg8[%dma_wait3A, %dma_wait3A_324, %dma_wait3A_325] : memref<2x64x512xf32, #tpu.memory_space<vmem>> -> memref<1x64x512xf32, #tpu.memory_space<vmem>>
      %dma_wait3A_327 = tpu.memref_squeeze %dma_wait3A_326 : memref<1x64x512xf32, #tpu.memory_space<vmem>> -> memref<64x512xf32, #tpu.memory_space<vmem>>
      %dma_wait3A_328 = arith.constant 0 : i32
      %dma_wait3A_329 = arith.constant 0 : i32
      %dma_wait3A_330 = tpu.memref_slice %arg3[%dma_wait3A_328, %dma_wait3A_329] : memref<64x1000000xf32, #tpu.memory_space<hbm>> -> memref<64x512xf32, #tpu.memory_space<hbm>>
      %dma_wait3A_331 = arith.constant 0 : i32
      %dma_wait3A_332 = arith.constant 0 : i32
      %dma_wait3A_333 = tpu.memref_slice %arg8[%dma_wait3A, %dma_wait3A_331, %dma_wait3A_332] : memref<2x64x512xf32, #tpu.memory_space<vmem>> -> memref<1x64x512xf32, #tpu.memory_space<vmem>>
      %dma_wait3A_334 = tpu.memref_squeeze %dma_wait3A_333 : memref<1x64x512xf32, #tpu.memory_space<vmem>> -> memref<64x512xf32, #tpu.memory_space<vmem>>
      %dma_wait3A_335 = arith.constant 0 : i32
      %dma_wait3A_336 = arith.constant 0 : i32
      %dma_wait3A_337 = tpu.memref_slice %arg3[%dma_wait3A_335, %dma_wait3A_336] : memref<64x1000000xf32, #tpu.memory_space<hbm>> -> memref<64x512xf32, #tpu.memory_space<hbm>>
      tpu.wait_dma2 semaphore(%arg15 : memref<!tpu.dma_semaphore, #tpu.memory_space<semaphore_mem>>) src(%dma_wait3A_337 : memref<64x512xf32, #tpu.memory_space<hbm>>) dst(%dma_wait3A_334 : memref<64x512xf32, #tpu.memory_space<vmem>>)
      %rem3A_338 = arith.constant 2 : i32
      %rem3A_339 = arith.remsi %while3A_323, %rem3A_338 : i32
      %broadcast_in_dim3A = vector.broadcast %rem3A_339 : i32 to vector<16xi32>
      %mul3A_340 = arith.constant 512 : i32
      %mul3A_341 = arith.muli %while3A_323, %mul3A_340 : i32
      %add3A_342 = arith.addi %mul3A_3, %mul3A_341 : i32
      %while3A_343 = arith.constant 0 : i32
      %while3A_344 = arith.constant 0 : i32
      %while3A_345 = arith.subi %select_n3A_251, %while3A_344 : i32
      %while3A_346 = arith.addi %while3A_344, %while3A_345 : i32
      %while3A_347 = arith.constant 1 : i32
      %while3A_348 = arith.divsi %while3A_345, %while3A_347 : i32
      %while3A_349 = arith.muli %while3A_348, %while3A_347 : i32
      %while3A_350 = arith.addi %while3A_344, %while3A_349 : i32
      %while3A_351 = arith.constant 1 : i32
      scf.for %while3A_358 = %while3A_344 to %while3A_350 step %while3A_351  : i32 {
        %mul3A_359 = arith.constant 16 : i32
        %mul3A_360 = arith.muli %while3A_358, %mul3A_359 : i32
        %get3A_361 = arith.index_cast %mul3A_360 : i32 to index
        %get3A_362 = tpu.vector_load %arg6[%get3A_361] {strides = array<i32>} : memref<16400xi32, #tpu.memory_space<vmem>>, vector<16xi32>,
        %mul3A_363 = arith.constant 16 : i32
        %mul3A_364 = arith.muli %while3A_358, %mul3A_363 : i32
        %get3A_365 = arith.index_cast %mul3A_364 : i32 to index
        %get3A_366 = tpu.vector_load %arg7[%get3A_365] {strides = array<i32>} : memref<16400xi32, #tpu.memory_space<vmem>>, vector<16xi32>,
        %mul3A_367 = arith.constant 16 : i32
        %mul3A_368 = arith.muli %while3A_358, %mul3A_367 : i32
        %sub3A_369 = arith.subi %scan3A_228, %mul3A_368 : i32
        %lt3A_370 = vector.broadcast %sub3A_369 : i32 to vector<16xi32>
        %lt3A_371 = arith.cmpi slt, %iota3A, %lt3A_370 : vector<16xi32>
        %ge3A = vector.broadcast %add3A_342 : i32 to vector<16xi32>
        %ge3A_372 = arith.cmpi sge, %get3A_362, %ge3A : vector<16xi32>
        %and3A_373 = arith.andi %lt3A_371, %ge3A_372 : vector<16xi1>
        %add3A_374 = arith.constant 512 : i32
        %add3A_375 = arith.addi %add3A_342, %add3A_374 : i32
        %lt3A_376 = vector.broadcast %add3A_375 : i32 to vector<16xi32>
        %lt3A_377 = arith.cmpi slt, %get3A_362, %lt3A_376 : vector<16xi32>
        %and3A_378 = arith.andi %and3A_373, %lt3A_377 : vector<16xi1>
        %all_reduce_population_count3A = tpu.all_reduce %and3A_378 {dim = 0 : i64, kind = #tpu.reduction_kind<sum>} : vector<16xi1> -> vector<16xi32>
        %slice3A = vector.extract_strided_slice %all_reduce_population_count3A {offsets = [0], sizes = [1], strides = [1]} : vector<16xi32> to vector<1xi32>
        %squeeze3A = vector.extract %slice3A[0] : i32 from vector<1xi32>
        %gt3A_379 = arith.constant 0 : i32
        %gt3A_380 = arith.cmpi sgt, %squeeze3A, %gt3A_379 : i32
        %convert_element_type3A_381 = arith.extui %gt3A_380 : i1 to i32
        %cond3A_382 = arith.constant 0 : i32
        %cond3A_383 = arith.cmpi ne, %convert_element_type3A_381, %cond3A_382 : i32
        scf.if %cond3A_383 {
          %swap3A_384 = arith.constant 0 : index
          %swap3A_385 = tpu.vector_load %arg12[%swap3A_384] masked %and3A_378 {strides = array<i32>} : memref<32xi32, #tpu.memory_space<vmem>>, vector<16xi32>, vector<16xi1>
          tpu.vector_store %arg12[%swap3A_384], %get3A_362 masked %and3A_378 {strides = array<i32>} : memref<32xi32, #tpu.memory_space<vmem>>, vector<16xi32>, vector<16xi1>
          %swap3A_386 = arith.constant 0 : index
          %swap3A_387 = tpu.vector_load %arg13[%swap3A_386] masked %and3A_378 {strides = array<i32>} : memref<32xi32, #tpu.memory_space<vmem>>, vector<16xi32>, vector<16xi1>
          tpu.vector_store %arg13[%swap3A_386], %get3A_366 masked %and3A_378 {strides = array<i32>} : memref<32xi32, #tpu.memory_space<vmem>>, vector<16xi32>, vector<16xi1>
          %while3A_388 = arith.constant 0 : i32
          %while3A_389 = arith.constant 0 : i32
          %while3A_390 = arith.subi %squeeze3A, %while3A_389 : i32
          %while3A_391 = arith.addi %while3A_389, %while3A_390 : i32
          %while3A_392 = arith.constant 1 : i32
          %while3A_393 = arith.divsi %while3A_390, %while3A_392 : i32
          %while3A_394 = arith.muli %while3A_393, %while3A_392 : i32
          %while3A_395 = arith.addi %while3A_389, %while3A_394 : i32
          %while3A_396 = arith.constant 1 : i32
          scf.for %while3A_398 = %while3A_389 to %while3A_395 step %while3A_396  : i32 {
            %get3A_399 = arith.index_cast %while3A_398 : i32 to index
            %get3A_400 = tpu.vector_load %arg12[%get3A_399] {strides = array<i32>} : memref<32xi32, #tpu.memory_space<vmem>>, vector<16xi32>,
            %slice3A_401 = vector.extract_strided_slice %get3A_400 {offsets = [0], sizes = [1], strides = [1]} : vector<16xi32> to vector<1xi32>
            %squeeze3A_402 = vector.extract %slice3A_401[0] : i32 from vector<1xi32>
            %get3A_403 = arith.index_cast %while3A_398 : i32 to index
            %get3A_404 = tpu.vector_load %arg13[%get3A_403] {strides = array<i32>} : memref<32xi32, #tpu.memory_space<vmem>>, vector<16xi32>,
            %slice3A_405 = vector.extract_strided_slice %get3A_404 {offsets = [0], sizes = [1], strides = [1]} : vector<16xi32> to vector<1xi32>
            %squeeze3A_406 = vector.extract %slice3A_405[0] : i32 from vector<1xi32>
            %sub3A_407 = arith.subi %squeeze3A_402, %add3A_342 : i32
            %get3A_408 = arith.constant 0 : i32
            %get3A_409 = arith.index_cast %get3A_408 : i32 to index
            %get3A_410 = memref.load %arg14[%get3A_409] : memref<4xi32, #tpu.memory_space<smem>>
            %and3A_411 = arith.constant 15 : i32
            %and3A_412 = arith.andi %get3A_410, %and3A_411 : i32
            %shift_right_logical3A_413 = arith.constant 4 : i32
            %shift_right_logical3A_414 = arith.shrui %get3A_410, %shift_right_logical3A_413 : i32
            %and3A_415 = arith.constant 1 : i32
            %and3A_416 = arith.andi %shift_right_logical3A_414, %and3A_415 : i32
            %eq3A_417 = arith.constant 0 : i32
            %eq3A_418 = arith.cmpi eq, %and3A_412, %eq3A_417 : i32
            %ge3A_419 = arith.constant 32 : i32
            %ge3A_420 = arith.cmpi sge, %get3A_410, %ge3A_419 : i32
            %and3A_421 = arith.andi %eq3A_418, %ge3A_420 : i1
            %convert_element_type3A_422 = arith.extui %and3A_421 : i1 to i32
            %cond3A_423 = arith.constant 0 : i32
            %cond3A_424 = arith.cmpi ne, %convert_element_type3A_422, %cond3A_423 : i32
            scf.if %cond3A_424 {
              %dma_wait3A_485 = arith.constant 0 : i32
              %dma_wait3A_486 = arith.constant 0 : i32
              %dma_wait3A_487 = arith.constant 0 : i32
              %dma_wait3A_488 = arith.constant 0 : i32
              %dma_wait3A_489 = tpu.memref_slice %arg10[%dma_wait3A_485, %dma_wait3A_487, %dma_wait3A_488] : memref<2x16x128xf32, #tpu.memory_space<vmem>> -> memref<1x16x128xf32, #tpu.memory_space<vmem>>
              %dma_wait3A_490 = tpu.memref_squeeze %dma_wait3A_489 : memref<1x16x128xf32, #tpu.memory_space<vmem>> -> memref<16x128xf32, #tpu.memory_space<vmem>>
              %dma_wait3A_491 = arith.constant 0 : i32
              %dma_wait3A_492 = tpu.memref_slice %arg11[%dma_wait3A_486, %dma_wait3A_491] : memref<2x16xi32, #tpu.memory_space<vmem>> -> memref<1x16xi32, #tpu.memory_space<vmem>>
              %dma_wait3A_493 = tpu.memref_squeeze %dma_wait3A_492 : memref<1x16xi32, #tpu.memory_space<vmem>> -> memref<16xi32, #tpu.memory_space<vmem>>
              %dma_wait3A_494 = arith.constant 0 : i32
              %dma_wait3A_495 = arith.constant 0 : i32
              %dma_wait3A_496 = tpu.memref_slice %arg4[%dma_wait3A_494, %dma_wait3A_495] : memref<16384x128xf32, #tpu.memory_space<hbm>> -> memref<16384x128xf32, #tpu.memory_space<hbm>>
              tpu.wait_indirect_dma semaphore(%arg16 : memref<!tpu.dma_semaphore, #tpu.memory_space<semaphore_mem>>) src(%dma_wait3A_490 : memref<16x128xf32, #tpu.memory_space<vmem>>) dst(%dma_wait3A_496 : memref<16384x128xf32, #tpu.memory_space<hbm>>)
              %get3A_497 = arith.constant 1 : i32
              %get3A_498 = arith.index_cast %get3A_497 : i32 to index
              %get3A_499 = memref.load %arg14[%get3A_498] : memref<4xi32, #tpu.memory_space<smem>>
              %add3A_500 = arith.constant 1 : i32
              %add3A_501 = arith.addi %get3A_499, %add3A_500 : i32
              %swap3A_502 = arith.constant 1 : i32
              %swap3A_503 = arith.index_cast %swap3A_502 : i32 to index
              %swap3A_504 = memref.load %arg14[%swap3A_503] : memref<4xi32, #tpu.memory_space<smem>>
              memref.store %add3A_501, %arg14[%swap3A_503] : memref<4xi32, #tpu.memory_space<smem>>
            } else {
            }
            %broadcast_in_dim3A_425 = vector.broadcast %sub3A_407 : i32 to vector<16xi32>
            %add3A_426 = arith.constant 0 : i32
            %add3A_427 = vector.broadcast %add3A_426 : i32 to vector<16xi32>
            %add3A_428 = arith.addi %iota3A, %add3A_427 : vector<16xi32>
            %gather3A = tpu.vector_load_idx %arg8[%broadcast_in_dim3A, %add3A_428, %broadcast_in_dim3A_425] : memref<2x64x512xf32, #tpu.memory_space<vmem>>[vector<16xi32>, vector<16xi32>, vector<16xi32>], vector<16xf32>,
            %mul3A_429 = arith.constant 8.000000e+00 : f32
            %mul3A_430 = vector.broadcast %mul3A_429 : f32 to vector<16xf32>
            %mul3A_431 = arith.mulf %gather3A, %mul3A_430 : vector<16xf32>
            %swap3A_432 = arith.index_cast %and3A_416 : i32 to index
            %swap3A_433 = arith.index_cast %and3A_412 : i32 to index
            %swap3A_434 = arith.constant 0 : index
            %swap3A_435 = tpu.vector_load %arg10[%swap3A_432, %swap3A_433, %swap3A_434] {strides = array<i32>} : memref<2x16x128xf32, #tpu.memory_space<vmem>>, vector<16xf32>,
            tpu.vector_store %arg10[%swap3A_432, %swap3A_433, %swap3A_434], %mul3A_431 {strides = array<i32>} : memref<2x16x128xf32, #tpu.memory_space<vmem>>, vector<16xf32>,
            %add3A_436 = arith.constant 16 : i32
            %add3A_437 = vector.broadcast %add3A_436 : i32 to vector<16xi32>
            %add3A_438 = arith.addi %iota3A, %add3A_437 : vector<16xi32>
            %gather3A_439 = tpu.vector_load_idx %arg8[%broadcast_in_dim3A, %add3A_438, %broadcast_in_dim3A_425] : memref<2x64x512xf32, #tpu.memory_space<vmem>>[vector<16xi32>, vector<16xi32>, vector<16xi32>], vector<16xf32>,
            %mul3A_440 = arith.constant 8.000000e+00 : f32
            %mul3A_441 = vector.broadcast %mul3A_440 : f32 to vector<16xf32>
            %mul3A_442 = arith.mulf %gather3A_439, %mul3A_441 : vector<16xf32>
            %swap3A_443 = arith.index_cast %and3A_416 : i32 to index
            %swap3A_444 = arith.index_cast %and3A_412 : i32 to index
            %swap3A_445 = arith.constant 16 : index
            %swap3A_446 = tpu.vector_load %arg10[%swap3A_443, %swap3A_444, %swap3A_445] {strides = array<i32>} : memref<2x16x128xf32, #tpu.memory_space<vmem>>, vector<16xf32>,
            tpu.vector_store %arg10[%swap3A_443, %swap3A_444, %swap3A_445], %mul3A_442 {strides = array<i32>} : memref<2x16x128xf32, #tpu.memory_space<vmem>>, vector<16xf32>,
            %add3A_447 = arith.constant 32 : i32
            %add3A_448 = vector.broadcast %add3A_447 : i32 to vector<16xi32>
            %add3A_449 = arith.addi %iota3A, %add3A_448 : vector<16xi32>
            %gather3A_450 = tpu.vector_load_idx %arg8[%broadcast_in_dim3A, %add3A_449, %broadcast_in_dim3A_425] : memref<2x64x512xf32, #tpu.memory_space<vmem>>[vector<16xi32>, vector<16xi32>, vector<16xi32>], vector<16xf32>,
            %mul3A_451 = arith.constant 8.000000e+00 : f32
            %mul3A_452 = vector.broadcast %mul3A_451 : f32 to vector<16xf32>
            %mul3A_453 = arith.mulf %gather3A_450, %mul3A_452 : vector<16xf32>
            %swap3A_454 = arith.index_cast %and3A_416 : i32 to index
            %swap3A_455 = arith.index_cast %and3A_412 : i32 to index
            %swap3A_456 = arith.constant 32 : index
            %swap3A_457 = tpu.vector_load %arg10[%swap3A_454, %swap3A_455, %swap3A_456] {strides = array<i32>} : memref<2x16x128xf32, #tpu.memory_space<vmem>>, vector<16xf32>,
            tpu.vector_store %arg10[%swap3A_454, %swap3A_455, %swap3A_456], %mul3A_453 {strides = array<i32>} : memref<2x16x128xf32, #tpu.memory_space<vmem>>, vector<16xf32>,
            %add3A_458 = arith.constant 48 : i32
            %add3A_459 = vector.broadcast %add3A_458 : i32 to vector<16xi32>
            %add3A_460 = arith.addi %iota3A, %add3A_459 : vector<16xi32>
            %gather3A_461 = tpu.vector_load_idx %arg8[%broadcast_in_dim3A, %add3A_460, %broadcast_in_dim3A_425] : memref<2x64x512xf32, #tpu.memory_space<vmem>>[vector<16xi32>, vector<16xi32>, vector<16xi32>], vector<16xf32>,
            %mul3A_462 = arith.constant 8.000000e+00 : f32
            %mul3A_463 = vector.broadcast %mul3A_462 : f32 to vector<16xf32>
            %mul3A_464 = arith.mulf %gather3A_461, %mul3A_463 : vector<16xf32>
            %swap3A_465 = arith.index_cast %and3A_416 : i32 to index
            %swap3A_466 = arith.index_cast %and3A_412 : i32 to index
            %swap3A_467 = arith.constant 48 : index
            %swap3A_468 = tpu.vector_load %arg10[%swap3A_465, %swap3A_466, %swap3A_467] {strides = array<i32>} : memref<2x16x128xf32, #tpu.memory_space<vmem>>, vector<16xf32>,
            tpu.vector_store %arg10[%swap3A_465, %swap3A_466, %swap3A_467], %mul3A_464 {strides = array<i32>} : memref<2x16x128xf32, #tpu.memory_space<vmem>>, vector<16xf32>,
            %broadcast_in_dim3A_469 = vector.broadcast %and3A_416 : i32 to vector<16xi32>
            %broadcast_in_dim3A_470 = vector.broadcast %and3A_412 : i32 to vector<16xi32>
            %broadcast_in_dim3A_471 = vector.broadcast %squeeze3A_406 : i32 to vector<16xi32>
            tpu.vector_store_idx %arg11[%broadcast_in_dim3A_469, %broadcast_in_dim3A_470], %broadcast_in_dim3A_471 masked %eq3A_254 : memref<2x16xi32, #tpu.memory_space<vmem>>[vector<16xi32>, vector<16xi32>], vector<16xi32>, vector<16xi1>
            %swap3A_472 = arith.constant 2 : i32
            %swap3A_473 = arith.index_cast %swap3A_472 : i32 to index
            %swap3A_474 = memref.load %arg14[%swap3A_473] : memref<4xi32, #tpu.memory_space<smem>>
            memref.store %squeeze3A_406, %arg14[%swap3A_473] : memref<4xi32, #tpu.memory_space<smem>>
            %eq3A_475 = arith.constant 15 : i32
            %eq3A_476 = arith.cmpi eq, %and3A_412, %eq3A_475 : i32
            %convert_element_type3A_477 = arith.extui %eq3A_476 : i1 to i32
            %cond3A_478 = arith.constant 0 : i32
            %cond3A_479 = arith.cmpi ne, %convert_element_type3A_477, %cond3A_478 : i32
            scf.if %cond3A_479 {
              %dma_start3A_485 = arith.constant 0 : i32
              %dma_start3A_486 = arith.constant 0 : i32
              %dma_start3A_487 = tpu.memref_slice %arg10[%and3A_416, %dma_start3A_485, %dma_start3A_486] : memref<2x16x128xf32, #tpu.memory_space<vmem>> -> memref<1x16x128xf32, #tpu.memory_space<vmem>>
              %dma_start3A_488 = tpu.memref_squeeze %dma_start3A_487 : memref<1x16x128xf32, #tpu.memory_space<vmem>> -> memref<16x128xf32, #tpu.memory_space<vmem>>
              %dma_start3A_489 = arith.constant 0 : i32
              %dma_start3A_490 = tpu.memref_slice %arg11[%and3A_416, %dma_start3A_489] : memref<2x16xi32, #tpu.memory_space<vmem>> -> memref<1x16xi32, #tpu.memory_space<vmem>>
              %dma_start3A_491 = tpu.memref_squeeze %dma_start3A_490 : memref<1x16xi32, #tpu.memory_space<vmem>> -> memref<16xi32, #tpu.memory_space<vmem>>
              %dma_start3A_492 = arith.constant 0 : i32
              %dma_start3A_493 = arith.constant 0 : i32
              %dma_start3A_494 = tpu.memref_slice %arg4[%dma_start3A_492, %dma_start3A_493] : memref<16384x128xf32, #tpu.memory_space<hbm>> -> memref<16384x128xf32, #tpu.memory_space<hbm>>
              tpu.enqueue_indirect_dma source(%dma_start3A_488 : memref<16x128xf32, #tpu.memory_space<vmem>>) target(%dma_start3A_494 : memref<16384x128xf32, #tpu.memory_space<hbm>>) offsets(%dma_start3A_491 : memref<16xi32, #tpu.memory_space<vmem>>) semaphore(%arg16 : memref<!tpu.dma_semaphore, #tpu.memory_space<semaphore_mem>>)
            } else {
            }
            %add3A_480 = arith.constant 1 : i32
            %add3A_481 = arith.addi %get3A_410, %add3A_480 : i32
            %swap3A_482 = arith.constant 0 : i32
            %swap3A_483 = arith.index_cast %swap3A_482 : i32 to index
            %swap3A_484 = memref.load %arg14[%swap3A_483] : memref<4xi32, #tpu.memory_space<smem>>
            memref.store %add3A_481, %arg14[%swap3A_483] : memref<4xi32, #tpu.memory_space<smem>>
          }
          %while3A_397 = arith.constant 1 : i32
          scf.for %while3A_398 = %while3A_395 to %while3A_391 step %while3A_397  : i32 {
            %get3A_399 = arith.index_cast %while3A_398 : i32 to index
            %get3A_400 = tpu.vector_load %arg12[%get3A_399] {strides = array<i32>} : memref<32xi32, #tpu.memory_space<vmem>>, vector<16xi32>,
            %slice3A_401 = vector.extract_strided_slice %get3A_400 {offsets = [0], sizes = [1], strides = [1]} : vector<16xi32> to vector<1xi32>
            %squeeze3A_402 = vector.extract %slice3A_401[0] : i32 from vector<1xi32>
            %get3A_403 = arith.index_cast %while3A_398 : i32 to index
            %get3A_404 = tpu.vector_load %arg13[%get3A_403] {strides = array<i32>} : memref<32xi32, #tpu.memory_space<vmem>>, vector<16xi32>,
            %slice3A_405 = vector.extract_strided_slice %get3A_404 {offsets = [0], sizes = [1], strides = [1]} : vector<16xi32> to vector<1xi32>
            %squeeze3A_406 = vector.extract %slice3A_405[0] : i32 from vector<1xi32>
            %sub3A_407 = arith.subi %squeeze3A_402, %add3A_342 : i32
            %get3A_408 = arith.constant 0 : i32
            %get3A_409 = arith.index_cast %get3A_408 : i32 to index
            %get3A_410 = memref.load %arg14[%get3A_409] : memref<4xi32, #tpu.memory_space<smem>>
            %and3A_411 = arith.constant 15 : i32
            %and3A_412 = arith.andi %get3A_410, %and3A_411 : i32
            %shift_right_logical3A_413 = arith.constant 4 : i32
            %shift_right_logical3A_414 = arith.shrui %get3A_410, %shift_right_logical3A_413 : i32
            %and3A_415 = arith.constant 1 : i32
            %and3A_416 = arith.andi %shift_right_logical3A_414, %and3A_415 : i32
            %eq3A_417 = arith.constant 0 : i32
            %eq3A_418 = arith.cmpi eq, %and3A_412, %eq3A_417 : i32
            %ge3A_419 = arith.constant 32 : i32
            %ge3A_420 = arith.cmpi sge, %get3A_410, %ge3A_419 : i32
            %and3A_421 = arith.andi %eq3A_418, %ge3A_420 : i1
            %convert_element_type3A_422 = arith.extui %and3A_421 : i1 to i32
            %cond3A_423 = arith.constant 0 : i32
            %cond3A_424 = arith.cmpi ne, %convert_element_type3A_422, %cond3A_423 : i32
            scf.if %cond3A_424 {
              %dma_wait3A_485 = arith.constant 0 : i32
              %dma_wait3A_486 = arith.constant 0 : i32
              %dma_wait3A_487 = arith.constant 0 : i32
              %dma_wait3A_488 = arith.constant 0 : i32
              %dma_wait3A_489 = tpu.memref_slice %arg10[%dma_wait3A_485, %dma_wait3A_487, %dma_wait3A_488] : memref<2x16x128xf32, #tpu.memory_space<vmem>> -> memref<1x16x128xf32, #tpu.memory_space<vmem>>
              %dma_wait3A_490 = tpu.memref_squeeze %dma_wait3A_489 : memref<1x16x128xf32, #tpu.memory_space<vmem>> -> memref<16x128xf32, #tpu.memory_space<vmem>>
              %dma_wait3A_491 = arith.constant 0 : i32
              %dma_wait3A_492 = tpu.memref_slice %arg11[%dma_wait3A_486, %dma_wait3A_491] : memref<2x16xi32, #tpu.memory_space<vmem>> -> memref<1x16xi32, #tpu.memory_space<vmem>>
              %dma_wait3A_493 = tpu.memref_squeeze %dma_wait3A_492 : memref<1x16xi32, #tpu.memory_space<vmem>> -> memref<16xi32, #tpu.memory_space<vmem>>
              %dma_wait3A_494 = arith.constant 0 : i32
              %dma_wait3A_495 = arith.constant 0 : i32
              %dma_wait3A_496 = tpu.memref_slice %arg4[%dma_wait3A_494, %dma_wait3A_495] : memref<16384x128xf32, #tpu.memory_space<hbm>> -> memref<16384x128xf32, #tpu.memory_space<hbm>>
              tpu.wait_indirect_dma semaphore(%arg16 : memref<!tpu.dma_semaphore, #tpu.memory_space<semaphore_mem>>) src(%dma_wait3A_490 : memref<16x128xf32, #tpu.memory_space<vmem>>) dst(%dma_wait3A_496 : memref<16384x128xf32, #tpu.memory_space<hbm>>)
              %get3A_497 = arith.constant 1 : i32
              %get3A_498 = arith.index_cast %get3A_497 : i32 to index
              %get3A_499 = memref.load %arg14[%get3A_498] : memref<4xi32, #tpu.memory_space<smem>>
              %add3A_500 = arith.constant 1 : i32
              %add3A_501 = arith.addi %get3A_499, %add3A_500 : i32
              %swap3A_502 = arith.constant 1 : i32
              %swap3A_503 = arith.index_cast %swap3A_502 : i32 to index
              %swap3A_504 = memref.load %arg14[%swap3A_503] : memref<4xi32, #tpu.memory_space<smem>>
              memref.store %add3A_501, %arg14[%swap3A_503] : memref<4xi32, #tpu.memory_space<smem>>
            } else {
            }
            %broadcast_in_dim3A_425 = vector.broadcast %sub3A_407 : i32 to vector<16xi32>
            %add3A_426 = arith.constant 0 : i32
            %add3A_427 = vector.broadcast %add3A_426 : i32 to vector<16xi32>
            %add3A_428 = arith.addi %iota3A, %add3A_427 : vector<16xi32>
            %gather3A = tpu.vector_load_idx %arg8[%broadcast_in_dim3A, %add3A_428, %broadcast_in_dim3A_425] : memref<2x64x512xf32, #tpu.memory_space<vmem>>[vector<16xi32>, vector<16xi32>, vector<16xi32>], vector<16xf32>,
            %mul3A_429 = arith.constant 8.000000e+00 : f32
            %mul3A_430 = vector.broadcast %mul3A_429 : f32 to vector<16xf32>
            %mul3A_431 = arith.mulf %gather3A, %mul3A_430 : vector<16xf32>
            %swap3A_432 = arith.index_cast %and3A_416 : i32 to index
            %swap3A_433 = arith.index_cast %and3A_412 : i32 to index
            %swap3A_434 = arith.constant 0 : index
            %swap3A_435 = tpu.vector_load %arg10[%swap3A_432, %swap3A_433, %swap3A_434] {strides = array<i32>} : memref<2x16x128xf32, #tpu.memory_space<vmem>>, vector<16xf32>,
            tpu.vector_store %arg10[%swap3A_432, %swap3A_433, %swap3A_434], %mul3A_431 {strides = array<i32>} : memref<2x16x128xf32, #tpu.memory_space<vmem>>, vector<16xf32>,
            %add3A_436 = arith.constant 16 : i32
            %add3A_437 = vector.broadcast %add3A_436 : i32 to vector<16xi32>
            %add3A_438 = arith.addi %iota3A, %add3A_437 : vector<16xi32>
            %gather3A_439 = tpu.vector_load_idx %arg8[%broadcast_in_dim3A, %add3A_438, %broadcast_in_dim3A_425] : memref<2x64x512xf32, #tpu.memory_space<vmem>>[vector<16xi32>, vector<16xi32>, vector<16xi32>], vector<16xf32>,
            %mul3A_440 = arith.constant 8.000000e+00 : f32
            %mul3A_441 = vector.broadcast %mul3A_440 : f32 to vector<16xf32>
            %mul3A_442 = arith.mulf %gather3A_439, %mul3A_441 : vector<16xf32>
            %swap3A_443 = arith.index_cast %and3A_416 : i32 to index
            %swap3A_444 = arith.index_cast %and3A_412 : i32 to index
            %swap3A_445 = arith.constant 16 : index
            %swap3A_446 = tpu.vector_load %arg10[%swap3A_443, %swap3A_444, %swap3A_445] {strides = array<i32>} : memref<2x16x128xf32, #tpu.memory_space<vmem>>, vector<16xf32>,
            tpu.vector_store %arg10[%swap3A_443, %swap3A_444, %swap3A_445], %mul3A_442 {strides = array<i32>} : memref<2x16x128xf32, #tpu.memory_space<vmem>>, vector<16xf32>,
            %add3A_447 = arith.constant 32 : i32
            %add3A_448 = vector.broadcast %add3A_447 : i32 to vector<16xi32>
            %add3A_449 = arith.addi %iota3A, %add3A_448 : vector<16xi32>
            %gather3A_450 = tpu.vector_load_idx %arg8[%broadcast_in_dim3A, %add3A_449, %broadcast_in_dim3A_425] : memref<2x64x512xf32, #tpu.memory_space<vmem>>[vector<16xi32>, vector<16xi32>, vector<16xi32>], vector<16xf32>,
            %mul3A_451 = arith.constant 8.000000e+00 : f32
            %mul3A_452 = vector.broadcast %mul3A_451 : f32 to vector<16xf32>
            %mul3A_453 = arith.mulf %gather3A_450, %mul3A_452 : vector<16xf32>
            %swap3A_454 = arith.index_cast %and3A_416 : i32 to index
            %swap3A_455 = arith.index_cast %and3A_412 : i32 to index
            %swap3A_456 = arith.constant 32 : index
            %swap3A_457 = tpu.vector_load %arg10[%swap3A_454, %swap3A_455, %swap3A_456] {strides = array<i32>} : memref<2x16x128xf32, #tpu.memory_space<vmem>>, vector<16xf32>,
            tpu.vector_store %arg10[%swap3A_454, %swap3A_455, %swap3A_456], %mul3A_453 {strides = array<i32>} : memref<2x16x128xf32, #tpu.memory_space<vmem>>, vector<16xf32>,
            %add3A_458 = arith.constant 48 : i32
            %add3A_459 = vector.broadcast %add3A_458 : i32 to vector<16xi32>
            %add3A_460 = arith.addi %iota3A, %add3A_459 : vector<16xi32>
            %gather3A_461 = tpu.vector_load_idx %arg8[%broadcast_in_dim3A, %add3A_460, %broadcast_in_dim3A_425] : memref<2x64x512xf32, #tpu.memory_space<vmem>>[vector<16xi32>, vector<16xi32>, vector<16xi32>], vector<16xf32>,
            %mul3A_462 = arith.constant 8.000000e+00 : f32
            %mul3A_463 = vector.broadcast %mul3A_462 : f32 to vector<16xf32>
            %mul3A_464 = arith.mulf %gather3A_461, %mul3A_463 : vector<16xf32>
            %swap3A_465 = arith.index_cast %and3A_416 : i32 to index
            %swap3A_466 = arith.index_cast %and3A_412 : i32 to index
            %swap3A_467 = arith.constant 48 : index
            %swap3A_468 = tpu.vector_load %arg10[%swap3A_465, %swap3A_466, %swap3A_467] {strides = array<i32>} : memref<2x16x128xf32, #tpu.memory_space<vmem>>, vector<16xf32>,
            tpu.vector_store %arg10[%swap3A_465, %swap3A_466, %swap3A_467], %mul3A_464 {strides = array<i32>} : memref<2x16x128xf32, #tpu.memory_space<vmem>>, vector<16xf32>,
            %broadcast_in_dim3A_469 = vector.broadcast %and3A_416 : i32 to vector<16xi32>
            %broadcast_in_dim3A_470 = vector.broadcast %and3A_412 : i32 to vector<16xi32>
            %broadcast_in_dim3A_471 = vector.broadcast %squeeze3A_406 : i32 to vector<16xi32>
            tpu.vector_store_idx %arg11[%broadcast_in_dim3A_469, %broadcast_in_dim3A_470], %broadcast_in_dim3A_471 masked %eq3A_254 : memref<2x16xi32, #tpu.memory_space<vmem>>[vector<16xi32>, vector<16xi32>], vector<16xi32>, vector<16xi1>
            %swap3A_472 = arith.constant 2 : i32
            %swap3A_473 = arith.index_cast %swap3A_472 : i32 to index
            %swap3A_474 = memref.load %arg14[%swap3A_473] : memref<4xi32, #tpu.memory_space<smem>>
            memref.store %squeeze3A_406, %arg14[%swap3A_473] : memref<4xi32, #tpu.memory_space<smem>>
            %eq3A_475 = arith.constant 15 : i32
            %eq3A_476 = arith.cmpi eq, %and3A_412, %eq3A_475 : i32
            %convert_element_type3A_477 = arith.extui %eq3A_476 : i1 to i32
            %cond3A_478 = arith.constant 0 : i32
            %cond3A_479 = arith.cmpi ne, %convert_element_type3A_477, %cond3A_478 : i32
            scf.if %cond3A_479 {
              %dma_start3A_485 = arith.constant 0 : i32
              %dma_start3A_486 = arith.constant 0 : i32
              %dma_start3A_487 = tpu.memref_slice %arg10[%and3A_416, %dma_start3A_485, %dma_start3A_486] : memref<2x16x128xf32, #tpu.memory_space<vmem>> -> memref<1x16x128xf32, #tpu.memory_space<vmem>>
              %dma_start3A_488 = tpu.memref_squeeze %dma_start3A_487 : memref<1x16x128xf32, #tpu.memory_space<vmem>> -> memref<16x128xf32, #tpu.memory_space<vmem>>
              %dma_start3A_489 = arith.constant 0 : i32
              %dma_start3A_490 = tpu.memref_slice %arg11[%and3A_416, %dma_start3A_489] : memref<2x16xi32, #tpu.memory_space<vmem>> -> memref<1x16xi32, #tpu.memory_space<vmem>>
              %dma_start3A_491 = tpu.memref_squeeze %dma_start3A_490 : memref<1x16xi32, #tpu.memory_space<vmem>> -> memref<16xi32, #tpu.memory_space<vmem>>
              %dma_start3A_492 = arith.constant 0 : i32
              %dma_start3A_493 = arith.constant 0 : i32
              %dma_start3A_494 = tpu.memref_slice %arg4[%dma_start3A_492, %dma_start3A_493] : memref<16384x128xf32, #tpu.memory_space<hbm>> -> memref<16384x128xf32, #tpu.memory_space<hbm>>
              tpu.enqueue_indirect_dma source(%dma_start3A_488 : memref<16x128xf32, #tpu.memory_space<vmem>>) target(%dma_start3A_494 : memref<16384x128xf32, #tpu.memory_space<hbm>>) offsets(%dma_start3A_491 : memref<16xi32, #tpu.memory_space<vmem>>) semaphore(%arg16 : memref<!tpu.dma_semaphore, #tpu.memory_space<semaphore_mem>>)
            } else {
            }
            %add3A_480 = arith.constant 1 : i32
            %add3A_481 = arith.addi %get3A_410, %add3A_480 : i32
            %swap3A_482 = arith.constant 0 : i32
            %swap3A_483 = arith.index_cast %swap3A_482 : i32 to index
            %swap3A_484 = memref.load %arg14[%swap3A_483] : memref<4xi32, #tpu.memory_space<smem>>
            memref.store %add3A_481, %arg14[%swap3A_483] : memref<4xi32, #tpu.memory_space<smem>>
          }
        } else {
        }
      }
      %while3A_352 = arith.constant 1 : i32
      scf.for %while3A_358 = %while3A_350 to %while3A_346 step %while3A_352  : i32 {
        %mul3A_359 = arith.constant 16 : i32
        %mul3A_360 = arith.muli %while3A_358, %mul3A_359 : i32
        %get3A_361 = arith.index_cast %mul3A_360 : i32 to index
        %get3A_362 = tpu.vector_load %arg6[%get3A_361] {strides = array<i32>} : memref<16400xi32, #tpu.memory_space<vmem>>, vector<16xi32>,
        %mul3A_363 = arith.constant 16 : i32
        %mul3A_364 = arith.muli %while3A_358, %mul3A_363 : i32
        %get3A_365 = arith.index_cast %mul3A_364 : i32 to index
        %get3A_366 = tpu.vector_load %arg7[%get3A_365] {strides = array<i32>} : memref<16400xi32, #tpu.memory_space<vmem>>, vector<16xi32>,
        %mul3A_367 = arith.constant 16 : i32
        %mul3A_368 = arith.muli %while3A_358, %mul3A_367 : i32
        %sub3A_369 = arith.subi %scan3A_228, %mul3A_368 : i32
        %lt3A_370 = vector.broadcast %sub3A_369 : i32 to vector<16xi32>
        %lt3A_371 = arith.cmpi slt, %iota3A, %lt3A_370 : vector<16xi32>
        %ge3A = vector.broadcast %add3A_342 : i32 to vector<16xi32>
        %ge3A_372 = arith.cmpi sge, %get3A_362, %ge3A : vector<16xi32>
        %and3A_373 = arith.andi %lt3A_371, %ge3A_372 : vector<16xi1>
        %add3A_374 = arith.constant 512 : i32
        %add3A_375 = arith.addi %add3A_342, %add3A_374 : i32
        %lt3A_376 = vector.broadcast %add3A_375 : i32 to vector<16xi32>
        %lt3A_377 = arith.cmpi slt, %get3A_362, %lt3A_376 : vector<16xi32>
        %and3A_378 = arith.andi %and3A_373, %lt3A_377 : vector<16xi1>
        %all_reduce_population_count3A = tpu.all_reduce %and3A_378 {dim = 0 : i64, kind = #tpu.reduction_kind<sum>} : vector<16xi1> -> vector<16xi32>
        %slice3A = vector.extract_strided_slice %all_reduce_population_count3A {offsets = [0], sizes = [1], strides = [1]} : vector<16xi32> to vector<1xi32>
        %squeeze3A = vector.extract %slice3A[0] : i32 from vector<1xi32>
        %gt3A_379 = arith.constant 0 : i32
        %gt3A_380 = arith.cmpi sgt, %squeeze3A, %gt3A_379 : i32
        %convert_element_type3A_381 = arith.extui %gt3A_380 : i1 to i32
        %cond3A_382 = arith.constant 0 : i32
        %cond3A_383 = arith.cmpi ne, %convert_element_type3A_381, %cond3A_382 : i32
        scf.if %cond3A_383 {
          %swap3A_384 = arith.constant 0 : index
          %swap3A_385 = tpu.vector_load %arg12[%swap3A_384] masked %and3A_378 {strides = array<i32>} : memref<32xi32, #tpu.memory_space<vmem>>, vector<16xi32>, vector<16xi1>
          tpu.vector_store %arg12[%swap3A_384], %get3A_362 masked %and3A_378 {strides = array<i32>} : memref<32xi32, #tpu.memory_space<vmem>>, vector<16xi32>, vector<16xi1>
          %swap3A_386 = arith.constant 0 : index
          %swap3A_387 = tpu.vector_load %arg13[%swap3A_386] masked %and3A_378 {strides = array<i32>} : memref<32xi32, #tpu.memory_space<vmem>>, vector<16xi32>, vector<16xi1>
          tpu.vector_store %arg13[%swap3A_386], %get3A_366 masked %and3A_378 {strides = array<i32>} : memref<32xi32, #tpu.memory_space<vmem>>, vector<16xi32>, vector<16xi1>
          %while3A_388 = arith.constant 0 : i32
          %while3A_389 = arith.constant 0 : i32
          %while3A_390 = arith.subi %squeeze3A, %while3A_389 : i32
          %while3A_391 = arith.addi %while3A_389, %while3A_390 : i32
          %while3A_392 = arith.constant 1 : i32
          %while3A_393 = arith.divsi %while3A_390, %while3A_392 : i32
          %while3A_394 = arith.muli %while3A_393, %while3A_392 : i32
          %while3A_395 = arith.addi %while3A_389, %while3A_394 : i32
          %while3A_396 = arith.constant 1 : i32
          scf.for %while3A_398 = %while3A_389 to %while3A_395 step %while3A_396  : i32 {
            %get3A_399 = arith.index_cast %while3A_398 : i32 to index
            %get3A_400 = tpu.vector_load %arg12[%get3A_399] {strides = array<i32>} : memref<32xi32, #tpu.memory_space<vmem>>, vector<16xi32>,
            %slice3A_401 = vector.extract_strided_slice %get3A_400 {offsets = [0], sizes = [1], strides = [1]} : vector<16xi32> to vector<1xi32>
            %squeeze3A_402 = vector.extract %slice3A_401[0] : i32 from vector<1xi32>
            %get3A_403 = arith.index_cast %while3A_398 : i32 to index
            %get3A_404 = tpu.vector_load %arg13[%get3A_403] {strides = array<i32>} : memref<32xi32, #tpu.memory_space<vmem>>, vector<16xi32>,
            %slice3A_405 = vector.extract_strided_slice %get3A_404 {offsets = [0], sizes = [1], strides = [1]} : vector<16xi32> to vector<1xi32>
            %squeeze3A_406 = vector.extract %slice3A_405[0] : i32 from vector<1xi32>
            %sub3A_407 = arith.subi %squeeze3A_402, %add3A_342 : i32
            %get3A_408 = arith.constant 0 : i32
            %get3A_409 = arith.index_cast %get3A_408 : i32 to index
            %get3A_410 = memref.load %arg14[%get3A_409] : memref<4xi32, #tpu.memory_space<smem>>
            %and3A_411 = arith.constant 15 : i32
            %and3A_412 = arith.andi %get3A_410, %and3A_411 : i32
            %shift_right_logical3A_413 = arith.constant 4 : i32
            %shift_right_logical3A_414 = arith.shrui %get3A_410, %shift_right_logical3A_413 : i32
            %and3A_415 = arith.constant 1 : i32
            %and3A_416 = arith.andi %shift_right_logical3A_414, %and3A_415 : i32
            %eq3A_417 = arith.constant 0 : i32
            %eq3A_418 = arith.cmpi eq, %and3A_412, %eq3A_417 : i32
            %ge3A_419 = arith.constant 32 : i32
            %ge3A_420 = arith.cmpi sge, %get3A_410, %ge3A_419 : i32
            %and3A_421 = arith.andi %eq3A_418, %ge3A_420 : i1
            %convert_element_type3A_422 = arith.extui %and3A_421 : i1 to i32
            %cond3A_423 = arith.constant 0 : i32
            %cond3A_424 = arith.cmpi ne, %convert_element_type3A_422, %cond3A_423 : i32
            scf.if %cond3A_424 {
              %dma_wait3A_485 = arith.constant 0 : i32
              %dma_wait3A_486 = arith.constant 0 : i32
              %dma_wait3A_487 = arith.constant 0 : i32
              %dma_wait3A_488 = arith.constant 0 : i32
              %dma_wait3A_489 = tpu.memref_slice %arg10[%dma_wait3A_485, %dma_wait3A_487, %dma_wait3A_488] : memref<2x16x128xf32, #tpu.memory_space<vmem>> -> memref<1x16x128xf32, #tpu.memory_space<vmem>>
              %dma_wait3A_490 = tpu.memref_squeeze %dma_wait3A_489 : memref<1x16x128xf32, #tpu.memory_space<vmem>> -> memref<16x128xf32, #tpu.memory_space<vmem>>
              %dma_wait3A_491 = arith.constant 0 : i32
              %dma_wait3A_492 = tpu.memref_slice %arg11[%dma_wait3A_486, %dma_wait3A_491] : memref<2x16xi32, #tpu.memory_space<vmem>> -> memref<1x16xi32, #tpu.memory_space<vmem>>
              %dma_wait3A_493 = tpu.memref_squeeze %dma_wait3A_492 : memref<1x16xi32, #tpu.memory_space<vmem>> -> memref<16xi32, #tpu.memory_space<vmem>>
              %dma_wait3A_494 = arith.constant 0 : i32
              %dma_wait3A_495 = arith.constant 0 : i32
              %dma_wait3A_496 = tpu.memref_slice %arg4[%dma_wait3A_494, %dma_wait3A_495] : memref<16384x128xf32, #tpu.memory_space<hbm>> -> memref<16384x128xf32, #tpu.memory_space<hbm>>
              tpu.wait_indirect_dma semaphore(%arg16 : memref<!tpu.dma_semaphore, #tpu.memory_space<semaphore_mem>>) src(%dma_wait3A_490 : memref<16x128xf32, #tpu.memory_space<vmem>>) dst(%dma_wait3A_496 : memref<16384x128xf32, #tpu.memory_space<hbm>>)
              %get3A_497 = arith.constant 1 : i32
              %get3A_498 = arith.index_cast %get3A_497 : i32 to index
              %get3A_499 = memref.load %arg14[%get3A_498] : memref<4xi32, #tpu.memory_space<smem>>
              %add3A_500 = arith.constant 1 : i32
              %add3A_501 = arith.addi %get3A_499, %add3A_500 : i32
              %swap3A_502 = arith.constant 1 : i32
              %swap3A_503 = arith.index_cast %swap3A_502 : i32 to index
              %swap3A_504 = memref.load %arg14[%swap3A_503] : memref<4xi32, #tpu.memory_space<smem>>
              memref.store %add3A_501, %arg14[%swap3A_503] : memref<4xi32, #tpu.memory_space<smem>>
            } else {
            }
            %broadcast_in_dim3A_425 = vector.broadcast %sub3A_407 : i32 to vector<16xi32>
            %add3A_426 = arith.constant 0 : i32
            %add3A_427 = vector.broadcast %add3A_426 : i32 to vector<16xi32>
            %add3A_428 = arith.addi %iota3A, %add3A_427 : vector<16xi32>
            %gather3A = tpu.vector_load_idx %arg8[%broadcast_in_dim3A, %add3A_428, %broadcast_in_dim3A_425] : memref<2x64x512xf32, #tpu.memory_space<vmem>>[vector<16xi32>, vector<16xi32>, vector<16xi32>], vector<16xf32>,
            %mul3A_429 = arith.constant 8.000000e+00 : f32
            %mul3A_430 = vector.broadcast %mul3A_429 : f32 to vector<16xf32>
            %mul3A_431 = arith.mulf %gather3A, %mul3A_430 : vector<16xf32>
            %swap3A_432 = arith.index_cast %and3A_416 : i32 to index
            %swap3A_433 = arith.index_cast %and3A_412 : i32 to index
            %swap3A_434 = arith.constant 0 : index
            %swap3A_435 = tpu.vector_load %arg10[%swap3A_432, %swap3A_433, %swap3A_434] {strides = array<i32>} : memref<2x16x128xf32, #tpu.memory_space<vmem>>, vector<16xf32>,
            tpu.vector_store %arg10[%swap3A_432, %swap3A_433, %swap3A_434], %mul3A_431 {strides = array<i32>} : memref<2x16x128xf32, #tpu.memory_space<vmem>>, vector<16xf32>,
            %add3A_436 = arith.constant 16 : i32
            %add3A_437 = vector.broadcast %add3A_436 : i32 to vector<16xi32>
            %add3A_438 = arith.addi %iota3A, %add3A_437 : vector<16xi32>
            %gather3A_439 = tpu.vector_load_idx %arg8[%broadcast_in_dim3A, %add3A_438, %broadcast_in_dim3A_425] : memref<2x64x512xf32, #tpu.memory_space<vmem>>[vector<16xi32>, vector<16xi32>, vector<16xi32>], vector<16xf32>,
            %mul3A_440 = arith.constant 8.000000e+00 : f32
            %mul3A_441 = vector.broadcast %mul3A_440 : f32 to vector<16xf32>
            %mul3A_442 = arith.mulf %gather3A_439, %mul3A_441 : vector<16xf32>
            %swap3A_443 = arith.index_cast %and3A_416 : i32 to index
            %swap3A_444 = arith.index_cast %and3A_412 : i32 to index
            %swap3A_445 = arith.constant 16 : index
            %swap3A_446 = tpu.vector_load %arg10[%swap3A_443, %swap3A_444, %swap3A_445] {strides = array<i32>} : memref<2x16x128xf32, #tpu.memory_space<vmem>>, vector<16xf32>,
            tpu.vector_store %arg10[%swap3A_443, %swap3A_444, %swap3A_445], %mul3A_442 {strides = array<i32>} : memref<2x16x128xf32, #tpu.memory_space<vmem>>, vector<16xf32>,
            %add3A_447 = arith.constant 32 : i32
            %add3A_448 = vector.broadcast %add3A_447 : i32 to vector<16xi32>
            %add3A_449 = arith.addi %iota3A, %add3A_448 : vector<16xi32>
            %gather3A_450 = tpu.vector_load_idx %arg8[%broadcast_in_dim3A, %add3A_449, %broadcast_in_dim3A_425] : memref<2x64x512xf32, #tpu.memory_space<vmem>>[vector<16xi32>, vector<16xi32>, vector<16xi32>], vector<16xf32>,
            %mul3A_451 = arith.constant 8.000000e+00 : f32
            %mul3A_452 = vector.broadcast %mul3A_451 : f32 to vector<16xf32>
            %mul3A_453 = arith.mulf %gather3A_450, %mul3A_452 : vector<16xf32>
            %swap3A_454 = arith.index_cast %and3A_416 : i32 to index
            %swap3A_455 = arith.index_cast %and3A_412 : i32 to index
            %swap3A_456 = arith.constant 32 : index
            %swap3A_457 = tpu.vector_load %arg10[%swap3A_454, %swap3A_455, %swap3A_456] {strides = array<i32>} : memref<2x16x128xf32, #tpu.memory_space<vmem>>, vector<16xf32>,
            tpu.vector_store %arg10[%swap3A_454, %swap3A_455, %swap3A_456], %mul3A_453 {strides = array<i32>} : memref<2x16x128xf32, #tpu.memory_space<vmem>>, vector<16xf32>,
            %add3A_458 = arith.constant 48 : i32
            %add3A_459 = vector.broadcast %add3A_458 : i32 to vector<16xi32>
            %add3A_460 = arith.addi %iota3A, %add3A_459 : vector<16xi32>
            %gather3A_461 = tpu.vector_load_idx %arg8[%broadcast_in_dim3A, %add3A_460, %broadcast_in_dim3A_425] : memref<2x64x512xf32, #tpu.memory_space<vmem>>[vector<16xi32>, vector<16xi32>, vector<16xi32>], vector<16xf32>,
            %mul3A_462 = arith.constant 8.000000e+00 : f32
            %mul3A_463 = vector.broadcast %mul3A_462 : f32 to vector<16xf32>
            %mul3A_464 = arith.mulf %gather3A_461, %mul3A_463 : vector<16xf32>
            %swap3A_465 = arith.index_cast %and3A_416 : i32 to index
            %swap3A_466 = arith.index_cast %and3A_412 : i32 to index
            %swap3A_467 = arith.constant 48 : index
            %swap3A_468 = tpu.vector_load %arg10[%swap3A_465, %swap3A_466, %swap3A_467] {strides = array<i32>} : memref<2x16x128xf32, #tpu.memory_space<vmem>>, vector<16xf32>,
            tpu.vector_store %arg10[%swap3A_465, %swap3A_466, %swap3A_467], %mul3A_464 {strides = array<i32>} : memref<2x16x128xf32, #tpu.memory_space<vmem>>, vector<16xf32>,
            %broadcast_in_dim3A_469 = vector.broadcast %and3A_416 : i32 to vector<16xi32>
            %broadcast_in_dim3A_470 = vector.broadcast %and3A_412 : i32 to vector<16xi32>
            %broadcast_in_dim3A_471 = vector.broadcast %squeeze3A_406 : i32 to vector<16xi32>
            tpu.vector_store_idx %arg11[%broadcast_in_dim3A_469, %broadcast_in_dim3A_470], %broadcast_in_dim3A_471 masked %eq3A_254 : memref<2x16xi32, #tpu.memory_space<vmem>>[vector<16xi32>, vector<16xi32>], vector<16xi32>, vector<16xi1>
            %swap3A_472 = arith.constant 2 : i32
            %swap3A_473 = arith.index_cast %swap3A_472 : i32 to index
            %swap3A_474 = memref.load %arg14[%swap3A_473] : memref<4xi32, #tpu.memory_space<smem>>
            memref.store %squeeze3A_406, %arg14[%swap3A_473] : memref<4xi32, #tpu.memory_space<smem>>
            %eq3A_475 = arith.constant 15 : i32
            %eq3A_476 = arith.cmpi eq, %and3A_412, %eq3A_475 : i32
            %convert_element_type3A_477 = arith.extui %eq3A_476 : i1 to i32
            %cond3A_478 = arith.constant 0 : i32
            %cond3A_479 = arith.cmpi ne, %convert_element_type3A_477, %cond3A_478 : i32
            scf.if %cond3A_479 {
              %dma_start3A_485 = arith.constant 0 : i32
              %dma_start3A_486 = arith.constant 0 : i32
              %dma_start3A_487 = tpu.memref_slice %arg10[%and3A_416, %dma_start3A_485, %dma_start3A_486] : memref<2x16x128xf32, #tpu.memory_space<vmem>> -> memref<1x16x128xf32, #tpu.memory_space<vmem>>
              %dma_start3A_488 = tpu.memref_squeeze %dma_start3A_487 : memref<1x16x128xf32, #tpu.memory_space<vmem>> -> memref<16x128xf32, #tpu.memory_space<vmem>>
              %dma_start3A_489 = arith.constant 0 : i32
              %dma_start3A_490 = tpu.memref_slice %arg11[%and3A_416, %dma_start3A_489] : memref<2x16xi32, #tpu.memory_space<vmem>> -> memref<1x16xi32, #tpu.memory_space<vmem>>
              %dma_start3A_491 = tpu.memref_squeeze %dma_start3A_490 : memref<1x16xi32, #tpu.memory_space<vmem>> -> memref<16xi32, #tpu.memory_space<vmem>>
              %dma_start3A_492 = arith.constant 0 : i32
              %dma_start3A_493 = arith.constant 0 : i32
              %dma_start3A_494 = tpu.memref_slice %arg4[%dma_start3A_492, %dma_start3A_493] : memref<16384x128xf32, #tpu.memory_space<hbm>> -> memref<16384x128xf32, #tpu.memory_space<hbm>>
              tpu.enqueue_indirect_dma source(%dma_start3A_488 : memref<16x128xf32, #tpu.memory_space<vmem>>) target(%dma_start3A_494 : memref<16384x128xf32, #tpu.memory_space<hbm>>) offsets(%dma_start3A_491 : memref<16xi32, #tpu.memory_space<vmem>>) semaphore(%arg16 : memref<!tpu.dma_semaphore, #tpu.memory_space<semaphore_mem>>)
            } else {
            }
            %add3A_480 = arith.constant 1 : i32
            %add3A_481 = arith.addi %get3A_410, %add3A_480 : i32
            %swap3A_482 = arith.constant 0 : i32
            %swap3A_483 = arith.index_cast %swap3A_482 : i32 to index
            %swap3A_484 = memref.load %arg14[%swap3A_483] : memref<4xi32, #tpu.memory_space<smem>>
            memref.store %add3A_481, %arg14[%swap3A_483] : memref<4xi32, #tpu.memory_space<smem>>
          }
          %while3A_397 = arith.constant 1 : i32
          scf.for %while3A_398 = %while3A_395 to %while3A_391 step %while3A_397  : i32 {
            %get3A_399 = arith.index_cast %while3A_398 : i32 to index
            %get3A_400 = tpu.vector_load %arg12[%get3A_399] {strides = array<i32>} : memref<32xi32, #tpu.memory_space<vmem>>, vector<16xi32>,
            %slice3A_401 = vector.extract_strided_slice %get3A_400 {offsets = [0], sizes = [1], strides = [1]} : vector<16xi32> to vector<1xi32>
            %squeeze3A_402 = vector.extract %slice3A_401[0] : i32 from vector<1xi32>
            %get3A_403 = arith.index_cast %while3A_398 : i32 to index
            %get3A_404 = tpu.vector_load %arg13[%get3A_403] {strides = array<i32>} : memref<32xi32, #tpu.memory_space<vmem>>, vector<16xi32>,
            %slice3A_405 = vector.extract_strided_slice %get3A_404 {offsets = [0], sizes = [1], strides = [1]} : vector<16xi32> to vector<1xi32>
            %squeeze3A_406 = vector.extract %slice3A_405[0] : i32 from vector<1xi32>
            %sub3A_407 = arith.subi %squeeze3A_402, %add3A_342 : i32
            %get3A_408 = arith.constant 0 : i32
            %get3A_409 = arith.index_cast %get3A_408 : i32 to index
            %get3A_410 = memref.load %arg14[%get3A_409] : memref<4xi32, #tpu.memory_space<smem>>
            %and3A_411 = arith.constant 15 : i32
            %and3A_412 = arith.andi %get3A_410, %and3A_411 : i32
            %shift_right_logical3A_413 = arith.constant 4 : i32
            %shift_right_logical3A_414 = arith.shrui %get3A_410, %shift_right_logical3A_413 : i32
            %and3A_415 = arith.constant 1 : i32
            %and3A_416 = arith.andi %shift_right_logical3A_414, %and3A_415 : i32
            %eq3A_417 = arith.constant 0 : i32
            %eq3A_418 = arith.cmpi eq, %and3A_412, %eq3A_417 : i32
            %ge3A_419 = arith.constant 32 : i32
            %ge3A_420 = arith.cmpi sge, %get3A_410, %ge3A_419 : i32
            %and3A_421 = arith.andi %eq3A_418, %ge3A_420 : i1
            %convert_element_type3A_422 = arith.extui %and3A_421 : i1 to i32
            %cond3A_423 = arith.constant 0 : i32
            %cond3A_424 = arith.cmpi ne, %convert_element_type3A_422, %cond3A_423 : i32
            scf.if %cond3A_424 {
              %dma_wait3A_485 = arith.constant 0 : i32
              %dma_wait3A_486 = arith.constant 0 : i32
              %dma_wait3A_487 = arith.constant 0 : i32
              %dma_wait3A_488 = arith.constant 0 : i32
              %dma_wait3A_489 = tpu.memref_slice %arg10[%dma_wait3A_485, %dma_wait3A_487, %dma_wait3A_488] : memref<2x16x128xf32, #tpu.memory_space<vmem>> -> memref<1x16x128xf32, #tpu.memory_space<vmem>>
              %dma_wait3A_490 = tpu.memref_squeeze %dma_wait3A_489 : memref<1x16x128xf32, #tpu.memory_space<vmem>> -> memref<16x128xf32, #tpu.memory_space<vmem>>
              %dma_wait3A_491 = arith.constant 0 : i32
              %dma_wait3A_492 = tpu.memref_slice %arg11[%dma_wait3A_486, %dma_wait3A_491] : memref<2x16xi32, #tpu.memory_space<vmem>> -> memref<1x16xi32, #tpu.memory_space<vmem>>
              %dma_wait3A_493 = tpu.memref_squeeze %dma_wait3A_492 : memref<1x16xi32, #tpu.memory_space<vmem>> -> memref<16xi32, #tpu.memory_space<vmem>>
              %dma_wait3A_494 = arith.constant 0 : i32
              %dma_wait3A_495 = arith.constant 0 : i32
              %dma_wait3A_496 = tpu.memref_slice %arg4[%dma_wait3A_494, %dma_wait3A_495] : memref<16384x128xf32, #tpu.memory_space<hbm>> -> memref<16384x128xf32, #tpu.memory_space<hbm>>
              tpu.wait_indirect_dma semaphore(%arg16 : memref<!tpu.dma_semaphore, #tpu.memory_space<semaphore_mem>>) src(%dma_wait3A_490 : memref<16x128xf32, #tpu.memory_space<vmem>>) dst(%dma_wait3A_496 : memref<16384x128xf32, #tpu.memory_space<hbm>>)
              %get3A_497 = arith.constant 1 : i32
              %get3A_498 = arith.index_cast %get3A_497 : i32 to index
              %get3A_499 = memref.load %arg14[%get3A_498] : memref<4xi32, #tpu.memory_space<smem>>
              %add3A_500 = arith.constant 1 : i32
              %add3A_501 = arith.addi %get3A_499, %add3A_500 : i32
              %swap3A_502 = arith.constant 1 : i32
              %swap3A_503 = arith.index_cast %swap3A_502 : i32 to index
              %swap3A_504 = memref.load %arg14[%swap3A_503] : memref<4xi32, #tpu.memory_space<smem>>
              memref.store %add3A_501, %arg14[%swap3A_503] : memref<4xi32, #tpu.memory_space<smem>>
            } else {
            }
            %broadcast_in_dim3A_425 = vector.broadcast %sub3A_407 : i32 to vector<16xi32>
            %add3A_426 = arith.constant 0 : i32
            %add3A_427 = vector.broadcast %add3A_426 : i32 to vector<16xi32>
            %add3A_428 = arith.addi %iota3A, %add3A_427 : vector<16xi32>
            %gather3A = tpu.vector_load_idx %arg8[%broadcast_in_dim3A, %add3A_428, %broadcast_in_dim3A_425] : memref<2x64x512xf32, #tpu.memory_space<vmem>>[vector<16xi32>, vector<16xi32>, vector<16xi32>], vector<16xf32>,
            %mul3A_429 = arith.constant 8.000000e+00 : f32
            %mul3A_430 = vector.broadcast %mul3A_429 : f32 to vector<16xf32>
            %mul3A_431 = arith.mulf %gather3A, %mul3A_430 : vector<16xf32>
            %swap3A_432 = arith.index_cast %and3A_416 : i32 to index
            %swap3A_433 = arith.index_cast %and3A_412 : i32 to index
            %swap3A_434 = arith.constant 0 : index
            %swap3A_435 = tpu.vector_load %arg10[%swap3A_432, %swap3A_433, %swap3A_434] {strides = array<i32>} : memref<2x16x128xf32, #tpu.memory_space<vmem>>, vector<16xf32>,
            tpu.vector_store %arg10[%swap3A_432, %swap3A_433, %swap3A_434], %mul3A_431 {strides = array<i32>} : memref<2x16x128xf32, #tpu.memory_space<vmem>>, vector<16xf32>,
            %add3A_436 = arith.constant 16 : i32
            %add3A_437 = vector.broadcast %add3A_436 : i32 to vector<16xi32>
            %add3A_438 = arith.addi %iota3A, %add3A_437 : vector<16xi32>
            %gather3A_439 = tpu.vector_load_idx %arg8[%broadcast_in_dim3A, %add3A_438, %broadcast_in_dim3A_425] : memref<2x64x512xf32, #tpu.memory_space<vmem>>[vector<16xi32>, vector<16xi32>, vector<16xi32>], vector<16xf32>,
            %mul3A_440 = arith.constant 8.000000e+00 : f32
            %mul3A_441 = vector.broadcast %mul3A_440 : f32 to vector<16xf32>
            %mul3A_442 = arith.mulf %gather3A_439, %mul3A_441 : vector<16xf32>
            %swap3A_443 = arith.index_cast %and3A_416 : i32 to index
            %swap3A_444 = arith.index_cast %and3A_412 : i32 to index
            %swap3A_445 = arith.constant 16 : index
            %swap3A_446 = tpu.vector_load %arg10[%swap3A_443, %swap3A_444, %swap3A_445] {strides = array<i32>} : memref<2x16x128xf32, #tpu.memory_space<vmem>>, vector<16xf32>,
            tpu.vector_store %arg10[%swap3A_443, %swap3A_444, %swap3A_445], %mul3A_442 {strides = array<i32>} : memref<2x16x128xf32, #tpu.memory_space<vmem>>, vector<16xf32>,
            %add3A_447 = arith.constant 32 : i32
            %add3A_448 = vector.broadcast %add3A_447 : i32 to vector<16xi32>
            %add3A_449 = arith.addi %iota3A, %add3A_448 : vector<16xi32>
            %gather3A_450 = tpu.vector_load_idx %arg8[%broadcast_in_dim3A, %add3A_449, %broadcast_in_dim3A_425] : memref<2x64x512xf32, #tpu.memory_space<vmem>>[vector<16xi32>, vector<16xi32>, vector<16xi32>], vector<16xf32>,
            %mul3A_451 = arith.constant 8.000000e+00 : f32
            %mul3A_452 = vector.broadcast %mul3A_451 : f32 to vector<16xf32>
            %mul3A_453 = arith.mulf %gather3A_450, %mul3A_452 : vector<16xf32>
            %swap3A_454 = arith.index_cast %and3A_416 : i32 to index
            %swap3A_455 = arith.index_cast %and3A_412 : i32 to index
            %swap3A_456 = arith.constant 32 : index
            %swap3A_457 = tpu.vector_load %arg10[%swap3A_454, %swap3A_455, %swap3A_456] {strides = array<i32>} : memref<2x16x128xf32, #tpu.memory_space<vmem>>, vector<16xf32>,
            tpu.vector_store %arg10[%swap3A_454, %swap3A_455, %swap3A_456], %mul3A_453 {strides = array<i32>} : memref<2x16x128xf32, #tpu.memory_space<vmem>>, vector<16xf32>,
            %add3A_458 = arith.constant 48 : i32
            %add3A_459 = vector.broadcast %add3A_458 : i32 to vector<16xi32>
            %add3A_460 = arith.addi %iota3A, %add3A_459 : vector<16xi32>
            %gather3A_461 = tpu.vector_load_idx %arg8[%broadcast_in_dim3A, %add3A_460, %broadcast_in_dim3A_425] : memref<2x64x512xf32, #tpu.memory_space<vmem>>[vector<16xi32>, vector<16xi32>, vector<16xi32>], vector<16xf32>,
            %mul3A_462 = arith.constant 8.000000e+00 : f32
            %mul3A_463 = vector.broadcast %mul3A_462 : f32 to vector<16xf32>
            %mul3A_464 = arith.mulf %gather3A_461, %mul3A_463 : vector<16xf32>
            %swap3A_465 = arith.index_cast %and3A_416 : i32 to index
            %swap3A_466 = arith.index_cast %and3A_412 : i32 to index
            %swap3A_467 = arith.constant 48 : index
            %swap3A_468 = tpu.vector_load %arg10[%swap3A_465, %swap3A_466, %swap3A_467] {strides = array<i32>} : memref<2x16x128xf32, #tpu.memory_space<vmem>>, vector<16xf32>,
            tpu.vector_store %arg10[%swap3A_465, %swap3A_466, %swap3A_467], %mul3A_464 {strides = array<i32>} : memref<2x16x128xf32, #tpu.memory_space<vmem>>, vector<16xf32>,
            %broadcast_in_dim3A_469 = vector.broadcast %and3A_416 : i32 to vector<16xi32>
            %broadcast_in_dim3A_470 = vector.broadcast %and3A_412 : i32 to vector<16xi32>
            %broadcast_in_dim3A_471 = vector.broadcast %squeeze3A_406 : i32 to vector<16xi32>
            tpu.vector_store_idx %arg11[%broadcast_in_dim3A_469, %broadcast_in_dim3A_470], %broadcast_in_dim3A_471 masked %eq3A_254 : memref<2x16xi32, #tpu.memory_space<vmem>>[vector<16xi32>, vector<16xi32>], vector<16xi32>, vector<16xi1>
            %swap3A_472 = arith.constant 2 : i32
            %swap3A_473 = arith.index_cast %swap3A_472 : i32 to index
            %swap3A_474 = memref.load %arg14[%swap3A_473] : memref<4xi32, #tpu.memory_space<smem>>
            memref.store %squeeze3A_406, %arg14[%swap3A_473] : memref<4xi32, #tpu.memory_space<smem>>
            %eq3A_475 = arith.constant 15 : i32
            %eq3A_476 = arith.cmpi eq, %and3A_412, %eq3A_475 : i32
            %convert_element_type3A_477 = arith.extui %eq3A_476 : i1 to i32
            %cond3A_478 = arith.constant 0 : i32
            %cond3A_479 = arith.cmpi ne, %convert_element_type3A_477, %cond3A_478 : i32
            scf.if %cond3A_479 {
              %dma_start3A_485 = arith.constant 0 : i32
              %dma_start3A_486 = arith.constant 0 : i32
              %dma_start3A_487 = tpu.memref_slice %arg10[%and3A_416, %dma_start3A_485, %dma_start3A_486] : memref<2x16x128xf32, #tpu.memory_space<vmem>> -> memref<1x16x128xf32, #tpu.memory_space<vmem>>
              %dma_start3A_488 = tpu.memref_squeeze %dma_start3A_487 : memref<1x16x128xf32, #tpu.memory_space<vmem>> -> memref<16x128xf32, #tpu.memory_space<vmem>>
              %dma_start3A_489 = arith.constant 0 : i32
              %dma_start3A_490 = tpu.memref_slice %arg11[%and3A_416, %dma_start3A_489] : memref<2x16xi32, #tpu.memory_space<vmem>> -> memref<1x16xi32, #tpu.memory_space<vmem>>
              %dma_start3A_491 = tpu.memref_squeeze %dma_start3A_490 : memref<1x16xi32, #tpu.memory_space<vmem>> -> memref<16xi32, #tpu.memory_space<vmem>>
              %dma_start3A_492 = arith.constant 0 : i32
              %dma_start3A_493 = arith.constant 0 : i32
              %dma_start3A_494 = tpu.memref_slice %arg4[%dma_start3A_492, %dma_start3A_493] : memref<16384x128xf32, #tpu.memory_space<hbm>> -> memref<16384x128xf32, #tpu.memory_space<hbm>>
              tpu.enqueue_indirect_dma source(%dma_start3A_488 : memref<16x128xf32, #tpu.memory_space<vmem>>) target(%dma_start3A_494 : memref<16384x128xf32, #tpu.memory_space<hbm>>) offsets(%dma_start3A_491 : memref<16xi32, #tpu.memory_space<vmem>>) semaphore(%arg16 : memref<!tpu.dma_semaphore, #tpu.memory_space<semaphore_mem>>)
            } else {
            }
            %add3A_480 = arith.constant 1 : i32
            %add3A_481 = arith.addi %get3A_410, %add3A_480 : i32
            %swap3A_482 = arith.constant 0 : i32
            %swap3A_483 = arith.index_cast %swap3A_482 : i32 to index
            %swap3A_484 = memref.load %arg14[%swap3A_483] : memref<4xi32, #tpu.memory_space<smem>>
            memref.store %add3A_481, %arg14[%swap3A_483] : memref<4xi32, #tpu.memory_space<smem>>
          }
        } else {
        }
      }
      %add3A_353 = arith.constant 2 : i32
      %add3A_354 = arith.addi %while3A_323, %add3A_353 : i32
      %lt3A = arith.cmpi slt, %add3A_354, %select_n3A_257 : i32
      %convert_element_type3A_355 = arith.extui %lt3A : i1 to i32
      %cond3A_356 = arith.constant 0 : i32
      %cond3A_357 = arith.cmpi ne, %convert_element_type3A_355, %cond3A_356 : i32
      scf.if %cond3A_357 {
        %add3A_358 = arith.constant 2 : i32
        %add3A_359 = arith.addi %while3A_323, %add3A_358 : i32
        %rem3A_360 = arith.constant 2 : i32
        %rem3A_361 = arith.remsi %while3A_323, %rem3A_360 : i32
        %mul3A_362 = arith.constant 512 : i32
        %mul3A_363 = arith.muli %add3A_359, %mul3A_362 : i32
        %add3A_364 = arith.addi %mul3A_3, %mul3A_363 : i32
        %dma_start3A_365 = arith.constant 0 : i32
        %dma_start3A_366 = arith.constant 0 : i32
        %dma_start3A_367 = tpu.memref_slice %arg8[%rem3A_361, %dma_start3A_365, %dma_start3A_366] : memref<2x64x512xf32, #tpu.memory_space<vmem>> -> memref<1x8x512xf32, #tpu.memory_space<vmem>>
        %dma_start3A_368 = tpu.memref_squeeze %dma_start3A_367 : memref<1x8x512xf32, #tpu.memory_space<vmem>> -> memref<8x512xf32, #tpu.memory_space<vmem>>
        %dma_start3A_369 = arith.constant 0 : i32
        %dma_start3A_370 = tpu.memref_slice %arg3[%dma_start3A_369, %add3A_364] : memref<64x1000000xf32, #tpu.memory_space<hbm>> -> memref<8x512xf32, #tpu.memory_space<hbm>>
        %dma_start3A_371 = arith.constant 0 : i32
        %dma_start3A_372 = arith.constant 0 : i32
        %dma_start3A_373 = tpu.memref_slice %arg8[%rem3A_361, %dma_start3A_371, %dma_start3A_372] : memref<2x64x512xf32, #tpu.memory_space<vmem>> -> memref<1x8x512xf32, #tpu.memory_space<vmem>>
        %dma_start3A_374 = tpu.memref_squeeze %dma_start3A_373 : memref<1x8x512xf32, #tpu.memory_space<vmem>> -> memref<8x512xf32, #tpu.memory_space<vmem>>
        %dma_start3A_375 = arith.constant 0 : i32
        %dma_start3A_376 = tpu.memref_slice %arg3[%dma_start3A_375, %add3A_364] : memref<64x1000000xf32, #tpu.memory_space<hbm>> -> memref<8x512xf32, #tpu.memory_space<hbm>>
        tpu.enqueue_dma source(%dma_start3A_376 : memref<8x512xf32, #tpu.memory_space<hbm>>) target(%dma_start3A_374 : memref<8x512xf32, #tpu.memory_space<vmem>>) target_semaphore(%arg15 : memref<!tpu.dma_semaphore, #tpu.memory_space<semaphore_mem>>)
        %dma_start3A_377 = arith.constant 8 : i32
        %dma_start3A_378 = arith.constant 0 : i32
        %dma_start3A_379 = tpu.memref_slice %arg8[%rem3A_361, %dma_start3A_377, %dma_start3A_378] : memref<2x64x512xf32, #tpu.memory_space<vmem>> -> memref<1x8x512xf32, #tpu.memory_space<vmem>>
        %dma_start3A_380 = tpu.memref_squeeze %dma_start3A_379 : memref<1x8x512xf32, #tpu.memory_space<vmem>> -> memref<8x512xf32, #tpu.memory_space<vmem>>
        %dma_start3A_381 = arith.constant 8 : i32
        %dma_start3A_382 = tpu.memref_slice %arg3[%dma_start3A_381, %add3A_364] : memref<64x1000000xf32, #tpu.memory_space<hbm>> -> memref<8x512xf32, #tpu.memory_space<hbm>>
        %dma_start3A_383 = arith.constant 8 : i32
        %dma_start3A_384 = arith.constant 0 : i32
        %dma_start3A_385 = tpu.memref_slice %arg8[%rem3A_361, %dma_start3A_383, %dma_start3A_384] : memref<2x64x512xf32, #tpu.memory_space<vmem>> -> memref<1x8x512xf32, #tpu.memory_space<vmem>>
        %dma_start3A_386 = tpu.memref_squeeze %dma_start3A_385 : memref<1x8x512xf32, #tpu.memory_space<vmem>> -> memref<8x512xf32, #tpu.memory_space<vmem>>
        %dma_start3A_387 = arith.constant 8 : i32
        %dma_start3A_388 = tpu.memref_slice %arg3[%dma_start3A_387, %add3A_364] : memref<64x1000000xf32, #tpu.memory_space<hbm>> -> memref<8x512xf32, #tpu.memory_space<hbm>>
        tpu.enqueue_dma source(%dma_start3A_388 : memref<8x512xf32, #tpu.memory_space<hbm>>) target(%dma_start3A_386 : memref<8x512xf32, #tpu.memory_space<vmem>>) target_semaphore(%arg15 : memref<!tpu.dma_semaphore, #tpu.memory_space<semaphore_mem>>)
        %dma_start3A_389 = arith.constant 16 : i32
        %dma_start3A_390 = arith.constant 0 : i32
        %dma_start3A_391 = tpu.memref_slice %arg8[%rem3A_361, %dma_start3A_389, %dma_start3A_390] : memref<2x64x512xf32, #tpu.memory_space<vmem>> -> memref<1x8x512xf32, #tpu.memory_space<vmem>>
        %dma_start3A_392 = tpu.memref_squeeze %dma_start3A_391 : memref<1x8x512xf32, #tpu.memory_space<vmem>> -> memref<8x512xf32, #tpu.memory_space<vmem>>
        %dma_start3A_393 = arith.constant 16 : i32
        %dma_start3A_394 = tpu.memref_slice %arg3[%dma_start3A_393, %add3A_364] : memref<64x1000000xf32, #tpu.memory_space<hbm>> -> memref<8x512xf32, #tpu.memory_space<hbm>>
        %dma_start3A_395 = arith.constant 16 : i32
        %dma_start3A_396 = arith.constant 0 : i32
        %dma_start3A_397 = tpu.memref_slice %arg8[%rem3A_361, %dma_start3A_395, %dma_start3A_396] : memref<2x64x512xf32, #tpu.memory_space<vmem>> -> memref<1x8x512xf32, #tpu.memory_space<vmem>>
        %dma_start3A_398 = tpu.memref_squeeze %dma_start3A_397 : memref<1x8x512xf32, #tpu.memory_space<vmem>> -> memref<8x512xf32, #tpu.memory_space<vmem>>
        %dma_start3A_399 = arith.constant 16 : i32
        %dma_start3A_400 = tpu.memref_slice %arg3[%dma_start3A_399, %add3A_364] : memref<64x1000000xf32, #tpu.memory_space<hbm>> -> memref<8x512xf32, #tpu.memory_space<hbm>>
        tpu.enqueue_dma source(%dma_start3A_400 : memref<8x512xf32, #tpu.memory_space<hbm>>) target(%dma_start3A_398 : memref<8x512xf32, #tpu.memory_space<vmem>>) target_semaphore(%arg15 : memref<!tpu.dma_semaphore, #tpu.memory_space<semaphore_mem>>)
        %dma_start3A_401 = arith.constant 24 : i32
        %dma_start3A_402 = arith.constant 0 : i32
        %dma_start3A_403 = tpu.memref_slice %arg8[%rem3A_361, %dma_start3A_401, %dma_start3A_402] : memref<2x64x512xf32, #tpu.memory_space<vmem>> -> memref<1x8x512xf32, #tpu.memory_space<vmem>>
        %dma_start3A_404 = tpu.memref_squeeze %dma_start3A_403 : memref<1x8x512xf32, #tpu.memory_space<vmem>> -> memref<8x512xf32, #tpu.memory_space<vmem>>
        %dma_start3A_405 = arith.constant 24 : i32
        %dma_start3A_406 = tpu.memref_slice %arg3[%dma_start3A_405, %add3A_364] : memref<64x1000000xf32, #tpu.memory_space<hbm>> -> memref<8x512xf32, #tpu.memory_space<hbm>>
        %dma_start3A_407 = arith.constant 24 : i32
        %dma_start3A_408 = arith.constant 0 : i32
        %dma_start3A_409 = tpu.memref_slice %arg8[%rem3A_361, %dma_start3A_407, %dma_start3A_408] : memref<2x64x512xf32, #tpu.memory_space<vmem>> -> memref<1x8x512xf32, #tpu.memory_space<vmem>>
        %dma_start3A_410 = tpu.memref_squeeze %dma_start3A_409 : memref<1x8x512xf32, #tpu.memory_space<vmem>> -> memref<8x512xf32, #tpu.memory_space<vmem>>
        %dma_start3A_411 = arith.constant 24 : i32
        %dma_start3A_412 = tpu.memref_slice %arg3[%dma_start3A_411, %add3A_364] : memref<64x1000000xf32, #tpu.memory_space<hbm>> -> memref<8x512xf32, #tpu.memory_space<hbm>>
        tpu.enqueue_dma source(%dma_start3A_412 : memref<8x512xf32, #tpu.memory_space<hbm>>) target(%dma_start3A_410 : memref<8x512xf32, #tpu.memory_space<vmem>>) target_semaphore(%arg15 : memref<!tpu.dma_semaphore, #tpu.memory_space<semaphore_mem>>)
        %dma_start3A_413 = arith.constant 32 : i32
        %dma_start3A_414 = arith.constant 0 : i32
        %dma_start3A_415 = tpu.memref_slice %arg8[%rem3A_361, %dma_start3A_413, %dma_start3A_414] : memref<2x64x512xf32, #tpu.memory_space<vmem>> -> memref<1x8x512xf32, #tpu.memory_space<vmem>>
        %dma_start3A_416 = tpu.memref_squeeze %dma_start3A_415 : memref<1x8x512xf32, #tpu.memory_space<vmem>> -> memref<8x512xf32, #tpu.memory_space<vmem>>
        %dma_start3A_417 = arith.constant 32 : i32
        %dma_start3A_418 = tpu.memref_slice %arg3[%dma_start3A_417, %add3A_364] : memref<64x1000000xf32, #tpu.memory_space<hbm>> -> memref<8x512xf32, #tpu.memory_space<hbm>>
        %dma_start3A_419 = arith.constant 32 : i32
        %dma_start3A_420 = arith.constant 0 : i32
        %dma_start3A_421 = tpu.memref_slice %arg8[%rem3A_361, %dma_start3A_419, %dma_start3A_420] : memref<2x64x512xf32, #tpu.memory_space<vmem>> -> memref<1x8x512xf32, #tpu.memory_space<vmem>>
        %dma_start3A_422 = tpu.memref_squeeze %dma_start3A_421 : memref<1x8x512xf32, #tpu.memory_space<vmem>> -> memref<8x512xf32, #tpu.memory_space<vmem>>
        %dma_start3A_423 = arith.constant 32 : i32
        %dma_start3A_424 = tpu.memref_slice %arg3[%dma_start3A_423, %add3A_364] : memref<64x1000000xf32, #tpu.memory_space<hbm>> -> memref<8x512xf32, #tpu.memory_space<hbm>>
        tpu.enqueue_dma source(%dma_start3A_424 : memref<8x512xf32, #tpu.memory_space<hbm>>) target(%dma_start3A_422 : memref<8x512xf32, #tpu.memory_space<vmem>>) target_semaphore(%arg15 : memref<!tpu.dma_semaphore, #tpu.memory_space<semaphore_mem>>)
        %dma_start3A_425 = arith.constant 40 : i32
        %dma_start3A_426 = arith.constant 0 : i32
        %dma_start3A_427 = tpu.memref_slice %arg8[%rem3A_361, %dma_start3A_425, %dma_start3A_426] : memref<2x64x512xf32, #tpu.memory_space<vmem>> -> memref<1x8x512xf32, #tpu.memory_space<vmem>>
        %dma_start3A_428 = tpu.memref_squeeze %dma_start3A_427 : memref<1x8x512xf32, #tpu.memory_space<vmem>> -> memref<8x512xf32, #tpu.memory_space<vmem>>
        %dma_start3A_429 = arith.constant 40 : i32
        %dma_start3A_430 = tpu.memref_slice %arg3[%dma_start3A_429, %add3A_364] : memref<64x1000000xf32, #tpu.memory_space<hbm>> -> memref<8x512xf32, #tpu.memory_space<hbm>>
        %dma_start3A_431 = arith.constant 40 : i32
        %dma_start3A_432 = arith.constant 0 : i32
        %dma_start3A_433 = tpu.memref_slice %arg8[%rem3A_361, %dma_start3A_431, %dma_start3A_432] : memref<2x64x512xf32, #tpu.memory_space<vmem>> -> memref<1x8x512xf32, #tpu.memory_space<vmem>>
        %dma_start3A_434 = tpu.memref_squeeze %dma_start3A_433 : memref<1x8x512xf32, #tpu.memory_space<vmem>> -> memref<8x512xf32, #tpu.memory_space<vmem>>
        %dma_start3A_435 = arith.constant 40 : i32
        %dma_start3A_436 = tpu.memref_slice %arg3[%dma_start3A_435, %add3A_364] : memref<64x1000000xf32, #tpu.memory_space<hbm>> -> memref<8x512xf32, #tpu.memory_space<hbm>>
        tpu.enqueue_dma source(%dma_start3A_436 : memref<8x512xf32, #tpu.memory_space<hbm>>) target(%dma_start3A_434 : memref<8x512xf32, #tpu.memory_space<vmem>>) target_semaphore(%arg15 : memref<!tpu.dma_semaphore, #tpu.memory_space<semaphore_mem>>)
        %dma_start3A_437 = arith.constant 48 : i32
        %dma_start3A_438 = arith.constant 0 : i32
        %dma_start3A_439 = tpu.memref_slice %arg8[%rem3A_361, %dma_start3A_437, %dma_start3A_438] : memref<2x64x512xf32, #tpu.memory_space<vmem>> -> memref<1x8x512xf32, #tpu.memory_space<vmem>>
        %dma_start3A_440 = tpu.memref_squeeze %dma_start3A_439 : memref<1x8x512xf32, #tpu.memory_space<vmem>> -> memref<8x512xf32, #tpu.memory_space<vmem>>
        %dma_start3A_441 = arith.constant 48 : i32
        %dma_start3A_442 = tpu.memref_slice %arg3[%dma_start3A_441, %add3A_364] : memref<64x1000000xf32, #tpu.memory_space<hbm>> -> memref<8x512xf32, #tpu.memory_space<hbm>>
        %dma_start3A_443 = arith.constant 48 : i32
        %dma_start3A_444 = arith.constant 0 : i32
        %dma_start3A_445 = tpu.memref_slice %arg8[%rem3A_361, %dma_start3A_443, %dma_start3A_444] : memref<2x64x512xf32, #tpu.memory_space<vmem>> -> memref<1x8x512xf32, #tpu.memory_space<vmem>>
        %dma_start3A_446 = tpu.memref_squeeze %dma_start3A_445 : memref<1x8x512xf32, #tpu.memory_space<vmem>> -> memref<8x512xf32, #tpu.memory_space<vmem>>
        %dma_start3A_447 = arith.constant 48 : i32
        %dma_start3A_448 = tpu.memref_slice %arg3[%dma_start3A_447, %add3A_364] : memref<64x1000000xf32, #tpu.memory_space<hbm>> -> memref<8x512xf32, #tpu.memory_space<hbm>>
        tpu.enqueue_dma source(%dma_start3A_448 : memref<8x512xf32, #tpu.memory_space<hbm>>) target(%dma_start3A_446 : memref<8x512xf32, #tpu.memory_space<vmem>>) target_semaphore(%arg15 : memref<!tpu.dma_semaphore, #tpu.memory_space<semaphore_mem>>)
        %dma_start3A_449 = arith.constant 56 : i32
        %dma_start3A_450 = arith.constant 0 : i32
        %dma_start3A_451 = tpu.memref_slice %arg8[%rem3A_361, %dma_start3A_449, %dma_start3A_450] : memref<2x64x512xf32, #tpu.memory_space<vmem>> -> memref<1x8x512xf32, #tpu.memory_space<vmem>>
        %dma_start3A_452 = tpu.memref_squeeze %dma_start3A_451 : memref<1x8x512xf32, #tpu.memory_space<vmem>> -> memref<8x512xf32, #tpu.memory_space<vmem>>
        %dma_start3A_453 = arith.constant 56 : i32
        %dma_start3A_454 = tpu.memref_slice %arg3[%dma_start3A_453, %add3A_364] : memref<64x1000000xf32, #tpu.memory_space<hbm>> -> memref<8x512xf32, #tpu.memory_space<hbm>>
        %dma_start3A_455 = arith.constant 56 : i32
        %dma_start3A_456 = arith.constant 0 : i32
        %dma_start3A_457 = tpu.memref_slice %arg8[%rem3A_361, %dma_start3A_455, %dma_start3A_456] : memref<2x64x512xf32, #tpu.memory_space<vmem>> -> memref<1x8x512xf32, #tpu.memory_space<vmem>>
        %dma_start3A_458 = tpu.memref_squeeze %dma_start3A_457 : memref<1x8x512xf32, #tpu.memory_space<vmem>> -> memref<8x512xf32, #tpu.memory_space<vmem>>
        %dma_start3A_459 = arith.constant 56 : i32
        %dma_start3A_460 = tpu.memref_slice %arg3[%dma_start3A_459, %add3A_364] : memref<64x1000000xf32, #tpu.memory_space<hbm>> -> memref<8x512xf32, #tpu.memory_space<hbm>>
        tpu.enqueue_dma source(%dma_start3A_460 : memref<8x512xf32, #tpu.memory_space<hbm>>) target(%dma_start3A_458 : memref<8x512xf32, #tpu.memory_space<vmem>>) target_semaphore(%arg15 : memref<!tpu.dma_semaphore, #tpu.memory_space<semaphore_mem>>)
      } else {
      }
    }
    %convert_element_type3A = arith.extui %eq3A_1 : i1 to i32
    %cond3A = arith.constant 0 : i32
    %cond3A_267 = arith.cmpi ne, %convert_element_type3A, %cond3A : i32
    scf.if %cond3A_267 {
      "tpu.region"() ({
        %run_scoped3A = tpu.sem_alloc : memref<!tpu.dma_semaphore, #tpu.memory_space<semaphore_mem>>
        %dma_start3A_333 = arith.constant 0 : i32
        %dma_start3A_334 = arith.constant 999936 : i32
        %dma_start3A_335 = tpu.memref_slice %arg3[%dma_start3A_333, %dma_start3A_334] : memref<64x1000000xf32, #tpu.memory_space<hbm>> -> memref<64x64xf32, #tpu.memory_space<hbm>>
        %dma_start3A_336 = arith.constant 0 : i32
        %dma_start3A_337 = arith.constant 999936 : i32
        %dma_start3A_338 = tpu.memref_slice %arg3[%dma_start3A_336, %dma_start3A_337] : memref<64x1000000xf32, #tpu.memory_space<hbm>> -> memref<64x64xf32, #tpu.memory_space<hbm>>
        tpu.enqueue_dma source(%dma_start3A_338 : memref<64x64xf32, #tpu.memory_space<hbm>>) target(%arg9 : memref<64x64xf32, #tpu.memory_space<vmem>>) target_semaphore(%run_scoped3A : memref<!tpu.dma_semaphore, #tpu.memory_space<semaphore_mem>>)
        %dma_wait3A = arith.constant 0 : i32
        %dma_wait3A_339 = arith.constant 999936 : i32
        %dma_wait3A_340 = tpu.memref_slice %arg3[%dma_wait3A, %dma_wait3A_339] : memref<64x1000000xf32, #tpu.memory_space<hbm>> -> memref<64x64xf32, #tpu.memory_space<hbm>>
        %dma_wait3A_341 = arith.constant 0 : i32
        %dma_wait3A_342 = arith.constant 999936 : i32
        %dma_wait3A_343 = tpu.memref_slice %arg3[%dma_wait3A_341, %dma_wait3A_342] : memref<64x1000000xf32, #tpu.memory_space<hbm>> -> memref<64x64xf32, #tpu.memory_space<hbm>>
        tpu.wait_dma2 semaphore(%run_scoped3A : memref<!tpu.dma_semaphore, #tpu.memory_space<semaphore_mem>>) src(%dma_wait3A_343 : memref<64x64xf32, #tpu.memory_space<hbm>>) dst(%arg9 : memref<64x64xf32, #tpu.memory_space<vmem>>)
        tpu.yield
      }) : () -> ()
      %while3A_323 = arith.constant 0 : i32
      %while3A_324 = arith.constant 0 : i32
      %while3A_325 = arith.subi %select_n3A_251, %while3A_324 : i32
      %while3A_326 = arith.addi %while3A_324, %while3A_325 : i32
      %while3A_327 = arith.constant 1 : i32
      %while3A_328 = arith.divsi %while3A_325, %while3A_327 : i32
      %while3A_329 = arith.muli %while3A_328, %while3A_327 : i32
      %while3A_330 = arith.addi %while3A_324, %while3A_329 : i32
      %while3A_331 = arith.constant 1 : i32
      scf.for %while3A_333 = %while3A_324 to %while3A_330 step %while3A_331  : i32 {
        %mul3A_334 = arith.constant 16 : i32
        %mul3A_335 = arith.muli %while3A_333, %mul3A_334 : i32
        %get3A_336 = arith.index_cast %mul3A_335 : i32 to index
        %get3A_337 = tpu.vector_load %arg6[%get3A_336] {strides = array<i32>} : memref<16400xi32, #tpu.memory_space<vmem>>, vector<16xi32>,
        %mul3A_338 = arith.constant 16 : i32
        %mul3A_339 = arith.muli %while3A_333, %mul3A_338 : i32
        %get3A_340 = arith.index_cast %mul3A_339 : i32 to index
        %get3A_341 = tpu.vector_load %arg7[%get3A_340] {strides = array<i32>} : memref<16400xi32, #tpu.memory_space<vmem>>, vector<16xi32>,
        %mul3A_342 = arith.constant 16 : i32
        %mul3A_343 = arith.muli %while3A_333, %mul3A_342 : i32
        %sub3A_344 = arith.subi %scan3A_228, %mul3A_343 : i32
        %lt3A = vector.broadcast %sub3A_344 : i32 to vector<16xi32>
        %lt3A_345 = arith.cmpi slt, %iota3A, %lt3A : vector<16xi32>
        %ge3A = arith.constant 999936 : i32
        %ge3A_346 = vector.broadcast %ge3A : i32 to vector<16xi32>
        %ge3A_347 = arith.cmpi sge, %get3A_337, %ge3A_346 : vector<16xi32>
        %and3A_348 = arith.andi %lt3A_345, %ge3A_347 : vector<16xi1>
        %lt3A_349 = arith.constant 1000000 : i32
        %lt3A_350 = vector.broadcast %lt3A_349 : i32 to vector<16xi32>
        %lt3A_351 = arith.cmpi slt, %get3A_337, %lt3A_350 : vector<16xi32>
        %and3A_352 = arith.andi %and3A_348, %lt3A_351 : vector<16xi1>
        %all_reduce_population_count3A = tpu.all_reduce %and3A_352 {dim = 0 : i64, kind = #tpu.reduction_kind<sum>} : vector<16xi1> -> vector<16xi32>
        %slice3A = vector.extract_strided_slice %all_reduce_population_count3A {offsets = [0], sizes = [1], strides = [1]} : vector<16xi32> to vector<1xi32>
        %squeeze3A = vector.extract %slice3A[0] : i32 from vector<1xi32>
        %gt3A_353 = arith.constant 0 : i32
        %gt3A_354 = arith.cmpi sgt, %squeeze3A, %gt3A_353 : i32
        %convert_element_type3A_355 = arith.extui %gt3A_354 : i1 to i32
        %cond3A_356 = arith.constant 0 : i32
        %cond3A_357 = arith.cmpi ne, %convert_element_type3A_355, %cond3A_356 : i32
        scf.if %cond3A_357 {
          %swap3A_358 = arith.constant 0 : index
          %swap3A_359 = tpu.vector_load %arg12[%swap3A_358] masked %and3A_352 {strides = array<i32>} : memref<32xi32, #tpu.memory_space<vmem>>, vector<16xi32>, vector<16xi1>
          tpu.vector_store %arg12[%swap3A_358], %get3A_337 masked %and3A_352 {strides = array<i32>} : memref<32xi32, #tpu.memory_space<vmem>>, vector<16xi32>, vector<16xi1>
          %swap3A_360 = arith.constant 0 : index
          %swap3A_361 = tpu.vector_load %arg13[%swap3A_360] masked %and3A_352 {strides = array<i32>} : memref<32xi32, #tpu.memory_space<vmem>>, vector<16xi32>, vector<16xi1>
          tpu.vector_store %arg13[%swap3A_360], %get3A_341 masked %and3A_352 {strides = array<i32>} : memref<32xi32, #tpu.memory_space<vmem>>, vector<16xi32>, vector<16xi1>
          %while3A_362 = arith.constant 0 : i32
          %while3A_363 = arith.constant 0 : i32
          %while3A_364 = arith.subi %squeeze3A, %while3A_363 : i32
          %while3A_365 = arith.addi %while3A_363, %while3A_364 : i32
          %while3A_366 = arith.constant 1 : i32
          %while3A_367 = arith.divsi %while3A_364, %while3A_366 : i32
          %while3A_368 = arith.muli %while3A_367, %while3A_366 : i32
          %while3A_369 = arith.addi %while3A_363, %while3A_368 : i32
          %while3A_370 = arith.constant 1 : i32
          scf.for %while3A_372 = %while3A_363 to %while3A_369 step %while3A_370  : i32 {
            %get3A_373 = arith.index_cast %while3A_372 : i32 to index
            %get3A_374 = tpu.vector_load %arg12[%get3A_373] {strides = array<i32>} : memref<32xi32, #tpu.memory_space<vmem>>, vector<16xi32>,
            %slice3A_375 = vector.extract_strided_slice %get3A_374 {offsets = [0], sizes = [1], strides = [1]} : vector<16xi32> to vector<1xi32>
            %squeeze3A_376 = vector.extract %slice3A_375[0] : i32 from vector<1xi32>
            %get3A_377 = arith.index_cast %while3A_372 : i32 to index
            %get3A_378 = tpu.vector_load %arg13[%get3A_377] {strides = array<i32>} : memref<32xi32, #tpu.memory_space<vmem>>, vector<16xi32>,
            %slice3A_379 = vector.extract_strided_slice %get3A_378 {offsets = [0], sizes = [1], strides = [1]} : vector<16xi32> to vector<1xi32>
            %squeeze3A_380 = vector.extract %slice3A_379[0] : i32 from vector<1xi32>
            %sub3A_381 = arith.constant 999936 : i32
            %sub3A_382 = arith.subi %squeeze3A_376, %sub3A_381 : i32
            %get3A_383 = arith.constant 0 : i32
            %get3A_384 = arith.index_cast %get3A_383 : i32 to index
            %get3A_385 = memref.load %arg14[%get3A_384] : memref<4xi32, #tpu.memory_space<smem>>
            %and3A_386 = arith.constant 15 : i32
            %and3A_387 = arith.andi %get3A_385, %and3A_386 : i32
            %shift_right_logical3A_388 = arith.constant 4 : i32
            %shift_right_logical3A_389 = arith.shrui %get3A_385, %shift_right_logical3A_388 : i32
            %and3A_390 = arith.constant 1 : i32
            %and3A_391 = arith.andi %shift_right_logical3A_389, %and3A_390 : i32
            %eq3A_392 = arith.constant 0 : i32
            %eq3A_393 = arith.cmpi eq, %and3A_387, %eq3A_392 : i32
            %ge3A_394 = arith.constant 32 : i32
            %ge3A_395 = arith.cmpi sge, %get3A_385, %ge3A_394 : i32
            %and3A_396 = arith.andi %eq3A_393, %ge3A_395 : i1
            %convert_element_type3A_397 = arith.extui %and3A_396 : i1 to i32
            %cond3A_398 = arith.constant 0 : i32
            %cond3A_399 = arith.cmpi ne, %convert_element_type3A_397, %cond3A_398 : i32
            scf.if %cond3A_399 {
              %dma_wait3A = arith.constant 0 : i32
              %dma_wait3A_459 = arith.constant 0 : i32
              %dma_wait3A_460 = arith.constant 0 : i32
              %dma_wait3A_461 = arith.constant 0 : i32
              %dma_wait3A_462 = tpu.memref_slice %arg10[%dma_wait3A, %dma_wait3A_460, %dma_wait3A_461] : memref<2x16x128xf32, #tpu.memory_space<vmem>> -> memref<1x16x128xf32, #tpu.memory_space<vmem>>
              %dma_wait3A_463 = tpu.memref_squeeze %dma_wait3A_462 : memref<1x16x128xf32, #tpu.memory_space<vmem>> -> memref<16x128xf32, #tpu.memory_space<vmem>>
              %dma_wait3A_464 = arith.constant 0 : i32
              %dma_wait3A_465 = tpu.memref_slice %arg11[%dma_wait3A_459, %dma_wait3A_464] : memref<2x16xi32, #tpu.memory_space<vmem>> -> memref<1x16xi32, #tpu.memory_space<vmem>>
              %dma_wait3A_466 = tpu.memref_squeeze %dma_wait3A_465 : memref<1x16xi32, #tpu.memory_space<vmem>> -> memref<16xi32, #tpu.memory_space<vmem>>
              %dma_wait3A_467 = arith.constant 0 : i32
              %dma_wait3A_468 = arith.constant 0 : i32
              %dma_wait3A_469 = tpu.memref_slice %arg4[%dma_wait3A_467, %dma_wait3A_468] : memref<16384x128xf32, #tpu.memory_space<hbm>> -> memref<16384x128xf32, #tpu.memory_space<hbm>>
              tpu.wait_indirect_dma semaphore(%arg16 : memref<!tpu.dma_semaphore, #tpu.memory_space<semaphore_mem>>) src(%dma_wait3A_463 : memref<16x128xf32, #tpu.memory_space<vmem>>) dst(%dma_wait3A_469 : memref<16384x128xf32, #tpu.memory_space<hbm>>)
              %get3A_470 = arith.constant 1 : i32
              %get3A_471 = arith.index_cast %get3A_470 : i32 to index
              %get3A_472 = memref.load %arg14[%get3A_471] : memref<4xi32, #tpu.memory_space<smem>>
              %add3A_473 = arith.constant 1 : i32
              %add3A_474 = arith.addi %get3A_472, %add3A_473 : i32
              %swap3A_475 = arith.constant 1 : i32
              %swap3A_476 = arith.index_cast %swap3A_475 : i32 to index
              %swap3A_477 = memref.load %arg14[%swap3A_476] : memref<4xi32, #tpu.memory_space<smem>>
              memref.store %add3A_474, %arg14[%swap3A_476] : memref<4xi32, #tpu.memory_space<smem>>
            } else {
            }
            %broadcast_in_dim3A = vector.broadcast %sub3A_382 : i32 to vector<16xi32>
            %add3A_400 = arith.constant 0 : i32
            %add3A_401 = vector.broadcast %add3A_400 : i32 to vector<16xi32>
            %add3A_402 = arith.addi %iota3A, %add3A_401 : vector<16xi32>
            %gather3A = tpu.vector_load_idx %arg9[%add3A_402, %broadcast_in_dim3A] : memref<64x64xf32, #tpu.memory_space<vmem>>[vector<16xi32>, vector<16xi32>], vector<16xf32>,
            %mul3A_403 = arith.constant 8.000000e+00 : f32
            %mul3A_404 = vector.broadcast %mul3A_403 : f32 to vector<16xf32>
            %mul3A_405 = arith.mulf %gather3A, %mul3A_404 : vector<16xf32>
            %swap3A_406 = arith.index_cast %and3A_391 : i32 to index
            %swap3A_407 = arith.index_cast %and3A_387 : i32 to index
            %swap3A_408 = arith.constant 0 : index
            %swap3A_409 = tpu.vector_load %arg10[%swap3A_406, %swap3A_407, %swap3A_408] {strides = array<i32>} : memref<2x16x128xf32, #tpu.memory_space<vmem>>, vector<16xf32>,
            tpu.vector_store %arg10[%swap3A_406, %swap3A_407, %swap3A_408], %mul3A_405 {strides = array<i32>} : memref<2x16x128xf32, #tpu.memory_space<vmem>>, vector<16xf32>,
            %add3A_410 = arith.constant 16 : i32
            %add3A_411 = vector.broadcast %add3A_410 : i32 to vector<16xi32>
            %add3A_412 = arith.addi %iota3A, %add3A_411 : vector<16xi32>
            %gather3A_413 = tpu.vector_load_idx %arg9[%add3A_412, %broadcast_in_dim3A] : memref<64x64xf32, #tpu.memory_space<vmem>>[vector<16xi32>, vector<16xi32>], vector<16xf32>,
            %mul3A_414 = arith.constant 8.000000e+00 : f32
            %mul3A_415 = vector.broadcast %mul3A_414 : f32 to vector<16xf32>
            %mul3A_416 = arith.mulf %gather3A_413, %mul3A_415 : vector<16xf32>
            %swap3A_417 = arith.index_cast %and3A_391 : i32 to index
            %swap3A_418 = arith.index_cast %and3A_387 : i32 to index
            %swap3A_419 = arith.constant 16 : index
            %swap3A_420 = tpu.vector_load %arg10[%swap3A_417, %swap3A_418, %swap3A_419] {strides = array<i32>} : memref<2x16x128xf32, #tpu.memory_space<vmem>>, vector<16xf32>,
            tpu.vector_store %arg10[%swap3A_417, %swap3A_418, %swap3A_419], %mul3A_416 {strides = array<i32>} : memref<2x16x128xf32, #tpu.memory_space<vmem>>, vector<16xf32>,
            %add3A_421 = arith.constant 32 : i32
            %add3A_422 = vector.broadcast %add3A_421 : i32 to vector<16xi32>
            %add3A_423 = arith.addi %iota3A, %add3A_422 : vector<16xi32>
            %gather3A_424 = tpu.vector_load_idx %arg9[%add3A_423, %broadcast_in_dim3A] : memref<64x64xf32, #tpu.memory_space<vmem>>[vector<16xi32>, vector<16xi32>], vector<16xf32>,
            %mul3A_425 = arith.constant 8.000000e+00 : f32
            %mul3A_426 = vector.broadcast %mul3A_425 : f32 to vector<16xf32>
            %mul3A_427 = arith.mulf %gather3A_424, %mul3A_426 : vector<16xf32>
            %swap3A_428 = arith.index_cast %and3A_391 : i32 to index
            %swap3A_429 = arith.index_cast %and3A_387 : i32 to index
            %swap3A_430 = arith.constant 32 : index
            %swap3A_431 = tpu.vector_load %arg10[%swap3A_428, %swap3A_429, %swap3A_430] {strides = array<i32>} : memref<2x16x128xf32, #tpu.memory_space<vmem>>, vector<16xf32>,
            tpu.vector_store %arg10[%swap3A_428, %swap3A_429, %swap3A_430], %mul3A_427 {strides = array<i32>} : memref<2x16x128xf32, #tpu.memory_space<vmem>>, vector<16xf32>,
            %add3A_432 = arith.constant 48 : i32
            %add3A_433 = vector.broadcast %add3A_432 : i32 to vector<16xi32>
            %add3A_434 = arith.addi %iota3A, %add3A_433 : vector<16xi32>
            %gather3A_435 = tpu.vector_load_idx %arg9[%add3A_434, %broadcast_in_dim3A] : memref<64x64xf32, #tpu.memory_space<vmem>>[vector<16xi32>, vector<16xi32>], vector<16xf32>,
            %mul3A_436 = arith.constant 8.000000e+00 : f32
            %mul3A_437 = vector.broadcast %mul3A_436 : f32 to vector<16xf32>
            %mul3A_438 = arith.mulf %gather3A_435, %mul3A_437 : vector<16xf32>
            %swap3A_439 = arith.index_cast %and3A_391 : i32 to index
            %swap3A_440 = arith.index_cast %and3A_387 : i32 to index
            %swap3A_441 = arith.constant 48 : index
            %swap3A_442 = tpu.vector_load %arg10[%swap3A_439, %swap3A_440, %swap3A_441] {strides = array<i32>} : memref<2x16x128xf32, #tpu.memory_space<vmem>>, vector<16xf32>,
            tpu.vector_store %arg10[%swap3A_439, %swap3A_440, %swap3A_441], %mul3A_438 {strides = array<i32>} : memref<2x16x128xf32, #tpu.memory_space<vmem>>, vector<16xf32>,
            %broadcast_in_dim3A_443 = vector.broadcast %and3A_391 : i32 to vector<16xi32>
            %broadcast_in_dim3A_444 = vector.broadcast %and3A_387 : i32 to vector<16xi32>
            %broadcast_in_dim3A_445 = vector.broadcast %squeeze3A_380 : i32 to vector<16xi32>
            tpu.vector_store_idx %arg11[%broadcast_in_dim3A_443, %broadcast_in_dim3A_444], %broadcast_in_dim3A_445 masked %eq3A_254 : memref<2x16xi32, #tpu.memory_space<vmem>>[vector<16xi32>, vector<16xi32>], vector<16xi32>, vector<16xi1>
            %swap3A_446 = arith.constant 2 : i32
            %swap3A_447 = arith.index_cast %swap3A_446 : i32 to index
            %swap3A_448 = memref.load %arg14[%swap3A_447] : memref<4xi32, #tpu.memory_space<smem>>
            memref.store %squeeze3A_380, %arg14[%swap3A_447] : memref<4xi32, #tpu.memory_space<smem>>
            %eq3A_449 = arith.constant 15 : i32
            %eq3A_450 = arith.cmpi eq, %and3A_387, %eq3A_449 : i32
            %convert_element_type3A_451 = arith.extui %eq3A_450 : i1 to i32
            %cond3A_452 = arith.constant 0 : i32
            %cond3A_453 = arith.cmpi ne, %convert_element_type3A_451, %cond3A_452 : i32
            scf.if %cond3A_453 {
              %dma_start3A_459 = arith.constant 0 : i32
              %dma_start3A_460 = arith.constant 0 : i32
              %dma_start3A_461 = tpu.memref_slice %arg10[%and3A_391, %dma_start3A_459, %dma_start3A_460] : memref<2x16x128xf32, #tpu.memory_space<vmem>> -> memref<1x16x128xf32, #tpu.memory_space<vmem>>
              %dma_start3A_462 = tpu.memref_squeeze %dma_start3A_461 : memref<1x16x128xf32, #tpu.memory_space<vmem>> -> memref<16x128xf32, #tpu.memory_space<vmem>>
              %dma_start3A_463 = arith.constant 0 : i32
              %dma_start3A_464 = tpu.memref_slice %arg11[%and3A_391, %dma_start3A_463] : memref<2x16xi32, #tpu.memory_space<vmem>> -> memref<1x16xi32, #tpu.memory_space<vmem>>
              %dma_start3A_465 = tpu.memref_squeeze %dma_start3A_464 : memref<1x16xi32, #tpu.memory_space<vmem>> -> memref<16xi32, #tpu.memory_space<vmem>>
              %dma_start3A_466 = arith.constant 0 : i32
              %dma_start3A_467 = arith.constant 0 : i32
              %dma_start3A_468 = tpu.memref_slice %arg4[%dma_start3A_466, %dma_start3A_467] : memref<16384x128xf32, #tpu.memory_space<hbm>> -> memref<16384x128xf32, #tpu.memory_space<hbm>>
              tpu.enqueue_indirect_dma source(%dma_start3A_462 : memref<16x128xf32, #tpu.memory_space<vmem>>) target(%dma_start3A_468 : memref<16384x128xf32, #tpu.memory_space<hbm>>) offsets(%dma_start3A_465 : memref<16xi32, #tpu.memory_space<vmem>>) semaphore(%arg16 : memref<!tpu.dma_semaphore, #tpu.memory_space<semaphore_mem>>)
            } else {
            }
            %add3A_454 = arith.constant 1 : i32
            %add3A_455 = arith.addi %get3A_385, %add3A_454 : i32
            %swap3A_456 = arith.constant 0 : i32
            %swap3A_457 = arith.index_cast %swap3A_456 : i32 to index
            %swap3A_458 = memref.load %arg14[%swap3A_457] : memref<4xi32, #tpu.memory_space<smem>>
            memref.store %add3A_455, %arg14[%swap3A_457] : memref<4xi32, #tpu.memory_space<smem>>
          }
          %while3A_371 = arith.constant 1 : i32
          scf.for %while3A_372 = %while3A_369 to %while3A_365 step %while3A_371  : i32 {
            %get3A_373 = arith.index_cast %while3A_372 : i32 to index
            %get3A_374 = tpu.vector_load %arg12[%get3A_373] {strides = array<i32>} : memref<32xi32, #tpu.memory_space<vmem>>, vector<16xi32>,
            %slice3A_375 = vector.extract_strided_slice %get3A_374 {offsets = [0], sizes = [1], strides = [1]} : vector<16xi32> to vector<1xi32>
            %squeeze3A_376 = vector.extract %slice3A_375[0] : i32 from vector<1xi32>
            %get3A_377 = arith.index_cast %while3A_372 : i32 to index
            %get3A_378 = tpu.vector_load %arg13[%get3A_377] {strides = array<i32>} : memref<32xi32, #tpu.memory_space<vmem>>, vector<16xi32>,
            %slice3A_379 = vector.extract_strided_slice %get3A_378 {offsets = [0], sizes = [1], strides = [1]} : vector<16xi32> to vector<1xi32>
            %squeeze3A_380 = vector.extract %slice3A_379[0] : i32 from vector<1xi32>
            %sub3A_381 = arith.constant 999936 : i32
            %sub3A_382 = arith.subi %squeeze3A_376, %sub3A_381 : i32
            %get3A_383 = arith.constant 0 : i32
            %get3A_384 = arith.index_cast %get3A_383 : i32 to index
            %get3A_385 = memref.load %arg14[%get3A_384] : memref<4xi32, #tpu.memory_space<smem>>
            %and3A_386 = arith.constant 15 : i32
            %and3A_387 = arith.andi %get3A_385, %and3A_386 : i32
            %shift_right_logical3A_388 = arith.constant 4 : i32
            %shift_right_logical3A_389 = arith.shrui %get3A_385, %shift_right_logical3A_388 : i32
            %and3A_390 = arith.constant 1 : i32
            %and3A_391 = arith.andi %shift_right_logical3A_389, %and3A_390 : i32
            %eq3A_392 = arith.constant 0 : i32
            %eq3A_393 = arith.cmpi eq, %and3A_387, %eq3A_392 : i32
            %ge3A_394 = arith.constant 32 : i32
            %ge3A_395 = arith.cmpi sge, %get3A_385, %ge3A_394 : i32
            %and3A_396 = arith.andi %eq3A_393, %ge3A_395 : i1
            %convert_element_type3A_397 = arith.extui %and3A_396 : i1 to i32
            %cond3A_398 = arith.constant 0 : i32
            %cond3A_399 = arith.cmpi ne, %convert_element_type3A_397, %cond3A_398 : i32
            scf.if %cond3A_399 {
              %dma_wait3A = arith.constant 0 : i32
              %dma_wait3A_459 = arith.constant 0 : i32
              %dma_wait3A_460 = arith.constant 0 : i32
              %dma_wait3A_461 = arith.constant 0 : i32
              %dma_wait3A_462 = tpu.memref_slice %arg10[%dma_wait3A, %dma_wait3A_460, %dma_wait3A_461] : memref<2x16x128xf32, #tpu.memory_space<vmem>> -> memref<1x16x128xf32, #tpu.memory_space<vmem>>
              %dma_wait3A_463 = tpu.memref_squeeze %dma_wait3A_462 : memref<1x16x128xf32, #tpu.memory_space<vmem>> -> memref<16x128xf32, #tpu.memory_space<vmem>>
              %dma_wait3A_464 = arith.constant 0 : i32
              %dma_wait3A_465 = tpu.memref_slice %arg11[%dma_wait3A_459, %dma_wait3A_464] : memref<2x16xi32, #tpu.memory_space<vmem>> -> memref<1x16xi32, #tpu.memory_space<vmem>>
              %dma_wait3A_466 = tpu.memref_squeeze %dma_wait3A_465 : memref<1x16xi32, #tpu.memory_space<vmem>> -> memref<16xi32, #tpu.memory_space<vmem>>
              %dma_wait3A_467 = arith.constant 0 : i32
              %dma_wait3A_468 = arith.constant 0 : i32
              %dma_wait3A_469 = tpu.memref_slice %arg4[%dma_wait3A_467, %dma_wait3A_468] : memref<16384x128xf32, #tpu.memory_space<hbm>> -> memref<16384x128xf32, #tpu.memory_space<hbm>>
              tpu.wait_indirect_dma semaphore(%arg16 : memref<!tpu.dma_semaphore, #tpu.memory_space<semaphore_mem>>) src(%dma_wait3A_463 : memref<16x128xf32, #tpu.memory_space<vmem>>) dst(%dma_wait3A_469 : memref<16384x128xf32, #tpu.memory_space<hbm>>)
              %get3A_470 = arith.constant 1 : i32
              %get3A_471 = arith.index_cast %get3A_470 : i32 to index
              %get3A_472 = memref.load %arg14[%get3A_471] : memref<4xi32, #tpu.memory_space<smem>>
              %add3A_473 = arith.constant 1 : i32
              %add3A_474 = arith.addi %get3A_472, %add3A_473 : i32
              %swap3A_475 = arith.constant 1 : i32
              %swap3A_476 = arith.index_cast %swap3A_475 : i32 to index
              %swap3A_477 = memref.load %arg14[%swap3A_476] : memref<4xi32, #tpu.memory_space<smem>>
              memref.store %add3A_474, %arg14[%swap3A_476] : memref<4xi32, #tpu.memory_space<smem>>
            } else {
            }
            %broadcast_in_dim3A = vector.broadcast %sub3A_382 : i32 to vector<16xi32>
            %add3A_400 = arith.constant 0 : i32
            %add3A_401 = vector.broadcast %add3A_400 : i32 to vector<16xi32>
            %add3A_402 = arith.addi %iota3A, %add3A_401 : vector<16xi32>
            %gather3A = tpu.vector_load_idx %arg9[%add3A_402, %broadcast_in_dim3A] : memref<64x64xf32, #tpu.memory_space<vmem>>[vector<16xi32>, vector<16xi32>], vector<16xf32>,
            %mul3A_403 = arith.constant 8.000000e+00 : f32
            %mul3A_404 = vector.broadcast %mul3A_403 : f32 to vector<16xf32>
            %mul3A_405 = arith.mulf %gather3A, %mul3A_404 : vector<16xf32>
            %swap3A_406 = arith.index_cast %and3A_391 : i32 to index
            %swap3A_407 = arith.index_cast %and3A_387 : i32 to index
            %swap3A_408 = arith.constant 0 : index
            %swap3A_409 = tpu.vector_load %arg10[%swap3A_406, %swap3A_407, %swap3A_408] {strides = array<i32>} : memref<2x16x128xf32, #tpu.memory_space<vmem>>, vector<16xf32>,
            tpu.vector_store %arg10[%swap3A_406, %swap3A_407, %swap3A_408], %mul3A_405 {strides = array<i32>} : memref<2x16x128xf32, #tpu.memory_space<vmem>>, vector<16xf32>,
            %add3A_410 = arith.constant 16 : i32
            %add3A_411 = vector.broadcast %add3A_410 : i32 to vector<16xi32>
            %add3A_412 = arith.addi %iota3A, %add3A_411 : vector<16xi32>
            %gather3A_413 = tpu.vector_load_idx %arg9[%add3A_412, %broadcast_in_dim3A] : memref<64x64xf32, #tpu.memory_space<vmem>>[vector<16xi32>, vector<16xi32>], vector<16xf32>,
            %mul3A_414 = arith.constant 8.000000e+00 : f32
            %mul3A_415 = vector.broadcast %mul3A_414 : f32 to vector<16xf32>
            %mul3A_416 = arith.mulf %gather3A_413, %mul3A_415 : vector<16xf32>
            %swap3A_417 = arith.index_cast %and3A_391 : i32 to index
            %swap3A_418 = arith.index_cast %and3A_387 : i32 to index
            %swap3A_419 = arith.constant 16 : index
            %swap3A_420 = tpu.vector_load %arg10[%swap3A_417, %swap3A_418, %swap3A_419] {strides = array<i32>} : memref<2x16x128xf32, #tpu.memory_space<vmem>>, vector<16xf32>,
            tpu.vector_store %arg10[%swap3A_417, %swap3A_418, %swap3A_419], %mul3A_416 {strides = array<i32>} : memref<2x16x128xf32, #tpu.memory_space<vmem>>, vector<16xf32>,
            %add3A_421 = arith.constant 32 : i32
            %add3A_422 = vector.broadcast %add3A_421 : i32 to vector<16xi32>
            %add3A_423 = arith.addi %iota3A, %add3A_422 : vector<16xi32>
            %gather3A_424 = tpu.vector_load_idx %arg9[%add3A_423, %broadcast_in_dim3A] : memref<64x64xf32, #tpu.memory_space<vmem>>[vector<16xi32>, vector<16xi32>], vector<16xf32>,
            %mul3A_425 = arith.constant 8.000000e+00 : f32
            %mul3A_426 = vector.broadcast %mul3A_425 : f32 to vector<16xf32>
            %mul3A_427 = arith.mulf %gather3A_424, %mul3A_426 : vector<16xf32>
            %swap3A_428 = arith.index_cast %and3A_391 : i32 to index
            %swap3A_429 = arith.index_cast %and3A_387 : i32 to index
            %swap3A_430 = arith.constant 32 : index
            %swap3A_431 = tpu.vector_load %arg10[%swap3A_428, %swap3A_429, %swap3A_430] {strides = array<i32>} : memref<2x16x128xf32, #tpu.memory_space<vmem>>, vector<16xf32>,
            tpu.vector_store %arg10[%swap3A_428, %swap3A_429, %swap3A_430], %mul3A_427 {strides = array<i32>} : memref<2x16x128xf32, #tpu.memory_space<vmem>>, vector<16xf32>,
            %add3A_432 = arith.constant 48 : i32
            %add3A_433 = vector.broadcast %add3A_432 : i32 to vector<16xi32>
            %add3A_434 = arith.addi %iota3A, %add3A_433 : vector<16xi32>
            %gather3A_435 = tpu.vector_load_idx %arg9[%add3A_434, %broadcast_in_dim3A] : memref<64x64xf32, #tpu.memory_space<vmem>>[vector<16xi32>, vector<16xi32>], vector<16xf32>,
            %mul3A_436 = arith.constant 8.000000e+00 : f32
            %mul3A_437 = vector.broadcast %mul3A_436 : f32 to vector<16xf32>
            %mul3A_438 = arith.mulf %gather3A_435, %mul3A_437 : vector<16xf32>
            %swap3A_439 = arith.index_cast %and3A_391 : i32 to index
            %swap3A_440 = arith.index_cast %and3A_387 : i32 to index
            %swap3A_441 = arith.constant 48 : index
            %swap3A_442 = tpu.vector_load %arg10[%swap3A_439, %swap3A_440, %swap3A_441] {strides = array<i32>} : memref<2x16x128xf32, #tpu.memory_space<vmem>>, vector<16xf32>,
            tpu.vector_store %arg10[%swap3A_439, %swap3A_440, %swap3A_441], %mul3A_438 {strides = array<i32>} : memref<2x16x128xf32, #tpu.memory_space<vmem>>, vector<16xf32>,
            %broadcast_in_dim3A_443 = vector.broadcast %and3A_391 : i32 to vector<16xi32>
            %broadcast_in_dim3A_444 = vector.broadcast %and3A_387 : i32 to vector<16xi32>
            %broadcast_in_dim3A_445 = vector.broadcast %squeeze3A_380 : i32 to vector<16xi32>
            tpu.vector_store_idx %arg11[%broadcast_in_dim3A_443, %broadcast_in_dim3A_444], %broadcast_in_dim3A_445 masked %eq3A_254 : memref<2x16xi32, #tpu.memory_space<vmem>>[vector<16xi32>, vector<16xi32>], vector<16xi32>, vector<16xi1>
            %swap3A_446 = arith.constant 2 : i32
            %swap3A_447 = arith.index_cast %swap3A_446 : i32 to index
            %swap3A_448 = memref.load %arg14[%swap3A_447] : memref<4xi32, #tpu.memory_space<smem>>
            memref.store %squeeze3A_380, %arg14[%swap3A_447] : memref<4xi32, #tpu.memory_space<smem>>
            %eq3A_449 = arith.constant 15 : i32
            %eq3A_450 = arith.cmpi eq, %and3A_387, %eq3A_449 : i32
            %convert_element_type3A_451 = arith.extui %eq3A_450 : i1 to i32
            %cond3A_452 = arith.constant 0 : i32
            %cond3A_453 = arith.cmpi ne, %convert_element_type3A_451, %cond3A_452 : i32
            scf.if %cond3A_453 {
              %dma_start3A_459 = arith.constant 0 : i32
              %dma_start3A_460 = arith.constant 0 : i32
              %dma_start3A_461 = tpu.memref_slice %arg10[%and3A_391, %dma_start3A_459, %dma_start3A_460] : memref<2x16x128xf32, #tpu.memory_space<vmem>> -> memref<1x16x128xf32, #tpu.memory_space<vmem>>
              %dma_start3A_462 = tpu.memref_squeeze %dma_start3A_461 : memref<1x16x128xf32, #tpu.memory_space<vmem>> -> memref<16x128xf32, #tpu.memory_space<vmem>>
              %dma_start3A_463 = arith.constant 0 : i32
              %dma_start3A_464 = tpu.memref_slice %arg11[%and3A_391, %dma_start3A_463] : memref<2x16xi32, #tpu.memory_space<vmem>> -> memref<1x16xi32, #tpu.memory_space<vmem>>
              %dma_start3A_465 = tpu.memref_squeeze %dma_start3A_464 : memref<1x16xi32, #tpu.memory_space<vmem>> -> memref<16xi32, #tpu.memory_space<vmem>>
              %dma_start3A_466 = arith.constant 0 : i32
              %dma_start3A_467 = arith.constant 0 : i32
              %dma_start3A_468 = tpu.memref_slice %arg4[%dma_start3A_466, %dma_start3A_467] : memref<16384x128xf32, #tpu.memory_space<hbm>> -> memref<16384x128xf32, #tpu.memory_space<hbm>>
              tpu.enqueue_indirect_dma source(%dma_start3A_462 : memref<16x128xf32, #tpu.memory_space<vmem>>) target(%dma_start3A_468 : memref<16384x128xf32, #tpu.memory_space<hbm>>) offsets(%dma_start3A_465 : memref<16xi32, #tpu.memory_space<vmem>>) semaphore(%arg16 : memref<!tpu.dma_semaphore, #tpu.memory_space<semaphore_mem>>)
            } else {
            }
            %add3A_454 = arith.constant 1 : i32
            %add3A_455 = arith.addi %get3A_385, %add3A_454 : i32
            %swap3A_456 = arith.constant 0 : i32
            %swap3A_457 = arith.index_cast %swap3A_456 : i32 to index
            %swap3A_458 = memref.load %arg14[%swap3A_457] : memref<4xi32, #tpu.memory_space<smem>>
            memref.store %add3A_455, %arg14[%swap3A_457] : memref<4xi32, #tpu.memory_space<smem>>
          }
        } else {
        }
      }
      %while3A_332 = arith.constant 1 : i32
      scf.for %while3A_333 = %while3A_330 to %while3A_326 step %while3A_332  : i32 {
        %mul3A_334 = arith.constant 16 : i32
        %mul3A_335 = arith.muli %while3A_333, %mul3A_334 : i32
        %get3A_336 = arith.index_cast %mul3A_335 : i32 to index
        %get3A_337 = tpu.vector_load %arg6[%get3A_336] {strides = array<i32>} : memref<16400xi32, #tpu.memory_space<vmem>>, vector<16xi32>,
        %mul3A_338 = arith.constant 16 : i32
        %mul3A_339 = arith.muli %while3A_333, %mul3A_338 : i32
        %get3A_340 = arith.index_cast %mul3A_339 : i32 to index
        %get3A_341 = tpu.vector_load %arg7[%get3A_340] {strides = array<i32>} : memref<16400xi32, #tpu.memory_space<vmem>>, vector<16xi32>,
        %mul3A_342 = arith.constant 16 : i32
        %mul3A_343 = arith.muli %while3A_333, %mul3A_342 : i32
        %sub3A_344 = arith.subi %scan3A_228, %mul3A_343 : i32
        %lt3A = vector.broadcast %sub3A_344 : i32 to vector<16xi32>
        %lt3A_345 = arith.cmpi slt, %iota3A, %lt3A : vector<16xi32>
        %ge3A = arith.constant 999936 : i32
        %ge3A_346 = vector.broadcast %ge3A : i32 to vector<16xi32>
        %ge3A_347 = arith.cmpi sge, %get3A_337, %ge3A_346 : vector<16xi32>
        %and3A_348 = arith.andi %lt3A_345, %ge3A_347 : vector<16xi1>
        %lt3A_349 = arith.constant 1000000 : i32
        %lt3A_350 = vector.broadcast %lt3A_349 : i32 to vector<16xi32>
        %lt3A_351 = arith.cmpi slt, %get3A_337, %lt3A_350 : vector<16xi32>
        %and3A_352 = arith.andi %and3A_348, %lt3A_351 : vector<16xi1>
        %all_reduce_population_count3A = tpu.all_reduce %and3A_352 {dim = 0 : i64, kind = #tpu.reduction_kind<sum>} : vector<16xi1> -> vector<16xi32>
        %slice3A = vector.extract_strided_slice %all_reduce_population_count3A {offsets = [0], sizes = [1], strides = [1]} : vector<16xi32> to vector<1xi32>
        %squeeze3A = vector.extract %slice3A[0] : i32 from vector<1xi32>
        %gt3A_353 = arith.constant 0 : i32
        %gt3A_354 = arith.cmpi sgt, %squeeze3A, %gt3A_353 : i32
        %convert_element_type3A_355 = arith.extui %gt3A_354 : i1 to i32
        %cond3A_356 = arith.constant 0 : i32
        %cond3A_357 = arith.cmpi ne, %convert_element_type3A_355, %cond3A_356 : i32
        scf.if %cond3A_357 {
          %swap3A_358 = arith.constant 0 : index
          %swap3A_359 = tpu.vector_load %arg12[%swap3A_358] masked %and3A_352 {strides = array<i32>} : memref<32xi32, #tpu.memory_space<vmem>>, vector<16xi32>, vector<16xi1>
          tpu.vector_store %arg12[%swap3A_358], %get3A_337 masked %and3A_352 {strides = array<i32>} : memref<32xi32, #tpu.memory_space<vmem>>, vector<16xi32>, vector<16xi1>
          %swap3A_360 = arith.constant 0 : index
          %swap3A_361 = tpu.vector_load %arg13[%swap3A_360] masked %and3A_352 {strides = array<i32>} : memref<32xi32, #tpu.memory_space<vmem>>, vector<16xi32>, vector<16xi1>
          tpu.vector_store %arg13[%swap3A_360], %get3A_341 masked %and3A_352 {strides = array<i32>} : memref<32xi32, #tpu.memory_space<vmem>>, vector<16xi32>, vector<16xi1>
          %while3A_362 = arith.constant 0 : i32
          %while3A_363 = arith.constant 0 : i32
          %while3A_364 = arith.subi %squeeze3A, %while3A_363 : i32
          %while3A_365 = arith.addi %while3A_363, %while3A_364 : i32
          %while3A_366 = arith.constant 1 : i32
          %while3A_367 = arith.divsi %while3A_364, %while3A_366 : i32
          %while3A_368 = arith.muli %while3A_367, %while3A_366 : i32
          %while3A_369 = arith.addi %while3A_363, %while3A_368 : i32
          %while3A_370 = arith.constant 1 : i32
          scf.for %while3A_372 = %while3A_363 to %while3A_369 step %while3A_370  : i32 {
            %get3A_373 = arith.index_cast %while3A_372 : i32 to index
            %get3A_374 = tpu.vector_load %arg12[%get3A_373] {strides = array<i32>} : memref<32xi32, #tpu.memory_space<vmem>>, vector<16xi32>,
            %slice3A_375 = vector.extract_strided_slice %get3A_374 {offsets = [0], sizes = [1], strides = [1]} : vector<16xi32> to vector<1xi32>
            %squeeze3A_376 = vector.extract %slice3A_375[0] : i32 from vector<1xi32>
            %get3A_377 = arith.index_cast %while3A_372 : i32 to index
            %get3A_378 = tpu.vector_load %arg13[%get3A_377] {strides = array<i32>} : memref<32xi32, #tpu.memory_space<vmem>>, vector<16xi32>,
            %slice3A_379 = vector.extract_strided_slice %get3A_378 {offsets = [0], sizes = [1], strides = [1]} : vector<16xi32> to vector<1xi32>
            %squeeze3A_380 = vector.extract %slice3A_379[0] : i32 from vector<1xi32>
            %sub3A_381 = arith.constant 999936 : i32
            %sub3A_382 = arith.subi %squeeze3A_376, %sub3A_381 : i32
            %get3A_383 = arith.constant 0 : i32
            %get3A_384 = arith.index_cast %get3A_383 : i32 to index
            %get3A_385 = memref.load %arg14[%get3A_384] : memref<4xi32, #tpu.memory_space<smem>>
            %and3A_386 = arith.constant 15 : i32
            %and3A_387 = arith.andi %get3A_385, %and3A_386 : i32
            %shift_right_logical3A_388 = arith.constant 4 : i32
            %shift_right_logical3A_389 = arith.shrui %get3A_385, %shift_right_logical3A_388 : i32
            %and3A_390 = arith.constant 1 : i32
            %and3A_391 = arith.andi %shift_right_logical3A_389, %and3A_390 : i32
            %eq3A_392 = arith.constant 0 : i32
            %eq3A_393 = arith.cmpi eq, %and3A_387, %eq3A_392 : i32
            %ge3A_394 = arith.constant 32 : i32
            %ge3A_395 = arith.cmpi sge, %get3A_385, %ge3A_394 : i32
            %and3A_396 = arith.andi %eq3A_393, %ge3A_395 : i1
            %convert_element_type3A_397 = arith.extui %and3A_396 : i1 to i32
            %cond3A_398 = arith.constant 0 : i32
            %cond3A_399 = arith.cmpi ne, %convert_element_type3A_397, %cond3A_398 : i32
            scf.if %cond3A_399 {
              %dma_wait3A = arith.constant 0 : i32
              %dma_wait3A_459 = arith.constant 0 : i32
              %dma_wait3A_460 = arith.constant 0 : i32
              %dma_wait3A_461 = arith.constant 0 : i32
              %dma_wait3A_462 = tpu.memref_slice %arg10[%dma_wait3A, %dma_wait3A_460, %dma_wait3A_461] : memref<2x16x128xf32, #tpu.memory_space<vmem>> -> memref<1x16x128xf32, #tpu.memory_space<vmem>>
              %dma_wait3A_463 = tpu.memref_squeeze %dma_wait3A_462 : memref<1x16x128xf32, #tpu.memory_space<vmem>> -> memref<16x128xf32, #tpu.memory_space<vmem>>
              %dma_wait3A_464 = arith.constant 0 : i32
              %dma_wait3A_465 = tpu.memref_slice %arg11[%dma_wait3A_459, %dma_wait3A_464] : memref<2x16xi32, #tpu.memory_space<vmem>> -> memref<1x16xi32, #tpu.memory_space<vmem>>
              %dma_wait3A_466 = tpu.memref_squeeze %dma_wait3A_465 : memref<1x16xi32, #tpu.memory_space<vmem>> -> memref<16xi32, #tpu.memory_space<vmem>>
              %dma_wait3A_467 = arith.constant 0 : i32
              %dma_wait3A_468 = arith.constant 0 : i32
              %dma_wait3A_469 = tpu.memref_slice %arg4[%dma_wait3A_467, %dma_wait3A_468] : memref<16384x128xf32, #tpu.memory_space<hbm>> -> memref<16384x128xf32, #tpu.memory_space<hbm>>
              tpu.wait_indirect_dma semaphore(%arg16 : memref<!tpu.dma_semaphore, #tpu.memory_space<semaphore_mem>>) src(%dma_wait3A_463 : memref<16x128xf32, #tpu.memory_space<vmem>>) dst(%dma_wait3A_469 : memref<16384x128xf32, #tpu.memory_space<hbm>>)
              %get3A_470 = arith.constant 1 : i32
              %get3A_471 = arith.index_cast %get3A_470 : i32 to index
              %get3A_472 = memref.load %arg14[%get3A_471] : memref<4xi32, #tpu.memory_space<smem>>
              %add3A_473 = arith.constant 1 : i32
              %add3A_474 = arith.addi %get3A_472, %add3A_473 : i32
              %swap3A_475 = arith.constant 1 : i32
              %swap3A_476 = arith.index_cast %swap3A_475 : i32 to index
              %swap3A_477 = memref.load %arg14[%swap3A_476] : memref<4xi32, #tpu.memory_space<smem>>
              memref.store %add3A_474, %arg14[%swap3A_476] : memref<4xi32, #tpu.memory_space<smem>>
            } else {
            }
            %broadcast_in_dim3A = vector.broadcast %sub3A_382 : i32 to vector<16xi32>
            %add3A_400 = arith.constant 0 : i32
            %add3A_401 = vector.broadcast %add3A_400 : i32 to vector<16xi32>
            %add3A_402 = arith.addi %iota3A, %add3A_401 : vector<16xi32>
            %gather3A = tpu.vector_load_idx %arg9[%add3A_402, %broadcast_in_dim3A] : memref<64x64xf32, #tpu.memory_space<vmem>>[vector<16xi32>, vector<16xi32>], vector<16xf32>,
            %mul3A_403 = arith.constant 8.000000e+00 : f32
            %mul3A_404 = vector.broadcast %mul3A_403 : f32 to vector<16xf32>
            %mul3A_405 = arith.mulf %gather3A, %mul3A_404 : vector<16xf32>
            %swap3A_406 = arith.index_cast %and3A_391 : i32 to index
            %swap3A_407 = arith.index_cast %and3A_387 : i32 to index
            %swap3A_408 = arith.constant 0 : index
            %swap3A_409 = tpu.vector_load %arg10[%swap3A_406, %swap3A_407, %swap3A_408] {strides = array<i32>} : memref<2x16x128xf32, #tpu.memory_space<vmem>>, vector<16xf32>,
            tpu.vector_store %arg10[%swap3A_406, %swap3A_407, %swap3A_408], %mul3A_405 {strides = array<i32>} : memref<2x16x128xf32, #tpu.memory_space<vmem>>, vector<16xf32>,
            %add3A_410 = arith.constant 16 : i32
            %add3A_411 = vector.broadcast %add3A_410 : i32 to vector<16xi32>
            %add3A_412 = arith.addi %iota3A, %add3A_411 : vector<16xi32>
            %gather3A_413 = tpu.vector_load_idx %arg9[%add3A_412, %broadcast_in_dim3A] : memref<64x64xf32, #tpu.memory_space<vmem>>[vector<16xi32>, vector<16xi32>], vector<16xf32>,
            %mul3A_414 = arith.constant 8.000000e+00 : f32
            %mul3A_415 = vector.broadcast %mul3A_414 : f32 to vector<16xf32>
            %mul3A_416 = arith.mulf %gather3A_413, %mul3A_415 : vector<16xf32>
            %swap3A_417 = arith.index_cast %and3A_391 : i32 to index
            %swap3A_418 = arith.index_cast %and3A_387 : i32 to index
            %swap3A_419 = arith.constant 16 : index
            %swap3A_420 = tpu.vector_load %arg10[%swap3A_417, %swap3A_418, %swap3A_419] {strides = array<i32>} : memref<2x16x128xf32, #tpu.memory_space<vmem>>, vector<16xf32>,
            tpu.vector_store %arg10[%swap3A_417, %swap3A_418, %swap3A_419], %mul3A_416 {strides = array<i32>} : memref<2x16x128xf32, #tpu.memory_space<vmem>>, vector<16xf32>,
            %add3A_421 = arith.constant 32 : i32
            %add3A_422 = vector.broadcast %add3A_421 : i32 to vector<16xi32>
            %add3A_423 = arith.addi %iota3A, %add3A_422 : vector<16xi32>
            %gather3A_424 = tpu.vector_load_idx %arg9[%add3A_423, %broadcast_in_dim3A] : memref<64x64xf32, #tpu.memory_space<vmem>>[vector<16xi32>, vector<16xi32>], vector<16xf32>,
            %mul3A_425 = arith.constant 8.000000e+00 : f32
            %mul3A_426 = vector.broadcast %mul3A_425 : f32 to vector<16xf32>
            %mul3A_427 = arith.mulf %gather3A_424, %mul3A_426 : vector<16xf32>
            %swap3A_428 = arith.index_cast %and3A_391 : i32 to index
            %swap3A_429 = arith.index_cast %and3A_387 : i32 to index
            %swap3A_430 = arith.constant 32 : index
            %swap3A_431 = tpu.vector_load %arg10[%swap3A_428, %swap3A_429, %swap3A_430] {strides = array<i32>} : memref<2x16x128xf32, #tpu.memory_space<vmem>>, vector<16xf32>,
            tpu.vector_store %arg10[%swap3A_428, %swap3A_429, %swap3A_430], %mul3A_427 {strides = array<i32>} : memref<2x16x128xf32, #tpu.memory_space<vmem>>, vector<16xf32>,
            %add3A_432 = arith.constant 48 : i32
            %add3A_433 = vector.broadcast %add3A_432 : i32 to vector<16xi32>
            %add3A_434 = arith.addi %iota3A, %add3A_433 : vector<16xi32>
            %gather3A_435 = tpu.vector_load_idx %arg9[%add3A_434, %broadcast_in_dim3A] : memref<64x64xf32, #tpu.memory_space<vmem>>[vector<16xi32>, vector<16xi32>], vector<16xf32>,
            %mul3A_436 = arith.constant 8.000000e+00 : f32
            %mul3A_437 = vector.broadcast %mul3A_436 : f32 to vector<16xf32>
            %mul3A_438 = arith.mulf %gather3A_435, %mul3A_437 : vector<16xf32>
            %swap3A_439 = arith.index_cast %and3A_391 : i32 to index
            %swap3A_440 = arith.index_cast %and3A_387 : i32 to index
            %swap3A_441 = arith.constant 48 : index
            %swap3A_442 = tpu.vector_load %arg10[%swap3A_439, %swap3A_440, %swap3A_441] {strides = array<i32>} : memref<2x16x128xf32, #tpu.memory_space<vmem>>, vector<16xf32>,
            tpu.vector_store %arg10[%swap3A_439, %swap3A_440, %swap3A_441], %mul3A_438 {strides = array<i32>} : memref<2x16x128xf32, #tpu.memory_space<vmem>>, vector<16xf32>,
            %broadcast_in_dim3A_443 = vector.broadcast %and3A_391 : i32 to vector<16xi32>
            %broadcast_in_dim3A_444 = vector.broadcast %and3A_387 : i32 to vector<16xi32>
            %broadcast_in_dim3A_445 = vector.broadcast %squeeze3A_380 : i32 to vector<16xi32>
            tpu.vector_store_idx %arg11[%broadcast_in_dim3A_443, %broadcast_in_dim3A_444], %broadcast_in_dim3A_445 masked %eq3A_254 : memref<2x16xi32, #tpu.memory_space<vmem>>[vector<16xi32>, vector<16xi32>], vector<16xi32>, vector<16xi1>
            %swap3A_446 = arith.constant 2 : i32
            %swap3A_447 = arith.index_cast %swap3A_446 : i32 to index
            %swap3A_448 = memref.load %arg14[%swap3A_447] : memref<4xi32, #tpu.memory_space<smem>>
            memref.store %squeeze3A_380, %arg14[%swap3A_447] : memref<4xi32, #tpu.memory_space<smem>>
            %eq3A_449 = arith.constant 15 : i32
            %eq3A_450 = arith.cmpi eq, %and3A_387, %eq3A_449 : i32
            %convert_element_type3A_451 = arith.extui %eq3A_450 : i1 to i32
            %cond3A_452 = arith.constant 0 : i32
            %cond3A_453 = arith.cmpi ne, %convert_element_type3A_451, %cond3A_452 : i32
            scf.if %cond3A_453 {
              %dma_start3A_459 = arith.constant 0 : i32
              %dma_start3A_460 = arith.constant 0 : i32
              %dma_start3A_461 = tpu.memref_slice %arg10[%and3A_391, %dma_start3A_459, %dma_start3A_460] : memref<2x16x128xf32, #tpu.memory_space<vmem>> -> memref<1x16x128xf32, #tpu.memory_space<vmem>>
              %dma_start3A_462 = tpu.memref_squeeze %dma_start3A_461 : memref<1x16x128xf32, #tpu.memory_space<vmem>> -> memref<16x128xf32, #tpu.memory_space<vmem>>
              %dma_start3A_463 = arith.constant 0 : i32
              %dma_start3A_464 = tpu.memref_slice %arg11[%and3A_391, %dma_start3A_463] : memref<2x16xi32, #tpu.memory_space<vmem>> -> memref<1x16xi32, #tpu.memory_space<vmem>>
              %dma_start3A_465 = tpu.memref_squeeze %dma_start3A_464 : memref<1x16xi32, #tpu.memory_space<vmem>> -> memref<16xi32, #tpu.memory_space<vmem>>
              %dma_start3A_466 = arith.constant 0 : i32
              %dma_start3A_467 = arith.constant 0 : i32
              %dma_start3A_468 = tpu.memref_slice %arg4[%dma_start3A_466, %dma_start3A_467] : memref<16384x128xf32, #tpu.memory_space<hbm>> -> memref<16384x128xf32, #tpu.memory_space<hbm>>
              tpu.enqueue_indirect_dma source(%dma_start3A_462 : memref<16x128xf32, #tpu.memory_space<vmem>>) target(%dma_start3A_468 : memref<16384x128xf32, #tpu.memory_space<hbm>>) offsets(%dma_start3A_465 : memref<16xi32, #tpu.memory_space<vmem>>) semaphore(%arg16 : memref<!tpu.dma_semaphore, #tpu.memory_space<semaphore_mem>>)
            } else {
            }
            %add3A_454 = arith.constant 1 : i32
            %add3A_455 = arith.addi %get3A_385, %add3A_454 : i32
            %swap3A_456 = arith.constant 0 : i32
            %swap3A_457 = arith.index_cast %swap3A_456 : i32 to index
            %swap3A_458 = memref.load %arg14[%swap3A_457] : memref<4xi32, #tpu.memory_space<smem>>
            memref.store %add3A_455, %arg14[%swap3A_457] : memref<4xi32, #tpu.memory_space<smem>>
          }
          %while3A_371 = arith.constant 1 : i32
          scf.for %while3A_372 = %while3A_369 to %while3A_365 step %while3A_371  : i32 {
            %get3A_373 = arith.index_cast %while3A_372 : i32 to index
            %get3A_374 = tpu.vector_load %arg12[%get3A_373] {strides = array<i32>} : memref<32xi32, #tpu.memory_space<vmem>>, vector<16xi32>,
            %slice3A_375 = vector.extract_strided_slice %get3A_374 {offsets = [0], sizes = [1], strides = [1]} : vector<16xi32> to vector<1xi32>
            %squeeze3A_376 = vector.extract %slice3A_375[0] : i32 from vector<1xi32>
            %get3A_377 = arith.index_cast %while3A_372 : i32 to index
            %get3A_378 = tpu.vector_load %arg13[%get3A_377] {strides = array<i32>} : memref<32xi32, #tpu.memory_space<vmem>>, vector<16xi32>,
            %slice3A_379 = vector.extract_strided_slice %get3A_378 {offsets = [0], sizes = [1], strides = [1]} : vector<16xi32> to vector<1xi32>
            %squeeze3A_380 = vector.extract %slice3A_379[0] : i32 from vector<1xi32>
            %sub3A_381 = arith.constant 999936 : i32
            %sub3A_382 = arith.subi %squeeze3A_376, %sub3A_381 : i32
            %get3A_383 = arith.constant 0 : i32
            %get3A_384 = arith.index_cast %get3A_383 : i32 to index
            %get3A_385 = memref.load %arg14[%get3A_384] : memref<4xi32, #tpu.memory_space<smem>>
            %and3A_386 = arith.constant 15 : i32
            %and3A_387 = arith.andi %get3A_385, %and3A_386 : i32
            %shift_right_logical3A_388 = arith.constant 4 : i32
            %shift_right_logical3A_389 = arith.shrui %get3A_385, %shift_right_logical3A_388 : i32
            %and3A_390 = arith.constant 1 : i32
            %and3A_391 = arith.andi %shift_right_logical3A_389, %and3A_390 : i32
            %eq3A_392 = arith.constant 0 : i32
            %eq3A_393 = arith.cmpi eq, %and3A_387, %eq3A_392 : i32
            %ge3A_394 = arith.constant 32 : i32
            %ge3A_395 = arith.cmpi sge, %get3A_385, %ge3A_394 : i32
            %and3A_396 = arith.andi %eq3A_393, %ge3A_395 : i1
            %convert_element_type3A_397 = arith.extui %and3A_396 : i1 to i32
            %cond3A_398 = arith.constant 0 : i32
            %cond3A_399 = arith.cmpi ne, %convert_element_type3A_397, %cond3A_398 : i32
            scf.if %cond3A_399 {
              %dma_wait3A = arith.constant 0 : i32
              %dma_wait3A_459 = arith.constant 0 : i32
              %dma_wait3A_460 = arith.constant 0 : i32
              %dma_wait3A_461 = arith.constant 0 : i32
              %dma_wait3A_462 = tpu.memref_slice %arg10[%dma_wait3A, %dma_wait3A_460, %dma_wait3A_461] : memref<2x16x128xf32, #tpu.memory_space<vmem>> -> memref<1x16x128xf32, #tpu.memory_space<vmem>>
              %dma_wait3A_463 = tpu.memref_squeeze %dma_wait3A_462 : memref<1x16x128xf32, #tpu.memory_space<vmem>> -> memref<16x128xf32, #tpu.memory_space<vmem>>
              %dma_wait3A_464 = arith.constant 0 : i32
              %dma_wait3A_465 = tpu.memref_slice %arg11[%dma_wait3A_459, %dma_wait3A_464] : memref<2x16xi32, #tpu.memory_space<vmem>> -> memref<1x16xi32, #tpu.memory_space<vmem>>
              %dma_wait3A_466 = tpu.memref_squeeze %dma_wait3A_465 : memref<1x16xi32, #tpu.memory_space<vmem>> -> memref<16xi32, #tpu.memory_space<vmem>>
              %dma_wait3A_467 = arith.constant 0 : i32
              %dma_wait3A_468 = arith.constant 0 : i32
              %dma_wait3A_469 = tpu.memref_slice %arg4[%dma_wait3A_467, %dma_wait3A_468] : memref<16384x128xf32, #tpu.memory_space<hbm>> -> memref<16384x128xf32, #tpu.memory_space<hbm>>
              tpu.wait_indirect_dma semaphore(%arg16 : memref<!tpu.dma_semaphore, #tpu.memory_space<semaphore_mem>>) src(%dma_wait3A_463 : memref<16x128xf32, #tpu.memory_space<vmem>>) dst(%dma_wait3A_469 : memref<16384x128xf32, #tpu.memory_space<hbm>>)
              %get3A_470 = arith.constant 1 : i32
              %get3A_471 = arith.index_cast %get3A_470 : i32 to index
              %get3A_472 = memref.load %arg14[%get3A_471] : memref<4xi32, #tpu.memory_space<smem>>
              %add3A_473 = arith.constant 1 : i32
              %add3A_474 = arith.addi %get3A_472, %add3A_473 : i32
              %swap3A_475 = arith.constant 1 : i32
              %swap3A_476 = arith.index_cast %swap3A_475 : i32 to index
              %swap3A_477 = memref.load %arg14[%swap3A_476] : memref<4xi32, #tpu.memory_space<smem>>
              memref.store %add3A_474, %arg14[%swap3A_476] : memref<4xi32, #tpu.memory_space<smem>>
            } else {
            }
            %broadcast_in_dim3A = vector.broadcast %sub3A_382 : i32 to vector<16xi32>
            %add3A_400 = arith.constant 0 : i32
            %add3A_401 = vector.broadcast %add3A_400 : i32 to vector<16xi32>
            %add3A_402 = arith.addi %iota3A, %add3A_401 : vector<16xi32>
            %gather3A = tpu.vector_load_idx %arg9[%add3A_402, %broadcast_in_dim3A] : memref<64x64xf32, #tpu.memory_space<vmem>>[vector<16xi32>, vector<16xi32>], vector<16xf32>,
            %mul3A_403 = arith.constant 8.000000e+00 : f32
            %mul3A_404 = vector.broadcast %mul3A_403 : f32 to vector<16xf32>
            %mul3A_405 = arith.mulf %gather3A, %mul3A_404 : vector<16xf32>
            %swap3A_406 = arith.index_cast %and3A_391 : i32 to index
            %swap3A_407 = arith.index_cast %and3A_387 : i32 to index
            %swap3A_408 = arith.constant 0 : index
            %swap3A_409 = tpu.vector_load %arg10[%swap3A_406, %swap3A_407, %swap3A_408] {strides = array<i32>} : memref<2x16x128xf32, #tpu.memory_space<vmem>>, vector<16xf32>,
            tpu.vector_store %arg10[%swap3A_406, %swap3A_407, %swap3A_408], %mul3A_405 {strides = array<i32>} : memref<2x16x128xf32, #tpu.memory_space<vmem>>, vector<16xf32>,
            %add3A_410 = arith.constant 16 : i32
            %add3A_411 = vector.broadcast %add3A_410 : i32 to vector<16xi32>
            %add3A_412 = arith.addi %iota3A, %add3A_411 : vector<16xi32>
            %gather3A_413 = tpu.vector_load_idx %arg9[%add3A_412, %broadcast_in_dim3A] : memref<64x64xf32, #tpu.memory_space<vmem>>[vector<16xi32>, vector<16xi32>], vector<16xf32>,
            %mul3A_414 = arith.constant 8.000000e+00 : f32
            %mul3A_415 = vector.broadcast %mul3A_414 : f32 to vector<16xf32>
            %mul3A_416 = arith.mulf %gather3A_413, %mul3A_415 : vector<16xf32>
            %swap3A_417 = arith.index_cast %and3A_391 : i32 to index
            %swap3A_418 = arith.index_cast %and3A_387 : i32 to index
            %swap3A_419 = arith.constant 16 : index
            %swap3A_420 = tpu.vector_load %arg10[%swap3A_417, %swap3A_418, %swap3A_419] {strides = array<i32>} : memref<2x16x128xf32, #tpu.memory_space<vmem>>, vector<16xf32>,
            tpu.vector_store %arg10[%swap3A_417, %swap3A_418, %swap3A_419], %mul3A_416 {strides = array<i32>} : memref<2x16x128xf32, #tpu.memory_space<vmem>>, vector<16xf32>,
            %add3A_421 = arith.constant 32 : i32
            %add3A_422 = vector.broadcast %add3A_421 : i32 to vector<16xi32>
            %add3A_423 = arith.addi %iota3A, %add3A_422 : vector<16xi32>
            %gather3A_424 = tpu.vector_load_idx %arg9[%add3A_423, %broadcast_in_dim3A] : memref<64x64xf32, #tpu.memory_space<vmem>>[vector<16xi32>, vector<16xi32>], vector<16xf32>,
            %mul3A_425 = arith.constant 8.000000e+00 : f32
            %mul3A_426 = vector.broadcast %mul3A_425 : f32 to vector<16xf32>
            %mul3A_427 = arith.mulf %gather3A_424, %mul3A_426 : vector<16xf32>
            %swap3A_428 = arith.index_cast %and3A_391 : i32 to index
            %swap3A_429 = arith.index_cast %and3A_387 : i32 to index
            %swap3A_430 = arith.constant 32 : index
            %swap3A_431 = tpu.vector_load %arg10[%swap3A_428, %swap3A_429, %swap3A_430] {strides = array<i32>} : memref<2x16x128xf32, #tpu.memory_space<vmem>>, vector<16xf32>,
            tpu.vector_store %arg10[%swap3A_428, %swap3A_429, %swap3A_430], %mul3A_427 {strides = array<i32>} : memref<2x16x128xf32, #tpu.memory_space<vmem>>, vector<16xf32>,
            %add3A_432 = arith.constant 48 : i32
            %add3A_433 = vector.broadcast %add3A_432 : i32 to vector<16xi32>
            %add3A_434 = arith.addi %iota3A, %add3A_433 : vector<16xi32>
            %gather3A_435 = tpu.vector_load_idx %arg9[%add3A_434, %broadcast_in_dim3A] : memref<64x64xf32, #tpu.memory_space<vmem>>[vector<16xi32>, vector<16xi32>], vector<16xf32>,
            %mul3A_436 = arith.constant 8.000000e+00 : f32
            %mul3A_437 = vector.broadcast %mul3A_436 : f32 to vector<16xf32>
            %mul3A_438 = arith.mulf %gather3A_435, %mul3A_437 : vector<16xf32>
            %swap3A_439 = arith.index_cast %and3A_391 : i32 to index
            %swap3A_440 = arith.index_cast %and3A_387 : i32 to index
            %swap3A_441 = arith.constant 48 : index
            %swap3A_442 = tpu.vector_load %arg10[%swap3A_439, %swap3A_440, %swap3A_441] {strides = array<i32>} : memref<2x16x128xf32, #tpu.memory_space<vmem>>, vector<16xf32>,
            tpu.vector_store %arg10[%swap3A_439, %swap3A_440, %swap3A_441], %mul3A_438 {strides = array<i32>} : memref<2x16x128xf32, #tpu.memory_space<vmem>>, vector<16xf32>,
            %broadcast_in_dim3A_443 = vector.broadcast %and3A_391 : i32 to vector<16xi32>
            %broadcast_in_dim3A_444 = vector.broadcast %and3A_387 : i32 to vector<16xi32>
            %broadcast_in_dim3A_445 = vector.broadcast %squeeze3A_380 : i32 to vector<16xi32>
            tpu.vector_store_idx %arg11[%broadcast_in_dim3A_443, %broadcast_in_dim3A_444], %broadcast_in_dim3A_445 masked %eq3A_254 : memref<2x16xi32, #tpu.memory_space<vmem>>[vector<16xi32>, vector<16xi32>], vector<16xi32>, vector<16xi1>
            %swap3A_446 = arith.constant 2 : i32
            %swap3A_447 = arith.index_cast %swap3A_446 : i32 to index
            %swap3A_448 = memref.load %arg14[%swap3A_447] : memref<4xi32, #tpu.memory_space<smem>>
            memref.store %squeeze3A_380, %arg14[%swap3A_447] : memref<4xi32, #tpu.memory_space<smem>>
            %eq3A_449 = arith.constant 15 : i32
            %eq3A_450 = arith.cmpi eq, %and3A_387, %eq3A_449 : i32
            %convert_element_type3A_451 = arith.extui %eq3A_450 : i1 to i32
            %cond3A_452 = arith.constant 0 : i32
            %cond3A_453 = arith.cmpi ne, %convert_element_type3A_451, %cond3A_452 : i32
            scf.if %cond3A_453 {
              %dma_start3A_459 = arith.constant 0 : i32
              %dma_start3A_460 = arith.constant 0 : i32
              %dma_start3A_461 = tpu.memref_slice %arg10[%and3A_391, %dma_start3A_459, %dma_start3A_460] : memref<2x16x128xf32, #tpu.memory_space<vmem>> -> memref<1x16x128xf32, #tpu.memory_space<vmem>>
              %dma_start3A_462 = tpu.memref_squeeze %dma_start3A_461 : memref<1x16x128xf32, #tpu.memory_space<vmem>> -> memref<16x128xf32, #tpu.memory_space<vmem>>
              %dma_start3A_463 = arith.constant 0 : i32
              %dma_start3A_464 = tpu.memref_slice %arg11[%and3A_391, %dma_start3A_463] : memref<2x16xi32, #tpu.memory_space<vmem>> -> memref<1x16xi32, #tpu.memory_space<vmem>>
              %dma_start3A_465 = tpu.memref_squeeze %dma_start3A_464 : memref<1x16xi32, #tpu.memory_space<vmem>> -> memref<16xi32, #tpu.memory_space<vmem>>
              %dma_start3A_466 = arith.constant 0 : i32
              %dma_start3A_467 = arith.constant 0 : i32
              %dma_start3A_468 = tpu.memref_slice %arg4[%dma_start3A_466, %dma_start3A_467] : memref<16384x128xf32, #tpu.memory_space<hbm>> -> memref<16384x128xf32, #tpu.memory_space<hbm>>
              tpu.enqueue_indirect_dma source(%dma_start3A_462 : memref<16x128xf32, #tpu.memory_space<vmem>>) target(%dma_start3A_468 : memref<16384x128xf32, #tpu.memory_space<hbm>>) offsets(%dma_start3A_465 : memref<16xi32, #tpu.memory_space<vmem>>) semaphore(%arg16 : memref<!tpu.dma_semaphore, #tpu.memory_space<semaphore_mem>>)
            } else {
            }
            %add3A_454 = arith.constant 1 : i32
            %add3A_455 = arith.addi %get3A_385, %add3A_454 : i32
            %swap3A_456 = arith.constant 0 : i32
            %swap3A_457 = arith.index_cast %swap3A_456 : i32 to index
            %swap3A_458 = memref.load %arg14[%swap3A_457] : memref<4xi32, #tpu.memory_space<smem>>
            memref.store %add3A_455, %arg14[%swap3A_457] : memref<4xi32, #tpu.memory_space<smem>>
          }
        } else {
        }
      }
    } else {
    }
    %get3A = arith.constant 0 : i32
    %get3A_268 = arith.index_cast %get3A : i32 to index
    %get3A_269 = memref.load %arg14[%get3A_268] : memref<4xi32, #tpu.memory_space<smem>>
    %and3A_270 = arith.constant 15 : i32
    %and3A_271 = arith.andi %get3A_269, %and3A_270 : i32
    %shift_right_logical3A = arith.constant 4 : i32
    %shift_right_logical3A_272 = arith.shrui %get3A_269, %shift_right_logical3A : i32
    %and3A_273 = arith.constant 1 : i32
    %and3A_274 = arith.andi %shift_right_logical3A_272, %and3A_273 : i32
    %gt3A = arith.constant 0 : i32
    %gt3A_275 = arith.cmpi sgt, %and3A_271, %gt3A : i32
    %convert_element_type3A_276 = arith.extui %gt3A_275 : i1 to i32
    %cond3A_277 = arith.constant 0 : i32
    %cond3A_278 = arith.cmpi ne, %convert_element_type3A_276, %cond3A_277 : i32
    scf.if %cond3A_278 {
      %get3A_323 = arith.constant 2 : i32
      %get3A_324 = arith.index_cast %get3A_323 : i32 to index
      %get3A_325 = memref.load %arg14[%get3A_324] : memref<4xi32, #tpu.memory_space<smem>>
      %broadcast_in_dim3A = vector.broadcast %and3A_274 : i32 to vector<16xi32>
      %broadcast_in_dim3A_326 = vector.broadcast %get3A_325 : i32 to vector<16xi32>
      %ge3A = vector.broadcast %and3A_271 : i32 to vector<16xi32>
      %ge3A_327 = arith.cmpi sge, %iota3A, %ge3A : vector<16xi32>
      tpu.vector_store_idx %arg11[%broadcast_in_dim3A, %iota3A], %broadcast_in_dim3A_326 masked %ge3A_327 : memref<2x16xi32, #tpu.memory_space<vmem>>[vector<16xi32>, vector<16xi32>], vector<16xi32>, vector<16xi1>
      %le3A = arith.constant 0 : i32
      %le3A_328 = arith.cmpi sle, %and3A_271, %le3A : i32
      %convert_element_type3A_329 = arith.extui %le3A_328 : i1 to i32
      %cond3A_330 = arith.constant 0 : i32
      %cond3A_331 = arith.cmpi ne, %convert_element_type3A_329, %cond3A_330 : i32
      scf.if %cond3A_331 {
        %sub3A_417 = arith.constant 1 : i32
        %sub3A_418 = arith.subi %and3A_271, %sub3A_417 : i32
        %get3A_419 = arith.index_cast %and3A_274 : i32 to index
        %get3A_420 = arith.index_cast %sub3A_418 : i32 to index
        %get3A_421 = arith.constant 0 : index
        %get3A_422 = tpu.vector_load %arg10[%get3A_419, %get3A_420, %get3A_421] {strides = array<i32>} : memref<2x16x128xf32, #tpu.memory_space<vmem>>, vector<16xf32>,
        %swap3A_423 = arith.constant 0 : i32
        %swap3A_424 = arith.index_cast %and3A_274 : i32 to index
        %swap3A_425 = arith.index_cast %swap3A_423 : i32 to index
        %swap3A_426 = arith.constant 0 : index
        %swap3A_427 = tpu.vector_load %arg10[%swap3A_424, %swap3A_425, %swap3A_426] {strides = array<i32>} : memref<2x16x128xf32, #tpu.memory_space<vmem>>, vector<16xf32>,
        tpu.vector_store %arg10[%swap3A_424, %swap3A_425, %swap3A_426], %get3A_422 {strides = array<i32>} : memref<2x16x128xf32, #tpu.memory_space<vmem>>, vector<16xf32>,
        %sub3A_428 = arith.constant 1 : i32
        %sub3A_429 = arith.subi %and3A_271, %sub3A_428 : i32
        %get3A_430 = arith.index_cast %and3A_274 : i32 to index
        %get3A_431 = arith.index_cast %sub3A_429 : i32 to index
        %get3A_432 = arith.constant 16 : index
        %get3A_433 = tpu.vector_load %arg10[%get3A_430, %get3A_431, %get3A_432] {strides = array<i32>} : memref<2x16x128xf32, #tpu.memory_space<vmem>>, vector<16xf32>,
        %swap3A_434 = arith.constant 0 : i32
        %swap3A_435 = arith.index_cast %and3A_274 : i32 to index
        %swap3A_436 = arith.index_cast %swap3A_434 : i32 to index
        %swap3A_437 = arith.constant 16 : index
        %swap3A_438 = tpu.vector_load %arg10[%swap3A_435, %swap3A_436, %swap3A_437] {strides = array<i32>} : memref<2x16x128xf32, #tpu.memory_space<vmem>>, vector<16xf32>,
        tpu.vector_store %arg10[%swap3A_435, %swap3A_436, %swap3A_437], %get3A_433 {strides = array<i32>} : memref<2x16x128xf32, #tpu.memory_space<vmem>>, vector<16xf32>,
        %sub3A_439 = arith.constant 1 : i32
        %sub3A_440 = arith.subi %and3A_271, %sub3A_439 : i32
        %get3A_441 = arith.index_cast %and3A_274 : i32 to index
        %get3A_442 = arith.index_cast %sub3A_440 : i32 to index
        %get3A_443 = arith.constant 32 : index
        %get3A_444 = tpu.vector_load %arg10[%get3A_441, %get3A_442, %get3A_443] {strides = array<i32>} : memref<2x16x128xf32, #tpu.memory_space<vmem>>, vector<16xf32>,
        %swap3A_445 = arith.constant 0 : i32
        %swap3A_446 = arith.index_cast %and3A_274 : i32 to index
        %swap3A_447 = arith.index_cast %swap3A_445 : i32 to index
        %swap3A_448 = arith.constant 32 : index
        %swap3A_449 = tpu.vector_load %arg10[%swap3A_446, %swap3A_447, %swap3A_448] {strides = array<i32>} : memref<2x16x128xf32, #tpu.memory_space<vmem>>, vector<16xf32>,
        tpu.vector_store %arg10[%swap3A_446, %swap3A_447, %swap3A_448], %get3A_444 {strides = array<i32>} : memref<2x16x128xf32, #tpu.memory_space<vmem>>, vector<16xf32>,
        %sub3A_450 = arith.constant 1 : i32
        %sub3A_451 = arith.subi %and3A_271, %sub3A_450 : i32
        %get3A_452 = arith.index_cast %and3A_274 : i32 to index
        %get3A_453 = arith.index_cast %sub3A_451 : i32 to index
        %get3A_454 = arith.constant 48 : index
        %get3A_455 = tpu.vector_load %arg10[%get3A_452, %get3A_453, %get3A_454] {strides = array<i32>} : memref<2x16x128xf32, #tpu.memory_space<vmem>>, vector<16xf32>,
        %swap3A_456 = arith.constant 0 : i32
        %swap3A_457 = arith.index_cast %and3A_274 : i32 to index
        %swap3A_458 = arith.index_cast %swap3A_456 : i32 to index
        %swap3A_459 = arith.constant 48 : index
        %swap3A_460 = tpu.vector_load %arg10[%swap3A_457, %swap3A_458, %swap3A_459] {strides = array<i32>} : memref<2x16x128xf32, #tpu.memory_space<vmem>>, vector<16xf32>,
        tpu.vector_store %arg10[%swap3A_457, %swap3A_458, %swap3A_459], %get3A_455 {strides = array<i32>} : memref<2x16x128xf32, #tpu.memory_space<vmem>>, vector<16xf32>,
      } else {
      }
      %le3A_332 = arith.constant 1 : i32
      %le3A_333 = arith.cmpi sle, %and3A_271, %le3A_332 : i32
      %convert_element_type3A_334 = arith.extui %le3A_333 : i1 to i32
      %cond3A_335 = arith.constant 0 : i32
      %cond3A_336 = arith.cmpi ne, %convert_element_type3A_334, %cond3A_335 : i32
      scf.if %cond3A_336 {
        %sub3A_417 = arith.constant 1 : i32
        %sub3A_418 = arith.subi %and3A_271, %sub3A_417 : i32
        %get3A_419 = arith.index_cast %and3A_274 : i32 to index
        %get3A_420 = arith.index_cast %sub3A_418 : i32 to index
        %get3A_421 = arith.constant 0 : index
        %get3A_422 = tpu.vector_load %arg10[%get3A_419, %get3A_420, %get3A_421] {strides = array<i32>} : memref<2x16x128xf32, #tpu.memory_space<vmem>>, vector<16xf32>,
        %swap3A_423 = arith.constant 1 : i32
        %swap3A_424 = arith.index_cast %and3A_274 : i32 to index
        %swap3A_425 = arith.index_cast %swap3A_423 : i32 to index
        %swap3A_426 = arith.constant 0 : index
        %swap3A_427 = tpu.vector_load %arg10[%swap3A_424, %swap3A_425, %swap3A_426] {strides = array<i32>} : memref<2x16x128xf32, #tpu.memory_space<vmem>>, vector<16xf32>,
        tpu.vector_store %arg10[%swap3A_424, %swap3A_425, %swap3A_426], %get3A_422 {strides = array<i32>} : memref<2x16x128xf32, #tpu.memory_space<vmem>>, vector<16xf32>,
        %sub3A_428 = arith.constant 1 : i32
        %sub3A_429 = arith.subi %and3A_271, %sub3A_428 : i32
        %get3A_430 = arith.index_cast %and3A_274 : i32 to index
        %get3A_431 = arith.index_cast %sub3A_429 : i32 to index
        %get3A_432 = arith.constant 16 : index
        %get3A_433 = tpu.vector_load %arg10[%get3A_430, %get3A_431, %get3A_432] {strides = array<i32>} : memref<2x16x128xf32, #tpu.memory_space<vmem>>, vector<16xf32>,
        %swap3A_434 = arith.constant 1 : i32
        %swap3A_435 = arith.index_cast %and3A_274 : i32 to index
        %swap3A_436 = arith.index_cast %swap3A_434 : i32 to index
        %swap3A_437 = arith.constant 16 : index
        %swap3A_438 = tpu.vector_load %arg10[%swap3A_435, %swap3A_436, %swap3A_437] {strides = array<i32>} : memref<2x16x128xf32, #tpu.memory_space<vmem>>, vector<16xf32>,
        tpu.vector_store %arg10[%swap3A_435, %swap3A_436, %swap3A_437], %get3A_433 {strides = array<i32>} : memref<2x16x128xf32, #tpu.memory_space<vmem>>, vector<16xf32>,
        %sub3A_439 = arith.constant 1 : i32
        %sub3A_440 = arith.subi %and3A_271, %sub3A_439 : i32
        %get3A_441 = arith.index_cast %and3A_274 : i32 to index
        %get3A_442 = arith.index_cast %sub3A_440 : i32 to index
        %get3A_443 = arith.constant 32 : index
        %get3A_444 = tpu.vector_load %arg10[%get3A_441, %get3A_442, %get3A_443] {strides = array<i32>} : memref<2x16x128xf32, #tpu.memory_space<vmem>>, vector<16xf32>,
        %swap3A_445 = arith.constant 1 : i32
        %swap3A_446 = arith.index_cast %and3A_274 : i32 to index
        %swap3A_447 = arith.index_cast %swap3A_445 : i32 to index
        %swap3A_448 = arith.constant 32 : index
        %swap3A_449 = tpu.vector_load %arg10[%swap3A_446, %swap3A_447, %swap3A_448] {strides = array<i32>} : memref<2x16x128xf32, #tpu.memory_space<vmem>>, vector<16xf32>,
        tpu.vector_store %arg10[%swap3A_446, %swap3A_447, %swap3A_448], %get3A_444 {strides = array<i32>} : memref<2x16x128xf32, #tpu.memory_space<vmem>>, vector<16xf32>,
        %sub3A_450 = arith.constant 1 : i32
        %sub3A_451 = arith.subi %and3A_271, %sub3A_450 : i32
        %get3A_452 = arith.index_cast %and3A_274 : i32 to index
        %get3A_453 = arith.index_cast %sub3A_451 : i32 to index
        %get3A_454 = arith.constant 48 : index
        %get3A_455 = tpu.vector_load %arg10[%get3A_452, %get3A_453, %get3A_454] {strides = array<i32>} : memref<2x16x128xf32, #tpu.memory_space<vmem>>, vector<16xf32>,
        %swap3A_456 = arith.constant 1 : i32
        %swap3A_457 = arith.index_cast %and3A_274 : i32 to index
        %swap3A_458 = arith.index_cast %swap3A_456 : i32 to index
        %swap3A_459 = arith.constant 48 : index
        %swap3A_460 = tpu.vector_load %arg10[%swap3A_457, %swap3A_458, %swap3A_459] {strides = array<i32>} : memref<2x16x128xf32, #tpu.memory_space<vmem>>, vector<16xf32>,
        tpu.vector_store %arg10[%swap3A_457, %swap3A_458, %swap3A_459], %get3A_455 {strides = array<i32>} : memref<2x16x128xf32, #tpu.memory_space<vmem>>, vector<16xf32>,
      } else {
      }
      %le3A_337 = arith.constant 2 : i32
      %le3A_338 = arith.cmpi sle, %and3A_271, %le3A_337 : i32
      %convert_element_type3A_339 = arith.extui %le3A_338 : i1 to i32
      %cond3A_340 = arith.constant 0 : i32
      %cond3A_341 = arith.cmpi ne, %convert_element_type3A_339, %cond3A_340 : i32
      scf.if %cond3A_341 {
        %sub3A_417 = arith.constant 1 : i32
        %sub3A_418 = arith.subi %and3A_271, %sub3A_417 : i32
        %get3A_419 = arith.index_cast %and3A_274 : i32 to index
        %get3A_420 = arith.index_cast %sub3A_418 : i32 to index
        %get3A_421 = arith.constant 0 : index
        %get3A_422 = tpu.vector_load %arg10[%get3A_419, %get3A_420, %get3A_421] {strides = array<i32>} : memref<2x16x128xf32, #tpu.memory_space<vmem>>, vector<16xf32>,
        %swap3A_423 = arith.constant 2 : i32
        %swap3A_424 = arith.index_cast %and3A_274 : i32 to index
        %swap3A_425 = arith.index_cast %swap3A_423 : i32 to index
        %swap3A_426 = arith.constant 0 : index
        %swap3A_427 = tpu.vector_load %arg10[%swap3A_424, %swap3A_425, %swap3A_426] {strides = array<i32>} : memref<2x16x128xf32, #tpu.memory_space<vmem>>, vector<16xf32>,
        tpu.vector_store %arg10[%swap3A_424, %swap3A_425, %swap3A_426], %get3A_422 {strides = array<i32>} : memref<2x16x128xf32, #tpu.memory_space<vmem>>, vector<16xf32>,
        %sub3A_428 = arith.constant 1 : i32
        %sub3A_429 = arith.subi %and3A_271, %sub3A_428 : i32
        %get3A_430 = arith.index_cast %and3A_274 : i32 to index
        %get3A_431 = arith.index_cast %sub3A_429 : i32 to index
        %get3A_432 = arith.constant 16 : index
        %get3A_433 = tpu.vector_load %arg10[%get3A_430, %get3A_431, %get3A_432] {strides = array<i32>} : memref<2x16x128xf32, #tpu.memory_space<vmem>>, vector<16xf32>,
        %swap3A_434 = arith.constant 2 : i32
        %swap3A_435 = arith.index_cast %and3A_274 : i32 to index
        %swap3A_436 = arith.index_cast %swap3A_434 : i32 to index
        %swap3A_437 = arith.constant 16 : index
        %swap3A_438 = tpu.vector_load %arg10[%swap3A_435, %swap3A_436, %swap3A_437] {strides = array<i32>} : memref<2x16x128xf32, #tpu.memory_space<vmem>>, vector<16xf32>,
        tpu.vector_store %arg10[%swap3A_435, %swap3A_436, %swap3A_437], %get3A_433 {strides = array<i32>} : memref<2x16x128xf32, #tpu.memory_space<vmem>>, vector<16xf32>,
        %sub3A_439 = arith.constant 1 : i32
        %sub3A_440 = arith.subi %and3A_271, %sub3A_439 : i32
        %get3A_441 = arith.index_cast %and3A_274 : i32 to index
        %get3A_442 = arith.index_cast %sub3A_440 : i32 to index
        %get3A_443 = arith.constant 32 : index
        %get3A_444 = tpu.vector_load %arg10[%get3A_441, %get3A_442, %get3A_443] {strides = array<i32>} : memref<2x16x128xf32, #tpu.memory_space<vmem>>, vector<16xf32>,
        %swap3A_445 = arith.constant 2 : i32
        %swap3A_446 = arith.index_cast %and3A_274 : i32 to index
        %swap3A_447 = arith.index_cast %swap3A_445 : i32 to index
        %swap3A_448 = arith.constant 32 : index
        %swap3A_449 = tpu.vector_load %arg10[%swap3A_446, %swap3A_447, %swap3A_448] {strides = array<i32>} : memref<2x16x128xf32, #tpu.memory_space<vmem>>, vector<16xf32>,
        tpu.vector_store %arg10[%swap3A_446, %swap3A_447, %swap3A_448], %get3A_444 {strides = array<i32>} : memref<2x16x128xf32, #tpu.memory_space<vmem>>, vector<16xf32>,
        %sub3A_450 = arith.constant 1 : i32
        %sub3A_451 = arith.subi %and3A_271, %sub3A_450 : i32
        %get3A_452 = arith.index_cast %and3A_274 : i32 to index
        %get3A_453 = arith.index_cast %sub3A_451 : i32 to index
        %get3A_454 = arith.constant 48 : index
        %get3A_455 = tpu.vector_load %arg10[%get3A_452, %get3A_453, %get3A_454] {strides = array<i32>} : memref<2x16x128xf32, #tpu.memory_space<vmem>>, vector<16xf32>,
        %swap3A_456 = arith.constant 2 : i32
        %swap3A_457 = arith.index_cast %and3A_274 : i32 to index
        %swap3A_458 = arith.index_cast %swap3A_456 : i32 to index
        %swap3A_459 = arith.constant 48 : index
        %swap3A_460 = tpu.vector_load %arg10[%swap3A_457, %swap3A_458, %swap3A_459] {strides = array<i32>} : memref<2x16x128xf32, #tpu.memory_space<vmem>>, vector<16xf32>,
        tpu.vector_store %arg10[%swap3A_457, %swap3A_458, %swap3A_459], %get3A_455 {strides = array<i32>} : memref<2x16x128xf32, #tpu.memory_space<vmem>>, vector<16xf32>,
      } else {
      }
      %le3A_342 = arith.constant 3 : i32
      %le3A_343 = arith.cmpi sle, %and3A_271, %le3A_342 : i32
      %convert_element_type3A_344 = arith.extui %le3A_343 : i1 to i32
      %cond3A_345 = arith.constant 0 : i32
      %cond3A_346 = arith.cmpi ne, %convert_element_type3A_344, %cond3A_345 : i32
      scf.if %cond3A_346 {
        %sub3A_417 = arith.constant 1 : i32
        %sub3A_418 = arith.subi %and3A_271, %sub3A_417 : i32
        %get3A_419 = arith.index_cast %and3A_274 : i32 to index
        %get3A_420 = arith.index_cast %sub3A_418 : i32 to index
        %get3A_421 = arith.constant 0 : index
        %get3A_422 = tpu.vector_load %arg10[%get3A_419, %get3A_420, %get3A_421] {strides = array<i32>} : memref<2x16x128xf32, #tpu.memory_space<vmem>>, vector<16xf32>,
        %swap3A_423 = arith.constant 3 : i32
        %swap3A_424 = arith.index_cast %and3A_274 : i32 to index
        %swap3A_425 = arith.index_cast %swap3A_423 : i32 to index
        %swap3A_426 = arith.constant 0 : index
        %swap3A_427 = tpu.vector_load %arg10[%swap3A_424, %swap3A_425, %swap3A_426] {strides = array<i32>} : memref<2x16x128xf32, #tpu.memory_space<vmem>>, vector<16xf32>,
        tpu.vector_store %arg10[%swap3A_424, %swap3A_425, %swap3A_426], %get3A_422 {strides = array<i32>} : memref<2x16x128xf32, #tpu.memory_space<vmem>>, vector<16xf32>,
        %sub3A_428 = arith.constant 1 : i32
        %sub3A_429 = arith.subi %and3A_271, %sub3A_428 : i32
        %get3A_430 = arith.index_cast %and3A_274 : i32 to index
        %get3A_431 = arith.index_cast %sub3A_429 : i32 to index
        %get3A_432 = arith.constant 16 : index
        %get3A_433 = tpu.vector_load %arg10[%get3A_430, %get3A_431, %get3A_432] {strides = array<i32>} : memref<2x16x128xf32, #tpu.memory_space<vmem>>, vector<16xf32>,
        %swap3A_434 = arith.constant 3 : i32
        %swap3A_435 = arith.index_cast %and3A_274 : i32 to index
        %swap3A_436 = arith.index_cast %swap3A_434 : i32 to index
        %swap3A_437 = arith.constant 16 : index
        %swap3A_438 = tpu.vector_load %arg10[%swap3A_435, %swap3A_436, %swap3A_437] {strides = array<i32>} : memref<2x16x128xf32, #tpu.memory_space<vmem>>, vector<16xf32>,
        tpu.vector_store %arg10[%swap3A_435, %swap3A_436, %swap3A_437], %get3A_433 {strides = array<i32>} : memref<2x16x128xf32, #tpu.memory_space<vmem>>, vector<16xf32>,
        %sub3A_439 = arith.constant 1 : i32
        %sub3A_440 = arith.subi %and3A_271, %sub3A_439 : i32
        %get3A_441 = arith.index_cast %and3A_274 : i32 to index
        %get3A_442 = arith.index_cast %sub3A_440 : i32 to index
        %get3A_443 = arith.constant 32 : index
        %get3A_444 = tpu.vector_load %arg10[%get3A_441, %get3A_442, %get3A_443] {strides = array<i32>} : memref<2x16x128xf32, #tpu.memory_space<vmem>>, vector<16xf32>,
        %swap3A_445 = arith.constant 3 : i32
        %swap3A_446 = arith.index_cast %and3A_274 : i32 to index
        %swap3A_447 = arith.index_cast %swap3A_445 : i32 to index
        %swap3A_448 = arith.constant 32 : index
        %swap3A_449 = tpu.vector_load %arg10[%swap3A_446, %swap3A_447, %swap3A_448] {strides = array<i32>} : memref<2x16x128xf32, #tpu.memory_space<vmem>>, vector<16xf32>,
        tpu.vector_store %arg10[%swap3A_446, %swap3A_447, %swap3A_448], %get3A_444 {strides = array<i32>} : memref<2x16x128xf32, #tpu.memory_space<vmem>>, vector<16xf32>,
        %sub3A_450 = arith.constant 1 : i32
        %sub3A_451 = arith.subi %and3A_271, %sub3A_450 : i32
        %get3A_452 = arith.index_cast %and3A_274 : i32 to index
        %get3A_453 = arith.index_cast %sub3A_451 : i32 to index
        %get3A_454 = arith.constant 48 : index
        %get3A_455 = tpu.vector_load %arg10[%get3A_452, %get3A_453, %get3A_454] {strides = array<i32>} : memref<2x16x128xf32, #tpu.memory_space<vmem>>, vector<16xf32>,
        %swap3A_456 = arith.constant 3 : i32
        %swap3A_457 = arith.index_cast %and3A_274 : i32 to index
        %swap3A_458 = arith.index_cast %swap3A_456 : i32 to index
        %swap3A_459 = arith.constant 48 : index
        %swap3A_460 = tpu.vector_load %arg10[%swap3A_457, %swap3A_458, %swap3A_459] {strides = array<i32>} : memref<2x16x128xf32, #tpu.memory_space<vmem>>, vector<16xf32>,
        tpu.vector_store %arg10[%swap3A_457, %swap3A_458, %swap3A_459], %get3A_455 {strides = array<i32>} : memref<2x16x128xf32, #tpu.memory_space<vmem>>, vector<16xf32>,
      } else {
      }
      %le3A_347 = arith.constant 4 : i32
      %le3A_348 = arith.cmpi sle, %and3A_271, %le3A_347 : i32
      %convert_element_type3A_349 = arith.extui %le3A_348 : i1 to i32
      %cond3A_350 = arith.constant 0 : i32
      %cond3A_351 = arith.cmpi ne, %convert_element_type3A_349, %cond3A_350 : i32
      scf.if %cond3A_351 {
        %sub3A_417 = arith.constant 1 : i32
        %sub3A_418 = arith.subi %and3A_271, %sub3A_417 : i32
        %get3A_419 = arith.index_cast %and3A_274 : i32 to index
        %get3A_420 = arith.index_cast %sub3A_418 : i32 to index
        %get3A_421 = arith.constant 0 : index
        %get3A_422 = tpu.vector_load %arg10[%get3A_419, %get3A_420, %get3A_421] {strides = array<i32>} : memref<2x16x128xf32, #tpu.memory_space<vmem>>, vector<16xf32>,
        %swap3A_423 = arith.constant 4 : i32
        %swap3A_424 = arith.index_cast %and3A_274 : i32 to index
        %swap3A_425 = arith.index_cast %swap3A_423 : i32 to index
        %swap3A_426 = arith.constant 0 : index
        %swap3A_427 = tpu.vector_load %arg10[%swap3A_424, %swap3A_425, %swap3A_426] {strides = array<i32>} : memref<2x16x128xf32, #tpu.memory_space<vmem>>, vector<16xf32>,
        tpu.vector_store %arg10[%swap3A_424, %swap3A_425, %swap3A_426], %get3A_422 {strides = array<i32>} : memref<2x16x128xf32, #tpu.memory_space<vmem>>, vector<16xf32>,
        %sub3A_428 = arith.constant 1 : i32
        %sub3A_429 = arith.subi %and3A_271, %sub3A_428 : i32
        %get3A_430 = arith.index_cast %and3A_274 : i32 to index
        %get3A_431 = arith.index_cast %sub3A_429 : i32 to index
        %get3A_432 = arith.constant 16 : index
        %get3A_433 = tpu.vector_load %arg10[%get3A_430, %get3A_431, %get3A_432] {strides = array<i32>} : memref<2x16x128xf32, #tpu.memory_space<vmem>>, vector<16xf32>,
        %swap3A_434 = arith.constant 4 : i32
        %swap3A_435 = arith.index_cast %and3A_274 : i32 to index
        %swap3A_436 = arith.index_cast %swap3A_434 : i32 to index
        %swap3A_437 = arith.constant 16 : index
        %swap3A_438 = tpu.vector_load %arg10[%swap3A_435, %swap3A_436, %swap3A_437] {strides = array<i32>} : memref<2x16x128xf32, #tpu.memory_space<vmem>>, vector<16xf32>,
        tpu.vector_store %arg10[%swap3A_435, %swap3A_436, %swap3A_437], %get3A_433 {strides = array<i32>} : memref<2x16x128xf32, #tpu.memory_space<vmem>>, vector<16xf32>,
        %sub3A_439 = arith.constant 1 : i32
        %sub3A_440 = arith.subi %and3A_271, %sub3A_439 : i32
        %get3A_441 = arith.index_cast %and3A_274 : i32 to index
        %get3A_442 = arith.index_cast %sub3A_440 : i32 to index
        %get3A_443 = arith.constant 32 : index
        %get3A_444 = tpu.vector_load %arg10[%get3A_441, %get3A_442, %get3A_443] {strides = array<i32>} : memref<2x16x128xf32, #tpu.memory_space<vmem>>, vector<16xf32>,
        %swap3A_445 = arith.constant 4 : i32
        %swap3A_446 = arith.index_cast %and3A_274 : i32 to index
        %swap3A_447 = arith.index_cast %swap3A_445 : i32 to index
        %swap3A_448 = arith.constant 32 : index
        %swap3A_449 = tpu.vector_load %arg10[%swap3A_446, %swap3A_447, %swap3A_448] {strides = array<i32>} : memref<2x16x128xf32, #tpu.memory_space<vmem>>, vector<16xf32>,
        tpu.vector_store %arg10[%swap3A_446, %swap3A_447, %swap3A_448], %get3A_444 {strides = array<i32>} : memref<2x16x128xf32, #tpu.memory_space<vmem>>, vector<16xf32>,
        %sub3A_450 = arith.constant 1 : i32
        %sub3A_451 = arith.subi %and3A_271, %sub3A_450 : i32
        %get3A_452 = arith.index_cast %and3A_274 : i32 to index
        %get3A_453 = arith.index_cast %sub3A_451 : i32 to index
        %get3A_454 = arith.constant 48 : index
        %get3A_455 = tpu.vector_load %arg10[%get3A_452, %get3A_453, %get3A_454] {strides = array<i32>} : memref<2x16x128xf32, #tpu.memory_space<vmem>>, vector<16xf32>,
        %swap3A_456 = arith.constant 4 : i32
        %swap3A_457 = arith.index_cast %and3A_274 : i32 to index
        %swap3A_458 = arith.index_cast %swap3A_456 : i32 to index
        %swap3A_459 = arith.constant 48 : index
        %swap3A_460 = tpu.vector_load %arg10[%swap3A_457, %swap3A_458, %swap3A_459] {strides = array<i32>} : memref<2x16x128xf32, #tpu.memory_space<vmem>>, vector<16xf32>,
        tpu.vector_store %arg10[%swap3A_457, %swap3A_458, %swap3A_459], %get3A_455 {strides = array<i32>} : memref<2x16x128xf32, #tpu.memory_space<vmem>>, vector<16xf32>,
      } else {
      }
      %le3A_352 = arith.constant 5 : i32
      %le3A_353 = arith.cmpi sle, %and3A_271, %le3A_352 : i32
      %convert_element_type3A_354 = arith.extui %le3A_353 : i1 to i32
      %cond3A_355 = arith.constant 0 : i32
      %cond3A_356 = arith.cmpi ne, %convert_element_type3A_354, %cond3A_355 : i32
      scf.if %cond3A_356 {
        %sub3A_417 = arith.constant 1 : i32
        %sub3A_418 = arith.subi %and3A_271, %sub3A_417 : i32
        %get3A_419 = arith.index_cast %and3A_274 : i32 to index
        %get3A_420 = arith.index_cast %sub3A_418 : i32 to index
        %get3A_421 = arith.constant 0 : index
        %get3A_422 = tpu.vector_load %arg10[%get3A_419, %get3A_420, %get3A_421] {strides = array<i32>} : memref<2x16x128xf32, #tpu.memory_space<vmem>>, vector<16xf32>,
        %swap3A_423 = arith.constant 5 : i32
        %swap3A_424 = arith.index_cast %and3A_274 : i32 to index
        %swap3A_425 = arith.index_cast %swap3A_423 : i32 to index
        %swap3A_426 = arith.constant 0 : index
        %swap3A_427 = tpu.vector_load %arg10[%swap3A_424, %swap3A_425, %swap3A_426] {strides = array<i32>} : memref<2x16x128xf32, #tpu.memory_space<vmem>>, vector<16xf32>,
        tpu.vector_store %arg10[%swap3A_424, %swap3A_425, %swap3A_426], %get3A_422 {strides = array<i32>} : memref<2x16x128xf32, #tpu.memory_space<vmem>>, vector<16xf32>,
        %sub3A_428 = arith.constant 1 : i32
        %sub3A_429 = arith.subi %and3A_271, %sub3A_428 : i32
        %get3A_430 = arith.index_cast %and3A_274 : i32 to index
        %get3A_431 = arith.index_cast %sub3A_429 : i32 to index
        %get3A_432 = arith.constant 16 : index
        %get3A_433 = tpu.vector_load %arg10[%get3A_430, %get3A_431, %get3A_432] {strides = array<i32>} : memref<2x16x128xf32, #tpu.memory_space<vmem>>, vector<16xf32>,
        %swap3A_434 = arith.constant 5 : i32
        %swap3A_435 = arith.index_cast %and3A_274 : i32 to index
        %swap3A_436 = arith.index_cast %swap3A_434 : i32 to index
        %swap3A_437 = arith.constant 16 : index
        %swap3A_438 = tpu.vector_load %arg10[%swap3A_435, %swap3A_436, %swap3A_437] {strides = array<i32>} : memref<2x16x128xf32, #tpu.memory_space<vmem>>, vector<16xf32>,
        tpu.vector_store %arg10[%swap3A_435, %swap3A_436, %swap3A_437], %get3A_433 {strides = array<i32>} : memref<2x16x128xf32, #tpu.memory_space<vmem>>, vector<16xf32>,
        %sub3A_439 = arith.constant 1 : i32
        %sub3A_440 = arith.subi %and3A_271, %sub3A_439 : i32
        %get3A_441 = arith.index_cast %and3A_274 : i32 to index
        %get3A_442 = arith.index_cast %sub3A_440 : i32 to index
        %get3A_443 = arith.constant 32 : index
        %get3A_444 = tpu.vector_load %arg10[%get3A_441, %get3A_442, %get3A_443] {strides = array<i32>} : memref<2x16x128xf32, #tpu.memory_space<vmem>>, vector<16xf32>,
        %swap3A_445 = arith.constant 5 : i32
        %swap3A_446 = arith.index_cast %and3A_274 : i32 to index
        %swap3A_447 = arith.index_cast %swap3A_445 : i32 to index
        %swap3A_448 = arith.constant 32 : index
        %swap3A_449 = tpu.vector_load %arg10[%swap3A_446, %swap3A_447, %swap3A_448] {strides = array<i32>} : memref<2x16x128xf32, #tpu.memory_space<vmem>>, vector<16xf32>,
        tpu.vector_store %arg10[%swap3A_446, %swap3A_447, %swap3A_448], %get3A_444 {strides = array<i32>} : memref<2x16x128xf32, #tpu.memory_space<vmem>>, vector<16xf32>,
        %sub3A_450 = arith.constant 1 : i32
        %sub3A_451 = arith.subi %and3A_271, %sub3A_450 : i32
        %get3A_452 = arith.index_cast %and3A_274 : i32 to index
        %get3A_453 = arith.index_cast %sub3A_451 : i32 to index
        %get3A_454 = arith.constant 48 : index
        %get3A_455 = tpu.vector_load %arg10[%get3A_452, %get3A_453, %get3A_454] {strides = array<i32>} : memref<2x16x128xf32, #tpu.memory_space<vmem>>, vector<16xf32>,
        %swap3A_456 = arith.constant 5 : i32
        %swap3A_457 = arith.index_cast %and3A_274 : i32 to index
        %swap3A_458 = arith.index_cast %swap3A_456 : i32 to index
        %swap3A_459 = arith.constant 48 : index
        %swap3A_460 = tpu.vector_load %arg10[%swap3A_457, %swap3A_458, %swap3A_459] {strides = array<i32>} : memref<2x16x128xf32, #tpu.memory_space<vmem>>, vector<16xf32>,
        tpu.vector_store %arg10[%swap3A_457, %swap3A_458, %swap3A_459], %get3A_455 {strides = array<i32>} : memref<2x16x128xf32, #tpu.memory_space<vmem>>, vector<16xf32>,
      } else {
      }
      %le3A_357 = arith.constant 6 : i32
      %le3A_358 = arith.cmpi sle, %and3A_271, %le3A_357 : i32
      %convert_element_type3A_359 = arith.extui %le3A_358 : i1 to i32
      %cond3A_360 = arith.constant 0 : i32
      %cond3A_361 = arith.cmpi ne, %convert_element_type3A_359, %cond3A_360 : i32
      scf.if %cond3A_361 {
        %sub3A_417 = arith.constant 1 : i32
        %sub3A_418 = arith.subi %and3A_271, %sub3A_417 : i32
        %get3A_419 = arith.index_cast %and3A_274 : i32 to index
        %get3A_420 = arith.index_cast %sub3A_418 : i32 to index
        %get3A_421 = arith.constant 0 : index
        %get3A_422 = tpu.vector_load %arg10[%get3A_419, %get3A_420, %get3A_421] {strides = array<i32>} : memref<2x16x128xf32, #tpu.memory_space<vmem>>, vector<16xf32>,
        %swap3A_423 = arith.constant 6 : i32
        %swap3A_424 = arith.index_cast %and3A_274 : i32 to index
        %swap3A_425 = arith.index_cast %swap3A_423 : i32 to index
        %swap3A_426 = arith.constant 0 : index
        %swap3A_427 = tpu.vector_load %arg10[%swap3A_424, %swap3A_425, %swap3A_426] {strides = array<i32>} : memref<2x16x128xf32, #tpu.memory_space<vmem>>, vector<16xf32>,
        tpu.vector_store %arg10[%swap3A_424, %swap3A_425, %swap3A_426], %get3A_422 {strides = array<i32>} : memref<2x16x128xf32, #tpu.memory_space<vmem>>, vector<16xf32>,
        %sub3A_428 = arith.constant 1 : i32
        %sub3A_429 = arith.subi %and3A_271, %sub3A_428 : i32
        %get3A_430 = arith.index_cast %and3A_274 : i32 to index
        %get3A_431 = arith.index_cast %sub3A_429 : i32 to index
        %get3A_432 = arith.constant 16 : index
        %get3A_433 = tpu.vector_load %arg10[%get3A_430, %get3A_431, %get3A_432] {strides = array<i32>} : memref<2x16x128xf32, #tpu.memory_space<vmem>>, vector<16xf32>,
        %swap3A_434 = arith.constant 6 : i32
        %swap3A_435 = arith.index_cast %and3A_274 : i32 to index
        %swap3A_436 = arith.index_cast %swap3A_434 : i32 to index
        %swap3A_437 = arith.constant 16 : index
        %swap3A_438 = tpu.vector_load %arg10[%swap3A_435, %swap3A_436, %swap3A_437] {strides = array<i32>} : memref<2x16x128xf32, #tpu.memory_space<vmem>>, vector<16xf32>,
        tpu.vector_store %arg10[%swap3A_435, %swap3A_436, %swap3A_437], %get3A_433 {strides = array<i32>} : memref<2x16x128xf32, #tpu.memory_space<vmem>>, vector<16xf32>,
        %sub3A_439 = arith.constant 1 : i32
        %sub3A_440 = arith.subi %and3A_271, %sub3A_439 : i32
        %get3A_441 = arith.index_cast %and3A_274 : i32 to index
        %get3A_442 = arith.index_cast %sub3A_440 : i32 to index
        %get3A_443 = arith.constant 32 : index
        %get3A_444 = tpu.vector_load %arg10[%get3A_441, %get3A_442, %get3A_443] {strides = array<i32>} : memref<2x16x128xf32, #tpu.memory_space<vmem>>, vector<16xf32>,
        %swap3A_445 = arith.constant 6 : i32
        %swap3A_446 = arith.index_cast %and3A_274 : i32 to index
        %swap3A_447 = arith.index_cast %swap3A_445 : i32 to index
        %swap3A_448 = arith.constant 32 : index
        %swap3A_449 = tpu.vector_load %arg10[%swap3A_446, %swap3A_447, %swap3A_448] {strides = array<i32>} : memref<2x16x128xf32, #tpu.memory_space<vmem>>, vector<16xf32>,
        tpu.vector_store %arg10[%swap3A_446, %swap3A_447, %swap3A_448], %get3A_444 {strides = array<i32>} : memref<2x16x128xf32, #tpu.memory_space<vmem>>, vector<16xf32>,
        %sub3A_450 = arith.constant 1 : i32
        %sub3A_451 = arith.subi %and3A_271, %sub3A_450 : i32
        %get3A_452 = arith.index_cast %and3A_274 : i32 to index
        %get3A_453 = arith.index_cast %sub3A_451 : i32 to index
        %get3A_454 = arith.constant 48 : index
        %get3A_455 = tpu.vector_load %arg10[%get3A_452, %get3A_453, %get3A_454] {strides = array<i32>} : memref<2x16x128xf32, #tpu.memory_space<vmem>>, vector<16xf32>,
        %swap3A_456 = arith.constant 6 : i32
        %swap3A_457 = arith.index_cast %and3A_274 : i32 to index
        %swap3A_458 = arith.index_cast %swap3A_456 : i32 to index
        %swap3A_459 = arith.constant 48 : index
        %swap3A_460 = tpu.vector_load %arg10[%swap3A_457, %swap3A_458, %swap3A_459] {strides = array<i32>} : memref<2x16x128xf32, #tpu.memory_space<vmem>>, vector<16xf32>,
        tpu.vector_store %arg10[%swap3A_457, %swap3A_458, %swap3A_459], %get3A_455 {strides = array<i32>} : memref<2x16x128xf32, #tpu.memory_space<vmem>>, vector<16xf32>,
      } else {
      }
      %le3A_362 = arith.constant 7 : i32
      %le3A_363 = arith.cmpi sle, %and3A_271, %le3A_362 : i32
      %convert_element_type3A_364 = arith.extui %le3A_363 : i1 to i32
      %cond3A_365 = arith.constant 0 : i32
      %cond3A_366 = arith.cmpi ne, %convert_element_type3A_364, %cond3A_365 : i32
      scf.if %cond3A_366 {
        %sub3A_417 = arith.constant 1 : i32
        %sub3A_418 = arith.subi %and3A_271, %sub3A_417 : i32
        %get3A_419 = arith.index_cast %and3A_274 : i32 to index
        %get3A_420 = arith.index_cast %sub3A_418 : i32 to index
        %get3A_421 = arith.constant 0 : index
        %get3A_422 = tpu.vector_load %arg10[%get3A_419, %get3A_420, %get3A_421] {strides = array<i32>} : memref<2x16x128xf32, #tpu.memory_space<vmem>>, vector<16xf32>,
        %swap3A_423 = arith.constant 7 : i32
        %swap3A_424 = arith.index_cast %and3A_274 : i32 to index
        %swap3A_425 = arith.index_cast %swap3A_423 : i32 to index
        %swap3A_426 = arith.constant 0 : index
        %swap3A_427 = tpu.vector_load %arg10[%swap3A_424, %swap3A_425, %swap3A_426] {strides = array<i32>} : memref<2x16x128xf32, #tpu.memory_space<vmem>>, vector<16xf32>,
        tpu.vector_store %arg10[%swap3A_424, %swap3A_425, %swap3A_426], %get3A_422 {strides = array<i32>} : memref<2x16x128xf32, #tpu.memory_space<vmem>>, vector<16xf32>,
        %sub3A_428 = arith.constant 1 : i32
        %sub3A_429 = arith.subi %and3A_271, %sub3A_428 : i32
        %get3A_430 = arith.index_cast %and3A_274 : i32 to index
        %get3A_431 = arith.index_cast %sub3A_429 : i32 to index
        %get3A_432 = arith.constant 16 : index
        %get3A_433 = tpu.vector_load %arg10[%get3A_430, %get3A_431, %get3A_432] {strides = array<i32>} : memref<2x16x128xf32, #tpu.memory_space<vmem>>, vector<16xf32>,
        %swap3A_434 = arith.constant 7 : i32
        %swap3A_435 = arith.index_cast %and3A_274 : i32 to index
        %swap3A_436 = arith.index_cast %swap3A_434 : i32 to index
        %swap3A_437 = arith.constant 16 : index
        %swap3A_438 = tpu.vector_load %arg10[%swap3A_435, %swap3A_436, %swap3A_437] {strides = array<i32>} : memref<2x16x128xf32, #tpu.memory_space<vmem>>, vector<16xf32>,
        tpu.vector_store %arg10[%swap3A_435, %swap3A_436, %swap3A_437], %get3A_433 {strides = array<i32>} : memref<2x16x128xf32, #tpu.memory_space<vmem>>, vector<16xf32>,
        %sub3A_439 = arith.constant 1 : i32
        %sub3A_440 = arith.subi %and3A_271, %sub3A_439 : i32
        %get3A_441 = arith.index_cast %and3A_274 : i32 to index
        %get3A_442 = arith.index_cast %sub3A_440 : i32 to index
        %get3A_443 = arith.constant 32 : index
        %get3A_444 = tpu.vector_load %arg10[%get3A_441, %get3A_442, %get3A_443] {strides = array<i32>} : memref<2x16x128xf32, #tpu.memory_space<vmem>>, vector<16xf32>,
        %swap3A_445 = arith.constant 7 : i32
        %swap3A_446 = arith.index_cast %and3A_274 : i32 to index
        %swap3A_447 = arith.index_cast %swap3A_445 : i32 to index
        %swap3A_448 = arith.constant 32 : index
        %swap3A_449 = tpu.vector_load %arg10[%swap3A_446, %swap3A_447, %swap3A_448] {strides = array<i32>} : memref<2x16x128xf32, #tpu.memory_space<vmem>>, vector<16xf32>,
        tpu.vector_store %arg10[%swap3A_446, %swap3A_447, %swap3A_448], %get3A_444 {strides = array<i32>} : memref<2x16x128xf32, #tpu.memory_space<vmem>>, vector<16xf32>,
        %sub3A_450 = arith.constant 1 : i32
        %sub3A_451 = arith.subi %and3A_271, %sub3A_450 : i32
        %get3A_452 = arith.index_cast %and3A_274 : i32 to index
        %get3A_453 = arith.index_cast %sub3A_451 : i32 to index
        %get3A_454 = arith.constant 48 : index
        %get3A_455 = tpu.vector_load %arg10[%get3A_452, %get3A_453, %get3A_454] {strides = array<i32>} : memref<2x16x128xf32, #tpu.memory_space<vmem>>, vector<16xf32>,
        %swap3A_456 = arith.constant 7 : i32
        %swap3A_457 = arith.index_cast %and3A_274 : i32 to index
        %swap3A_458 = arith.index_cast %swap3A_456 : i32 to index
        %swap3A_459 = arith.constant 48 : index
        %swap3A_460 = tpu.vector_load %arg10[%swap3A_457, %swap3A_458, %swap3A_459] {strides = array<i32>} : memref<2x16x128xf32, #tpu.memory_space<vmem>>, vector<16xf32>,
        tpu.vector_store %arg10[%swap3A_457, %swap3A_458, %swap3A_459], %get3A_455 {strides = array<i32>} : memref<2x16x128xf32, #tpu.memory_space<vmem>>, vector<16xf32>,
      } else {
      }
      %le3A_367 = arith.constant 8 : i32
      %le3A_368 = arith.cmpi sle, %and3A_271, %le3A_367 : i32
      %convert_element_type3A_369 = arith.extui %le3A_368 : i1 to i32
      %cond3A_370 = arith.constant 0 : i32
      %cond3A_371 = arith.cmpi ne, %convert_element_type3A_369, %cond3A_370 : i32
      scf.if %cond3A_371 {
        %sub3A_417 = arith.constant 1 : i32
        %sub3A_418 = arith.subi %and3A_271, %sub3A_417 : i32
        %get3A_419 = arith.index_cast %and3A_274 : i32 to index
        %get3A_420 = arith.index_cast %sub3A_418 : i32 to index
        %get3A_421 = arith.constant 0 : index
        %get3A_422 = tpu.vector_load %arg10[%get3A_419, %get3A_420, %get3A_421] {strides = array<i32>} : memref<2x16x128xf32, #tpu.memory_space<vmem>>, vector<16xf32>,
        %swap3A_423 = arith.constant 8 : i32
        %swap3A_424 = arith.index_cast %and3A_274 : i32 to index
        %swap3A_425 = arith.index_cast %swap3A_423 : i32 to index
        %swap3A_426 = arith.constant 0 : index
        %swap3A_427 = tpu.vector_load %arg10[%swap3A_424, %swap3A_425, %swap3A_426] {strides = array<i32>} : memref<2x16x128xf32, #tpu.memory_space<vmem>>, vector<16xf32>,
        tpu.vector_store %arg10[%swap3A_424, %swap3A_425, %swap3A_426], %get3A_422 {strides = array<i32>} : memref<2x16x128xf32, #tpu.memory_space<vmem>>, vector<16xf32>,
        %sub3A_428 = arith.constant 1 : i32
        %sub3A_429 = arith.subi %and3A_271, %sub3A_428 : i32
        %get3A_430 = arith.index_cast %and3A_274 : i32 to index
        %get3A_431 = arith.index_cast %sub3A_429 : i32 to index
        %get3A_432 = arith.constant 16 : index
        %get3A_433 = tpu.vector_load %arg10[%get3A_430, %get3A_431, %get3A_432] {strides = array<i32>} : memref<2x16x128xf32, #tpu.memory_space<vmem>>, vector<16xf32>,
        %swap3A_434 = arith.constant 8 : i32
        %swap3A_435 = arith.index_cast %and3A_274 : i32 to index
        %swap3A_436 = arith.index_cast %swap3A_434 : i32 to index
        %swap3A_437 = arith.constant 16 : index
        %swap3A_438 = tpu.vector_load %arg10[%swap3A_435, %swap3A_436, %swap3A_437] {strides = array<i32>} : memref<2x16x128xf32, #tpu.memory_space<vmem>>, vector<16xf32>,
        tpu.vector_store %arg10[%swap3A_435, %swap3A_436, %swap3A_437], %get3A_433 {strides = array<i32>} : memref<2x16x128xf32, #tpu.memory_space<vmem>>, vector<16xf32>,
        %sub3A_439 = arith.constant 1 : i32
        %sub3A_440 = arith.subi %and3A_271, %sub3A_439 : i32
        %get3A_441 = arith.index_cast %and3A_274 : i32 to index
        %get3A_442 = arith.index_cast %sub3A_440 : i32 to index
        %get3A_443 = arith.constant 32 : index
        %get3A_444 = tpu.vector_load %arg10[%get3A_441, %get3A_442, %get3A_443] {strides = array<i32>} : memref<2x16x128xf32, #tpu.memory_space<vmem>>, vector<16xf32>,
        %swap3A_445 = arith.constant 8 : i32
        %swap3A_446 = arith.index_cast %and3A_274 : i32 to index
        %swap3A_447 = arith.index_cast %swap3A_445 : i32 to index
        %swap3A_448 = arith.constant 32 : index
        %swap3A_449 = tpu.vector_load %arg10[%swap3A_446, %swap3A_447, %swap3A_448] {strides = array<i32>} : memref<2x16x128xf32, #tpu.memory_space<vmem>>, vector<16xf32>,
        tpu.vector_store %arg10[%swap3A_446, %swap3A_447, %swap3A_448], %get3A_444 {strides = array<i32>} : memref<2x16x128xf32, #tpu.memory_space<vmem>>, vector<16xf32>,
        %sub3A_450 = arith.constant 1 : i32
        %sub3A_451 = arith.subi %and3A_271, %sub3A_450 : i32
        %get3A_452 = arith.index_cast %and3A_274 : i32 to index
        %get3A_453 = arith.index_cast %sub3A_451 : i32 to index
        %get3A_454 = arith.constant 48 : index
        %get3A_455 = tpu.vector_load %arg10[%get3A_452, %get3A_453, %get3A_454] {strides = array<i32>} : memref<2x16x128xf32, #tpu.memory_space<vmem>>, vector<16xf32>,
        %swap3A_456 = arith.constant 8 : i32
        %swap3A_457 = arith.index_cast %and3A_274 : i32 to index
        %swap3A_458 = arith.index_cast %swap3A_456 : i32 to index
        %swap3A_459 = arith.constant 48 : index
        %swap3A_460 = tpu.vector_load %arg10[%swap3A_457, %swap3A_458, %swap3A_459] {strides = array<i32>} : memref<2x16x128xf32, #tpu.memory_space<vmem>>, vector<16xf32>,
        tpu.vector_store %arg10[%swap3A_457, %swap3A_458, %swap3A_459], %get3A_455 {strides = array<i32>} : memref<2x16x128xf32, #tpu.memory_space<vmem>>, vector<16xf32>,
      } else {
      }
      %le3A_372 = arith.constant 9 : i32
      %le3A_373 = arith.cmpi sle, %and3A_271, %le3A_372 : i32
      %convert_element_type3A_374 = arith.extui %le3A_373 : i1 to i32
      %cond3A_375 = arith.constant 0 : i32
      %cond3A_376 = arith.cmpi ne, %convert_element_type3A_374, %cond3A_375 : i32
      scf.if %cond3A_376 {
        %sub3A_417 = arith.constant 1 : i32
        %sub3A_418 = arith.subi %and3A_271, %sub3A_417 : i32
        %get3A_419 = arith.index_cast %and3A_274 : i32 to index
        %get3A_420 = arith.index_cast %sub3A_418 : i32 to index
        %get3A_421 = arith.constant 0 : index
        %get3A_422 = tpu.vector_load %arg10[%get3A_419, %get3A_420, %get3A_421] {strides = array<i32>} : memref<2x16x128xf32, #tpu.memory_space<vmem>>, vector<16xf32>,
        %swap3A_423 = arith.constant 9 : i32
        %swap3A_424 = arith.index_cast %and3A_274 : i32 to index
        %swap3A_425 = arith.index_cast %swap3A_423 : i32 to index
        %swap3A_426 = arith.constant 0 : index
        %swap3A_427 = tpu.vector_load %arg10[%swap3A_424, %swap3A_425, %swap3A_426] {strides = array<i32>} : memref<2x16x128xf32, #tpu.memory_space<vmem>>, vector<16xf32>,
        tpu.vector_store %arg10[%swap3A_424, %swap3A_425, %swap3A_426], %get3A_422 {strides = array<i32>} : memref<2x16x128xf32, #tpu.memory_space<vmem>>, vector<16xf32>,
        %sub3A_428 = arith.constant 1 : i32
        %sub3A_429 = arith.subi %and3A_271, %sub3A_428 : i32
        %get3A_430 = arith.index_cast %and3A_274 : i32 to index
        %get3A_431 = arith.index_cast %sub3A_429 : i32 to index
        %get3A_432 = arith.constant 16 : index
        %get3A_433 = tpu.vector_load %arg10[%get3A_430, %get3A_431, %get3A_432] {strides = array<i32>} : memref<2x16x128xf32, #tpu.memory_space<vmem>>, vector<16xf32>,
        %swap3A_434 = arith.constant 9 : i32
        %swap3A_435 = arith.index_cast %and3A_274 : i32 to index
        %swap3A_436 = arith.index_cast %swap3A_434 : i32 to index
        %swap3A_437 = arith.constant 16 : index
        %swap3A_438 = tpu.vector_load %arg10[%swap3A_435, %swap3A_436, %swap3A_437] {strides = array<i32>} : memref<2x16x128xf32, #tpu.memory_space<vmem>>, vector<16xf32>,
        tpu.vector_store %arg10[%swap3A_435, %swap3A_436, %swap3A_437], %get3A_433 {strides = array<i32>} : memref<2x16x128xf32, #tpu.memory_space<vmem>>, vector<16xf32>,
        %sub3A_439 = arith.constant 1 : i32
        %sub3A_440 = arith.subi %and3A_271, %sub3A_439 : i32
        %get3A_441 = arith.index_cast %and3A_274 : i32 to index
        %get3A_442 = arith.index_cast %sub3A_440 : i32 to index
        %get3A_443 = arith.constant 32 : index
        %get3A_444 = tpu.vector_load %arg10[%get3A_441, %get3A_442, %get3A_443] {strides = array<i32>} : memref<2x16x128xf32, #tpu.memory_space<vmem>>, vector<16xf32>,
        %swap3A_445 = arith.constant 9 : i32
        %swap3A_446 = arith.index_cast %and3A_274 : i32 to index
        %swap3A_447 = arith.index_cast %swap3A_445 : i32 to index
        %swap3A_448 = arith.constant 32 : index
        %swap3A_449 = tpu.vector_load %arg10[%swap3A_446, %swap3A_447, %swap3A_448] {strides = array<i32>} : memref<2x16x128xf32, #tpu.memory_space<vmem>>, vector<16xf32>,
        tpu.vector_store %arg10[%swap3A_446, %swap3A_447, %swap3A_448], %get3A_444 {strides = array<i32>} : memref<2x16x128xf32, #tpu.memory_space<vmem>>, vector<16xf32>,
        %sub3A_450 = arith.constant 1 : i32
        %sub3A_451 = arith.subi %and3A_271, %sub3A_450 : i32
        %get3A_452 = arith.index_cast %and3A_274 : i32 to index
        %get3A_453 = arith.index_cast %sub3A_451 : i32 to index
        %get3A_454 = arith.constant 48 : index
        %get3A_455 = tpu.vector_load %arg10[%get3A_452, %get3A_453, %get3A_454] {strides = array<i32>} : memref<2x16x128xf32, #tpu.memory_space<vmem>>, vector<16xf32>,
        %swap3A_456 = arith.constant 9 : i32
        %swap3A_457 = arith.index_cast %and3A_274 : i32 to index
        %swap3A_458 = arith.index_cast %swap3A_456 : i32 to index
        %swap3A_459 = arith.constant 48 : index
        %swap3A_460 = tpu.vector_load %arg10[%swap3A_457, %swap3A_458, %swap3A_459] {strides = array<i32>} : memref<2x16x128xf32, #tpu.memory_space<vmem>>, vector<16xf32>,
        tpu.vector_store %arg10[%swap3A_457, %swap3A_458, %swap3A_459], %get3A_455 {strides = array<i32>} : memref<2x16x128xf32, #tpu.memory_space<vmem>>, vector<16xf32>,
      } else {
      }
      %le3A_377 = arith.constant 10 : i32
      %le3A_378 = arith.cmpi sle, %and3A_271, %le3A_377 : i32
      %convert_element_type3A_379 = arith.extui %le3A_378 : i1 to i32
      %cond3A_380 = arith.constant 0 : i32
      %cond3A_381 = arith.cmpi ne, %convert_element_type3A_379, %cond3A_380 : i32
      scf.if %cond3A_381 {
        %sub3A_417 = arith.constant 1 : i32
        %sub3A_418 = arith.subi %and3A_271, %sub3A_417 : i32
        %get3A_419 = arith.index_cast %and3A_274 : i32 to index
        %get3A_420 = arith.index_cast %sub3A_418 : i32 to index
        %get3A_421 = arith.constant 0 : index
        %get3A_422 = tpu.vector_load %arg10[%get3A_419, %get3A_420, %get3A_421] {strides = array<i32>} : memref<2x16x128xf32, #tpu.memory_space<vmem>>, vector<16xf32>,
        %swap3A_423 = arith.constant 10 : i32
        %swap3A_424 = arith.index_cast %and3A_274 : i32 to index
        %swap3A_425 = arith.index_cast %swap3A_423 : i32 to index
        %swap3A_426 = arith.constant 0 : index
        %swap3A_427 = tpu.vector_load %arg10[%swap3A_424, %swap3A_425, %swap3A_426] {strides = array<i32>} : memref<2x16x128xf32, #tpu.memory_space<vmem>>, vector<16xf32>,
        tpu.vector_store %arg10[%swap3A_424, %swap3A_425, %swap3A_426], %get3A_422 {strides = array<i32>} : memref<2x16x128xf32, #tpu.memory_space<vmem>>, vector<16xf32>,
        %sub3A_428 = arith.constant 1 : i32
        %sub3A_429 = arith.subi %and3A_271, %sub3A_428 : i32
        %get3A_430 = arith.index_cast %and3A_274 : i32 to index
        %get3A_431 = arith.index_cast %sub3A_429 : i32 to index
        %get3A_432 = arith.constant 16 : index
        %get3A_433 = tpu.vector_load %arg10[%get3A_430, %get3A_431, %get3A_432] {strides = array<i32>} : memref<2x16x128xf32, #tpu.memory_space<vmem>>, vector<16xf32>,
        %swap3A_434 = arith.constant 10 : i32
        %swap3A_435 = arith.index_cast %and3A_274 : i32 to index
        %swap3A_436 = arith.index_cast %swap3A_434 : i32 to index
        %swap3A_437 = arith.constant 16 : index
        %swap3A_438 = tpu.vector_load %arg10[%swap3A_435, %swap3A_436, %swap3A_437] {strides = array<i32>} : memref<2x16x128xf32, #tpu.memory_space<vmem>>, vector<16xf32>,
        tpu.vector_store %arg10[%swap3A_435, %swap3A_436, %swap3A_437], %get3A_433 {strides = array<i32>} : memref<2x16x128xf32, #tpu.memory_space<vmem>>, vector<16xf32>,
        %sub3A_439 = arith.constant 1 : i32
        %sub3A_440 = arith.subi %and3A_271, %sub3A_439 : i32
        %get3A_441 = arith.index_cast %and3A_274 : i32 to index
        %get3A_442 = arith.index_cast %sub3A_440 : i32 to index
        %get3A_443 = arith.constant 32 : index
        %get3A_444 = tpu.vector_load %arg10[%get3A_441, %get3A_442, %get3A_443] {strides = array<i32>} : memref<2x16x128xf32, #tpu.memory_space<vmem>>, vector<16xf32>,
        %swap3A_445 = arith.constant 10 : i32
        %swap3A_446 = arith.index_cast %and3A_274 : i32 to index
        %swap3A_447 = arith.index_cast %swap3A_445 : i32 to index
        %swap3A_448 = arith.constant 32 : index
        %swap3A_449 = tpu.vector_load %arg10[%swap3A_446, %swap3A_447, %swap3A_448] {strides = array<i32>} : memref<2x16x128xf32, #tpu.memory_space<vmem>>, vector<16xf32>,
        tpu.vector_store %arg10[%swap3A_446, %swap3A_447, %swap3A_448], %get3A_444 {strides = array<i32>} : memref<2x16x128xf32, #tpu.memory_space<vmem>>, vector<16xf32>,
        %sub3A_450 = arith.constant 1 : i32
        %sub3A_451 = arith.subi %and3A_271, %sub3A_450 : i32
        %get3A_452 = arith.index_cast %and3A_274 : i32 to index
        %get3A_453 = arith.index_cast %sub3A_451 : i32 to index
        %get3A_454 = arith.constant 48 : index
        %get3A_455 = tpu.vector_load %arg10[%get3A_452, %get3A_453, %get3A_454] {strides = array<i32>} : memref<2x16x128xf32, #tpu.memory_space<vmem>>, vector<16xf32>,
        %swap3A_456 = arith.constant 10 : i32
        %swap3A_457 = arith.index_cast %and3A_274 : i32 to index
        %swap3A_458 = arith.index_cast %swap3A_456 : i32 to index
        %swap3A_459 = arith.constant 48 : index
        %swap3A_460 = tpu.vector_load %arg10[%swap3A_457, %swap3A_458, %swap3A_459] {strides = array<i32>} : memref<2x16x128xf32, #tpu.memory_space<vmem>>, vector<16xf32>,
        tpu.vector_store %arg10[%swap3A_457, %swap3A_458, %swap3A_459], %get3A_455 {strides = array<i32>} : memref<2x16x128xf32, #tpu.memory_space<vmem>>, vector<16xf32>,
      } else {
      }
      %le3A_382 = arith.constant 11 : i32
      %le3A_383 = arith.cmpi sle, %and3A_271, %le3A_382 : i32
      %convert_element_type3A_384 = arith.extui %le3A_383 : i1 to i32
      %cond3A_385 = arith.constant 0 : i32
      %cond3A_386 = arith.cmpi ne, %convert_element_type3A_384, %cond3A_385 : i32
      scf.if %cond3A_386 {
        %sub3A_417 = arith.constant 1 : i32
        %sub3A_418 = arith.subi %and3A_271, %sub3A_417 : i32
        %get3A_419 = arith.index_cast %and3A_274 : i32 to index
        %get3A_420 = arith.index_cast %sub3A_418 : i32 to index
        %get3A_421 = arith.constant 0 : index
        %get3A_422 = tpu.vector_load %arg10[%get3A_419, %get3A_420, %get3A_421] {strides = array<i32>} : memref<2x16x128xf32, #tpu.memory_space<vmem>>, vector<16xf32>,
        %swap3A_423 = arith.constant 11 : i32
        %swap3A_424 = arith.index_cast %and3A_274 : i32 to index
        %swap3A_425 = arith.index_cast %swap3A_423 : i32 to index
        %swap3A_426 = arith.constant 0 : index
        %swap3A_427 = tpu.vector_load %arg10[%swap3A_424, %swap3A_425, %swap3A_426] {strides = array<i32>} : memref<2x16x128xf32, #tpu.memory_space<vmem>>, vector<16xf32>,
        tpu.vector_store %arg10[%swap3A_424, %swap3A_425, %swap3A_426], %get3A_422 {strides = array<i32>} : memref<2x16x128xf32, #tpu.memory_space<vmem>>, vector<16xf32>,
        %sub3A_428 = arith.constant 1 : i32
        %sub3A_429 = arith.subi %and3A_271, %sub3A_428 : i32
        %get3A_430 = arith.index_cast %and3A_274 : i32 to index
        %get3A_431 = arith.index_cast %sub3A_429 : i32 to index
        %get3A_432 = arith.constant 16 : index
        %get3A_433 = tpu.vector_load %arg10[%get3A_430, %get3A_431, %get3A_432] {strides = array<i32>} : memref<2x16x128xf32, #tpu.memory_space<vmem>>, vector<16xf32>,
        %swap3A_434 = arith.constant 11 : i32
        %swap3A_435 = arith.index_cast %and3A_274 : i32 to index
        %swap3A_436 = arith.index_cast %swap3A_434 : i32 to index
        %swap3A_437 = arith.constant 16 : index
        %swap3A_438 = tpu.vector_load %arg10[%swap3A_435, %swap3A_436, %swap3A_437] {strides = array<i32>} : memref<2x16x128xf32, #tpu.memory_space<vmem>>, vector<16xf32>,
        tpu.vector_store %arg10[%swap3A_435, %swap3A_436, %swap3A_437], %get3A_433 {strides = array<i32>} : memref<2x16x128xf32, #tpu.memory_space<vmem>>, vector<16xf32>,
        %sub3A_439 = arith.constant 1 : i32
        %sub3A_440 = arith.subi %and3A_271, %sub3A_439 : i32
        %get3A_441 = arith.index_cast %and3A_274 : i32 to index
        %get3A_442 = arith.index_cast %sub3A_440 : i32 to index
        %get3A_443 = arith.constant 32 : index
        %get3A_444 = tpu.vector_load %arg10[%get3A_441, %get3A_442, %get3A_443] {strides = array<i32>} : memref<2x16x128xf32, #tpu.memory_space<vmem>>, vector<16xf32>,
        %swap3A_445 = arith.constant 11 : i32
        %swap3A_446 = arith.index_cast %and3A_274 : i32 to index
        %swap3A_447 = arith.index_cast %swap3A_445 : i32 to index
        %swap3A_448 = arith.constant 32 : index
        %swap3A_449 = tpu.vector_load %arg10[%swap3A_446, %swap3A_447, %swap3A_448] {strides = array<i32>} : memref<2x16x128xf32, #tpu.memory_space<vmem>>, vector<16xf32>,
        tpu.vector_store %arg10[%swap3A_446, %swap3A_447, %swap3A_448], %get3A_444 {strides = array<i32>} : memref<2x16x128xf32, #tpu.memory_space<vmem>>, vector<16xf32>,
        %sub3A_450 = arith.constant 1 : i32
        %sub3A_451 = arith.subi %and3A_271, %sub3A_450 : i32
        %get3A_452 = arith.index_cast %and3A_274 : i32 to index
        %get3A_453 = arith.index_cast %sub3A_451 : i32 to index
        %get3A_454 = arith.constant 48 : index
        %get3A_455 = tpu.vector_load %arg10[%get3A_452, %get3A_453, %get3A_454] {strides = array<i32>} : memref<2x16x128xf32, #tpu.memory_space<vmem>>, vector<16xf32>,
        %swap3A_456 = arith.constant 11 : i32
        %swap3A_457 = arith.index_cast %and3A_274 : i32 to index
        %swap3A_458 = arith.index_cast %swap3A_456 : i32 to index
        %swap3A_459 = arith.constant 48 : index
        %swap3A_460 = tpu.vector_load %arg10[%swap3A_457, %swap3A_458, %swap3A_459] {strides = array<i32>} : memref<2x16x128xf32, #tpu.memory_space<vmem>>, vector<16xf32>,
        tpu.vector_store %arg10[%swap3A_457, %swap3A_458, %swap3A_459], %get3A_455 {strides = array<i32>} : memref<2x16x128xf32, #tpu.memory_space<vmem>>, vector<16xf32>,
      } else {
      }
      %le3A_387 = arith.constant 12 : i32
      %le3A_388 = arith.cmpi sle, %and3A_271, %le3A_387 : i32
      %convert_element_type3A_389 = arith.extui %le3A_388 : i1 to i32
      %cond3A_390 = arith.constant 0 : i32
      %cond3A_391 = arith.cmpi ne, %convert_element_type3A_389, %cond3A_390 : i32
      scf.if %cond3A_391 {
        %sub3A_417 = arith.constant 1 : i32
        %sub3A_418 = arith.subi %and3A_271, %sub3A_417 : i32
        %get3A_419 = arith.index_cast %and3A_274 : i32 to index
        %get3A_420 = arith.index_cast %sub3A_418 : i32 to index
        %get3A_421 = arith.constant 0 : index
        %get3A_422 = tpu.vector_load %arg10[%get3A_419, %get3A_420, %get3A_421] {strides = array<i32>} : memref<2x16x128xf32, #tpu.memory_space<vmem>>, vector<16xf32>,
        %swap3A_423 = arith.constant 12 : i32
        %swap3A_424 = arith.index_cast %and3A_274 : i32 to index
        %swap3A_425 = arith.index_cast %swap3A_423 : i32 to index
        %swap3A_426 = arith.constant 0 : index
        %swap3A_427 = tpu.vector_load %arg10[%swap3A_424, %swap3A_425, %swap3A_426] {strides = array<i32>} : memref<2x16x128xf32, #tpu.memory_space<vmem>>, vector<16xf32>,
        tpu.vector_store %arg10[%swap3A_424, %swap3A_425, %swap3A_426], %get3A_422 {strides = array<i32>} : memref<2x16x128xf32, #tpu.memory_space<vmem>>, vector<16xf32>,
        %sub3A_428 = arith.constant 1 : i32
        %sub3A_429 = arith.subi %and3A_271, %sub3A_428 : i32
        %get3A_430 = arith.index_cast %and3A_274 : i32 to index
        %get3A_431 = arith.index_cast %sub3A_429 : i32 to index
        %get3A_432 = arith.constant 16 : index
        %get3A_433 = tpu.vector_load %arg10[%get3A_430, %get3A_431, %get3A_432] {strides = array<i32>} : memref<2x16x128xf32, #tpu.memory_space<vmem>>, vector<16xf32>,
        %swap3A_434 = arith.constant 12 : i32
        %swap3A_435 = arith.index_cast %and3A_274 : i32 to index
        %swap3A_436 = arith.index_cast %swap3A_434 : i32 to index
        %swap3A_437 = arith.constant 16 : index
        %swap3A_438 = tpu.vector_load %arg10[%swap3A_435, %swap3A_436, %swap3A_437] {strides = array<i32>} : memref<2x16x128xf32, #tpu.memory_space<vmem>>, vector<16xf32>,
        tpu.vector_store %arg10[%swap3A_435, %swap3A_436, %swap3A_437], %get3A_433 {strides = array<i32>} : memref<2x16x128xf32, #tpu.memory_space<vmem>>, vector<16xf32>,
        %sub3A_439 = arith.constant 1 : i32
        %sub3A_440 = arith.subi %and3A_271, %sub3A_439 : i32
        %get3A_441 = arith.index_cast %and3A_274 : i32 to index
        %get3A_442 = arith.index_cast %sub3A_440 : i32 to index
        %get3A_443 = arith.constant 32 : index
        %get3A_444 = tpu.vector_load %arg10[%get3A_441, %get3A_442, %get3A_443] {strides = array<i32>} : memref<2x16x128xf32, #tpu.memory_space<vmem>>, vector<16xf32>,
        %swap3A_445 = arith.constant 12 : i32
        %swap3A_446 = arith.index_cast %and3A_274 : i32 to index
        %swap3A_447 = arith.index_cast %swap3A_445 : i32 to index
        %swap3A_448 = arith.constant 32 : index
        %swap3A_449 = tpu.vector_load %arg10[%swap3A_446, %swap3A_447, %swap3A_448] {strides = array<i32>} : memref<2x16x128xf32, #tpu.memory_space<vmem>>, vector<16xf32>,
        tpu.vector_store %arg10[%swap3A_446, %swap3A_447, %swap3A_448], %get3A_444 {strides = array<i32>} : memref<2x16x128xf32, #tpu.memory_space<vmem>>, vector<16xf32>,
        %sub3A_450 = arith.constant 1 : i32
        %sub3A_451 = arith.subi %and3A_271, %sub3A_450 : i32
        %get3A_452 = arith.index_cast %and3A_274 : i32 to index
        %get3A_453 = arith.index_cast %sub3A_451 : i32 to index
        %get3A_454 = arith.constant 48 : index
        %get3A_455 = tpu.vector_load %arg10[%get3A_452, %get3A_453, %get3A_454] {strides = array<i32>} : memref<2x16x128xf32, #tpu.memory_space<vmem>>, vector<16xf32>,
        %swap3A_456 = arith.constant 12 : i32
        %swap3A_457 = arith.index_cast %and3A_274 : i32 to index
        %swap3A_458 = arith.index_cast %swap3A_456 : i32 to index
        %swap3A_459 = arith.constant 48 : index
        %swap3A_460 = tpu.vector_load %arg10[%swap3A_457, %swap3A_458, %swap3A_459] {strides = array<i32>} : memref<2x16x128xf32, #tpu.memory_space<vmem>>, vector<16xf32>,
        tpu.vector_store %arg10[%swap3A_457, %swap3A_458, %swap3A_459], %get3A_455 {strides = array<i32>} : memref<2x16x128xf32, #tpu.memory_space<vmem>>, vector<16xf32>,
      } else {
      }
      %le3A_392 = arith.constant 13 : i32
      %le3A_393 = arith.cmpi sle, %and3A_271, %le3A_392 : i32
      %convert_element_type3A_394 = arith.extui %le3A_393 : i1 to i32
      %cond3A_395 = arith.constant 0 : i32
      %cond3A_396 = arith.cmpi ne, %convert_element_type3A_394, %cond3A_395 : i32
      scf.if %cond3A_396 {
        %sub3A_417 = arith.constant 1 : i32
        %sub3A_418 = arith.subi %and3A_271, %sub3A_417 : i32
        %get3A_419 = arith.index_cast %and3A_274 : i32 to index
        %get3A_420 = arith.index_cast %sub3A_418 : i32 to index
        %get3A_421 = arith.constant 0 : index
        %get3A_422 = tpu.vector_load %arg10[%get3A_419, %get3A_420, %get3A_421] {strides = array<i32>} : memref<2x16x128xf32, #tpu.memory_space<vmem>>, vector<16xf32>,
        %swap3A_423 = arith.constant 13 : i32
        %swap3A_424 = arith.index_cast %and3A_274 : i32 to index
        %swap3A_425 = arith.index_cast %swap3A_423 : i32 to index
        %swap3A_426 = arith.constant 0 : index
        %swap3A_427 = tpu.vector_load %arg10[%swap3A_424, %swap3A_425, %swap3A_426] {strides = array<i32>} : memref<2x16x128xf32, #tpu.memory_space<vmem>>, vector<16xf32>,
        tpu.vector_store %arg10[%swap3A_424, %swap3A_425, %swap3A_426], %get3A_422 {strides = array<i32>} : memref<2x16x128xf32, #tpu.memory_space<vmem>>, vector<16xf32>,
        %sub3A_428 = arith.constant 1 : i32
        %sub3A_429 = arith.subi %and3A_271, %sub3A_428 : i32
        %get3A_430 = arith.index_cast %and3A_274 : i32 to index
        %get3A_431 = arith.index_cast %sub3A_429 : i32 to index
        %get3A_432 = arith.constant 16 : index
        %get3A_433 = tpu.vector_load %arg10[%get3A_430, %get3A_431, %get3A_432] {strides = array<i32>} : memref<2x16x128xf32, #tpu.memory_space<vmem>>, vector<16xf32>,
        %swap3A_434 = arith.constant 13 : i32
        %swap3A_435 = arith.index_cast %and3A_274 : i32 to index
        %swap3A_436 = arith.index_cast %swap3A_434 : i32 to index
        %swap3A_437 = arith.constant 16 : index
        %swap3A_438 = tpu.vector_load %arg10[%swap3A_435, %swap3A_436, %swap3A_437] {strides = array<i32>} : memref<2x16x128xf32, #tpu.memory_space<vmem>>, vector<16xf32>,
        tpu.vector_store %arg10[%swap3A_435, %swap3A_436, %swap3A_437], %get3A_433 {strides = array<i32>} : memref<2x16x128xf32, #tpu.memory_space<vmem>>, vector<16xf32>,
        %sub3A_439 = arith.constant 1 : i32
        %sub3A_440 = arith.subi %and3A_271, %sub3A_439 : i32
        %get3A_441 = arith.index_cast %and3A_274 : i32 to index
        %get3A_442 = arith.index_cast %sub3A_440 : i32 to index
        %get3A_443 = arith.constant 32 : index
        %get3A_444 = tpu.vector_load %arg10[%get3A_441, %get3A_442, %get3A_443] {strides = array<i32>} : memref<2x16x128xf32, #tpu.memory_space<vmem>>, vector<16xf32>,
        %swap3A_445 = arith.constant 13 : i32
        %swap3A_446 = arith.index_cast %and3A_274 : i32 to index
        %swap3A_447 = arith.index_cast %swap3A_445 : i32 to index
        %swap3A_448 = arith.constant 32 : index
        %swap3A_449 = tpu.vector_load %arg10[%swap3A_446, %swap3A_447, %swap3A_448] {strides = array<i32>} : memref<2x16x128xf32, #tpu.memory_space<vmem>>, vector<16xf32>,
        tpu.vector_store %arg10[%swap3A_446, %swap3A_447, %swap3A_448], %get3A_444 {strides = array<i32>} : memref<2x16x128xf32, #tpu.memory_space<vmem>>, vector<16xf32>,
        %sub3A_450 = arith.constant 1 : i32
        %sub3A_451 = arith.subi %and3A_271, %sub3A_450 : i32
        %get3A_452 = arith.index_cast %and3A_274 : i32 to index
        %get3A_453 = arith.index_cast %sub3A_451 : i32 to index
        %get3A_454 = arith.constant 48 : index
        %get3A_455 = tpu.vector_load %arg10[%get3A_452, %get3A_453, %get3A_454] {strides = array<i32>} : memref<2x16x128xf32, #tpu.memory_space<vmem>>, vector<16xf32>,
        %swap3A_456 = arith.constant 13 : i32
        %swap3A_457 = arith.index_cast %and3A_274 : i32 to index
        %swap3A_458 = arith.index_cast %swap3A_456 : i32 to index
        %swap3A_459 = arith.constant 48 : index
        %swap3A_460 = tpu.vector_load %arg10[%swap3A_457, %swap3A_458, %swap3A_459] {strides = array<i32>} : memref<2x16x128xf32, #tpu.memory_space<vmem>>, vector<16xf32>,
        tpu.vector_store %arg10[%swap3A_457, %swap3A_458, %swap3A_459], %get3A_455 {strides = array<i32>} : memref<2x16x128xf32, #tpu.memory_space<vmem>>, vector<16xf32>,
      } else {
      }
      %le3A_397 = arith.constant 14 : i32
      %le3A_398 = arith.cmpi sle, %and3A_271, %le3A_397 : i32
      %convert_element_type3A_399 = arith.extui %le3A_398 : i1 to i32
      %cond3A_400 = arith.constant 0 : i32
      %cond3A_401 = arith.cmpi ne, %convert_element_type3A_399, %cond3A_400 : i32
      scf.if %cond3A_401 {
        %sub3A_417 = arith.constant 1 : i32
        %sub3A_418 = arith.subi %and3A_271, %sub3A_417 : i32
        %get3A_419 = arith.index_cast %and3A_274 : i32 to index
        %get3A_420 = arith.index_cast %sub3A_418 : i32 to index
        %get3A_421 = arith.constant 0 : index
        %get3A_422 = tpu.vector_load %arg10[%get3A_419, %get3A_420, %get3A_421] {strides = array<i32>} : memref<2x16x128xf32, #tpu.memory_space<vmem>>, vector<16xf32>,
        %swap3A_423 = arith.constant 14 : i32
        %swap3A_424 = arith.index_cast %and3A_274 : i32 to index
        %swap3A_425 = arith.index_cast %swap3A_423 : i32 to index
        %swap3A_426 = arith.constant 0 : index
        %swap3A_427 = tpu.vector_load %arg10[%swap3A_424, %swap3A_425, %swap3A_426] {strides = array<i32>} : memref<2x16x128xf32, #tpu.memory_space<vmem>>, vector<16xf32>,
        tpu.vector_store %arg10[%swap3A_424, %swap3A_425, %swap3A_426], %get3A_422 {strides = array<i32>} : memref<2x16x128xf32, #tpu.memory_space<vmem>>, vector<16xf32>,
        %sub3A_428 = arith.constant 1 : i32
        %sub3A_429 = arith.subi %and3A_271, %sub3A_428 : i32
        %get3A_430 = arith.index_cast %and3A_274 : i32 to index
        %get3A_431 = arith.index_cast %sub3A_429 : i32 to index
        %get3A_432 = arith.constant 16 : index
        %get3A_433 = tpu.vector_load %arg10[%get3A_430, %get3A_431, %get3A_432] {strides = array<i32>} : memref<2x16x128xf32, #tpu.memory_space<vmem>>, vector<16xf32>,
        %swap3A_434 = arith.constant 14 : i32
        %swap3A_435 = arith.index_cast %and3A_274 : i32 to index
        %swap3A_436 = arith.index_cast %swap3A_434 : i32 to index
        %swap3A_437 = arith.constant 16 : index
        %swap3A_438 = tpu.vector_load %arg10[%swap3A_435, %swap3A_436, %swap3A_437] {strides = array<i32>} : memref<2x16x128xf32, #tpu.memory_space<vmem>>, vector<16xf32>,
        tpu.vector_store %arg10[%swap3A_435, %swap3A_436, %swap3A_437], %get3A_433 {strides = array<i32>} : memref<2x16x128xf32, #tpu.memory_space<vmem>>, vector<16xf32>,
        %sub3A_439 = arith.constant 1 : i32
        %sub3A_440 = arith.subi %and3A_271, %sub3A_439 : i32
        %get3A_441 = arith.index_cast %and3A_274 : i32 to index
        %get3A_442 = arith.index_cast %sub3A_440 : i32 to index
        %get3A_443 = arith.constant 32 : index
        %get3A_444 = tpu.vector_load %arg10[%get3A_441, %get3A_442, %get3A_443] {strides = array<i32>} : memref<2x16x128xf32, #tpu.memory_space<vmem>>, vector<16xf32>,
        %swap3A_445 = arith.constant 14 : i32
        %swap3A_446 = arith.index_cast %and3A_274 : i32 to index
        %swap3A_447 = arith.index_cast %swap3A_445 : i32 to index
        %swap3A_448 = arith.constant 32 : index
        %swap3A_449 = tpu.vector_load %arg10[%swap3A_446, %swap3A_447, %swap3A_448] {strides = array<i32>} : memref<2x16x128xf32, #tpu.memory_space<vmem>>, vector<16xf32>,
        tpu.vector_store %arg10[%swap3A_446, %swap3A_447, %swap3A_448], %get3A_444 {strides = array<i32>} : memref<2x16x128xf32, #tpu.memory_space<vmem>>, vector<16xf32>,
        %sub3A_450 = arith.constant 1 : i32
        %sub3A_451 = arith.subi %and3A_271, %sub3A_450 : i32
        %get3A_452 = arith.index_cast %and3A_274 : i32 to index
        %get3A_453 = arith.index_cast %sub3A_451 : i32 to index
        %get3A_454 = arith.constant 48 : index
        %get3A_455 = tpu.vector_load %arg10[%get3A_452, %get3A_453, %get3A_454] {strides = array<i32>} : memref<2x16x128xf32, #tpu.memory_space<vmem>>, vector<16xf32>,
        %swap3A_456 = arith.constant 14 : i32
        %swap3A_457 = arith.index_cast %and3A_274 : i32 to index
        %swap3A_458 = arith.index_cast %swap3A_456 : i32 to index
        %swap3A_459 = arith.constant 48 : index
        %swap3A_460 = tpu.vector_load %arg10[%swap3A_457, %swap3A_458, %swap3A_459] {strides = array<i32>} : memref<2x16x128xf32, #tpu.memory_space<vmem>>, vector<16xf32>,
        tpu.vector_store %arg10[%swap3A_457, %swap3A_458, %swap3A_459], %get3A_455 {strides = array<i32>} : memref<2x16x128xf32, #tpu.memory_space<vmem>>, vector<16xf32>,
      } else {
      }
      %le3A_402 = arith.constant 15 : i32
      %le3A_403 = arith.cmpi sle, %and3A_271, %le3A_402 : i32
      %convert_element_type3A_404 = arith.extui %le3A_403 : i1 to i32
      %cond3A_405 = arith.constant 0 : i32
      %cond3A_406 = arith.cmpi ne, %convert_element_type3A_404, %cond3A_405 : i32
      scf.if %cond3A_406 {
        %sub3A_417 = arith.constant 1 : i32
        %sub3A_418 = arith.subi %and3A_271, %sub3A_417 : i32
        %get3A_419 = arith.index_cast %and3A_274 : i32 to index
        %get3A_420 = arith.index_cast %sub3A_418 : i32 to index
        %get3A_421 = arith.constant 0 : index
        %get3A_422 = tpu.vector_load %arg10[%get3A_419, %get3A_420, %get3A_421] {strides = array<i32>} : memref<2x16x128xf32, #tpu.memory_space<vmem>>, vector<16xf32>,
        %swap3A_423 = arith.constant 15 : i32
        %swap3A_424 = arith.index_cast %and3A_274 : i32 to index
        %swap3A_425 = arith.index_cast %swap3A_423 : i32 to index
        %swap3A_426 = arith.constant 0 : index
        %swap3A_427 = tpu.vector_load %arg10[%swap3A_424, %swap3A_425, %swap3A_426] {strides = array<i32>} : memref<2x16x128xf32, #tpu.memory_space<vmem>>, vector<16xf32>,
        tpu.vector_store %arg10[%swap3A_424, %swap3A_425, %swap3A_426], %get3A_422 {strides = array<i32>} : memref<2x16x128xf32, #tpu.memory_space<vmem>>, vector<16xf32>,
        %sub3A_428 = arith.constant 1 : i32
        %sub3A_429 = arith.subi %and3A_271, %sub3A_428 : i32
        %get3A_430 = arith.index_cast %and3A_274 : i32 to index
        %get3A_431 = arith.index_cast %sub3A_429 : i32 to index
        %get3A_432 = arith.constant 16 : index
        %get3A_433 = tpu.vector_load %arg10[%get3A_430, %get3A_431, %get3A_432] {strides = array<i32>} : memref<2x16x128xf32, #tpu.memory_space<vmem>>, vector<16xf32>,
        %swap3A_434 = arith.constant 15 : i32
        %swap3A_435 = arith.index_cast %and3A_274 : i32 to index
        %swap3A_436 = arith.index_cast %swap3A_434 : i32 to index
        %swap3A_437 = arith.constant 16 : index
        %swap3A_438 = tpu.vector_load %arg10[%swap3A_435, %swap3A_436, %swap3A_437] {strides = array<i32>} : memref<2x16x128xf32, #tpu.memory_space<vmem>>, vector<16xf32>,
        tpu.vector_store %arg10[%swap3A_435, %swap3A_436, %swap3A_437], %get3A_433 {strides = array<i32>} : memref<2x16x128xf32, #tpu.memory_space<vmem>>, vector<16xf32>,
        %sub3A_439 = arith.constant 1 : i32
        %sub3A_440 = arith.subi %and3A_271, %sub3A_439 : i32
        %get3A_441 = arith.index_cast %and3A_274 : i32 to index
        %get3A_442 = arith.index_cast %sub3A_440 : i32 to index
        %get3A_443 = arith.constant 32 : index
        %get3A_444 = tpu.vector_load %arg10[%get3A_441, %get3A_442, %get3A_443] {strides = array<i32>} : memref<2x16x128xf32, #tpu.memory_space<vmem>>, vector<16xf32>,
        %swap3A_445 = arith.constant 15 : i32
        %swap3A_446 = arith.index_cast %and3A_274 : i32 to index
        %swap3A_447 = arith.index_cast %swap3A_445 : i32 to index
        %swap3A_448 = arith.constant 32 : index
        %swap3A_449 = tpu.vector_load %arg10[%swap3A_446, %swap3A_447, %swap3A_448] {strides = array<i32>} : memref<2x16x128xf32, #tpu.memory_space<vmem>>, vector<16xf32>,
        tpu.vector_store %arg10[%swap3A_446, %swap3A_447, %swap3A_448], %get3A_444 {strides = array<i32>} : memref<2x16x128xf32, #tpu.memory_space<vmem>>, vector<16xf32>,
        %sub3A_450 = arith.constant 1 : i32
        %sub3A_451 = arith.subi %and3A_271, %sub3A_450 : i32
        %get3A_452 = arith.index_cast %and3A_274 : i32 to index
        %get3A_453 = arith.index_cast %sub3A_451 : i32 to index
        %get3A_454 = arith.constant 48 : index
        %get3A_455 = tpu.vector_load %arg10[%get3A_452, %get3A_453, %get3A_454] {strides = array<i32>} : memref<2x16x128xf32, #tpu.memory_space<vmem>>, vector<16xf32>,
        %swap3A_456 = arith.constant 15 : i32
        %swap3A_457 = arith.index_cast %and3A_274 : i32 to index
        %swap3A_458 = arith.index_cast %swap3A_456 : i32 to index
        %swap3A_459 = arith.constant 48 : index
        %swap3A_460 = tpu.vector_load %arg10[%swap3A_457, %swap3A_458, %swap3A_459] {strides = array<i32>} : memref<2x16x128xf32, #tpu.memory_space<vmem>>, vector<16xf32>,
        tpu.vector_store %arg10[%swap3A_457, %swap3A_458, %swap3A_459], %get3A_455 {strides = array<i32>} : memref<2x16x128xf32, #tpu.memory_space<vmem>>, vector<16xf32>,
      } else {
      }
      %dma_start3A_407 = arith.constant 0 : i32
      %dma_start3A_408 = arith.constant 0 : i32
      %dma_start3A_409 = tpu.memref_slice %arg10[%and3A_274, %dma_start3A_407, %dma_start3A_408] : memref<2x16x128xf32, #tpu.memory_space<vmem>> -> memref<1x16x128xf32, #tpu.memory_space<vmem>>
      %dma_start3A_410 = tpu.memref_squeeze %dma_start3A_409 : memref<1x16x128xf32, #tpu.memory_space<vmem>> -> memref<16x128xf32, #tpu.memory_space<vmem>>
      %dma_start3A_411 = arith.constant 0 : i32
      %dma_start3A_412 = tpu.memref_slice %arg11[%and3A_274, %dma_start3A_411] : memref<2x16xi32, #tpu.memory_space<vmem>> -> memref<1x16xi32, #tpu.memory_space<vmem>>
      %dma_start3A_413 = tpu.memref_squeeze %dma_start3A_412 : memref<1x16xi32, #tpu.memory_space<vmem>> -> memref<16xi32, #tpu.memory_space<vmem>>
      %dma_start3A_414 = arith.constant 0 : i32
      %dma_start3A_415 = arith.constant 0 : i32
      %dma_start3A_416 = tpu.memref_slice %arg4[%dma_start3A_414, %dma_start3A_415] : memref<16384x128xf32, #tpu.memory_space<hbm>> -> memref<16384x128xf32, #tpu.memory_space<hbm>>
      tpu.enqueue_indirect_dma source(%dma_start3A_410 : memref<16x128xf32, #tpu.memory_space<vmem>>) target(%dma_start3A_416 : memref<16384x128xf32, #tpu.memory_space<hbm>>) offsets(%dma_start3A_413 : memref<16xi32, #tpu.memory_space<vmem>>) semaphore(%arg16 : memref<!tpu.dma_semaphore, #tpu.memory_space<semaphore_mem>>)
    } else {
    }
    %jit3A_279 = arith.constant 16 : i32
    %div3A_280 = arith.divsi %get3A_269, %jit3A_279 : i32
    %sign3A_281 = arith.constant 0 : i32
    %sign3A_282 = arith.cmpi sgt, %get3A_269, %sign3A_281 : i32
    %sign3A_283 = arith.extui %sign3A_282 : i1 to i32
    %sign3A_284 = arith.constant 0 : i32
    %sign3A_285 = arith.cmpi slt, %get3A_269, %sign3A_284 : i32
    %sign3A_286 = arith.extui %sign3A_285 : i1 to i32
    %sign3A_287 = arith.subi %sign3A_283, %sign3A_286 : i32
    %sign3A_288 = arith.constant 0 : i32
    %sign3A_289 = arith.cmpi sgt, %jit3A_279, %sign3A_288 : i32
    %sign3A_290 = arith.extui %sign3A_289 : i1 to i32
    %sign3A_291 = arith.constant 0 : i32
    %sign3A_292 = arith.cmpi slt, %jit3A_279, %sign3A_291 : i32
    %sign3A_293 = arith.extui %sign3A_292 : i1 to i32
    %sign3A_294 = arith.subi %sign3A_290, %sign3A_293 : i32
    %ne3A_295 = arith.cmpi ne, %sign3A_287, %sign3A_294 : i32
    %rem3A_296 = arith.remsi %get3A_269, %jit3A_279 : i32
    %ne3A_297 = arith.constant 0 : i32
    %ne3A_298 = arith.cmpi ne, %rem3A_296, %ne3A_297 : i32
    %and3A_299 = arith.andi %ne3A_295, %ne3A_298 : i1
    %sub3A_300 = arith.constant 1 : i32
    %sub3A_301 = arith.subi %div3A_280, %sub3A_300 : i32
    %select_n3A_302 = arith.select %and3A_299, %sub3A_301, %div3A_280 : i32
    %gt3A_303 = arith.constant 0 : i32
    %gt3A_304 = arith.cmpi sgt, %and3A_271, %gt3A_303 : i32
    %jit3A_305 = arith.constant 1 : i32
    %jit3A_306 = arith.constant 0 : i32
    %select_n3A_307 = arith.select %gt3A_304, %jit3A_305, %jit3A_306 : i32
    %add3A_308 = arith.addi %select_n3A_302, %select_n3A_307 : i32
    %get3A_309 = arith.constant 1 : i32
    %get3A_310 = arith.index_cast %get3A_309 : i32 to index
    %get3A_311 = memref.load %arg14[%get3A_310] : memref<4xi32, #tpu.memory_space<smem>>
    %sub3A_312 = arith.subi %add3A_308, %get3A_311 : i32
    %while3A_313 = arith.constant 0 : i32
    %while3A_314 = arith.constant 0 : i32
    %while3A_315 = arith.subi %sub3A_312, %while3A_314 : i32
    %while3A_316 = arith.addi %while3A_314, %while3A_315 : i32
    %while3A_317 = arith.constant 1 : i32
    %while3A_318 = arith.divsi %while3A_315, %while3A_317 : i32
    %while3A_319 = arith.muli %while3A_318, %while3A_317 : i32
    %while3A_320 = arith.addi %while3A_314, %while3A_319 : i32
    %while3A_321 = arith.constant 1 : i32
    scf.for %while3A_323 = %while3A_314 to %while3A_320 step %while3A_321  : i32 {
      %dma_wait3A = arith.constant 0 : i32
      %dma_wait3A_324 = arith.constant 0 : i32
      %dma_wait3A_325 = arith.constant 0 : i32
      %dma_wait3A_326 = arith.constant 0 : i32
      %dma_wait3A_327 = tpu.memref_slice %arg10[%dma_wait3A, %dma_wait3A_325, %dma_wait3A_326] : memref<2x16x128xf32, #tpu.memory_space<vmem>> -> memref<1x16x128xf32, #tpu.memory_space<vmem>>
      %dma_wait3A_328 = tpu.memref_squeeze %dma_wait3A_327 : memref<1x16x128xf32, #tpu.memory_space<vmem>> -> memref<16x128xf32, #tpu.memory_space<vmem>>
      %dma_wait3A_329 = arith.constant 0 : i32
      %dma_wait3A_330 = tpu.memref_slice %arg11[%dma_wait3A_324, %dma_wait3A_329] : memref<2x16xi32, #tpu.memory_space<vmem>> -> memref<1x16xi32, #tpu.memory_space<vmem>>
      %dma_wait3A_331 = tpu.memref_squeeze %dma_wait3A_330 : memref<1x16xi32, #tpu.memory_space<vmem>> -> memref<16xi32, #tpu.memory_space<vmem>>
      %dma_wait3A_332 = arith.constant 0 : i32
      %dma_wait3A_333 = arith.constant 0 : i32
      %dma_wait3A_334 = tpu.memref_slice %arg4[%dma_wait3A_332, %dma_wait3A_333] : memref<16384x128xf32, #tpu.memory_space<hbm>> -> memref<16384x128xf32, #tpu.memory_space<hbm>>
      tpu.wait_indirect_dma semaphore(%arg16 : memref<!tpu.dma_semaphore, #tpu.memory_space<semaphore_mem>>) src(%dma_wait3A_328 : memref<16x128xf32, #tpu.memory_space<vmem>>) dst(%dma_wait3A_334 : memref<16384x128xf32, #tpu.memory_space<hbm>>)
    }
    %while3A_322 = arith.constant 1 : i32
    scf.for %while3A_323 = %while3A_320 to %while3A_316 step %while3A_322  : i32 {
      %dma_wait3A = arith.constant 0 : i32
      %dma_wait3A_324 = arith.constant 0 : i32
      %dma_wait3A_325 = arith.constant 0 : i32
      %dma_wait3A_326 = arith.constant 0 : i32
      %dma_wait3A_327 = tpu.memref_slice %arg10[%dma_wait3A, %dma_wait3A_325, %dma_wait3A_326] : memref<2x16x128xf32, #tpu.memory_space<vmem>> -> memref<1x16x128xf32, #tpu.memory_space<vmem>>
      %dma_wait3A_328 = tpu.memref_squeeze %dma_wait3A_327 : memref<1x16x128xf32, #tpu.memory_space<vmem>> -> memref<16x128xf32, #tpu.memory_space<vmem>>
      %dma_wait3A_329 = arith.constant 0 : i32
      %dma_wait3A_330 = tpu.memref_slice %arg11[%dma_wait3A_324, %dma_wait3A_329] : memref<2x16xi32, #tpu.memory_space<vmem>> -> memref<1x16xi32, #tpu.memory_space<vmem>>
      %dma_wait3A_331 = tpu.memref_squeeze %dma_wait3A_330 : memref<1x16xi32, #tpu.memory_space<vmem>> -> memref<16xi32, #tpu.memory_space<vmem>>
      %dma_wait3A_332 = arith.constant 0 : i32
      %dma_wait3A_333 = arith.constant 0 : i32
      %dma_wait3A_334 = tpu.memref_slice %arg4[%dma_wait3A_332, %dma_wait3A_333] : memref<16384x128xf32, #tpu.memory_space<hbm>> -> memref<16384x128xf32, #tpu.memory_space<hbm>>
      tpu.wait_indirect_dma semaphore(%arg16 : memref<!tpu.dma_semaphore, #tpu.memory_space<semaphore_mem>>) src(%dma_wait3A_328 : memref<16x128xf32, #tpu.memory_space<vmem>>) dst(%dma_wait3A_334 : memref<16384x128xf32, #tpu.memory_space<hbm>>)
    }
    return
  }
}

</mosaic_0001>

<sc_bundles>
// kernel: kernel.3.cloned.1.call-start
scs
__scs_entry_jumppad:
0x0: {  	(pc) =	sbr.rel $0x88, $3  }
0x1: {  	(tag) =	ssettag $0x0;
	lr =	simm.s32 $0x1  }
0x2: {  	[smem:$0x3F9F] =	sst lr;
	_ =	strace $0xD0000000  }
0x3: {  	_ = 	snop  }
0x4: {  	_ = 	snop  }
0x5: {  	_ = 	snop  }
0x6: {  	_ = 	snop  }
0x7: {  	_ = 	snop  }
__scs_overlays_trampoline_lowered:
0x8: {  	[smem:$0x3FAE] =	sst s0  }
0x9: {  	[smem:$0x3FAF] =	sst s1  }
0xa: {  	[smem:$0x3FB0] =	sst s2  }
0xb: {  	[smem:$0x3FB1] =	sst s3  }
0xc: {  	[smem:$0x3FB2] =	sst s4  }
0xd: {  	[smem:$0x3FB3] =	sst s5  }
0xe: {  	[smem:$0x3FB4] =	sst s6  }
0xf: {  	[smem:$0x3FB5] =	sst s7  }
0x10: {  	[smem:$0x3FB6] =	sst s8  }
0x11: {  	[smem:$0x3FB7] =	sst s9;
	s0 =	simm.s32 @!p0 $0x0  }
0x12: {  	s1 =	sld [smem:$0x3F9D];
	s0 =	simm.s32 @p0 $0x1  }
0x13: {  	[smem:$0x3FB8] =	sst s0;
	s0 =	simm.s32 @!p1 $0x0  }
0x14: {  	s2 =	sld [smem:$0x3F9C];
	s0 =	simm.s32 @p1 $0x1  }
0x15: {  	[smem:$0x3FB9] =	sst s0;
	s0 =	simm.s32 @!p2 $0x0  }
0x16: {  	s3 =	sld [smem:$0x3FDB];
	s0 =	simm.s32 @p2 $0x1  }
0x17: {  	s4 =	simm.s32 $0x1BF5;
	[smem:$0x3FBB] =	sst s0  }
0x18: {  	s0 =	sld [smem:$0x3F9E];
	_ =	swait.ge [sflag:s4], $0x0  }
0x19: {  	s7 =	sld [smem:$0x3F9F]  }
0x1a: {  	s8 =	sadd.s32 $0xFFFFE003, lr  }
0x1b: {  	s9 =	sadd.s32 $0xFFFFFEF7, lr;
	s5 =	simm.s32 $0xFFFFFFFF;
	p2 =	slt.u32 s8, $0xFFFFF086  }
0x1c: {  	p1 =	slt.u32 s9, $0xF7A;
	s5 =	simm.s32 @!p2 $0x0  }
0x1d: {  	s5 =	simm.s32 @p1 $0x1;
	p0 =	seq.s32 s7, s2  }
0x1e: {  	s7 =	smul.u32 @!p0 $0xF7A, s2;
	p2 =	seq.s32 @!p0 s5, $0x0  }
0x1f: {  	s9 =	smul.u32 $0xF7A, s1;
	s8 =	simm.s32 @!p0 $0x1BF5;
	p2 =	por !p2, p0  }
0x20: {  	[sflag:s8] =	ssyncset.s32 @!p0 $0xFFFFF086;
	s6 =	sadd.s32 @!p0 s3, s7;
	s7 =	simm.s32 @!p0 $0x108  }
0x21: {  	s3 =	sadd.s32 s3, s9;
	s6 =	sadd.s32 @!p0 $0x88, s6;
	s7 =	simm.s32 @p2 $0x1082  }
0x22: {  	[simem:s7], [sflag:s8] =	dma.local @!p0 [hbm:s6], $0xF7A  }
0x23: {  	s9 =	sor.u32 $0xD0000000, s2;
	s6 =	simm.s32 $0x108;
	_ =	swait.ge @!p0 [sflag:s8], $0x0  }
0x24: {  	s3 =	sadd.s32 $0x88, s3;
	s6 =	simm.s32 @!p1 $0x1082;
	[sflag:s4] =	ssyncset.s32 $0xFFFFF086  }
0x25: {  	[simem:s6], [sflag:s4] =	dma.local [hbm:s3], $0xF7A  }
0x26: {  	[smem:$0x3F9F] =	sst s1;
	(tag) =	ssettag s2;
	_ =	strace s9  }
0x27: {  	s1 =	sld [smem:$0x3FAF]  }
0x28: {  	s2 =	sld [smem:$0x3FB0]  }
0x29: {  	s4 =	sld [smem:$0x3FB2]  }
0x2a: {  	p0 =	seq.s32 s5, $0x0;
	s5 =	sld [smem:$0x3FB3]  }
0x2b: {  	s6 =	sld [smem:$0x3FB4]  }
0x2c: {  	s7 =	sld [smem:$0x3FB5]  }
0x2d: {  	s3 =	simm.s32 $0x108;
	s8 =	sld [smem:$0x3FB6]  }
0x2e: {  	s3 =	simm.s32 @!p0 $0x1082;
	s9 =	sld [smem:$0x3FB7]  }
0x2f: {  	lr =	sadd.s32 s0, s3;
	s0 =	sld [smem:$0x3FAE]  }
0x30: {  	s3 =	sld [smem:$0x3FB1]  }
0x31: {  	[smem:$0x3FBA] =	sst s10  }
0x32: {  	s10 =	sld [smem:$0x3FB8];
	_ =	sdelay $0x3  }
0x33: {  	p0 =	seq.s32 s10, $0x1;
	s10 =	sld [smem:$0x3FBA];
	_ =	sdelay $0x3  }
0x34: {  	[smem:$0x3FBA] =	sst s10  }
0x35: {  	s10 =	sld [smem:$0x3FB9];
	_ =	sdelay $0x3  }
0x36: {  	p1 =	seq.s32 s10, $0x1;
	s10 =	sld [smem:$0x3FBA];
	_ =	sdelay $0x3  }
0x37: {  	[smem:$0x3FBA] =	sst s10  }
0x38: {  	s10 =	sld [smem:$0x3FBB]  }
0x39: {  	_ = 	snop;
	(pc) =	sbr.ind lr, $3  }
0x3a: {  	_ = 	snop  }
0x3b: {  	_ = 	snop  }
0x3c: {  	p2 =	seq.s32 s10, $0x1;
	s10 =	sld [smem:$0x3FBA]  }
0x3d: {  	_ =	shalt  }
0x3e: {  	_ =	shalt  }
0x3f: {  	_ =	shalt  }
0x40: {  	_ =	shalt  }
0x41: {  	_ =	shalt  }
0x42: {  	_ =	shalt  }
0x43: {  	_ =	shalt  }
0x44: {  	_ =	shalt  }
0x45: {  	_ =	shalt  }
0x46: {  	_ =	shalt  }
0x47: {  	_ =	shalt  }
0x48: {  	_ =	shalt  }
0x49: {  	_ =	shalt  }
0x4a: {  	_ =	shalt  }
0x4b: {  	_ =	shalt  }
0x4c: {  	_ =	shalt  }
0x4d: {  	_ =	shalt  }
0x4e: {  	_ =	shalt  }
0x4f: {  	_ =	shalt  }
0x50: {  	_ =	shalt  }
0x51: {  	_ =	shalt  }
0x52: {  	_ =	shalt  }
0x53: {  	_ =	shalt  }
0x54: {  	_ =	shalt  }
0x55: {  	_ =	shalt  }
0x56: {  	_ =	shalt  }
0x57: {  	_ =	shalt  }
0x58: {  	_ =	shalt  }
0x59: {  	_ =	shalt  }
0x5a: {  	_ =	shalt  }
0x5b: {  	_ =	shalt  }
0x5c: {  	_ =	shalt  }
0x5d: {  	_ =	shalt  }
0x5e: {  	_ =	shalt  }
0x5f: {  	_ =	shalt  }
0x60: {  	_ =	shalt  }
0x61: {  	_ =	shalt  }
0x62: {  	_ =	shalt  }
0x63: {  	_ =	shalt  }
0x64: {  	_ =	shalt  }
0x65: {  	_ =	shalt  }
0x66: {  	_ =	shalt  }
0x67: {  	_ =	shalt  }
0x68: {  	_ =	shalt  }
0x69: {  	_ =	shalt  }
0x6a: {  	_ =	shalt  }
0x6b: {  	_ =	shalt  }
0x6c: {  	_ =	shalt  }
0x6d: {  	_ =	shalt  }
0x6e: {  	_ =	shalt  }
0x6f: {  	_ =	shalt  }
0x70: {  	_ =	shalt  }
0x71: {  	_ =	shalt  }
0x72: {  	_ =	shalt  }
0x73: {  	_ =	shalt  }
0x74: {  	_ =	shalt  }
0x75: {  	_ =	shalt  }
0x76: {  	_ =	shalt  }
0x77: {  	_ =	shalt  }
0x78: {  	_ =	shalt  }
0x79: {  	_ =	shalt  }
0x7a: {  	_ =	shalt  }
0x7b: {  	_ =	shalt  }
0x7c: {  	_ =	shalt  }
0x7d: {  	_ =	shalt  }
0x7e: {  	_ =	shalt  }
0x7f: {  	_ =	shalt  }
0x80: {  	_ =	shalt  }
0x81: {  	_ =	shalt  }
0x82: {  	_ =	shalt  }
0x83: {  	_ =	shalt  }
0x84: {  	_ =	shalt  }
0x85: {  	_ =	shalt  }
0x86: {  	_ =	shalt  }
0x87: {  	_ =	shalt  }
.Lfunc_end0:
.L_simem_size_0:
called_computation_lowered:
.L_overlay_start_0:
0x88: {  	s2 =	sld [smem:$0x3FD9]  }
0x89: {  	s3 =	sld [smem:$0x3FFE];
	_ =	sdelay $0x1  }
0x8a: {  	s1 =	srdreg.scid  }
0x8b: {  	s0 =	sand.u32 $0x1, s1  }
0x8c: {  	s17 =	sshll.u32 s0, $0xA;
	s2 =	sadd.s32 s3, s2  }
0x8d: {  	s2 =	sadd.s32 s2, s17  }
0x8e: {  	[smem:$0x3FC6] =	sst s2  }
0x8f: {  	_ = 	snop  }
0x90: {  	s2 =	sld [smem:$0x3FC9]  }
0x91: {  	s18 =	sld [smem:$0x3FC8];
	(tm) =	ssettm $0x1  }
0x92: {  	s4 =	sld [smem:$0x3FFB];
	_ =	sdelay $0x3  }
0x93: {  	_ =	strace s4  }
0x94: {  	s4 =	sld [smem:$0x3FFC];
	_ =	sdelay $0x3  }
0x95: {  	_ =	strace s4  }
0x96: {  	s4 =	sld [smem:$0x3FFD];
	_ =	sdelay $0x3  }
0x97: {  	_ =	strace s4  }
0x98: {  	_ =	strace $0x8FFFFFFF  }
0x99: {  	s19 =	sld [smem:$0x3FDB];
	_ =	sdelay $0x1  }
0x9a: {  	s5 =	simm.s32 $_scs_section_size  }
0x9b: {  	s6 =	simm.s32 $_size__tile_overlayer_lowered;
	s7 =	simm.s32 $_tile_overlayer_lowered  }
0x9c: {  	s22 =	simm.s32 $0x1BFF;
	s21 =	sshll.u32 s7, $0x1;
	s4 =	sadd.s32 s5, s19  }
0x9d: {  	s8 =	simm.s32 $0x0;
	s20 =	sshll.u32 s6, $0x1;
	s6 =	sadd.s32 s21, s4  }
0x9e: {  	[timem:s8], [sflag:s22] =	dma.local [hbm:s6], s20  }
0x9f: {  	_ =	swait.ge [sflag:s22], s20  }
0xa0: {  	s5 =	ssub.s32 $0x0, s20;
	[sflag:s22] =	ssyncset.done $0x0  }
0xa1: {  	[sflag:s22] =	ssyncadd.s32 s5;
	_ =	sdelay $0x1  }
0xa2: {  	s23 =	simm.s32 $0x1B8B  }
0xa3: {  	_ =	swait.ge [sflag:s23], $0x1  }
0xa4: {  	[sflag:s23] =	ssyncset.done $0x0  }
0xa5: {  	s25 =	simm.s32 $0x1B8E;
	s24 =	sld [smem:$0x3FFE];
	[sflag:s23] =	ssyncadd.s32 $0xFFFFFFFF  }
0xa6: {  	s26 =	simm.s32 $execute0_lowered;
	[smem:$0x3FD2] =	sst s25  }
0xa7: {  	s6 =	sshll.u32 s26, $0x1;
	_ =	strace $0x80000046;
	[dreg:$0x1] =	wrdreg $0xFFFFFFFF  }
0xa8: {  	s28 =	simm.s32 $_size_execute0_lowered;
	s4 =	sadd.s32 s4, s6;
	[dreg:$0x0] =	wrdreg $0x0  }
0xa9: {  	s6 =	sshll.u32 s28, $0x1;
	[dreg:$0x2] =	wrdreg s4  }
0xaa: {  	[dreg:$0x3] =	wrdreg s6  }
0xab: {  	[dreg:$0x4] =	wrdreg $0xC0  }
0xac: {  	_ =	task [dreg:s8], $0x5FFFF  }
0xad: {  	[dreg:$0x1] =	wrdreg $0xFFFFFFFF  }
0xae: {  	[dreg:$0x0] =	wrdreg $0x60  }
0xaf: {  	[dreg:$0x2] =	wrdreg s2  }
0xb0: {  	[dreg:$0x3] =	wrdreg s18  }
0xb1: {  	[dreg:$0x4] =	wrdreg s24  }
0xb2: {  	[dreg:$0x5] =	wrdreg $0x9  }
0xb3: {  	_ =	task.clear_ibuf [dreg:s8], $0x6FFFF;
	_ =	strace $0x90000046  }
0xb4: {  	s29 =	simm.s32 $0x9;
	_ =	strace $0x80000048  }
0xb5: {  	_ =	swait.ge [sflag:s29], $0x1  }
0xb6: {  	[sflag:s29] =	ssyncadd.s32 $0xFFFFFFFF  }
0xb7: {  	_ =	strace $0x90000048  }
0xb8: {  	_ =	sfence  }
0xb9: {  	s30 =	sld [smem:$0x0];
	_ =	sdelay $0x2  }
0xba: {  	s31 =	sshll.u32 s1, $0xD;
	s1 =	sshrl.u32 s1, $0x2  }
0xbb: {  	s3 =	sand.u32 $0x4000, s31;
	s1 =	sadd.s32 s1, s30  }
0xbc: {  	s0 =	sor.u32 s3, s0;
	s1 =	sshll.u32 s1, $0x11  }
0xbd: {  	s0 =	sor.u32 s1, s0  }
0xbe: {  	s0 =	sadd.s32 $0x8F2B, s0  }
0xbf: {  	[sflag:s0] =	ssyncadd.remote.s32 $0x1  }
0xc0: {  	_ =	sfence.sel $0xFFFF  }
0xc1: {  	[dreg:$0x0] =	wrdreg $0xFFFFFFFF;
	(pc) =	sbr.abs _section_cstart, $3  }
0xc2: {  	[dreg:$0x1] =	wrdreg $0xFFFFFFFF  }
0xc3: {  	_ =	task.clear_ibuf [dreg:s8], $0x2FFFF;
	_ =	strace $0x9FFFFFFF  }
0xc4: {  	(tm) =	ssettm $0x7FFFFFFF  }
0xc5: {  	_ =	shalt  }
tec
execute0_lowered:
.L_overlay_start_1:
0x0: {  	(tag) =	ssettag $0x1  }
0x1: {  	v0 =	vimm.s32 $0x1380;
	vm14 =	vcmask $0x300  }
0x2: {  	vm13 =	vcmask $0x704;
	v0 =	vsel vm14, $0x0, v0  }
0x3: {  	vm12 =	vcmask $0xB08;
	v0 =	vsel vm13, $0x80, v0  }
0x4: {  	vm11 =	vcmask $0xF0C;
	v0 =	vsel vm12, $0x100, v0  }
0x5: {  	vm10 =	vcmask $0x1310;
	v0 =	vsel vm11, $0x180, v0  }
0x6: {  	vm9 =	vcmask $0x1714;
	v0 =	vsel vm10, $0x200, v0  }
0x7: {  	vm7 =	vcmask $0x1B18;
	v0 =	vsel vm9, $0x280, v0  }
0x8: {  	vm6 =	vcmask $0x1F1C;
	v0 =	vsel vm7, $0x300, v0  }
0x9: {  	vm8 =	vcmask $0x2320;
	v0 =	vsel vm6, $0x380, v0  }
0xa: {  	s0 =	srdreg.scid;
	s2 =	stileid.u32;
	vm5 =	vcmask $0x2724;
	v0 =	vsel vm8, $0x1000, v0  }
0xb: {  	vm4 =	vcmask $0x2B28;
	s1 =	sand.u32 $0x1, s0;
	s10 =	sshll.u32 s2, $0x1;
	v0 =	vsel vm5, $0x1080, v0  }
0xc: {  	vm3 =	vcmask $0x2F2C;
	s0 =	sor.u32 s1, s10;
	v1 =	vsel vm4, $0x1100, v0  }
0xd: {  	s3 =	rddreg [dreg:$0x2];
	vm2 =	vcmask $0x3330;
	vm0 =	vcmask $0x3734;
	s1 =	ssub.s32 $0x2, s1;
	s6 =	smul.u32 $0x3D000, s0;
	v1 =	vsel vm3, $0x1180, v1  }
0xe: {  	s5 =	simm.s32 $0x0;
	v2 =	vimm.s32 $0x3380;
	vm1 =	vcmask $0x3B38;
	s2 =	rddreg [dreg:$0x1];
	s19 =	sshrl.u32 s1, $0x1;
	v1 =	vsel vm2, $0x1200, v1  }
0xf: {  	v5 =	vimm.s32 $0x7380;
	[smem:$0x7FF] =	sst s5;
	v4 =	vsel vm14, $0x2000, v2;
	s1 =	ssub.s32 s1, s19;
	s7 =	sshrl.u32 s6, $0x3;
	v3 =	vsel vm0, $0x1280, v1  }
0x10: {  	v5 =	vsel vm14, $0x6000, v5;
	_ =	strace $0x80000047;
	s26 =	smax.u32 s1, $0x1;
	s7 =	sadd.s32 s2, s7;
	v2 =	vsel vm1, $0x1300, v3;
	v3 =	vsel vm13, $0x2080, v4  }
0x11: {  	v5 =	vsel vm13, $0x6080, v5;
	[dreg:$0x13] =	wrdreg s26;
	s9 =	sadd.s32 $0x1E8500, s7;
	v4 =	vimm.s32 $0x5380;
	v3 =	vsel vm12, $0x2100, v3  }
0x12: {  	v5 =	vsel vm12, $0x6100, v5;
	s11 =	sadd.s32 $0x2DC780, s7;
	[dreg:$0x4] =	wrdreg s9;
	v4 =	vsel vm14, $0x4000, v4;
	v3 =	vsel vm11, $0x2180, v3  }
0x13: {  	v5 =	vsel vm11, $0x6180, v5;
	s12 =	sadd.s32 $0x3D0A00, s7;
	[dreg:$0x5] =	wrdreg s11;
	v4 =	vsel vm13, $0x4080, v4;
	v3 =	vsel vm10, $0x2200, v3  }
0x14: {  	s28 =	simm.s32 $0x3;
	v5 =	vsel vm10, $0x6200, v5;
	s13 =	sadd.s32 $0x4C4C80, s7;
	[dreg:$0x6] =	wrdreg s12;
	v4 =	vsel vm12, $0x4100, v4;
	v3 =	vsel vm9, $0x2280, v3  }
0x15: {  	s29 =	simm.s32 $0xC100;
	v5 =	vsel vm9, $0x6280, v5;
	s14 =	sadd.s32 $0x5B8F00, s7;
	[dreg:$0x7] =	wrdreg s13;
	v4 =	vsel vm11, $0x4180, v4;
	v3 =	vsel vm7, $0x2300, v3  }
0x16: {  	s30 =	simm.s32 $0x1;
	s15 =	sadd.s32 $0x6AD180, s7;
	v5 =	vsel vm7, $0x6300, v5;
	[dreg:$0x8] =	wrdreg s14;
	v4 =	vsel vm10, $0x4200, v4;
	v3 =	vsel vm6, $0x2380, v3  }
0x17: {  	s4 =	smul.u32 $0x7A00, s0;
	s16 =	sadd.s32 $0x1E8700, s7;
	[dreg:$0x9] =	wrdreg s15;
	v5 =	vsel vm6, $0x6380, v5;
	v4 =	vsel vm9, $0x4280, v4;
	v3 =	vsel vm8, $0x3000, v3  }
0x18: {  	p0 =	seq.s32 s0, $0x1F;
	s17 =	sadd.s32 $0xF4280, s7;
	[dreg:$0xa] =	wrdreg s16;
	v5 =	vsel vm8, $0x7000, v5;
	v4 =	vsel vm7, $0x4300, v4;
	v3 =	vsel vm5, $0x3080, v3  }
0x19: {  	s8 =	sadd.s32 $0x7A00, s4;
	s18 =	sadd.s32 $0x2DC980, s7;
	[dreg:$0xb] =	wrdreg s17;
	v5 =	vsel vm5, $0x7080, v5;
	v4 =	vsel vm6, $0x4380, v4;
	v3 =	vsel vm4, $0x3100, v3  }
0x1a: {  	s8 =	simm.s32 @p0 $0xF4240;
	s20 =	sadd.s32 $0x200, s7;
	[dreg:$0xc] =	wrdreg s18;
	v0 =	vmov s4;
	v4 =	vsel vm8, $0x5000, v4;
	v3 =	vsel vm3, $0x3180, v3  }
0x1b: {  	s31 =	simm.s32 $0x1F100;
	s21 =	sadd.s32 $0x3D0C00, s7;
	[dreg:$0xd] =	wrdreg s20;
	v1 =	vmov s8;
	v4 =	vsel vm5, $0x5080, v4;
	v3 =	vsel vm2, $0x3200, v3  }
0x1c: {  	s1 =	simm.s32 $0x0;
	s22 =	sadd.s32 $0x4C4E80, s7;
	[dreg:$0xe] =	wrdreg s21;
	v6 =	vsel vm0, $0x3280, v3;
	v3 =	vsel vm4, $0x5100, v4;
	v4 =	vsel vm4, $0x7100, v5  }
.Ltmp0:
0x1d: {  	s23 =	sadd.s32 $0xF4480, s7;
	[dreg:$0xf] =	wrdreg s22;
	v5 =	vsel vm3, $0x5180, v3;
	v4 =	vsel vm3, $0x7180, v4;
	v3 =	vlaneseq.u32;
	(pc) =	sbr.rel .LBB2_1-.Ltmp0, $4  }
0x1e: {  	s26 =	sadd.s32 $0xF4200, s2;
	s24 =	sadd.s32 $0x5B9100, s7;
	[dreg:$0x10] =	wrdreg s23;
	v7 =	vsel vm2, $0x5200, v5;
	v8 =	vsel vm2, $0x7200, v4;
	v4 =	vmul.u32 $0x80, v3  }
0x1f: {  	s25 =	sadd.s32 $0x6AD380, s7;
	s14 =	sadd.s32 $0x400, s3;
	[dreg:$0x11] =	wrdreg s24;
	v5 =	vsel vm1, $0x3300, v6;
	v6 =	vsel vm0, $0x5280, v7;
	v7 =	vsel vm0, $0x7280, v8  }
0x20: {  	s21 =	simm.s32 $0x3E;
	[dreg:$0x12] =	wrdreg s25;
	s3 =	simm.s32 $0x1C100;
	v11 =	vadd.s32 $0x1, v3;
	v6 =	vsel vm1, $0x5300, v6;
	v7 =	vsel vm1, $0x7300, v7  }
0x21: {  	s21 =	simm.s32 @!p0 $0x3D;
	p0 =	sne.s32 s0, $0x1F;
	s0 =	simm.s32 $0x2;
	v8 =	vor.u32 $0x800, v4;
	v9 =	vor.u32 $0x1000, v4;
	v10 =	vor.u32 $0x1800, v4  }
.LBB2_63:
0x22: {  	[sflag:s0] =	ssyncadd.s32 $0xFFFFF800  }
.LBB2_64:
0x23: {  	s1 =	sadd.s32 $0x1, s1;
	s8 =	rddreg [dreg:$0x13]  }
0x24: {  	p1 =	sne.s32 s1, s8  }
.Ltmp1:
0x25: {  	_ = 	snop;
	(pc) =	sbr.rel @!p1 .LBB2_65-.Ltmp1, $1  }
0x26: {  	_ =	sdelay $0x3  }
.LBB2_1:
0x27: {  	[smem:$0x0] =	sst s5  }
0x28: {  	s8 =	rddreg [dreg:$0x0]  }
0x29: {  	[smem:$0x1] =	sst s5  }
0x2a: {  	[tilespmem:s5], [sflag:$0x3] =	stream.linear.gather [hbm4b:s8+s5], $0x4000, $0x38;
	[tilespmem:$0x1F300] =	vst v63  }
0x2b: {  	_ =	swait.ge [sflag:s28], $0x4000  }
0x2c: {  	[sflag:s28] =	ssyncset.done $0x0  }
0x2d: {  	[sflag:s28] =	ssyncadd.s32 $0xFFFFC000  }
0x2e: {  	[tilespmem:s29], [sflag:$0x1] =	stream.linear.gather [hbm4b:s7+s5], $0x1000, $0x38;
	[tilespmem:$0x1F300] =	vst v63  }
0x2f: {  	s9 =	simm.s32 $0xD100;
	s23 =	rddreg [dreg:$0xb]  }
0x30: {  	[tilespmem:s9], [sflag:$0x1] =	stream.linear.gather [hbm4b:s23+s5], $0x1000, $0x38;
	[tilespmem:$0x1F300] =	vst v63  }
0x31: {  	s25 =	simm.s32 $0xE100;
	s24 =	rddreg [dreg:$0x4]  }
0x32: {  	[tilespmem:s25], [sflag:$0x1] =	stream.linear.gather [hbm4b:s24+s5], $0x1000, $0x38;
	[tilespmem:$0x1F300] =	vst v63  }
0x33: {  	s11 =	simm.s32 $0xF100;
	s10 =	rddreg [dreg:$0x5]  }
0x34: {  	[tilespmem:s11], [sflag:$0x1] =	stream.linear.gather [hbm4b:s10+s5], $0x1000, $0x38;
	[tilespmem:$0x1F300] =	vst v63  }
0x35: {  	s13 =	simm.s32 $0x10100;
	s12 =	rddreg [dreg:$0x6]  }
0x36: {  	[tilespmem:s13], [sflag:$0x1] =	stream.linear.gather [hbm4b:s12+s5], $0x1000, $0x38;
	[tilespmem:$0x1F300] =	vst v63  }
0x37: {  	s16 =	simm.s32 $0x11100;
	s15 =	rddreg [dreg:$0x7]  }
0x38: {  	[tilespmem:s16], [sflag:$0x1] =	stream.linear.gather [hbm4b:s15+s5], $0x1000, $0x38;
	[tilespmem:$0x1F300] =	vst v63  }
0x39: {  	s18 =	simm.s32 $0x12100;
	s17 =	rddreg [dreg:$0x8]  }
0x3a: {  	[tilespmem:s18], [sflag:$0x1] =	stream.linear.gather [hbm4b:s17+s5], $0x1000, $0x38;
	[tilespmem:$0x1F300] =	vst v63  }
0x3b: {  	s20 =	simm.s32 $0x13100;
	s19 =	rddreg [dreg:$0x9]  }
0x3c: {  	[tilespmem:s20], [sflag:$0x1] =	stream.linear.gather [hbm4b:s19+s5], $0x1000, $0x38;
	[tilespmem:$0x1F300] =	vst v63  }
0x3d: {  	s22 =	rddreg [dreg:$0xd];
	s23 =	simm.s32 $0x14100  }
0x3e: {  	[tilespmem:s23], [sflag:$0x1] =	stream.linear.gather [hbm4b:s22+s5], $0x1000, $0x38;
	[tilespmem:$0x1F300] =	vst v63  }
0x3f: {  	s24 =	rddreg [dreg:$0x10];
	s25 =	simm.s32 $0x15100  }
0x40: {  	[tilespmem:s25], [sflag:$0x1] =	stream.linear.gather [hbm4b:s24+s5], $0x1000, $0x38;
	[tilespmem:$0x1F300] =	vst v63  }
0x41: {  	s9 =	rddreg [dreg:$0xa];
	s10 =	simm.s32 $0x16100  }
0x42: {  	[tilespmem:s10], [sflag:$0x1] =	stream.linear.gather [hbm4b:s9+s5], $0x1000, $0x38;
	[tilespmem:$0x1F300] =	vst v63  }
0x43: {  	s11 =	rddreg [dreg:$0xc];
	s12 =	simm.s32 $0x17100  }
0x44: {  	[tilespmem:s12], [sflag:$0x1] =	stream.linear.gather [hbm4b:s11+s5], $0x1000, $0x38;
	[tilespmem:$0x1F300] =	vst v63  }
0x45: {  	s13 =	rddreg [dreg:$0xe];
	s15 =	simm.s32 $0x18100  }
0x46: {  	[tilespmem:s15], [sflag:$0x1] =	stream.linear.gather [hbm4b:s13+s5], $0x1000, $0x38;
	[tilespmem:$0x1F300] =	vst v63  }
0x47: {  	s16 =	rddreg [dreg:$0xf];
	s17 =	simm.s32 $0x19100  }
0x48: {  	[tilespmem:s17], [sflag:$0x1] =	stream.linear.gather [hbm4b:s16+s5], $0x1000, $0x38;
	[tilespmem:$0x1F300] =	vst v63  }
0x49: {  	s18 =	rddreg [dreg:$0x11];
	s19 =	simm.s32 $0x1A100  }
0x4a: {  	[tilespmem:s19], [sflag:$0x1] =	stream.linear.gather [hbm4b:s18+s5], $0x1000, $0x38;
	[tilespmem:$0x1F300] =	vst v63  }
0x4b: {  	s8 =	simm.s32 $0x20;
	s20 =	rddreg [dreg:$0x12];
	s22 =	simm.s32 $0x1B100  }
0x4c: {  	[tilespmem:s22], [sflag:$0x1] =	stream.linear.gather [hbm4b:s20+s5], $0x1000, $0x38;
	[tilespmem:$0x1F300] =	vst v63  }
0x4d: {  	v12 =	vld [tilespmem:s8+$0xFFFFFFE0];
	_ =	sdelay $0x4  }
0x4e: {  	vm0 =	vge.s32 v12, v0;
	vm1 =	vlt.s32 v12, v1  }
0x4f: {  	vm0 =	vmand vm0, vm1  }
0x50: {  	v13 =	vmpcnt.ones.xlane vm0;
	_ =	sdelay $0x1  }
0x51: {  	(v2sf) =	vpush v13, $0x0;
	_ =	sdelay $0xe  }
0x52: {  	s23 =	spop (v2sf)  }
0x53: {  	p1 =	slt.s32 s23, $0x1  }
0x54: {  	v13 =	vlaneseq.u32 @!p1  }
0x55: {  	[tilespmem:s5+$0x4000] =	vst.msk @!p1 vm0, v12;
	v12 =	vor.u32 @!p1 s5, v13  }
0x56: {  	[tilespmem:s5+$0x8080] =	vst.msk @!p1 vm0, v12  }
0x57: {  	v12 =	vld [tilespmem:s8+$0xFFFFFFF0];
	_ =	sdelay $0x4  }
0x58: {  	vm0 =	vge.s32 v12, v0;
	vm1 =	vlt.s32 v12, v1  }
0x59: {  	vm0 =	vmand vm0, vm1  }
0x5a: {  	v13 =	vmpcnt.ones.xlane vm0;
	_ =	sdelay $0x1  }
0x5b: {  	(v2sf) =	vpush v13, $0x0;
	_ =	sdelay $0xe  }
0x5c: {  	s10 =	spop (v2sf)  }
0x5d: {  	p1 =	slt.s32 s10, $0x1  }
0x5e: {  	s11 =	simm.s32 $0x10;
	s9 =	sadd.s32 $0x0, s23;
	v13 =	vlaneseq.u32 @!p1  }
0x5f: {  	[tilespmem:s9+$0x4000] =	vst.msk @!p1 vm0, v12;
	v12 =	vor.u32 @!p1 s11, v13  }
0x60: {  	[tilespmem:s9+$0x8080] =	vst.msk @!p1 vm0, v12  }
0x61: {  	v12 =	vld [tilespmem:s8+$0x0];
	_ =	sdelay $0x4  }
0x62: {  	vm0 =	vge.s32 v12, v0;
	vm1 =	vlt.s32 v12, v1  }
0x63: {  	vm0 =	vmand vm0, vm1  }
0x64: {  	v13 =	vmpcnt.ones.xlane vm0;
	_ =	sdelay $0x1  }
0x65: {  	(v2sf) =	vpush v13, $0x0;
	_ =	sdelay $0xe  }
0x66: {  	s24 =	spop (v2sf)  }
0x67: {  	p1 =	slt.s32 s24, $0x1  }
0x68: {  	s9 =	sadd.s32 s9, s10;
	s10 =	simm.s32 $0x20;
	v13 =	vlaneseq.u32 @!p1  }
0x69: {  	[tilespmem:s9+$0x4000] =	vst.msk @!p1 vm0, v12;
	v12 =	vor.u32 @!p1 s10, v13  }
0x6a: {  	[tilespmem:s9+$0x8080] =	vst.msk @!p1 vm0, v12  }
0x6b: {  	v13 =	vld [tilespmem:s8+$0x10];
	_ =	sdelay $0x4  }
0x6c: {  	vm0 =	vge.s32 v13, v0;
	vm1 =	vlt.s32 v13, v1  }
0x6d: {  	vm0 =	vmand vm0, vm1  }
0x6e: {  	v12 =	vmpcnt.ones.xlane vm0;
	_ =	sdelay $0x1  }
0x6f: {  	(v2sf) =	vpush v12, $0x0;
	_ =	sdelay $0xe  }
0x70: {  	s25 =	spop (v2sf)  }
0x71: {  	p2 =	slt.s32 s25, $0x1  }
0x72: {  	s12 =	sadd.s32 s9, s24;
	s9 =	simm.s32 $0x30;
	v12 =	vlaneseq.u32 @!p2  }
0x73: {  	s10 =	sadd.s32 s12, s25;
	[tilespmem:s12+$0x4000] =	vst.msk @!p2 vm0, v13;
	v12 =	vor.u32 @!p2 s9, v12;
	s9 =	simm.s32 $0x40  }
.LBB2_2:
0x74: {  	[tilespmem:s12+$0x8080] =	vst.msk @!p2 vm0, v12;
	s8 =	sadd.s32 $0x40, s8;
	s11 =	smov.u32 s9;
	s9 =	sadd.s32 $0x40, s9  }
0x75: {  	v12 =	vld [tilespmem:s8+$0xFFFFFFE0];
	p1 =	sne.s32 s9, $0x4000;
	_ =	sdelay $0x4  }
0x76: {  	vm0 =	vge.s32 v12, v0;
	vm1 =	vlt.s32 v12, v1  }
0x77: {  	vm0 =	vmand vm0, vm1  }
0x78: {  	v13 =	vmpcnt.ones.xlane vm0;
	_ =	sdelay $0x1  }
0x79: {  	(v2sf) =	vpush v13, $0x0;
	_ =	sdelay $0xe  }
0x7a: {  	s12 =	spop (v2sf)  }
0x7b: {  	p2 =	slt.s32 s12, $0x1  }
0x7c: {  	v13 =	vlaneseq.u32 @!p2  }
0x7d: {  	[tilespmem:s10+$0x4000] =	vst.msk @!p2 vm0, v12;
	v12 =	vor.u32 @!p2 s11, v13  }
0x7e: {  	[tilespmem:s10+$0x8080] =	vst.msk @!p2 vm0, v12  }
0x7f: {  	v12 =	vld [tilespmem:s8+$0xFFFFFFF0];
	_ =	sdelay $0x4  }
0x80: {  	vm0 =	vge.s32 v12, v0;
	vm1 =	vlt.s32 v12, v1  }
0x81: {  	vm0 =	vmand vm0, vm1  }
0x82: {  	v13 =	vmpcnt.ones.xlane vm0;
	_ =	sdelay $0x1  }
0x83: {  	(v2sf) =	vpush v13, $0x0;
	_ =	sdelay $0xe  }
0x84: {  	s13 =	spop (v2sf)  }
0x85: {  	s10 =	sadd.s32 s10, s12;
	p2 =	slt.s32 s13, $0x1  }
0x86: {  	s12 =	sadd.s32 $0x10, s11;
	[tilespmem:s10+$0x4000] =	vst.msk @!p2 vm0, v12;
	v12 =	vlaneseq.u32 @!p2  }
0x87: {  	v12 =	vor.u32 @!p2 s12, v12  }
0x88: {  	[tilespmem:s10+$0x8080] =	vst.msk @!p2 vm0, v12  }
0x89: {  	v12 =	vld [tilespmem:s8+$0x0];
	_ =	sdelay $0x4  }
0x8a: {  	vm0 =	vge.s32 v12, v0;
	vm1 =	vlt.s32 v12, v1  }
0x8b: {  	vm0 =	vmand vm0, vm1  }
0x8c: {  	v13 =	vmpcnt.ones.xlane vm0;
	_ =	sdelay $0x1  }
0x8d: {  	(v2sf) =	vpush v13, $0x0;
	_ =	sdelay $0xe  }
0x8e: {  	s12 =	spop (v2sf)  }
0x8f: {  	s10 =	sadd.s32 s10, s13;
	p2 =	slt.s32 s12, $0x1  }
0x90: {  	s13 =	sadd.s32 $0x20, s11;
	[tilespmem:s10+$0x4000] =	vst.msk @!p2 vm0, v12;
	v12 =	vlaneseq.u32 @!p2  }
0x91: {  	v12 =	vor.u32 @!p2 s13, v12  }
0x92: {  	[tilespmem:s10+$0x8080] =	vst.msk @!p2 vm0, v12  }
0x93: {  	v12 =	vld [tilespmem:s8+$0x10];
	_ =	sdelay $0x4  }
0x94: {  	vm0 =	vge.s32 v12, v0;
	vm1 =	vlt.s32 v12, v1  }
0x95: {  	vm0 =	vmand vm0, vm1  }
0x96: {  	v13 =	vmpcnt.ones.xlane vm0;
	_ =	sdelay $0x1  }
0x97: {  	(v2sf) =	vpush v13, $0x0;
	_ =	sdelay $0xd  }
.Ltmp2:
0x98: {  	(pc) =	sbr.rel @p1 .LBB2_2-.Ltmp2, $4  }
0x99: {  	s12 =	sadd.s32 s10, s12;
	s10 =	spop (v2sf)  }
0x9a: {  	p2 =	slt.s32 s10, $0x1;
	s10 =	sadd.s32 s12, s10  }
0x9b: {  	s11 =	sadd.s32 $0x30, s11;
	[tilespmem:s12+$0x4000] =	vst.msk @!p2 vm0, v12;
	v12 =	vlaneseq.u32 @!p2  }
0x9c: {  	v12 =	vor.u32 @!p2 s11, v12  }
0x9d: {  	s8 =	sadd.s32 $0xF, s10  }
0x9e: {  	s9 =	sand.u32 $0xF, s8  }
0x9f: {  	s11 =	sshra.s32 s8, $0x1F;
	p1 =	slt.s32 s8, $0x1;
	p3 =	sne.s32 s9, $0x0  }
.Ltmp3:
0xa0: {  	s25 =	sshrl.u32 s11, $0x1C;
	p1 =	por !p1, !p3;
	(pc) =	sbr.rel .LBB2_4-.Ltmp3, $4  }
0xa1: {  	s9 =	simm.s32 $0x1;
	s8 =	sadd.s32 s25, s8;
	p1 =	por !p1, !p1  }
0xa2: {  	s8 =	sshra.s32 s8, $0x4;
	s9 =	simm.s32 @!p1 $0x0  }
0xa3: {  	s22 =	simm.s32 $0x0;
	s11 =	ssub.s32 s8, s9  }
0xa4: {  	[tilespmem:s12+$0x8080] =	vst.msk @!p2 vm0, v12;
	s12 =	simm.s32 $0x0;
	s8 =	simm.s32 $0x0;
	p1 =	slt.s32 s11, $0x1  }
.LBB2_11:
0xa5: {  	s9 =	sadd.s32 $0x2, s12  }
0xa6: {  	p2 =	sge.u32 s9, s21  }
0xa7: {  	s9 =	sshll.u32 @!p2 s9, $0xC  }
0xa8: {  	s9 =	sadd.s32 @!p2 s6, s9  }
0xa9: {  	s13 =	sshll.u32 @!p2 s13, $0xF;
	s9 =	sshrl.u32 @!p2 s9, $0x3  }
0xaa: {  	s16 =	simm.s32 @!p2 $0x0;
	s15 =	sadd.s32 @!p2 $0xC100, s13;
	s9 =	sadd.s32 @!p2 s2, s9  }
0xab: {  	[tilespmem:s15], [sflag:$0x1] =	stream.linear.gather @!p2 [hbm4b:s9+s16], $0x1000, $0x38;
	[tilespmem:$0x1F300] =	vst v63  }
0xac: {  	s15 =	sadd.s32 @!p2 $0xD100, s13;
	s17 =	sadd.s32 @!p2 $0xF4280, s9  }
0xad: {  	[tilespmem:s15], [sflag:$0x1] =	stream.linear.gather @!p2 [hbm4b:s17+s16], $0x1000, $0x38;
	[tilespmem:$0x1F300] =	vst v63  }
0xae: {  	s15 =	sadd.s32 @!p2 $0xE100, s13;
	s17 =	sadd.s32 @!p2 $0x1E8500, s9  }
0xaf: {  	[tilespmem:s15], [sflag:$0x1] =	stream.linear.gather @!p2 [hbm4b:s17+s16], $0x1000, $0x38;
	[tilespmem:$0x1F300] =	vst v63  }
0xb0: {  	s15 =	sadd.s32 @!p2 $0xF100, s13;
	s17 =	sadd.s32 @!p2 $0x2DC780, s9  }
0xb1: {  	[tilespmem:s15], [sflag:$0x1] =	stream.linear.gather @!p2 [hbm4b:s17+s16], $0x1000, $0x38;
	[tilespmem:$0x1F300] =	vst v63  }
0xb2: {  	s15 =	sor.u32 @!p2 $0x10100, s13;
	s17 =	sadd.s32 @!p2 $0x3D0A00, s9  }
0xb3: {  	[tilespmem:s15], [sflag:$0x1] =	stream.linear.gather @!p2 [hbm4b:s17+s16], $0x1000, $0x38;
	[tilespmem:$0x1F300] =	vst v63  }
0xb4: {  	s15 =	sor.u32 @!p2 $0x11100, s13;
	s17 =	sadd.s32 @!p2 $0x4C4C80, s9  }
0xb5: {  	[tilespmem:s15], [sflag:$0x1] =	stream.linear.gather @!p2 [hbm4b:s17+s16], $0x1000, $0x38;
	[tilespmem:$0x1F300] =	vst v63  }
0xb6: {  	s15 =	sor.u32 @!p2 $0x12100, s13;
	s17 =	sadd.s32 @!p2 $0x5B8F00, s9  }
0xb7: {  	[tilespmem:s15], [sflag:$0x1] =	stream.linear.gather @!p2 [hbm4b:s17+s16], $0x1000, $0x38;
	[tilespmem:$0x1F300] =	vst v63  }
0xb8: {  	s12 =	sadd.s32 $0x1, s12;
	s13 =	sor.u32 @!p2 $0x13100, s13;
	s9 =	sadd.s32 @!p2 $0x6AD180, s9  }
0xb9: {  	[tilespmem:s13], [sflag:$0x1] =	stream.linear.gather @!p2 [hbm4b:s9+s16], $0x1000, $0x38;
	[tilespmem:$0x1F300] =	vst v63  }
0xba: {  	p2 =	sne.s32 s12, s21  }
.Ltmp4:
0xbb: {  	_ = 	snop;
	(pc) =	sbr.rel @!p2 .LBB2_12-.Ltmp4, $1  }
0xbc: {  	_ =	sdelay $0x3  }
.LBB2_4:
.Ltmp5:
0xbd: {  	(pc) =	sbr.rel @p1 .LBB2_11-.Ltmp5, $4  }
0xbe: {  	_ = 	snop  }
0xbf: {  	_ =	swait.ge [sflag:s30], $0x8000  }
0xc0: {  	[sflag:s30] =	ssyncset.done $0x0  }
0xc1: {  	s13 =	sand.u32 $0x1, s12;
	[sflag:s30] =	ssyncadd.s32 $0xFFFF8000  }
.Ltmp6:
0xc2: {  	(pc) =	sbr.rel .LBB2_6-.Ltmp6, $4  }
0xc3: {  	s9 =	sshll.u32 s12, $0x9  }
0xc4: {  	s16 =	sshll.u32 s13, $0xF;
	s15 =	sadd.s32 s4, s9  }
0xc5: {  	v14 =	vor.u32 s16, v2;
	v15 =	vor.u32 s16, v5;
	v16 =	vor.u32 s16, v6;
	s9 =	sadd.s32 $0x200, s15  }
0xc6: {  	v17 =	vor.u32 s16, v7;
	s16 =	simm.s32 $0x0;
	v12 =	vmov s15;
	v13 =	vmov s9  }
.LBB2_9:
0xc7: {  	[hbm4b:s14+s24] =	stream.indirect.scatter @!p3 [tilespmem:s20], [sflag:$0x2], $0x80, s23, s24, $0xb8;
	[tilespmem:$0x1F300] =	vst v63  }
.LBB2_10:
0xc8: {  	s16 =	sadd.s32 $0x1, s16  }
0xc9: {  	p2 =	sne.s32 s16, s11  }
.Ltmp7:
0xca: {  	_ = 	snop;
	(pc) =	sbr.rel @!p2 .LBB2_11-.Ltmp7, $1  }
0xcb: {  	_ =	sdelay $0x3  }
.LBB2_6:
0xcc: {  	s9 =	sshll.u32 s16, $0x4  }
0xcd: {  	v18 =	vld [tilespmem:s9+$0x4000];
	_ =	sdelay $0x2  }
0xce: {  	s17 =	ssub.s32 s10, s9  }
0xcf: {  	v19 =	vmov s17  }
0xd0: {  	vm0 =	vgt.s32 v19, v3;
	vm1 =	vge.s32 v18, v12  }
0xd1: {  	vm0 =	vmand vm0, vm1;
	vm1 =	vlt.s32 v18, v13  }
0xd2: {  	vm0 =	vmand vm1, vm0  }
0xd3: {  	v19 =	vmpcnt.ones.xlane vm0;
	_ =	sdelay $0x1  }
0xd4: {  	(v2sf) =	vpush v19, $0x0;
	_ =	sdelay $0xe  }
0xd5: {  	s17 =	spop (v2sf)  }
0xd6: {  	p2 =	slt.s32 s17, $0x1  }
.Ltmp8:
0xd7: {  	_ = 	snop;
	(pc) =	sbr.rel @p2 .LBB2_10-.Ltmp8, $1  }
0xd8: {  	_ =	sdelay $0x3  }
0xd9: {  	v19 =	vld [tilespmem:s9+$0x8080];
	_ =	sdelay $0x2  }
0xda: {  	s20 =	simm.s32 $0x1F200  }
0xdb: {  	s18 =	simm.s32 $0x1F280;
	[tilespmem:s20+$0x0] =	vst.msk vm0, v18  }
0xdc: {  	[tilespmem:s18+$0x0] =	vst.msk vm0, v19  }
0xdd: {  	v18 =	vld [tilespmem:s20+$0x0];
	_ =	sdelay $0x4  }
0xde: {  	(v2sf) =	vpush v18, $0x0;
	_ =	sdelay $0xe  }
0xdf: {  	s23 =	spop (v2sf)  }
0xe0: {  	s9 =	ssub.s32 s23, s15  }
0xe1: {  	v18 =	vmov s9  }
0xe2: {  	s19 =	sand.u32 $0xF, s8;
	p2 =	slt.s32 s8, $0x20;
	v19 =	vand.u32 $0x7F, v18;
	v18 =	vshll.u32 v18, $0x3  }
0xe3: {  	p4 =	sne.s32 @!p2 s19, $0x0;
	v18 =	vand.u32 $0xFFFFFC00, v18;
	v20 =	vor.u32 v19, v14  }
0xe4: {  	p3 =	por p4, p2;
	v20 =	vadd.s32 v18, v20  }
0xe5: {  	s9 =	simm.s32 @!p3 $0x2  }
0xe6: {  	v21 =	vld [tilespmem:s18+$0x0];
	_ =	swait.ge @!p3 [sflag:s9], $0x800  }
0xe7: {  	[sflag:s9] =	ssyncset.done @!p3 $0x0  }
0xe8: {  	[sflag:s9] =	ssyncadd.s32 @!p3 $0xFFFFF800  }
0xe9: {  	v20 =	vld.idx.msk [tilespmem:v20+s29+$0x0], $0xffff;
	_ =	sdelay $0x1  }
0xea: {  	s24 =	sshrl.u32 s8, $0x4;
	v22 =	vor.u32 v19, v15  }
0xeb: {  	s18 =	sand.u32 $0x1, s24;
	v22 =	vadd.s32 v18, v22  }
0xec: {  	s9 =	sshll.u32 s18, $0xB  }
0xed: {  	s23 =	sshll.u32 s19, $0x7;
	s20 =	sor.u32 $0x1E100, s9;
	v20 =	vmul.f32 $8.000000000e+00, v20  }
0xee: {  	s23 =	sadd.s32 s23, s20  }
0xef: {  	[tilespmem:s23+$0x0] =	vst v20  }
0xf0: {  	v20 =	vld.idx.msk [tilespmem:v22+s29+$0x0], $0xffff;
	_ =	sdelay $0x1  }
0xf1: {  	v62 =	vor.u32 v19, v16  }
0xf2: {  	v22 =	vadd.s32 v18, v62;
	_ =	sdelay $0x1  }
0xf3: {  	v20 =	vmul.f32 $8.000000000e+00, v20  }
0xf4: {  	(v2sf) =	vpush v21, $0x0  }
0xf5: {  	[tilespmem:s23+$0x10] =	vst v20  }
0xf6: {  	v20 =	vld.idx.msk [tilespmem:v22+s29+$0x0], $0xffff;
	_ =	sdelay $0x1  }
0xf7: {  	v19 =	vor.u32 v19, v17  }
0xf8: {  	v18 =	vadd.s32 v18, v19;
	_ =	sdelay $0x1  }
0xf9: {  	v19 =	vmul.f32 $8.000000000e+00, v20;
	_ =	sdelay $0x1  }
0xfa: {  	[tilespmem:s23+$0x20] =	vst v19  }
0xfb: {  	p4 =	por !p4, p2;
	v18 =	vld.idx.msk [tilespmem:v18+s29+$0x0], $0xffff  }
0xfc: {  	s25 =	sadd.s32 @!p3 $0x1, s22;
	s24 =	sshll.u32 s18, $0x7;
	s9 =	smov.u32 s22  }
0xfd: {  	s17 =	sadd.s32 $0xFFFFFFFF, s17;
	s24 =	sor.u32 s19, s24;
	s9 =	smov.u32 @p4 s25  }
0xfe: {  	s9 =	smov.u32 @p2 s22;
	p2 =	sne.s32 s17, $0x0;
	v19 =	vmov s24  }
.Ltmp9:
0xff: {  	_ = 	snop;
	(pc) =	sbr.rel @!p2 .LBB2_9-.Ltmp9, $4  }
0x100: {  	[smem:$0x1] =	sst @!p3 s25;
	p3 =	sne.s32 s19, $0xF;
	s25 =	spop (v2sf);
	v18 =	vmul.f32 $8.000000000e+00, v18  }
0x101: {  	s8 =	sadd.s32 $0x1, s8;
	v63 =	vbroadcast v21, $0x0;
	s19 =	sshll.u32 @!p3 s18, $0x7;
	[smem:$0x2] =	sst s25  }
0x102: {  	s18 =	simm.s32 $0x1F201;
	s22 =	smov.u32 s9;
	[smem:$0x0] =	sst s8;
	[tilespmem:s23+$0x30] =	vst v18  }
0x103: {  	s24 =	simm.s32 @!p3 $0x10;
	s23 =	sor.u32 @!p3 $0x1F100, s19;
	s19 =	simm.s32 $0x1F281;
	[tilespmem:v19+s31+$0x0] =	vst.idx.msk $0x1, v63  }
.LBB2_8:
0x104: {  	[hbm4b:s14+s24] =	stream.indirect.scatter @!p3 [tilespmem:s20], [sflag:$0x2], $0x80, s23, s24, $0xb8;
	[tilespmem:$0x1F300] =	vst v63  }
0x105: {  	s17 =	sadd.s32 $0xFFFFFFFF, s17;
	v18 =	vld [tilespmem:s18+$0x0]  }
0x106: {  	p2 =	sne.s32 s17, $0x0;
	_ =	sdelay $0x3  }
0x107: {  	(v2sf) =	vpush v18, $0x0;
	_ =	sdelay $0xe  }
0x108: {  	s20 =	spop (v2sf)  }
0x109: {  	s20 =	ssub.s32 s20, s15  }
0x10a: {  	v18 =	vmov s20  }
0x10b: {  	s23 =	sand.u32 $0xF, s8;
	p3 =	slt.s32 s8, $0x20;
	v19 =	vand.u32 $0x7F, v18;
	v18 =	vshll.u32 v18, $0x3  }
0x10c: {  	p5 =	sne.s32 @!p3 s23, $0x0;
	s24 =	sshll.u32 s23, $0x7;
	v18 =	vand.u32 $0xFFFFFC00, v18;
	v20 =	vor.u32 v19, v14;
	v21 =	vor.u32 v19, v15  }
0x10d: {  	p4 =	por p5, p3;
	p5 =	por !p5, p3;
	v22 =	vor.u32 v19, v16;
	v20 =	vadd.s32 v18, v20;
	v21 =	vadd.s32 v18, v21  }
0x10e: {  	s22 =	smov.u32 s9;
	s25 =	sadd.s32 @!p4 $0x1, s9;
	s20 =	simm.s32 @!p4 $0x2;
	v19 =	vor.u32 v19, v17;
	v22 =	vadd.s32 v18, v22;
	v23 =	vld [tilespmem:s19+$0x0]  }
0x10f: {  	s22 =	smov.u32 @p5 s25;
	v18 =	vadd.s32 v18, v19;
	_ =	swait.ge @!p4 [sflag:s20], $0x800  }
0x110: {  	s22 =	smov.u32 @p3 s9;
	[sflag:s20] =	ssyncset.done @!p4 $0x0  }
0x111: {  	[sflag:s20] =	ssyncadd.s32 @!p4 $0xFFFFF800  }
0x112: {  	[smem:$0x1] =	sst @!p4 s25;
	v19 =	vld.idx.msk [tilespmem:v20+s29+$0x0], $0xffff  }
0x113: {  	(v2sf) =	vpush v23, $0x0;
	_ =	sdelay $0x1  }
0x114: {  	s9 =	sshrl.u32 s8, $0x4  }
0x115: {  	p3 =	sne.s32 s23, $0xF;
	s9 =	sand.u32 $0x1, s9  }
0x116: {  	s20 =	sshll.u32 s9, $0xB;
	s25 =	sshll.u32 s9, $0x7;
	s9 =	sshll.u32 @!p3 s9, $0x7  }
0x117: {  	s20 =	sor.u32 $0x1E100, s20;
	s23 =	sor.u32 s23, s25;
	v19 =	vmul.f32 $8.000000000e+00, v19  }
0x118: {  	s24 =	sadd.s32 s24, s20  }
0x119: {  	[tilespmem:s24+$0x0] =	vst v19  }
0x11a: {  	v19 =	vld.idx.msk [tilespmem:v21+s29+$0x0], $0xffff;
	_ =	sdelay $0x5  }
0x11b: {  	v19 =	vmul.f32 $8.000000000e+00, v19  }
0x11c: {  	s25 =	spop (v2sf)  }
0x11d: {  	s8 =	sadd.s32 $0x1, s8;
	[tilespmem:s24+$0x10] =	vst v19;
	[smem:$0x2] =	sst s25  }
0x11e: {  	v19 =	vld.idx.msk [tilespmem:v22+s29+$0x0], $0xffff;
	[smem:$0x0] =	sst s8;
	_ =	sdelay $0x5  }
0x11f: {  	v19 =	vmul.f32 $8.000000000e+00, v19;
	_ =	sdelay $0x1  }
0x120: {  	[tilespmem:s24+$0x20] =	vst v19  }
0x121: {  	v18 =	vld.idx.msk [tilespmem:v18+s29+$0x0], $0xffff;
	_ =	sdelay $0x3  }
0x122: {  	v19 =	vmov s23  }
.Ltmp10:
0x123: {  	(pc) =	sbr.rel @p2 .LBB2_8-.Ltmp10, $4  }
0x124: {  	v18 =	vmul.f32 $8.000000000e+00, v18  }
0x125: {  	v20 =	vbroadcast v23, $0x0  }
0x126: {  	s18 =	sadd.s32 $0x1, s18;
	s19 =	sadd.s32 $0x1, s19;
	[tilespmem:s24+$0x30] =	vst v18  }
0x127: {  	s23 =	sor.u32 @!p3 $0x1F100, s9;
	s9 =	smov.u32 s22;
	s24 =	simm.s32 @!p3 $0x10;
	[tilespmem:v19+s31+$0x0] =	vst.idx.msk $0x1, v20  }
.Ltmp11:
0x128: {  	_ = 	snop;
	(pc) =	sbr.rel .LBB2_9-.Ltmp11, $1  }
0x129: {  	_ =	sdelay $0x3  }
.LBB2_12:
0x12a: {  	s9 =	simm.s32 @!p0 $0x400  }
0x12b: {  	s12 =	simm.s32 @!p0 $0x7A1400;
	s13 =	simm.s32 @!p0 $0x1C100;
	p1 =	slt.s32 @!p0 s11, $0x1  }
0x12c: {  	[tilespmem:s13], [sflag:$0x3] =	stream.strided.gather @!p0 [hbm4b:s26+s9], $0x2000, s12, s9, $0x38;
	[tilespmem:$0x1F300] =	vst v63  }
0x12d: {  	p1 =	por p0, p1  }
.Ltmp12:
0x12e: {  	_ = 	snop;
	(pc) =	sbr.rel @!p1 .LBB2_14-.Ltmp12, $4  }
0x12f: {  	s9 =	simm.s32 @!p0 $0x3  }
0x130: {  	_ =	swait.ge @!p0 [sflag:s9], $0x2000  }
0x131: {  	[sflag:s9] =	ssyncset.done @!p0 $0x0  }
0x132: {  	s12 =	simm.s32 @!p0 $0x0;
	[sflag:s9] =	ssyncadd.s32 @!p0 $0xFFFFE000  }
0x133: {  	s22 =	smov.u32 @p0 s22;
	s8 =	smov.u32 @p0 s8  }
.LBB2_19:
0x134: {  	s10 =	sand.u32 $0xF, s8  }
0x135: {  	p1 =	seq.s32 s10, $0x0  }
.Ltmp13:
0x136: {  	_ = 	snop;
	(pc) =	sbr.rel @p1 .LBB2_60-.Ltmp13, $1  }
0x137: {  	_ =	sdelay $0x3  }
0x138: {  	s9 =	sshrl.u32 s8, $0x4  }
0x139: {  	v12 =	vmov s10;
	s11 =	sand.u32 $0x1, s9  }
0x13a: {  	vm0 =	vlt.u32 v12, v11;
	s12 =	sshll.u32 s11, $0x7  }
0x13b: {  	p1 =	sne.s32 s10, $0x1;
	v63 =	vor.u32 s12, v3  }
.Ltmp14:
0x13c: {  	s25 =	sld [smem:$0x2];
	(pc) =	sbr.rel @p1 .LBB2_22-.Ltmp14, $3  }
0x13d: {  	_ =	sdelay $0x1  }
0x13e: {  	v13 =	vmov s25  }
0x13f: {  	[tilespmem:v63+s31+$0x0] =	vst.idx.msk vm0, v13  }
0x140: {  	s9 =	sshll.u32 s11, $0xB  }
0x141: {  	v12 =	vld [tilespmem:s9+$0x1E100]  }
0x142: {  	v13 =	vld [tilespmem:s9+$0x1E110]  }
0x143: {  	v14 =	vld [tilespmem:s9+$0x1E120]  }
0x144: {  	v15 =	vld [tilespmem:s9+$0x1E130]  }
.Ltmp15:
0x145: {  	_ = 	snop;
	(pc) =	sbr.rel .LBB2_23-.Ltmp15, $4  }
0x146: {  	[tilespmem:s9+$0x1E180] =	vst v12  }
0x147: {  	[tilespmem:s9+$0x1E190] =	vst v13  }
0x148: {  	[tilespmem:s9+$0x1E1A0] =	vst v14  }
0x149: {  	[tilespmem:s9+$0x1E1B0] =	vst v15  }
.LBB2_17:
0x14a: {  	[hbm4b:s14+s19] =	stream.indirect.scatter @!p2 [tilespmem:s17], [sflag:$0x2], $0x80, s18, s19, $0xb8;
	[tilespmem:$0x1F300] =	vst v63  }
.LBB2_18:
0x14b: {  	s12 =	sadd.s32 $0x1, s12  }
0x14c: {  	p1 =	sne.s32 s12, s11  }
.Ltmp16:
0x14d: {  	_ = 	snop;
	(pc) =	sbr.rel @!p1 .LBB2_19-.Ltmp16, $1  }
0x14e: {  	_ =	sdelay $0x3  }
.LBB2_14:
0x14f: {  	s9 =	sshll.u32 s12, $0x4  }
0x150: {  	v12 =	vld [tilespmem:s9+$0x4000];
	_ =	sdelay $0x3  }
0x151: {  	s13 =	ssub.s32 s10, s9  }
0x152: {  	v13 =	vmov s13;
	v14 =	vand.u32 $0xFFFFFFC0, v12  }
0x153: {  	vm0 =	vgt.s32 v13, v3;
	vm1 =	veq.s32 v14, $0xF4200  }
0x154: {  	vm0 =	vmand vm0, vm1  }
0x155: {  	v13 =	vmpcnt.ones.xlane vm0;
	_ =	sdelay $0x1  }
0x156: {  	(v2sf) =	vpush v13, $0x0;
	_ =	sdelay $0xe  }
0x157: {  	s13 =	spop (v2sf)  }
0x158: {  	p1 =	slt.s32 s13, $0x1  }
.Ltmp17:
0x159: {  	_ = 	snop;
	(pc) =	sbr.rel @p1 .LBB2_18-.Ltmp17, $1  }
0x15a: {  	_ =	sdelay $0x3  }
0x15b: {  	v13 =	vld [tilespmem:s9+$0x8080];
	_ =	sdelay $0x2  }
0x15c: {  	s19 =	simm.s32 $0x1F200  }
0x15d: {  	s15 =	simm.s32 $0x1F280;
	[tilespmem:s19+$0x0] =	vst.msk vm0, v12  }
0x15e: {  	[tilespmem:s15+$0x0] =	vst.msk vm0, v13  }
0x15f: {  	v12 =	vld [tilespmem:s19+$0x0];
	_ =	sdelay $0x4  }
0x160: {  	(v2sf) =	vpush v12, $0x0;
	_ =	sdelay $0xe  }
0x161: {  	s16 =	sand.u32 $0xF, s8;
	p1 =	slt.s32 s8, $0x20;
	s20 =	spop (v2sf)  }
0x162: {  	p3 =	sne.s32 @!p1 s16, $0x0;
	s9 =	sadd.s32 $0xFFF0BE00, s20  }
0x163: {  	p2 =	por p3, p1;
	v60 =	vadd.s32 s9, v4  }
0x164: {  	v13 =	vld [tilespmem:s15+$0x0];
	s15 =	simm.s32 @!p2 $0x2  }
0x165: {  	_ =	swait.ge @!p2 [sflag:s15], $0x800  }
0x166: {  	[sflag:s15] =	ssyncset.done @!p2 $0x0  }
0x167: {  	[sflag:s15] =	ssyncadd.s32 @!p2 $0xFFFFF800  }
0x168: {  	v12 =	vld.idx.msk [tilespmem:v60+s3+$0x0], $0xffff;
	_ =	sdelay $0x1  }
0x169: {  	s23 =	sshrl.u32 s8, $0x4  }
0x16a: {  	v14 =	vadd.s32 s9, v8;
	s15 =	sand.u32 $0x1, s23  }
0x16b: {  	s17 =	sshll.u32 s15, $0xB  }
0x16c: {  	s18 =	sshll.u32 s16, $0x7;
	s17 =	sor.u32 $0x1E100, s17;
	v12 =	vmul.f32 $8.000000000e+00, v12  }
0x16d: {  	s18 =	sadd.s32 s18, s17  }
0x16e: {  	[tilespmem:s18+$0x0] =	vst v12  }
0x16f: {  	v12 =	vld.idx.msk [tilespmem:v14+s3+$0x0], $0xffff;
	_ =	sdelay $0x2  }
0x170: {  	v61 =	vadd.s32 s9, v9;
	_ =	sdelay $0x1  }
0x171: {  	v12 =	vmul.f32 $8.000000000e+00, v12;
	_ =	sdelay $0x1  }
0x172: {  	(v2sf) =	vpush v13, $0x0;
	[tilespmem:s18+$0x10] =	vst v12  }
0x173: {  	v12 =	vld.idx.msk [tilespmem:v61+s3+$0x0], $0xffff;
	_ =	sdelay $0x2  }
0x174: {  	v62 =	vadd.s32 s9, v10;
	_ =	sdelay $0x1  }
0x175: {  	v12 =	vmul.f32 $8.000000000e+00, v12;
	_ =	sdelay $0x1  }
0x176: {  	[tilespmem:s18+$0x20] =	vst v12  }
0x177: {  	s24 =	sshll.u32 s15, $0x7;
	v12 =	vld.idx.msk [tilespmem:v62+s3+$0x0], $0xffff  }
0x178: {  	s13 =	sadd.s32 $0xFFFFFFFF, s13;
	s9 =	sor.u32 s16, s24  }
0x179: {  	p3 =	por !p3, p1;
	s19 =	sadd.s32 @!p2 $0x1, s22;
	v63 =	vmov s9;
	s9 =	smov.u32 s22  }
0x17a: {  	s9 =	smov.u32 @p3 s19;
	p3 =	sne.s32 s13, $0x0  }
.Ltmp18:
0x17b: {  	[smem:$0x1] =	sst @!p2 s19;
	p2 =	sne.s32 s16, $0xF;
	(pc) =	sbr.rel @!p3 .LBB2_17-.Ltmp18, $4  }
0x17c: {  	s8 =	sadd.s32 $0x1, s8;
	s16 =	sshll.u32 @!p2 s15, $0x7;
	v12 =	vmul.f32 $8.000000000e+00, v12  }
0x17d: {  	v13 =	vbroadcast v13, $0x0;
	s15 =	simm.s32 $0x1F201;
	s9 =	smov.u32 @p1 s22;
	s25 =	spop (v2sf)  }
0x17e: {  	s19 =	simm.s32 @!p2 $0x10;
	s22 =	smov.u32 s9;
	[smem:$0x2] =	sst s25;
	[tilespmem:s18+$0x30] =	vst v12  }
0x17f: {  	[smem:$0x0] =	sst s8;
	s18 =	sor.u32 @!p2 $0x1F100, s16;
	s16 =	simm.s32 $0x1F281;
	[tilespmem:v63+s31+$0x0] =	vst.idx.msk $0x1, v13  }
.LBB2_16:
0x180: {  	[hbm4b:s14+s19] =	stream.indirect.scatter @!p2 [tilespmem:s17], [sflag:$0x2], $0x80, s18, s19, $0xb8;
	[tilespmem:$0x1F300] =	vst v63  }
0x181: {  	s13 =	sadd.s32 $0xFFFFFFFF, s13;
	v12 =	vld [tilespmem:s15+$0x0]  }
0x182: {  	p1 =	sne.s32 s13, $0x0;
	_ =	sdelay $0x3  }
0x183: {  	(v2sf) =	vpush v12, $0x0;
	_ =	sdelay $0xe  }
0x184: {  	s19 =	sand.u32 $0xF, s8;
	p2 =	slt.s32 s8, $0x20;
	s17 =	spop (v2sf)  }
0x185: {  	p3 =	sne.s32 @!p2 s19, $0x0;
	s18 =	sadd.s32 $0xFFF0BE00, s17  }
0x186: {  	p4 =	por p3, p2;
	p3 =	por !p3, p2;
	v12 =	vadd.s32 s18, v4  }
0x187: {  	s17 =	simm.s32 @!p4 $0x2;
	v13 =	vld [tilespmem:s16+$0x0]  }
0x188: {  	_ =	swait.ge @!p4 [sflag:s17], $0x800  }
0x189: {  	[sflag:s17] =	ssyncset.done @!p4 $0x0  }
0x18a: {  	s22 =	smov.u32 s9;
	[sflag:s17] =	ssyncadd.s32 @!p4 $0xFFFFF800;
	s17 =	sadd.s32 @!p4 $0x1, s9  }
0x18b: {  	[smem:$0x1] =	sst @!p4 s17;
	s22 =	smov.u32 @p3 s17;
	v12 =	vld.idx.msk [tilespmem:v12+s3+$0x0], $0xffff  }
0x18c: {  	s22 =	smov.u32 @p2 s9;
	(v2sf) =	vpush v13, $0x0;
	_ =	sdelay $0x1  }
0x18d: {  	s9 =	sshrl.u32 s8, $0x4  }
0x18e: {  	v14 =	vadd.s32 s18, v8;
	p2 =	sne.s32 s19, $0xF;
	s9 =	sand.u32 $0x1, s9  }
0x18f: {  	s17 =	sshll.u32 s9, $0xB;
	s20 =	sshll.u32 s9, $0x7;
	s9 =	sshll.u32 @!p2 s9, $0x7  }
0x190: {  	s23 =	sshll.u32 s19, $0x7;
	s17 =	sor.u32 $0x1E100, s17;
	s19 =	sor.u32 s19, s20;
	v12 =	vmul.f32 $8.000000000e+00, v12  }
0x191: {  	s20 =	sadd.s32 s23, s17  }
0x192: {  	[tilespmem:s20+$0x0] =	vst v12  }
0x193: {  	v12 =	vld.idx.msk [tilespmem:v14+s3+$0x0], $0xffff;
	_ =	sdelay $0x3  }
0x194: {  	v14 =	vadd.s32 s18, v9;
	_ =	sdelay $0x1  }
0x195: {  	v12 =	vmul.f32 $8.000000000e+00, v12  }
0x196: {  	s23 =	spop (v2sf)  }
0x197: {  	s8 =	sadd.s32 $0x1, s8;
	[tilespmem:s20+$0x10] =	vst v12;
	[smem:$0x2] =	sst s23  }
0x198: {  	v12 =	vld.idx.msk [tilespmem:v14+s3+$0x0], $0xffff;
	[smem:$0x0] =	sst s8;
	_ =	sdelay $0x3  }
0x199: {  	v14 =	vadd.s32 s18, v10;
	_ =	sdelay $0x1  }
0x19a: {  	v12 =	vmul.f32 $8.000000000e+00, v12;
	_ =	sdelay $0x1  }
0x19b: {  	[tilespmem:s20+$0x20] =	vst v12  }
0x19c: {  	v12 =	vld.idx.msk [tilespmem:v14+s3+$0x0], $0xffff;
	_ =	sdelay $0x3  }
0x19d: {  	v14 =	vmov s19  }
.Ltmp19:
0x19e: {  	(pc) =	sbr.rel @p1 .LBB2_16-.Ltmp19, $4  }
0x19f: {  	v12 =	vmul.f32 $8.000000000e+00, v12  }
0x1a0: {  	v13 =	vbroadcast v13, $0x0  }
0x1a1: {  	s15 =	sadd.s32 $0x1, s15;
	s16 =	sadd.s32 $0x1, s16;
	[tilespmem:s20+$0x30] =	vst v12  }
0x1a2: {  	s18 =	sor.u32 @!p2 $0x1F100, s9;
	s9 =	smov.u32 s22;
	s19 =	simm.s32 @!p2 $0x10;
	[tilespmem:v14+s31+$0x0] =	vst.idx.msk $0x1, v13  }
.Ltmp20:
0x1a3: {  	_ = 	snop;
	(pc) =	sbr.rel .LBB2_17-.Ltmp20, $1  }
0x1a4: {  	_ =	sdelay $0x3  }
.LBB2_22:
0x1a5: {  	p1 =	sgt.u32 s10, $0x2  }
.Ltmp21:
0x1a6: {  	_ = 	snop;
	(pc) =	sbr.rel @p1 .LBB2_24-.Ltmp21, $1  }
0x1a7: {  	_ =	sdelay $0x3  }
.LBB2_23:
0x1a8: {  	s15 =	sshll.u32 s10, $0x9  }
0x1a9: {  	s13 =	sshll.u32 s11, $0xB;
	s9 =	sshrl.u32 s15, $0x2  }
0x1aa: {  	s9 =	sor.u32 s9, s13  }
0x1ab: {  	s9 =	sadd.s32 $0x1E100, s9  }
0x1ac: {  	v12 =	vld [tilespmem:s9+$0xFFFFFF80];
	_ =	sdelay $0x4  }
0x1ad: {  	[tilespmem:s13+$0x1E200] =	vst v12  }
0x1ae: {  	v12 =	vld [tilespmem:s9+$0xFFFFFF90];
	_ =	sdelay $0x4  }
0x1af: {  	[tilespmem:s13+$0x1E210] =	vst v12  }
0x1b0: {  	v12 =	vld [tilespmem:s9+$0xFFFFFFA0];
	_ =	sdelay $0x4  }
0x1b1: {  	[tilespmem:s13+$0x1E220] =	vst v12  }
0x1b2: {  	v12 =	vld [tilespmem:s9+$0xFFFFFFB0];
	_ =	sdelay $0x4  }
0x1b3: {  	[tilespmem:s13+$0x1E230] =	vst v12  }
.LBB2_26:
0x1b4: {  	s9 =	sshrl.u32 s15, $0x2  }
0x1b5: {  	s9 =	sadd.s32 s9, s13  }
0x1b6: {  	s9 =	sadd.s32 $0x1E100, s9  }
0x1b7: {  	v12 =	vld [tilespmem:s9+$0xFFFFFF80];
	_ =	sdelay $0x4  }
0x1b8: {  	[tilespmem:s13+$0x1E280] =	vst v12  }
0x1b9: {  	v12 =	vld [tilespmem:s9+$0xFFFFFF90];
	_ =	sdelay $0x4  }
0x1ba: {  	[tilespmem:s13+$0x1E290] =	vst v12  }
0x1bb: {  	v12 =	vld [tilespmem:s9+$0xFFFFFFA0];
	_ =	sdelay $0x4  }
0x1bc: {  	[tilespmem:s13+$0x1E2A0] =	vst v12  }
0x1bd: {  	v12 =	vld [tilespmem:s9+$0xFFFFFFB0];
	_ =	sdelay $0x4  }
0x1be: {  	[tilespmem:s13+$0x1E2B0] =	vst v12  }
.LBB2_29:
0x1bf: {  	s9 =	sshrl.u32 s15, $0x2  }
0x1c0: {  	s9 =	sadd.s32 s9, s13  }
0x1c1: {  	s9 =	sadd.s32 $0x1E100, s9  }
0x1c2: {  	v12 =	vld [tilespmem:s9+$0xFFFFFF80];
	_ =	sdelay $0x4  }
0x1c3: {  	[tilespmem:s13+$0x1E300] =	vst v12  }
0x1c4: {  	v12 =	vld [tilespmem:s9+$0xFFFFFF90];
	_ =	sdelay $0x4  }
0x1c5: {  	[tilespmem:s13+$0x1E310] =	vst v12  }
0x1c6: {  	v12 =	vld [tilespmem:s9+$0xFFFFFFA0];
	_ =	sdelay $0x4  }
0x1c7: {  	[tilespmem:s13+$0x1E320] =	vst v12  }
0x1c8: {  	v12 =	vld [tilespmem:s9+$0xFFFFFFB0];
	_ =	sdelay $0x4  }
0x1c9: {  	[tilespmem:s13+$0x1E330] =	vst v12  }
.LBB2_32:
0x1ca: {  	s9 =	sshrl.u32 s15, $0x2  }
0x1cb: {  	s9 =	sadd.s32 s9, s13  }
0x1cc: {  	s9 =	sadd.s32 $0x1E100, s9  }
0x1cd: {  	v12 =	vld [tilespmem:s9+$0xFFFFFF80];
	_ =	sdelay $0x4  }
0x1ce: {  	[tilespmem:s13+$0x1E380] =	vst v12  }
0x1cf: {  	v12 =	vld [tilespmem:s9+$0xFFFFFF90];
	_ =	sdelay $0x4  }
0x1d0: {  	[tilespmem:s13+$0x1E390] =	vst v12  }
0x1d1: {  	v12 =	vld [tilespmem:s9+$0xFFFFFFA0];
	_ =	sdelay $0x4  }
0x1d2: {  	[tilespmem:s13+$0x1E3A0] =	vst v12  }
0x1d3: {  	v12 =	vld [tilespmem:s9+$0xFFFFFFB0];
	_ =	sdelay $0x4  }
0x1d4: {  	[tilespmem:s13+$0x1E3B0] =	vst v12  }
.LBB2_35:
0x1d5: {  	s9 =	sshrl.u32 s15, $0x2  }
0x1d6: {  	s9 =	sadd.s32 s9, s13  }
0x1d7: {  	s9 =	sadd.s32 $0x1E100, s9  }
0x1d8: {  	v12 =	vld [tilespmem:s9+$0xFFFFFF80];
	_ =	sdelay $0x4  }
0x1d9: {  	[tilespmem:s13+$0x1E400] =	vst v12  }
0x1da: {  	v12 =	vld [tilespmem:s9+$0xFFFFFF90];
	_ =	sdelay $0x4  }
0x1db: {  	[tilespmem:s13+$0x1E410] =	vst v12  }
0x1dc: {  	v12 =	vld [tilespmem:s9+$0xFFFFFFA0];
	_ =	sdelay $0x4  }
0x1dd: {  	[tilespmem:s13+$0x1E420] =	vst v12  }
0x1de: {  	v12 =	vld [tilespmem:s9+$0xFFFFFFB0];
	_ =	sdelay $0x4  }
0x1df: {  	[tilespmem:s13+$0x1E430] =	vst v12  }
.LBB2_38:
0x1e0: {  	s9 =	sshrl.u32 s15, $0x2  }
0x1e1: {  	s9 =	sadd.s32 s9, s13  }
0x1e2: {  	s9 =	sadd.s32 $0x1E100, s9  }
0x1e3: {  	v12 =	vld [tilespmem:s9+$0xFFFFFF80];
	_ =	sdelay $0x4  }
0x1e4: {  	[tilespmem:s13+$0x1E480] =	vst v12  }
0x1e5: {  	v12 =	vld [tilespmem:s9+$0xFFFFFF90];
	_ =	sdelay $0x4  }
0x1e6: {  	[tilespmem:s13+$0x1E490] =	vst v12  }
0x1e7: {  	v12 =	vld [tilespmem:s9+$0xFFFFFFA0];
	_ =	sdelay $0x4  }
0x1e8: {  	[tilespmem:s13+$0x1E4A0] =	vst v12  }
0x1e9: {  	v12 =	vld [tilespmem:s9+$0xFFFFFFB0];
	_ =	sdelay $0x4  }
0x1ea: {  	[tilespmem:s13+$0x1E4B0] =	vst v12  }
.LBB2_41:
0x1eb: {  	s9 =	sshrl.u32 s15, $0x2  }
0x1ec: {  	s9 =	sadd.s32 s9, s13  }
0x1ed: {  	s9 =	sadd.s32 $0x1E100, s9  }
0x1ee: {  	v12 =	vld [tilespmem:s9+$0xFFFFFF80];
	_ =	sdelay $0x4  }
0x1ef: {  	[tilespmem:s13+$0x1E500] =	vst v12  }
0x1f0: {  	v12 =	vld [tilespmem:s9+$0xFFFFFF90];
	_ =	sdelay $0x4  }
0x1f1: {  	[tilespmem:s13+$0x1E510] =	vst v12  }
0x1f2: {  	v12 =	vld [tilespmem:s9+$0xFFFFFFA0];
	_ =	sdelay $0x4  }
0x1f3: {  	[tilespmem:s13+$0x1E520] =	vst v12  }
0x1f4: {  	v12 =	vld [tilespmem:s9+$0xFFFFFFB0];
	_ =	sdelay $0x4  }
0x1f5: {  	[tilespmem:s13+$0x1E530] =	vst v12  }
.LBB2_44:
0x1f6: {  	s9 =	sshrl.u32 s15, $0x2  }
0x1f7: {  	s9 =	sadd.s32 s9, s13  }
0x1f8: {  	s9 =	sadd.s32 $0x1E100, s9  }
0x1f9: {  	v12 =	vld [tilespmem:s9+$0xFFFFFF80];
	_ =	sdelay $0x4  }
0x1fa: {  	[tilespmem:s13+$0x1E580] =	vst v12  }
0x1fb: {  	v12 =	vld [tilespmem:s9+$0xFFFFFF90];
	_ =	sdelay $0x4  }
0x1fc: {  	[tilespmem:s13+$0x1E590] =	vst v12  }
0x1fd: {  	v12 =	vld [tilespmem:s9+$0xFFFFFFA0];
	_ =	sdelay $0x4  }
0x1fe: {  	[tilespmem:s13+$0x1E5A0] =	vst v12  }
0x1ff: {  	v12 =	vld [tilespmem:s9+$0xFFFFFFB0];
	_ =	sdelay $0x4  }
0x200: {  	[tilespmem:s13+$0x1E5B0] =	vst v12  }
.LBB2_47:
0x201: {  	s9 =	sshrl.u32 s15, $0x2  }
0x202: {  	s9 =	sadd.s32 s9, s13  }
0x203: {  	s9 =	sadd.s32 $0x1E100, s9  }
0x204: {  	v12 =	vld [tilespmem:s9+$0xFFFFFF80];
	_ =	sdelay $0x4  }
0x205: {  	[tilespmem:s13+$0x1E600] =	vst v12  }
0x206: {  	v12 =	vld [tilespmem:s9+$0xFFFFFF90];
	_ =	sdelay $0x4  }
0x207: {  	[tilespmem:s13+$0x1E610] =	vst v12  }
0x208: {  	v12 =	vld [tilespmem:s9+$0xFFFFFFA0];
	_ =	sdelay $0x4  }
0x209: {  	[tilespmem:s13+$0x1E620] =	vst v12  }
0x20a: {  	v12 =	vld [tilespmem:s9+$0xFFFFFFB0];
	_ =	sdelay $0x4  }
0x20b: {  	[tilespmem:s13+$0x1E630] =	vst v12  }
.LBB2_50:
0x20c: {  	s9 =	sshrl.u32 s15, $0x2  }
0x20d: {  	s9 =	sadd.s32 s9, s13  }
0x20e: {  	s9 =	sadd.s32 $0x1E100, s9  }
0x20f: {  	v12 =	vld [tilespmem:s9+$0xFFFFFF80];
	_ =	sdelay $0x4  }
0x210: {  	[tilespmem:s13+$0x1E680] =	vst v12  }
0x211: {  	v12 =	vld [tilespmem:s9+$0xFFFFFF90];
	_ =	sdelay $0x4  }
0x212: {  	[tilespmem:s13+$0x1E690] =	vst v12  }
0x213: {  	v12 =	vld [tilespmem:s9+$0xFFFFFFA0];
	_ =	sdelay $0x4  }
0x214: {  	[tilespmem:s13+$0x1E6A0] =	vst v12  }
0x215: {  	v12 =	vld [tilespmem:s9+$0xFFFFFFB0];
	_ =	sdelay $0x4  }
0x216: {  	[tilespmem:s13+$0x1E6B0] =	vst v12  }
.LBB2_52:
0x217: {  	s9 =	sshrl.u32 s15, $0x2  }
0x218: {  	s9 =	sadd.s32 s9, s13  }
0x219: {  	s9 =	sadd.s32 $0x1E100, s9  }
0x21a: {  	v12 =	vld [tilespmem:s9+$0xFFFFFF80];
	_ =	sdelay $0x4  }
0x21b: {  	[tilespmem:s13+$0x1E700] =	vst v12  }
0x21c: {  	v12 =	vld [tilespmem:s9+$0xFFFFFF90];
	_ =	sdelay $0x4  }
0x21d: {  	[tilespmem:s13+$0x1E710] =	vst v12  }
0x21e: {  	v12 =	vld [tilespmem:s9+$0xFFFFFFA0];
	_ =	sdelay $0x4  }
0x21f: {  	[tilespmem:s13+$0x1E720] =	vst v12  }
0x220: {  	v12 =	vld [tilespmem:s9+$0xFFFFFFB0];
	_ =	sdelay $0x4  }
0x221: {  	[tilespmem:s13+$0x1E730] =	vst v12  }
.LBB2_53:
0x222: {  	s9 =	sshrl.u32 s15, $0x2  }
0x223: {  	s9 =	sadd.s32 s9, s13  }
0x224: {  	s9 =	sadd.s32 $0x1E100, s9  }
0x225: {  	v12 =	vld [tilespmem:s9+$0xFFFFFF80];
	_ =	sdelay $0x4  }
0x226: {  	[tilespmem:s13+$0x1E780] =	vst v12  }
0x227: {  	v12 =	vld [tilespmem:s9+$0xFFFFFF90];
	_ =	sdelay $0x4  }
0x228: {  	[tilespmem:s13+$0x1E790] =	vst v12  }
0x229: {  	v12 =	vld [tilespmem:s9+$0xFFFFFFA0];
	_ =	sdelay $0x4  }
0x22a: {  	[tilespmem:s13+$0x1E7A0] =	vst v12  }
0x22b: {  	v12 =	vld [tilespmem:s9+$0xFFFFFFB0];
	_ =	sdelay $0x4  }
0x22c: {  	[tilespmem:s13+$0x1E7B0] =	vst v12  }
.LBB2_58:
0x22d: {  	s9 =	sshrl.u32 s15, $0x2  }
0x22e: {  	s9 =	sadd.s32 s9, s13  }
0x22f: {  	s9 =	sadd.s32 $0x1E100, s9  }
0x230: {  	v12 =	vld [tilespmem:s9+$0xFFFFFF80];
	_ =	sdelay $0x4  }
0x231: {  	[tilespmem:s13+$0x1E800] =	vst v12  }
0x232: {  	v12 =	vld [tilespmem:s9+$0xFFFFFF90];
	_ =	sdelay $0x4  }
0x233: {  	[tilespmem:s13+$0x1E810] =	vst v12  }
0x234: {  	v12 =	vld [tilespmem:s9+$0xFFFFFFA0];
	_ =	sdelay $0x4  }
0x235: {  	[tilespmem:s13+$0x1E820] =	vst v12  }
0x236: {  	v12 =	vld [tilespmem:s9+$0xFFFFFFB0];
	_ =	sdelay $0x4  }
0x237: {  	[tilespmem:s13+$0x1E830] =	vst v12  }
.LBB2_59:
0x238: {  	s9 =	sshrl.u32 s15, $0x2  }
0x239: {  	s9 =	sadd.s32 s9, s13  }
0x23a: {  	s9 =	sadd.s32 $0x1E100, s9  }
0x23b: {  	v12 =	vld [tilespmem:s9+$0xFFFFFF80];
	_ =	sdelay $0x4  }
0x23c: {  	[tilespmem:s13+$0x1E880] =	vst v12  }
0x23d: {  	v12 =	vld [tilespmem:s9+$0xFFFFFF90];
	_ =	sdelay $0x4  }
0x23e: {  	[tilespmem:s13+$0x1E890] =	vst v12  }
0x23f: {  	v12 =	vld [tilespmem:s9+$0xFFFFFFA0];
	_ =	sdelay $0x4  }
0x240: {  	[tilespmem:s13+$0x1E8A0] =	vst v12  }
0x241: {  	v12 =	vld [tilespmem:s9+$0xFFFFFFB0];
	_ =	sdelay $0x3  }
0x242: {  	s23 =	sshll.u32 s11, $0xB  }
0x243: {  	s24 =	sor.u32 $0x1F100, s12;
	s25 =	simm.s32 $0x10;
	s9 =	sor.u32 $0x1E100, s23;
	[tilespmem:s13+$0x1E8B0] =	vst v12  }
0x244: {  	[hbm4b:s14+s25] =	stream.indirect.scatter [tilespmem:s9], [sflag:$0x2], $0x80, s24, s25, $0xb8;
	[tilespmem:$0x1F300] =	vst v63  }
.LBB2_60:
0x245: {  	s9 =	sshra.s32 s8, $0x1F  }
0x246: {  	s9 =	sshrl.u32 s9, $0x1C  }
0x247: {  	p1 =	sne.s32 s10, $0x0;
	p2 =	slt.s32 s8, $0x1;
	s9 =	sadd.s32 s9, s8  }
0x248: {  	p2 =	por !p2, !p1;
	s25 =	sshra.s32 s9, $0x4;
	s9 =	simm.s32 $0x1  }
0x249: {  	s10 =	simm.s32 $0x1;
	p2 =	por !p2, !p2;
	s9 =	simm.s32 @!p1 $0x0  }
0x24a: {  	s10 =	simm.s32 @!p2 $0x0;
	s8 =	sadd.s32 s9, s25  }
0x24b: {  	s8 =	ssub.s32 s8, s10  }
0x24c: {  	s8 =	ssub.s32 s8, s22  }
0x24d: {  	p1 =	slt.s32 s8, $0x1  }
.Ltmp22:
0x24e: {  	_ = 	snop;
	(pc) =	sbr.rel @p1 .LBB2_64-.Ltmp22, $2  }
0x24f: {  	_ =	sdelay $0x2  }
0x250: {  	s9 =	simm.s32 $0x0  }
0x251: {  	s9 =	sadd.s32 $0x1, s9  }
0x252: {  	p1 =	slt.s32 s9, s8  }
.Ltmp23:
0x253: {  	_ = 	snop;
	(pc) =	sbr.rel @!p1 .LBB2_63-.Ltmp23, $3  }
0x254: {  	_ =	sdelay $0x1  }
0x255: {  	_ =	swait.ge [sflag:s0], $0x800  }
0x256: {  	[sflag:s0] =	ssyncset.done $0x0  }
.LBB2_62:
0x257: {  	s9 =	sadd.s32 $0x1, s9  }
0x258: {  	[sflag:s0] =	ssyncadd.s32 $0xFFFFF800;
	p1 =	slt.s32 s9, s8  }
.Ltmp24:
0x259: {  	(pc) =	sbr.rel @p1 .LBB2_62-.Ltmp24, $3  }
0x25a: {  	_ =	sdelay $0x1  }
0x25b: {  	_ =	swait.ge [sflag:s0], $0x800  }
0x25c: {  	[sflag:s0] =	ssyncset.done $0x0  }
.Ltmp25:
0x25d: {  	_ = 	snop;
	(pc) =	sbr.rel .LBB2_63-.Ltmp25, $1  }
0x25e: {  	_ =	sdelay $0x3  }
.LBB2_24:
0x25f: {  	p1 =	sne.s32 s10, $0x3  }
.Ltmp26:
0x260: {  	_ = 	snop;
	(pc) =	sbr.rel @p1 .LBB2_27-.Ltmp26, $1  }
0x261: {  	_ =	sdelay $0x3  }
.Ltmp27:
0x262: {  	(pc) =	sbr.rel .LBB2_26-.Ltmp27, $2  }
0x263: {  	_ =	sdelay $0x2  }
0x264: {  	s13 =	sshll.u32 s11, $0xB;
	s15 =	simm.s32 $0x600  }
.LBB2_27:
0x265: {  	p1 =	sgt.u32 s10, $0x4  }
.Ltmp28:
0x266: {  	_ = 	snop;
	(pc) =	sbr.rel @p1 .LBB2_30-.Ltmp28, $1  }
0x267: {  	_ =	sdelay $0x3  }
.Ltmp29:
0x268: {  	(pc) =	sbr.rel .LBB2_29-.Ltmp29, $2  }
0x269: {  	_ =	sdelay $0x2  }
0x26a: {  	s13 =	sshll.u32 s11, $0xB;
	s15 =	simm.s32 $0x800  }
.LBB2_30:
0x26b: {  	p1 =	sne.s32 s10, $0x5  }
.Ltmp30:
0x26c: {  	_ = 	snop;
	(pc) =	sbr.rel @p1 .LBB2_33-.Ltmp30, $1  }
0x26d: {  	_ =	sdelay $0x3  }
.Ltmp31:
0x26e: {  	(pc) =	sbr.rel .LBB2_32-.Ltmp31, $2  }
0x26f: {  	_ =	sdelay $0x2  }
0x270: {  	s13 =	sshll.u32 s11, $0xB;
	s15 =	simm.s32 $0xA00  }
.LBB2_33:
0x271: {  	p1 =	sgt.u32 s10, $0x6  }
.Ltmp32:
0x272: {  	_ = 	snop;
	(pc) =	sbr.rel @p1 .LBB2_36-.Ltmp32, $1  }
0x273: {  	_ =	sdelay $0x3  }
.Ltmp33:
0x274: {  	(pc) =	sbr.rel .LBB2_35-.Ltmp33, $2  }
0x275: {  	_ =	sdelay $0x2  }
0x276: {  	s13 =	sshll.u32 s11, $0xB;
	s15 =	simm.s32 $0xC00  }
.LBB2_36:
0x277: {  	p1 =	sne.s32 s10, $0x7  }
.Ltmp34:
0x278: {  	_ = 	snop;
	(pc) =	sbr.rel @p1 .LBB2_39-.Ltmp34, $1  }
0x279: {  	_ =	sdelay $0x3  }
.Ltmp35:
0x27a: {  	(pc) =	sbr.rel .LBB2_38-.Ltmp35, $2  }
0x27b: {  	_ =	sdelay $0x2  }
0x27c: {  	s13 =	sshll.u32 s11, $0xB;
	s15 =	simm.s32 $0xE00  }
.LBB2_39:
0x27d: {  	p1 =	sgt.u32 s10, $0x8  }
.Ltmp36:
0x27e: {  	_ = 	snop;
	(pc) =	sbr.rel @p1 .LBB2_42-.Ltmp36, $1  }
0x27f: {  	_ =	sdelay $0x3  }
.Ltmp37:
0x280: {  	(pc) =	sbr.rel .LBB2_41-.Ltmp37, $2  }
0x281: {  	_ =	sdelay $0x2  }
0x282: {  	s13 =	sshll.u32 s11, $0xB;
	s15 =	simm.s32 $0x1000  }
.LBB2_42:
0x283: {  	p1 =	sne.s32 s10, $0x9  }
.Ltmp38:
0x284: {  	_ = 	snop;
	(pc) =	sbr.rel @p1 .LBB2_45-.Ltmp38, $1  }
0x285: {  	_ =	sdelay $0x3  }
.Ltmp39:
0x286: {  	(pc) =	sbr.rel .LBB2_44-.Ltmp39, $2  }
0x287: {  	_ =	sdelay $0x2  }
0x288: {  	s13 =	sshll.u32 s11, $0xB;
	s15 =	simm.s32 $0x1200  }
.LBB2_45:
0x289: {  	p1 =	sgt.u32 s10, $0xA  }
.Ltmp40:
0x28a: {  	_ = 	snop;
	(pc) =	sbr.rel @p1 .LBB2_48-.Ltmp40, $1  }
0x28b: {  	_ =	sdelay $0x3  }
.Ltmp41:
0x28c: {  	(pc) =	sbr.rel .LBB2_47-.Ltmp41, $2  }
0x28d: {  	_ =	sdelay $0x2  }
0x28e: {  	s13 =	sshll.u32 s11, $0xB;
	s15 =	simm.s32 $0x1400  }
.LBB2_48:
0x28f: {  	p1 =	sne.s32 s10, $0xB  }
.Ltmp42:
0x290: {  	_ = 	snop;
	(pc) =	sbr.rel @p1 .LBB2_51-.Ltmp42, $2  }
0x291: {  	_ =	sdelay $0x2  }
0x292: {  	s13 =	sshll.u32 s11, $0xB  }
.Ltmp43:
0x293: {  	(pc) =	sbr.rel .LBB2_50-.Ltmp43, $2  }
0x294: {  	_ =	sdelay $0x2  }
0x295: {  	s13 =	sshll.u32 s11, $0xB;
	s15 =	simm.s32 $0x1600  }
.LBB2_51:
0x296: {  	p1 =	sgt.u32 s10, $0xC  }
.Ltmp44:
0x297: {  	_ = 	snop;
	(pc) =	sbr.rel @!p1 .LBB2_52-.Ltmp44, $2  }
0x298: {  	_ =	sdelay $0x2  }
0x299: {  	s15 =	simm.s32 $0x1800  }
0x29a: {  	p1 =	seq.s32 s10, $0xD  }
.Ltmp45:
0x29b: {  	_ = 	snop;
	(pc) =	sbr.rel @p1 .LBB2_55-.Ltmp45, $1  }
0x29c: {  	_ =	sdelay $0x3  }
0x29d: {  	p1 =	seq.s32 s10, $0xF  }
.Ltmp46:
0x29e: {  	_ = 	snop;
	(pc) =	sbr.rel @p1 .LBB2_59-.Ltmp46, $2  }
0x29f: {  	_ =	sdelay $0x2  }
0x2a0: {  	s15 =	simm.s32 $0x1E00  }
.Ltmp47:
0x2a1: {  	(pc) =	sbr.rel .LBB2_58-.Ltmp47, $2  }
0x2a2: {  	_ =	sdelay $0x2  }
0x2a3: {  	s15 =	sshll.u32 s10, $0x9  }
.LBB2_55:
.Ltmp48:
0x2a4: {  	(pc) =	sbr.rel .LBB2_53-.Ltmp48, $2  }
0x2a5: {  	_ =	sdelay $0x2  }
0x2a6: {  	s15 =	simm.s32 $0x1A00  }
.LBB2_65:
0x2a7: {  	_ =	sfence.sel $0x180000  }
0x2a8: {  	[bflag:$0x0] =	sbarrier.arrive $0xFFFF  }
0x2a9: {  	_ =	strace $0x90000047  }
0x2aa: {  	s0 =	stileid.u32;
	[bflag:$0x2] =	sbarrier.arrive $0xFFFF  }
0x2ab: {  	p0 =	sne.s32 s0, $0x0;
	s0 =	rddreg [dreg:$0x3]  }
0x2ac: {  	s0 =	sadd.s32 @!p0 $0x100000, s0  }
0x2ad: {  	[sflag:s0] =	ssyncadd.tile.s32 @!p0 $0x1;
	_ =	shalt  }
.Lfunc_end2:
_tile_overlayer_lowered:
.L_overlay_start_2:
0x2ae: {  	(tag) =	ssettag $0x2  }
0x2af: {  	s0 =	rddreg [dreg:$0x0];
	s2 =	stileid.u32  }
0x2b0: {  	s1 =	rddreg [dreg:$0x1];
	p0 =	sne.s32 s2, $0x0  }
0x2b1: {  	s3 =	rddreg [dreg:$0x2];
	[bflag:$0x3] =	sbarrier.arrive $0xFFFF;
	s2 =	simm.s32 @!p0 $0x1C03  }
0x2b2: {  	[timem:s3], [sflag:s2] =	dma.local @!p0 [hbm:s0], s1  }
0x2b3: {  	s0 =	simm.s32 @!p0 $0x3  }
0x2b4: {  	_ =	swait.ge @!p0 [sflag:s0], s1  }
0x2b5: {  	s1 =	ssub.s32 @!p0 $0x0, s1;
	[sflag:s0] =	ssyncset.done @!p0 $0x0  }
0x2b6: {  	[sflag:s0] =	ssyncadd.s32 @!p0 s1  }
0x2b7: {  	[bflag:$0x3] =	sbarrier.arrive $0xFFFF  }
0x2b8: {  	_ =	shalt  }

</sc_bundles>
